<compile_context>
chip_gen: v7x
topology: tpu7x:2x2x1
jax: 0.10.2.dev20260603
libtpu: 0.0.44.dev20260713+nightly
codegen_flags: <defaults>
</compile_context>

<pallas_src>
import functools

import jax
import jax.numpy as jnp
import numpy as np
from jax import lax
from jax.experimental import pallas as pl
from jax.experimental.pallas import tpu as pltpu
from jax.experimental.pallas import tpu_sc as plsc

_K = 16
_T = 4096
_NBLK = 16
_ROWS = 64

_REV6 = np.array([int(f"{r:06b}"[::-1], 2) for r in range(_ROWS)])


def _oddeven_pairs(n):
    pairs = []
    p = 1
    while p < n:
        k = p
        while k >= 1:
            for j in range(k % p, n - k, 2 * k):
                for i in range(0, min(k, n - j - k)):
                    if (i + j) // (2 * p) == (i + j + k) // (2 * p):
                        pairs.append((i + j, i + j + k))
            k //= 2
        p *= 2
    return pairs


_SORT16 = _oddeven_pairs(16)
_BITONIC16 = [(i, i + d) for d in (8, 4, 2, 1) for i in range(16) if not (i & d)]

def _sort16_kinds():
    supports = [{s} for s in range(16)]
    kinds = []
    for a, b in _SORT16:
        kinds.append(max(supports[a]) < min(supports[b]))
        u = supports[a] | supports[b]
        supports[a], supports[b] = u, u
    return kinds


_SORT16_CHEAP = _sort16_kinds()


def _before(va, ia, vb, ib):
    return (va > vb) | ((va == vb) & (ia < ib))


def _gather_sc(token_id, emb_norm):
    V, D = emb_norm.shape
    B = token_id.shape[0]
    info = plsc.get_sparse_core_info()
    nw = info.num_cores * info.num_subcores
    b_per_w = B // nw
    mesh = plsc.VectorSubcoreMesh(core_axis_name="c", subcore_axis_name="s")

    @functools.partial(
        pl.kernel,
        mesh=mesh,
        out_type=jax.ShapeDtypeStruct((B, D), jnp.float32),
        scratch_types=[
            pltpu.VMEM((b_per_w,), jnp.int32),
            pltpu.VMEM((b_per_w, D), jnp.float32),
            pltpu.SemaphoreType.DMA,
        ],
    )
    def gather(idx_hbm, table_hbm, out_hbm, idx_v, rows_v, sem):
        wid = lax.axis_index("s") * info.num_cores + lax.axis_index("c")
        base = wid * b_per_w
        pltpu.sync_copy(idx_hbm.at[pl.ds(base, b_per_w)], idx_v)
        pltpu.async_copy(table_hbm.at[idx_v], rows_v, sem).wait()
        pltpu.sync_copy(rows_v, out_hbm.at[pl.ds(base, b_per_w)])

    return gather(token_id, emb_norm)


def _topk_body(q_ref, e_ref, vals_ref, idx_ref):
    B = q_ref.shape[0]
    T = e_ref.shape[0]
    qn = q_ref[...]
    e = e_ref[...]
    s = lax.dot_general(qn, e, (((1,), (1,)), ((), ())),
                        preferred_element_type=jnp.float32)

    rows = B // _NBLK
    v = [s[i * rows:(i + 1) * rows] for i in range(_NBLK)]
    r = lax.broadcasted_iota(jnp.int32, (rows, T), 0)
    rev = ((r & 1) << 5) | ((r & 2) << 3) | ((r & 4) << 1) \
        | ((r & 8) >> 1) | ((r & 16) >> 3) | ((r & 32) >> 5)
    base = rev << 4
    ix = [base + i for i in range(_NBLK)]

    def ce_lex(a, b):
        p = _before(v[a], ix[a], v[b], ix[b])
        hv = jnp.maximum(v[a], v[b])
        lv = jnp.minimum(v[a], v[b])
        hi = jnp.where(p, ix[a], ix[b])
        li = jnp.where(p, ix[b], ix[a])
        v[a], ix[a], v[b], ix[b] = hv, hi, lv, li

    def ce_vge(a, b):
        p = v[a] >= v[b]
        hv = jnp.maximum(v[a], v[b])
        lv = jnp.minimum(v[a], v[b])
        hi = jnp.where(p, ix[a], ix[b])
        li = jnp.where(p, ix[b], ix[a])
        v[a], ix[a], v[b], ix[b] = hv, hi, lv, li

    for (a, b), cheap in zip(_SORT16, _SORT16_CHEAP):
        (ce_vge if cheap else ce_lex)(a, b)

    half = rows // 2
    while half >= 1:
        nv, nix = [], []
        for i in range(_NBLK):
            j = _NBLK - 1 - i
            va, ia = v[i][:half], ix[i][:half]
            vb, ib = v[j][half:2 * half], ix[j][half:2 * half]
            p = va >= vb
            nv.append(jnp.maximum(va, vb))
            nix.append(jnp.where(p, ia, ib))
        v, ix = nv, nix
        for a, b in _BITONIC16:
            ce_lex(a, b)
        half //= 2

    for i in range(_K):
        vals_ref[i, :] = v[i][0]
        idx_ref[i, :] = ix[i][0]


def _topk_tc(q_raw, emb_norm):
    B, D = q_raw.shape
    V = emb_norm.shape[0]
    grid = pl.cdiv(V, _T)
    vals, idx = pl.pallas_call(
        _topk_body,
        grid=(grid,),
        in_specs=[
            pl.BlockSpec((B, D), lambda j: (0, 0)),
            pl.BlockSpec((_T, D), lambda j: (j, 0)),
        ],
        out_specs=[
            pl.BlockSpec((_K, _T), lambda j: (0, j)),
            pl.BlockSpec((_K, _T), lambda j: (0, j)),
        ],
        out_shape=[
            jax.ShapeDtypeStruct((_K, V), jnp.float32),
            jax.ShapeDtypeStruct((_K, V), jnp.int32),
        ],
    )(q_raw, emb_norm)
    return idx, vals


def kernel(token_id, emb_norm):
    tok = token_id.reshape(-1).astype(jnp.int32)
    tok = tok.reshape(_ROWS, _NBLK)[_REV6].T.reshape(-1)
    q = _gather_sc(tok, emb_norm)
    norm = jnp.linalg.norm(q, ord=2, axis=1, keepdims=True)
    qn = q / jnp.maximum(norm, 1e-12)
    idx, vals = _topk_tc(qn, emb_norm)
    return idx, vals

# --- scband reference (transcript-rebuilt; emitter-appended) ---
"""Pipeline reference for scband-token-knn-87986700026091 (READ-ONLY COPY).

The authoritative reference and input builder live on the scoring server;
editing this copy changes nothing except your own understanding.
"""

import jax, jax.numpy as jnp
import numpy as np

VOCAB = 100000
DIM = 128
BATCH = 1024
K = 16


def setup_inputs(seed: int = 0) -> dict:
    key = jax.random.key(seed)
    k1, k2 = jax.random.split(key)
    emb_norm = jax.random.normal(k1, (VOCAB, DIM), dtype=jnp.float32)
    token_id = jax.random.randint(k2, (BATCH,), 0, VOCAB, dtype=jnp.int64 if jax.config.jax_enable_x64 else jnp.int32)
    return {"token_id": token_id, "emb_norm": emb_norm}


def reference(token_id, emb_norm):
    # query = emb_norm.index_select(0, token_id.view(-1))
    query = jnp.take(emb_norm, token_id.reshape(-1), axis=0)
    # F.normalize(query, p=2, dim=1) with eps clamp 1e-12
    norm = jnp.linalg.norm(query, ord=2, axis=1, keepdims=True)
    query = query / jnp.maximum(norm, 1e-12)
    # sims = query @ emb_norm.T; .squeeze(0) only drops dim0 if size 1 (torch semantics)
    sims = jnp.matmul(query, emb_norm.T)
    if sims.shape[0] == 1:
        sims = jnp.squeeze(sims, axis=0)
        top_vals, top_idx = jax.lax.top_k(sims, K)
    else:
        # torch.topk(sims, k, dim=0): top-k along dim 0 -> [K, VOCAB]
        vals_t, idx_t = jax.lax.top_k(sims.T, K)  # [VOCAB, K]
        top_vals = vals_t.T
        top_idx = idx_t.T
    return (top_idx, top_vals)

if __name__ == "__main__":
    import jax
    _d = setup_inputs()
    print(jax.jit(kernel)(*tuple(_d.values())))

</pallas_src>

<mosaic_0001>
#map = affine_map<(d0, d1) -> (0)>
#map1 = affine_map<(d0, d1) -> (0, 0)>
module attributes {stable_mosaic.version = 14 : i64} {
  func.func @gather(%arg0: i32, %arg1: i32, %arg2: memref<1024xi32, #tpu.memory_space<hbm>>, %arg3: memref<100000x128xf32, #tpu.memory_space<hbm>>, %arg4: memref<1024x128xf32, #tpu.memory_space<hbm>>, %arg5: memref<32xi32, #tpu.memory_space<vmem>>, %arg6: memref<32x128xf32, #tpu.memory_space<vmem>>, %arg7: memref<!tpu.dma_semaphore, #tpu.memory_space<semaphore_mem>>) attributes {dimension_semantics = [#tpu.dimension_semantics<core_parallel>, #tpu.dimension_semantics<subcore_parallel>], iteration_bounds = array<i64: 2, 16>, scalar_prefetch = 0 : i64, scratch_operands = 3 : i64, tpu.core_type = #tpu.core_type<sc_vector_subcore>, window_params = [{transform_indices = #map}, {transform_indices = #map1}, {transform_indices = #map1}]} {
    %mul3A = arith.constant 2 : i32
    %mul3A_0 = arith.muli %arg1, %mul3A : i32
    %add3A = arith.addi %mul3A_0, %arg0 : i32
    %mul3A_1 = arith.constant 32 : i32
    %mul3A_2 = arith.muli %add3A, %mul3A_1 : i32
    "tpu.region"() ({
      %run_scoped3A = tpu.sem_alloc : memref<!tpu.dma_semaphore, #tpu.memory_space<semaphore_mem>>
      %dma_start3A_7 = tpu.memref_slice %arg2[%mul3A_2] : memref<1024xi32, #tpu.memory_space<hbm>> -> memref<32xi32, #tpu.memory_space<hbm>>
      %dma_start3A_8 = tpu.memref_slice %arg2[%mul3A_2] : memref<1024xi32, #tpu.memory_space<hbm>> -> memref<32xi32, #tpu.memory_space<hbm>>
      tpu.enqueue_dma source(%dma_start3A_8 : memref<32xi32, #tpu.memory_space<hbm>>) target(%arg5 : memref<32xi32, #tpu.memory_space<vmem>>) target_semaphore(%run_scoped3A : memref<!tpu.dma_semaphore, #tpu.memory_space<semaphore_mem>>)
      %dma_wait3A_9 = tpu.memref_slice %arg2[%mul3A_2] : memref<1024xi32, #tpu.memory_space<hbm>> -> memref<32xi32, #tpu.memory_space<hbm>>
      %dma_wait3A_10 = tpu.memref_slice %arg2[%mul3A_2] : memref<1024xi32, #tpu.memory_space<hbm>> -> memref<32xi32, #tpu.memory_space<hbm>>
      tpu.wait_dma2 semaphore(%run_scoped3A : memref<!tpu.dma_semaphore, #tpu.memory_space<semaphore_mem>>) src(%dma_wait3A_10 : memref<32xi32, #tpu.memory_space<hbm>>) dst(%arg5 : memref<32xi32, #tpu.memory_space<vmem>>)
      tpu.yield
    }) : () -> ()
    %dma_start3A = arith.constant 0 : i32
    %dma_start3A_3 = arith.constant 0 : i32
    %dma_start3A_4 = tpu.memref_slice %arg3[%dma_start3A, %dma_start3A_3] : memref<100000x128xf32, #tpu.memory_space<hbm>> -> memref<100000x128xf32, #tpu.memory_space<hbm>>
    tpu.enqueue_indirect_dma source(%dma_start3A_4 : memref<100000x128xf32, #tpu.memory_space<hbm>>) target(%arg6 : memref<32x128xf32, #tpu.memory_space<vmem>>) offsets(%arg5 : memref<32xi32, #tpu.memory_space<vmem>>) semaphore(%arg7 : memref<!tpu.dma_semaphore, #tpu.memory_space<semaphore_mem>>)
    %dma_wait3A = arith.constant 0 : i32
    %dma_wait3A_5 = arith.constant 0 : i32
    %dma_wait3A_6 = tpu.memref_slice %arg3[%dma_wait3A, %dma_wait3A_5] : memref<100000x128xf32, #tpu.memory_space<hbm>> -> memref<100000x128xf32, #tpu.memory_space<hbm>>
    tpu.wait_indirect_dma semaphore(%arg7 : memref<!tpu.dma_semaphore, #tpu.memory_space<semaphore_mem>>) src(%dma_wait3A_6 : memref<100000x128xf32, #tpu.memory_space<hbm>>) dst(%arg6 : memref<32x128xf32, #tpu.memory_space<vmem>>)
    "tpu.region"() ({
      %run_scoped3A = tpu.sem_alloc : memref<!tpu.dma_semaphore, #tpu.memory_space<semaphore_mem>>
      %dma_start3A_7 = arith.constant 0 : i32
      %dma_start3A_8 = tpu.memref_slice %arg4[%mul3A_2, %dma_start3A_7] : memref<1024x128xf32, #tpu.memory_space<hbm>> -> memref<32x128xf32, #tpu.memory_space<hbm>>
      %dma_start3A_9 = arith.constant 0 : i32
      %dma_start3A_10 = tpu.memref_slice %arg4[%mul3A_2, %dma_start3A_9] : memref<1024x128xf32, #tpu.memory_space<hbm>> -> memref<32x128xf32, #tpu.memory_space<hbm>>
      tpu.enqueue_dma source(%arg6 : memref<32x128xf32, #tpu.memory_space<vmem>>) target(%dma_start3A_10 : memref<32x128xf32, #tpu.memory_space<hbm>>) target_semaphore(%run_scoped3A : memref<!tpu.dma_semaphore, #tpu.memory_space<semaphore_mem>>)
      %dma_wait3A_11 = arith.constant 0 : i32
      %dma_wait3A_12 = tpu.memref_slice %arg4[%mul3A_2, %dma_wait3A_11] : memref<1024x128xf32, #tpu.memory_space<hbm>> -> memref<32x128xf32, #tpu.memory_space<hbm>>
      %dma_wait3A_13 = arith.constant 0 : i32
      %dma_wait3A_14 = tpu.memref_slice %arg4[%mul3A_2, %dma_wait3A_13] : memref<1024x128xf32, #tpu.memory_space<hbm>> -> memref<32x128xf32, #tpu.memory_space<hbm>>
      tpu.wait_dma2 semaphore(%run_scoped3A : memref<!tpu.dma_semaphore, #tpu.memory_space<semaphore_mem>>) src(%arg6 : memref<32x128xf32, #tpu.memory_space<vmem>>) dst(%dma_wait3A_14 : memref<32x128xf32, #tpu.memory_space<hbm>>)
      tpu.yield
    }) : () -> ()
    return
  }
}

module attributes {stable_mosaic.version = 14 : i64} {
  func.func @_topk_body(%arg0: i32, %arg1: memref<1024x128xf32, #tpu.memory_space<vmem>>, %arg2: memref<4096x128xf32, #tpu.memory_space<vmem>>, %arg3: memref<16x4096xf32, #tpu.memory_space<vmem>>, %arg4: memref<16x4096xi32, #tpu.memory_space<vmem>>) attributes {dimension_semantics = [#tpu.dimension_semantics<arbitrary>], iteration_bounds = array<i64: 25>, scalar_prefetch = 0 : i64, scratch_operands = 0 : i64, tpu.core_type = #tpu.core_type<tc>, window_params = [{pipeline_mode = #tpu.pipeline_mode<synchronous>, transform_indices = @transform_0, window_bounds = array<i64: 1024, 128>}, {transform_indices = @transform_1, window_bounds = array<i64: 4096, 128>}, {transform_indices = @transform_2, window_bounds = array<i64: 16, 4096>}, {transform_indices = @transform_3, window_bounds = array<i64: 16, 4096>}]} {
    %get3A = arith.constant 0 : index
    %get3A_0 = arith.constant 0 : index
    %get3A_1 = vector.load %arg1[%get3A, %get3A_0] : memref<1024x128xf32, #tpu.memory_space<vmem>>, vector<1024x128xf32>
    %get3A_2 = arith.constant 0 : index
    %get3A_3 = arith.constant 0 : index
    %get3A_4 = vector.load %arg2[%get3A_2, %get3A_3] : memref<4096x128xf32, #tpu.memory_space<vmem>>, vector<4096x128xf32>
    %dot_general3A = arith.constant dense<0.000000e+00> : vector<1024x4096xf32>
    %dot_general3A_5 = tpu.matmul %get3A_1, %get3A_4, %dot_general3A {dimension_numbers = #tpu.dot_dimension_numbers<[1], [1], [0], [0], [0, 0, 1, 0], [], []>, transpose_lhs_hint = false} : vector<1024x128xf32>, vector<4096x128xf32>, vector<1024x4096xf32> -> vector<1024x4096xf32>
    %slice3A = vector.extract_strided_slice %dot_general3A_5 {offsets = [0, 0], sizes = [64, 4096], strides = [1, 1]} : vector<1024x4096xf32> to vector<64x4096xf32>
    %slice3A_6 = vector.extract_strided_slice %dot_general3A_5 {offsets = [64, 0], sizes = [64, 4096], strides = [1, 1]} : vector<1024x4096xf32> to vector<64x4096xf32>
    %slice3A_7 = vector.extract_strided_slice %dot_general3A_5 {offsets = [128, 0], sizes = [64, 4096], strides = [1, 1]} : vector<1024x4096xf32> to vector<64x4096xf32>
    %slice3A_8 = vector.extract_strided_slice %dot_general3A_5 {offsets = [192, 0], sizes = [64, 4096], strides = [1, 1]} : vector<1024x4096xf32> to vector<64x4096xf32>
    %slice3A_9 = vector.extract_strided_slice %dot_general3A_5 {offsets = [256, 0], sizes = [64, 4096], strides = [1, 1]} : vector<1024x4096xf32> to vector<64x4096xf32>
    %slice3A_10 = vector.extract_strided_slice %dot_general3A_5 {offsets = [320, 0], sizes = [64, 4096], strides = [1, 1]} : vector<1024x4096xf32> to vector<64x4096xf32>
    %slice3A_11 = vector.extract_strided_slice %dot_general3A_5 {offsets = [384, 0], sizes = [64, 4096], strides = [1, 1]} : vector<1024x4096xf32> to vector<64x4096xf32>
    %slice3A_12 = vector.extract_strided_slice %dot_general3A_5 {offsets = [448, 0], sizes = [64, 4096], strides = [1, 1]} : vector<1024x4096xf32> to vector<64x4096xf32>
    %slice3A_13 = vector.extract_strided_slice %dot_general3A_5 {offsets = [512, 0], sizes = [64, 4096], strides = [1, 1]} : vector<1024x4096xf32> to vector<64x4096xf32>
    %slice3A_14 = vector.extract_strided_slice %dot_general3A_5 {offsets = [576, 0], sizes = [64, 4096], strides = [1, 1]} : vector<1024x4096xf32> to vector<64x4096xf32>
    %slice3A_15 = vector.extract_strided_slice %dot_general3A_5 {offsets = [640, 0], sizes = [64, 4096], strides = [1, 1]} : vector<1024x4096xf32> to vector<64x4096xf32>
    %slice3A_16 = vector.extract_strided_slice %dot_general3A_5 {offsets = [704, 0], sizes = [64, 4096], strides = [1, 1]} : vector<1024x4096xf32> to vector<64x4096xf32>
    %slice3A_17 = vector.extract_strided_slice %dot_general3A_5 {offsets = [768, 0], sizes = [64, 4096], strides = [1, 1]} : vector<1024x4096xf32> to vector<64x4096xf32>
    %slice3A_18 = vector.extract_strided_slice %dot_general3A_5 {offsets = [832, 0], sizes = [64, 4096], strides = [1, 1]} : vector<1024x4096xf32> to vector<64x4096xf32>
    %slice3A_19 = vector.extract_strided_slice %dot_general3A_5 {offsets = [896, 0], sizes = [64, 4096], strides = [1, 1]} : vector<1024x4096xf32> to vector<64x4096xf32>
    %slice3A_20 = vector.extract_strided_slice %dot_general3A_5 {offsets = [960, 0], sizes = [64, 4096], strides = [1, 1]} : vector<1024x4096xf32> to vector<64x4096xf32>
    %iota3A = tpu.iota {dimensions = array<i32: 0>} : vector<64x4096xi32>
    %and3A = arith.constant 1 : i32
    %and3A_21 = vector.broadcast %and3A : i32 to vector<64x4096xi32>
    %and3A_22 = arith.andi %iota3A, %and3A_21 : vector<64x4096xi32>
    %shift_left3A = arith.constant 5 : i32
    %shift_left3A_23 = vector.broadcast %shift_left3A : i32 to vector<64x4096xi32>
    %shift_left3A_24 = arith.shli %and3A_22, %shift_left3A_23 : vector<64x4096xi32>
    %and3A_25 = arith.constant 2 : i32
    %and3A_26 = vector.broadcast %and3A_25 : i32 to vector<64x4096xi32>
    %and3A_27 = arith.andi %iota3A, %and3A_26 : vector<64x4096xi32>
    %shift_left3A_28 = arith.constant 3 : i32
    %shift_left3A_29 = vector.broadcast %shift_left3A_28 : i32 to vector<64x4096xi32>
    %shift_left3A_30 = arith.shli %and3A_27, %shift_left3A_29 : vector<64x4096xi32>
    %or3A = arith.ori %shift_left3A_24, %shift_left3A_30 : vector<64x4096xi32>
    %and3A_31 = arith.constant 4 : i32
    %and3A_32 = vector.broadcast %and3A_31 : i32 to vector<64x4096xi32>
    %and3A_33 = arith.andi %iota3A, %and3A_32 : vector<64x4096xi32>
    %shift_left3A_34 = arith.constant 1 : i32
    %shift_left3A_35 = vector.broadcast %shift_left3A_34 : i32 to vector<64x4096xi32>
    %shift_left3A_36 = arith.shli %and3A_33, %shift_left3A_35 : vector<64x4096xi32>
    %or3A_37 = arith.ori %or3A, %shift_left3A_36 : vector<64x4096xi32>
    %and3A_38 = arith.constant 8 : i32
    %and3A_39 = vector.broadcast %and3A_38 : i32 to vector<64x4096xi32>
    %and3A_40 = arith.andi %iota3A, %and3A_39 : vector<64x4096xi32>
    %shift_right_arithmetic3A = arith.constant 1 : i32
    %shift_right_arithmetic3A_41 = vector.broadcast %shift_right_arithmetic3A : i32 to vector<64x4096xi32>
    %shift_right_arithmetic3A_42 = arith.shrsi %and3A_40, %shift_right_arithmetic3A_41 : vector<64x4096xi32>
    %or3A_43 = arith.ori %or3A_37, %shift_right_arithmetic3A_42 : vector<64x4096xi32>
    %and3A_44 = arith.constant 16 : i32
    %and3A_45 = vector.broadcast %and3A_44 : i32 to vector<64x4096xi32>
    %and3A_46 = arith.andi %iota3A, %and3A_45 : vector<64x4096xi32>
    %shift_right_arithmetic3A_47 = arith.constant 3 : i32
    %shift_right_arithmetic3A_48 = vector.broadcast %shift_right_arithmetic3A_47 : i32 to vector<64x4096xi32>
    %shift_right_arithmetic3A_49 = arith.shrsi %and3A_46, %shift_right_arithmetic3A_48 : vector<64x4096xi32>
    %or3A_50 = arith.ori %or3A_43, %shift_right_arithmetic3A_49 : vector<64x4096xi32>
    %and3A_51 = arith.constant 32 : i32
    %and3A_52 = vector.broadcast %and3A_51 : i32 to vector<64x4096xi32>
    %and3A_53 = arith.andi %iota3A, %and3A_52 : vector<64x4096xi32>
    %shift_right_arithmetic3A_54 = arith.constant 5 : i32
    %shift_right_arithmetic3A_55 = vector.broadcast %shift_right_arithmetic3A_54 : i32 to vector<64x4096xi32>
    %shift_right_arithmetic3A_56 = arith.shrsi %and3A_53, %shift_right_arithmetic3A_55 : vector<64x4096xi32>
    %or3A_57 = arith.ori %or3A_50, %shift_right_arithmetic3A_56 : vector<64x4096xi32>
    %shift_left3A_58 = arith.constant 4 : i32
    %shift_left3A_59 = vector.broadcast %shift_left3A_58 : i32 to vector<64x4096xi32>
    %shift_left3A_60 = arith.shli %or3A_57, %shift_left3A_59 : vector<64x4096xi32>
    %add3A = arith.constant 0 : i32
    %add3A_61 = vector.broadcast %add3A : i32 to vector<64x4096xi32>
    %add3A_62 = arith.addi %shift_left3A_60, %add3A_61 : vector<64x4096xi32>
    %add3A_63 = arith.constant 1 : i32
    %add3A_64 = vector.broadcast %add3A_63 : i32 to vector<64x4096xi32>
    %add3A_65 = arith.addi %shift_left3A_60, %add3A_64 : vector<64x4096xi32>
    %add3A_66 = arith.constant 2 : i32
    %add3A_67 = vector.broadcast %add3A_66 : i32 to vector<64x4096xi32>
    %add3A_68 = arith.addi %shift_left3A_60, %add3A_67 : vector<64x4096xi32>
    %add3A_69 = arith.constant 3 : i32
    %add3A_70 = vector.broadcast %add3A_69 : i32 to vector<64x4096xi32>
    %add3A_71 = arith.addi %shift_left3A_60, %add3A_70 : vector<64x4096xi32>
    %add3A_72 = arith.constant 4 : i32
    %add3A_73 = vector.broadcast %add3A_72 : i32 to vector<64x4096xi32>
    %add3A_74 = arith.addi %shift_left3A_60, %add3A_73 : vector<64x4096xi32>
    %add3A_75 = arith.constant 5 : i32
    %add3A_76 = vector.broadcast %add3A_75 : i32 to vector<64x4096xi32>
    %add3A_77 = arith.addi %shift_left3A_60, %add3A_76 : vector<64x4096xi32>
    %add3A_78 = arith.constant 6 : i32
    %add3A_79 = vector.broadcast %add3A_78 : i32 to vector<64x4096xi32>
    %add3A_80 = arith.addi %shift_left3A_60, %add3A_79 : vector<64x4096xi32>
    %add3A_81 = arith.constant 7 : i32
    %add3A_82 = vector.broadcast %add3A_81 : i32 to vector<64x4096xi32>
    %add3A_83 = arith.addi %shift_left3A_60, %add3A_82 : vector<64x4096xi32>
    %add3A_84 = arith.constant 8 : i32
    %add3A_85 = vector.broadcast %add3A_84 : i32 to vector<64x4096xi32>
    %add3A_86 = arith.addi %shift_left3A_60, %add3A_85 : vector<64x4096xi32>
    %add3A_87 = arith.constant 9 : i32
    %add3A_88 = vector.broadcast %add3A_87 : i32 to vector<64x4096xi32>
    %add3A_89 = arith.addi %shift_left3A_60, %add3A_88 : vector<64x4096xi32>
    %add3A_90 = arith.constant 10 : i32
    %add3A_91 = vector.broadcast %add3A_90 : i32 to vector<64x4096xi32>
    %add3A_92 = arith.addi %shift_left3A_60, %add3A_91 : vector<64x4096xi32>
    %add3A_93 = arith.constant 11 : i32
    %add3A_94 = vector.broadcast %add3A_93 : i32 to vector<64x4096xi32>
    %add3A_95 = arith.addi %shift_left3A_60, %add3A_94 : vector<64x4096xi32>
    %add3A_96 = arith.constant 12 : i32
    %add3A_97 = vector.broadcast %add3A_96 : i32 to vector<64x4096xi32>
    %add3A_98 = arith.addi %shift_left3A_60, %add3A_97 : vector<64x4096xi32>
    %add3A_99 = arith.constant 13 : i32
    %add3A_100 = vector.broadcast %add3A_99 : i32 to vector<64x4096xi32>
    %add3A_101 = arith.addi %shift_left3A_60, %add3A_100 : vector<64x4096xi32>
    %add3A_102 = arith.constant 14 : i32
    %add3A_103 = vector.broadcast %add3A_102 : i32 to vector<64x4096xi32>
    %add3A_104 = arith.addi %shift_left3A_60, %add3A_103 : vector<64x4096xi32>
    %add3A_105 = arith.constant 15 : i32
    %add3A_106 = vector.broadcast %add3A_105 : i32 to vector<64x4096xi32>
    %add3A_107 = arith.addi %shift_left3A_60, %add3A_106 : vector<64x4096xi32>
    %ge3A = arith.cmpf oge, %slice3A, %slice3A_6 : vector<64x4096xf32>
    %max3A = arith.maximumf %slice3A, %slice3A_6 : vector<64x4096xf32>
    %min3A = arith.minimumf %slice3A, %slice3A_6 : vector<64x4096xf32>
    %select_n3A = arith.select %ge3A, %add3A_62, %add3A_65 : vector<64x4096xi1>, vector<64x4096xi32>
    %select_n3A_108 = arith.select %ge3A, %add3A_65, %add3A_62 : vector<64x4096xi1>, vector<64x4096xi32>
    %ge3A_109 = arith.cmpf oge, %slice3A_7, %slice3A_8 : vector<64x4096xf32>
    %max3A_110 = arith.maximumf %slice3A_7, %slice3A_8 : vector<64x4096xf32>
    %min3A_111 = arith.minimumf %slice3A_7, %slice3A_8 : vector<64x4096xf32>
    %select_n3A_112 = arith.select %ge3A_109, %add3A_68, %add3A_71 : vector<64x4096xi1>, vector<64x4096xi32>
    %select_n3A_113 = arith.select %ge3A_109, %add3A_71, %add3A_68 : vector<64x4096xi1>, vector<64x4096xi32>
    %ge3A_114 = arith.cmpf oge, %slice3A_9, %slice3A_10 : vector<64x4096xf32>
    %max3A_115 = arith.maximumf %slice3A_9, %slice3A_10 : vector<64x4096xf32>
    %min3A_116 = arith.minimumf %slice3A_9, %slice3A_10 : vector<64x4096xf32>
    %select_n3A_117 = arith.select %ge3A_114, %add3A_74, %add3A_77 : vector<64x4096xi1>, vector<64x4096xi32>
    %select_n3A_118 = arith.select %ge3A_114, %add3A_77, %add3A_74 : vector<64x4096xi1>, vector<64x4096xi32>
    %ge3A_119 = arith.cmpf oge, %slice3A_11, %slice3A_12 : vector<64x4096xf32>
    %max3A_120 = arith.maximumf %slice3A_11, %slice3A_12 : vector<64x4096xf32>
    %min3A_121 = arith.minimumf %slice3A_11, %slice3A_12 : vector<64x4096xf32>
    %select_n3A_122 = arith.select %ge3A_119, %add3A_80, %add3A_83 : vector<64x4096xi1>, vector<64x4096xi32>
    %select_n3A_123 = arith.select %ge3A_119, %add3A_83, %add3A_80 : vector<64x4096xi1>, vector<64x4096xi32>
    %ge3A_124 = arith.cmpf oge, %slice3A_13, %slice3A_14 : vector<64x4096xf32>
    %max3A_125 = arith.maximumf %slice3A_13, %slice3A_14 : vector<64x4096xf32>
    %min3A_126 = arith.minimumf %slice3A_13, %slice3A_14 : vector<64x4096xf32>
    %select_n3A_127 = arith.select %ge3A_124, %add3A_86, %add3A_89 : vector<64x4096xi1>, vector<64x4096xi32>
    %select_n3A_128 = arith.select %ge3A_124, %add3A_89, %add3A_86 : vector<64x4096xi1>, vector<64x4096xi32>
    %ge3A_129 = arith.cmpf oge, %slice3A_15, %slice3A_16 : vector<64x4096xf32>
    %max3A_130 = arith.maximumf %slice3A_15, %slice3A_16 : vector<64x4096xf32>
    %min3A_131 = arith.minimumf %slice3A_15, %slice3A_16 : vector<64x4096xf32>
    %select_n3A_132 = arith.select %ge3A_129, %add3A_92, %add3A_95 : vector<64x4096xi1>, vector<64x4096xi32>
    %select_n3A_133 = arith.select %ge3A_129, %add3A_95, %add3A_92 : vector<64x4096xi1>, vector<64x4096xi32>
    %ge3A_134 = arith.cmpf oge, %slice3A_17, %slice3A_18 : vector<64x4096xf32>
    %max3A_135 = arith.maximumf %slice3A_17, %slice3A_18 : vector<64x4096xf32>
    %min3A_136 = arith.minimumf %slice3A_17, %slice3A_18 : vector<64x4096xf32>
    %select_n3A_137 = arith.select %ge3A_134, %add3A_98, %add3A_101 : vector<64x4096xi1>, vector<64x4096xi32>
    %select_n3A_138 = arith.select %ge3A_134, %add3A_101, %add3A_98 : vector<64x4096xi1>, vector<64x4096xi32>
    %ge3A_139 = arith.cmpf oge, %slice3A_19, %slice3A_20 : vector<64x4096xf32>
    %max3A_140 = arith.maximumf %slice3A_19, %slice3A_20 : vector<64x4096xf32>
    %min3A_141 = arith.minimumf %slice3A_19, %slice3A_20 : vector<64x4096xf32>
    %select_n3A_142 = arith.select %ge3A_139, %add3A_104, %add3A_107 : vector<64x4096xi1>, vector<64x4096xi32>
    %select_n3A_143 = arith.select %ge3A_139, %add3A_107, %add3A_104 : vector<64x4096xi1>, vector<64x4096xi32>
    %ge3A_144 = arith.cmpf oge, %max3A, %max3A_110 : vector<64x4096xf32>
    %max3A_145 = arith.maximumf %max3A, %max3A_110 : vector<64x4096xf32>
    %min3A_146 = arith.minimumf %max3A, %max3A_110 : vector<64x4096xf32>
    %select_n3A_147 = arith.select %ge3A_144, %select_n3A, %select_n3A_112 : vector<64x4096xi1>, vector<64x4096xi32>
    %select_n3A_148 = arith.select %ge3A_144, %select_n3A_112, %select_n3A : vector<64x4096xi1>, vector<64x4096xi32>
    %ge3A_149 = arith.cmpf oge, %min3A, %min3A_111 : vector<64x4096xf32>
    %max3A_150 = arith.maximumf %min3A, %min3A_111 : vector<64x4096xf32>
    %min3A_151 = arith.minimumf %min3A, %min3A_111 : vector<64x4096xf32>
    %select_n3A_152 = arith.select %ge3A_149, %select_n3A_108, %select_n3A_113 : vector<64x4096xi1>, vector<64x4096xi32>
    %select_n3A_153 = arith.select %ge3A_149, %select_n3A_113, %select_n3A_108 : vector<64x4096xi1>, vector<64x4096xi32>
    %ge3A_154 = arith.cmpf oge, %max3A_115, %max3A_120 : vector<64x4096xf32>
    %max3A_155 = arith.maximumf %max3A_115, %max3A_120 : vector<64x4096xf32>
    %min3A_156 = arith.minimumf %max3A_115, %max3A_120 : vector<64x4096xf32>
    %select_n3A_157 = arith.select %ge3A_154, %select_n3A_117, %select_n3A_122 : vector<64x4096xi1>, vector<64x4096xi32>
    %select_n3A_158 = arith.select %ge3A_154, %select_n3A_122, %select_n3A_117 : vector<64x4096xi1>, vector<64x4096xi32>
    %ge3A_159 = arith.cmpf oge, %min3A_116, %min3A_121 : vector<64x4096xf32>
    %max3A_160 = arith.maximumf %min3A_116, %min3A_121 : vector<64x4096xf32>
    %min3A_161 = arith.minimumf %min3A_116, %min3A_121 : vector<64x4096xf32>
    %select_n3A_162 = arith.select %ge3A_159, %select_n3A_118, %select_n3A_123 : vector<64x4096xi1>, vector<64x4096xi32>
    %select_n3A_163 = arith.select %ge3A_159, %select_n3A_123, %select_n3A_118 : vector<64x4096xi1>, vector<64x4096xi32>
    %ge3A_164 = arith.cmpf oge, %max3A_125, %max3A_130 : vector<64x4096xf32>
    %max3A_165 = arith.maximumf %max3A_125, %max3A_130 : vector<64x4096xf32>
    %min3A_166 = arith.minimumf %max3A_125, %max3A_130 : vector<64x4096xf32>
    %select_n3A_167 = arith.select %ge3A_164, %select_n3A_127, %select_n3A_132 : vector<64x4096xi1>, vector<64x4096xi32>
    %select_n3A_168 = arith.select %ge3A_164, %select_n3A_132, %select_n3A_127 : vector<64x4096xi1>, vector<64x4096xi32>
    %ge3A_169 = arith.cmpf oge, %min3A_126, %min3A_131 : vector<64x4096xf32>
    %max3A_170 = arith.maximumf %min3A_126, %min3A_131 : vector<64x4096xf32>
    %min3A_171 = arith.minimumf %min3A_126, %min3A_131 : vector<64x4096xf32>
    %select_n3A_172 = arith.select %ge3A_169, %select_n3A_128, %select_n3A_133 : vector<64x4096xi1>, vector<64x4096xi32>
    %select_n3A_173 = arith.select %ge3A_169, %select_n3A_133, %select_n3A_128 : vector<64x4096xi1>, vector<64x4096xi32>
    %ge3A_174 = arith.cmpf oge, %max3A_135, %max3A_140 : vector<64x4096xf32>
    %max3A_175 = arith.maximumf %max3A_135, %max3A_140 : vector<64x4096xf32>
    %min3A_176 = arith.minimumf %max3A_135, %max3A_140 : vector<64x4096xf32>
    %select_n3A_177 = arith.select %ge3A_174, %select_n3A_137, %select_n3A_142 : vector<64x4096xi1>, vector<64x4096xi32>
    %select_n3A_178 = arith.select %ge3A_174, %select_n3A_142, %select_n3A_137 : vector<64x4096xi1>, vector<64x4096xi32>
    %ge3A_179 = arith.cmpf oge, %min3A_136, %min3A_141 : vector<64x4096xf32>
    %max3A_180 = arith.maximumf %min3A_136, %min3A_141 : vector<64x4096xf32>
    %min3A_181 = arith.minimumf %min3A_136, %min3A_141 : vector<64x4096xf32>
    %select_n3A_182 = arith.select %ge3A_179, %select_n3A_138, %select_n3A_143 : vector<64x4096xi1>, vector<64x4096xi32>
    %select_n3A_183 = arith.select %ge3A_179, %select_n3A_143, %select_n3A_138 : vector<64x4096xi1>, vector<64x4096xi32>
    %gt3A = arith.cmpf ogt, %max3A_150, %min3A_146 : vector<64x4096xf32>
    %eq3A = arith.cmpf oeq, %max3A_150, %min3A_146 : vector<64x4096xf32>
    %lt3A = arith.cmpi slt, %select_n3A_152, %select_n3A_148 : vector<64x4096xi32>
    %and3A_184 = arith.andi %eq3A, %lt3A : vector<64x4096xi1>
    %or3A_185 = arith.ori %gt3A, %and3A_184 : vector<64x4096xi1>
    %max3A_186 = arith.maximumf %max3A_150, %min3A_146 : vector<64x4096xf32>
    %min3A_187 = arith.minimumf %max3A_150, %min3A_146 : vector<64x4096xf32>
    %select_n3A_188 = arith.select %or3A_185, %select_n3A_152, %select_n3A_148 : vector<64x4096xi1>, vector<64x4096xi32>
    %select_n3A_189 = arith.select %or3A_185, %select_n3A_148, %select_n3A_152 : vector<64x4096xi1>, vector<64x4096xi32>
    %gt3A_190 = arith.cmpf ogt, %max3A_160, %min3A_156 : vector<64x4096xf32>
    %eq3A_191 = arith.cmpf oeq, %max3A_160, %min3A_156 : vector<64x4096xf32>
    %lt3A_192 = arith.cmpi slt, %select_n3A_162, %select_n3A_158 : vector<64x4096xi32>
    %and3A_193 = arith.andi %eq3A_191, %lt3A_192 : vector<64x4096xi1>
    %or3A_194 = arith.ori %gt3A_190, %and3A_193 : vector<64x4096xi1>
    %max3A_195 = arith.maximumf %max3A_160, %min3A_156 : vector<64x4096xf32>
    %min3A_196 = arith.minimumf %max3A_160, %min3A_156 : vector<64x4096xf32>
    %select_n3A_197 = arith.select %or3A_194, %select_n3A_162, %select_n3A_158 : vector<64x4096xi1>, vector<64x4096xi32>
    %select_n3A_198 = arith.select %or3A_194, %select_n3A_158, %select_n3A_162 : vector<64x4096xi1>, vector<64x4096xi32>
    %gt3A_199 = arith.cmpf ogt, %max3A_170, %min3A_166 : vector<64x4096xf32>
    %eq3A_200 = arith.cmpf oeq, %max3A_170, %min3A_166 : vector<64x4096xf32>
    %lt3A_201 = arith.cmpi slt, %select_n3A_172, %select_n3A_168 : vector<64x4096xi32>
    %and3A_202 = arith.andi %eq3A_200, %lt3A_201 : vector<64x4096xi1>
    %or3A_203 = arith.ori %gt3A_199, %and3A_202 : vector<64x4096xi1>
    %max3A_204 = arith.maximumf %max3A_170, %min3A_166 : vector<64x4096xf32>
    %min3A_205 = arith.minimumf %max3A_170, %min3A_166 : vector<64x4096xf32>
    %select_n3A_206 = arith.select %or3A_203, %select_n3A_172, %select_n3A_168 : vector<64x4096xi1>, vector<64x4096xi32>
    %select_n3A_207 = arith.select %or3A_203, %select_n3A_168, %select_n3A_172 : vector<64x4096xi1>, vector<64x4096xi32>
    %gt3A_208 = arith.cmpf ogt, %max3A_180, %min3A_176 : vector<64x4096xf32>
    %eq3A_209 = arith.cmpf oeq, %max3A_180, %min3A_176 : vector<64x4096xf32>
    %lt3A_210 = arith.cmpi slt, %select_n3A_182, %select_n3A_178 : vector<64x4096xi32>
    %and3A_211 = arith.andi %eq3A_209, %lt3A_210 : vector<64x4096xi1>
    %or3A_212 = arith.ori %gt3A_208, %and3A_211 : vector<64x4096xi1>
    %max3A_213 = arith.maximumf %max3A_180, %min3A_176 : vector<64x4096xf32>
    %min3A_214 = arith.minimumf %max3A_180, %min3A_176 : vector<64x4096xf32>
    %select_n3A_215 = arith.select %or3A_212, %select_n3A_182, %select_n3A_178 : vector<64x4096xi1>, vector<64x4096xi32>
    %select_n3A_216 = arith.select %or3A_212, %select_n3A_178, %select_n3A_182 : vector<64x4096xi1>, vector<64x4096xi32>
    %ge3A_217 = arith.cmpf oge, %max3A_145, %max3A_155 : vector<64x4096xf32>
    %max3A_218 = arith.maximumf %max3A_145, %max3A_155 : vector<64x4096xf32>
    %min3A_219 = arith.minimumf %max3A_145, %max3A_155 : vector<64x4096xf32>
    %select_n3A_220 = arith.select %ge3A_217, %select_n3A_147, %select_n3A_157 : vector<64x4096xi1>, vector<64x4096xi32>
    %select_n3A_221 = arith.select %ge3A_217, %select_n3A_157, %select_n3A_147 : vector<64x4096xi1>, vector<64x4096xi32>
    %ge3A_222 = arith.cmpf oge, %max3A_186, %max3A_195 : vector<64x4096xf32>
    %max3A_223 = arith.maximumf %max3A_186, %max3A_195 : vector<64x4096xf32>
    %min3A_224 = arith.minimumf %max3A_186, %max3A_195 : vector<64x4096xf32>
    %select_n3A_225 = arith.select %ge3A_222, %select_n3A_188, %select_n3A_197 : vector<64x4096xi1>, vector<64x4096xi32>
    %select_n3A_226 = arith.select %ge3A_222, %select_n3A_197, %select_n3A_188 : vector<64x4096xi1>, vector<64x4096xi32>
    %ge3A_227 = arith.cmpf oge, %min3A_187, %min3A_196 : vector<64x4096xf32>
    %max3A_228 = arith.maximumf %min3A_187, %min3A_196 : vector<64x4096xf32>
    %min3A_229 = arith.minimumf %min3A_187, %min3A_196 : vector<64x4096xf32>
    %select_n3A_230 = arith.select %ge3A_227, %select_n3A_189, %select_n3A_198 : vector<64x4096xi1>, vector<64x4096xi32>
    %select_n3A_231 = arith.select %ge3A_227, %select_n3A_198, %select_n3A_189 : vector<64x4096xi1>, vector<64x4096xi32>
    %ge3A_232 = arith.cmpf oge, %min3A_151, %min3A_161 : vector<64x4096xf32>
    %max3A_233 = arith.maximumf %min3A_151, %min3A_161 : vector<64x4096xf32>
    %min3A_234 = arith.minimumf %min3A_151, %min3A_161 : vector<64x4096xf32>
    %select_n3A_235 = arith.select %ge3A_232, %select_n3A_153, %select_n3A_163 : vector<64x4096xi1>, vector<64x4096xi32>
    %select_n3A_236 = arith.select %ge3A_232, %select_n3A_163, %select_n3A_153 : vector<64x4096xi1>, vector<64x4096xi32>
    %ge3A_237 = arith.cmpf oge, %max3A_165, %max3A_175 : vector<64x4096xf32>
    %max3A_238 = arith.maximumf %max3A_165, %max3A_175 : vector<64x4096xf32>
    %min3A_239 = arith.minimumf %max3A_165, %max3A_175 : vector<64x4096xf32>
    %select_n3A_240 = arith.select %ge3A_237, %select_n3A_167, %select_n3A_177 : vector<64x4096xi1>, vector<64x4096xi32>
    %select_n3A_241 = arith.select %ge3A_237, %select_n3A_177, %select_n3A_167 : vector<64x4096xi1>, vector<64x4096xi32>
    %ge3A_242 = arith.cmpf oge, %max3A_204, %max3A_213 : vector<64x4096xf32>
    %max3A_243 = arith.maximumf %max3A_204, %max3A_213 : vector<64x4096xf32>
    %min3A_244 = arith.minimumf %max3A_204, %max3A_213 : vector<64x4096xf32>
    %select_n3A_245 = arith.select %ge3A_242, %select_n3A_206, %select_n3A_215 : vector<64x4096xi1>, vector<64x4096xi32>
    %select_n3A_246 = arith.select %ge3A_242, %select_n3A_215, %select_n3A_206 : vector<64x4096xi1>, vector<64x4096xi32>
    %ge3A_247 = arith.cmpf oge, %min3A_205, %min3A_214 : vector<64x4096xf32>
    %max3A_248 = arith.maximumf %min3A_205, %min3A_214 : vector<64x4096xf32>
    %min3A_249 = arith.minimumf %min3A_205, %min3A_214 : vector<64x4096xf32>
    %select_n3A_250 = arith.select %ge3A_247, %select_n3A_207, %select_n3A_216 : vector<64x4096xi1>, vector<64x4096xi32>
    %select_n3A_251 = arith.select %ge3A_247, %select_n3A_216, %select_n3A_207 : vector<64x4096xi1>, vector<64x4096xi32>
    %ge3A_252 = arith.cmpf oge, %min3A_171, %min3A_181 : vector<64x4096xf32>
    %max3A_253 = arith.maximumf %min3A_171, %min3A_181 : vector<64x4096xf32>
    %min3A_254 = arith.minimumf %min3A_171, %min3A_181 : vector<64x4096xf32>
    %select_n3A_255 = arith.select %ge3A_252, %select_n3A_173, %select_n3A_183 : vector<64x4096xi1>, vector<64x4096xi32>
    %select_n3A_256 = arith.select %ge3A_252, %select_n3A_183, %select_n3A_173 : vector<64x4096xi1>, vector<64x4096xi32>
    %gt3A_257 = arith.cmpf ogt, %max3A_228, %min3A_219 : vector<64x4096xf32>
    %eq3A_258 = arith.cmpf oeq, %max3A_228, %min3A_219 : vector<64x4096xf32>
    %lt3A_259 = arith.cmpi slt, %select_n3A_230, %select_n3A_221 : vector<64x4096xi32>
    %and3A_260 = arith.andi %eq3A_258, %lt3A_259 : vector<64x4096xi1>
    %or3A_261 = arith.ori %gt3A_257, %and3A_260 : vector<64x4096xi1>
    %max3A_262 = arith.maximumf %max3A_228, %min3A_219 : vector<64x4096xf32>
    %min3A_263 = arith.minimumf %max3A_228, %min3A_219 : vector<64x4096xf32>
    %select_n3A_264 = arith.select %or3A_261, %select_n3A_230, %select_n3A_221 : vector<64x4096xi1>, vector<64x4096xi32>
    %select_n3A_265 = arith.select %or3A_261, %select_n3A_221, %select_n3A_230 : vector<64x4096xi1>, vector<64x4096xi32>
    %gt3A_266 = arith.cmpf ogt, %max3A_233, %min3A_224 : vector<64x4096xf32>
    %eq3A_267 = arith.cmpf oeq, %max3A_233, %min3A_224 : vector<64x4096xf32>
    %lt3A_268 = arith.cmpi slt, %select_n3A_235, %select_n3A_226 : vector<64x4096xi32>
    %and3A_269 = arith.andi %eq3A_267, %lt3A_268 : vector<64x4096xi1>
    %or3A_270 = arith.ori %gt3A_266, %and3A_269 : vector<64x4096xi1>
    %max3A_271 = arith.maximumf %max3A_233, %min3A_224 : vector<64x4096xf32>
    %min3A_272 = arith.minimumf %max3A_233, %min3A_224 : vector<64x4096xf32>
    %select_n3A_273 = arith.select %or3A_270, %select_n3A_235, %select_n3A_226 : vector<64x4096xi1>, vector<64x4096xi32>
    %select_n3A_274 = arith.select %or3A_270, %select_n3A_226, %select_n3A_235 : vector<64x4096xi1>, vector<64x4096xi32>
    %gt3A_275 = arith.cmpf ogt, %max3A_248, %min3A_239 : vector<64x4096xf32>
    %eq3A_276 = arith.cmpf oeq, %max3A_248, %min3A_239 : vector<64x4096xf32>
    %lt3A_277 = arith.cmpi slt, %select_n3A_250, %select_n3A_241 : vector<64x4096xi32>
    %and3A_278 = arith.andi %eq3A_276, %lt3A_277 : vector<64x4096xi1>
    %or3A_279 = arith.ori %gt3A_275, %and3A_278 : vector<64x4096xi1>
    %max3A_280 = arith.maximumf %max3A_248, %min3A_239 : vector<64x4096xf32>
    %min3A_281 = arith.minimumf %max3A_248, %min3A_239 : vector<64x4096xf32>
    %select_n3A_282 = arith.select %or3A_279, %select_n3A_250, %select_n3A_241 : vector<64x4096xi1>, vector<64x4096xi32>
    %select_n3A_283 = arith.select %or3A_279, %select_n3A_241, %select_n3A_250 : vector<64x4096xi1>, vector<64x4096xi32>
    %gt3A_284 = arith.cmpf ogt, %max3A_253, %min3A_244 : vector<64x4096xf32>
    %eq3A_285 = arith.cmpf oeq, %max3A_253, %min3A_244 : vector<64x4096xf32>
    %lt3A_286 = arith.cmpi slt, %select_n3A_255, %select_n3A_246 : vector<64x4096xi32>
    %and3A_287 = arith.andi %eq3A_285, %lt3A_286 : vector<64x4096xi1>
    %or3A_288 = arith.ori %gt3A_284, %and3A_287 : vector<64x4096xi1>
    %max3A_289 = arith.maximumf %max3A_253, %min3A_244 : vector<64x4096xf32>
    %min3A_290 = arith.minimumf %max3A_253, %min3A_244 : vector<64x4096xf32>
    %select_n3A_291 = arith.select %or3A_288, %select_n3A_255, %select_n3A_246 : vector<64x4096xi1>, vector<64x4096xi32>
    %select_n3A_292 = arith.select %or3A_288, %select_n3A_246, %select_n3A_255 : vector<64x4096xi1>, vector<64x4096xi32>
    %gt3A_293 = arith.cmpf ogt, %max3A_223, %max3A_262 : vector<64x4096xf32>
    %eq3A_294 = arith.cmpf oeq, %max3A_223, %max3A_262 : vector<64x4096xf32>
    %lt3A_295 = arith.cmpi slt, %select_n3A_225, %select_n3A_264 : vector<64x4096xi32>
    %and3A_296 = arith.andi %eq3A_294, %lt3A_295 : vector<64x4096xi1>
    %or3A_297 = arith.ori %gt3A_293, %and3A_296 : vector<64x4096xi1>
    %max3A_298 = arith.maximumf %max3A_223, %max3A_262 : vector<64x4096xf32>
    %min3A_299 = arith.minimumf %max3A_223, %max3A_262 : vector<64x4096xf32>
    %select_n3A_300 = arith.select %or3A_297, %select_n3A_225, %select_n3A_264 : vector<64x4096xi1>, vector<64x4096xi32>
    %select_n3A_301 = arith.select %or3A_297, %select_n3A_264, %select_n3A_225 : vector<64x4096xi1>, vector<64x4096xi32>
    %gt3A_302 = arith.cmpf ogt, %max3A_271, %min3A_263 : vector<64x4096xf32>
    %eq3A_303 = arith.cmpf oeq, %max3A_271, %min3A_263 : vector<64x4096xf32>
    %lt3A_304 = arith.cmpi slt, %select_n3A_273, %select_n3A_265 : vector<64x4096xi32>
    %and3A_305 = arith.andi %eq3A_303, %lt3A_304 : vector<64x4096xi1>
    %or3A_306 = arith.ori %gt3A_302, %and3A_305 : vector<64x4096xi1>
    %max3A_307 = arith.maximumf %max3A_271, %min3A_263 : vector<64x4096xf32>
    %min3A_308 = arith.minimumf %max3A_271, %min3A_263 : vector<64x4096xf32>
    %select_n3A_309 = arith.select %or3A_306, %select_n3A_273, %select_n3A_265 : vector<64x4096xi1>, vector<64x4096xi32>
    %select_n3A_310 = arith.select %or3A_306, %select_n3A_265, %select_n3A_273 : vector<64x4096xi1>, vector<64x4096xi32>
    %gt3A_311 = arith.cmpf ogt, %min3A_272, %min3A_229 : vector<64x4096xf32>
    %eq3A_312 = arith.cmpf oeq, %min3A_272, %min3A_229 : vector<64x4096xf32>
    %lt3A_313 = arith.cmpi slt, %select_n3A_274, %select_n3A_231 : vector<64x4096xi32>
    %and3A_314 = arith.andi %eq3A_312, %lt3A_313 : vector<64x4096xi1>
    %or3A_315 = arith.ori %gt3A_311, %and3A_314 : vector<64x4096xi1>
    %max3A_316 = arith.maximumf %min3A_272, %min3A_229 : vector<64x4096xf32>
    %min3A_317 = arith.minimumf %min3A_272, %min3A_229 : vector<64x4096xf32>
    %select_n3A_318 = arith.select %or3A_315, %select_n3A_274, %select_n3A_231 : vector<64x4096xi1>, vector<64x4096xi32>
    %select_n3A_319 = arith.select %or3A_315, %select_n3A_231, %select_n3A_274 : vector<64x4096xi1>, vector<64x4096xi32>
    %gt3A_320 = arith.cmpf ogt, %max3A_243, %max3A_280 : vector<64x4096xf32>
    %eq3A_321 = arith.cmpf oeq, %max3A_243, %max3A_280 : vector<64x4096xf32>
    %lt3A_322 = arith.cmpi slt, %select_n3A_245, %select_n3A_282 : vector<64x4096xi32>
    %and3A_323 = arith.andi %eq3A_321, %lt3A_322 : vector<64x4096xi1>
    %or3A_324 = arith.ori %gt3A_320, %and3A_323 : vector<64x4096xi1>
    %max3A_325 = arith.maximumf %max3A_243, %max3A_280 : vector<64x4096xf32>
    %min3A_326 = arith.minimumf %max3A_243, %max3A_280 : vector<64x4096xf32>
    %select_n3A_327 = arith.select %or3A_324, %select_n3A_245, %select_n3A_282 : vector<64x4096xi1>, vector<64x4096xi32>
    %select_n3A_328 = arith.select %or3A_324, %select_n3A_282, %select_n3A_245 : vector<64x4096xi1>, vector<64x4096xi32>
    %gt3A_329 = arith.cmpf ogt, %max3A_289, %min3A_281 : vector<64x4096xf32>
    %eq3A_330 = arith.cmpf oeq, %max3A_289, %min3A_281 : vector<64x4096xf32>
    %lt3A_331 = arith.cmpi slt, %select_n3A_291, %select_n3A_283 : vector<64x4096xi32>
    %and3A_332 = arith.andi %eq3A_330, %lt3A_331 : vector<64x4096xi1>
    %or3A_333 = arith.ori %gt3A_329, %and3A_332 : vector<64x4096xi1>
    %max3A_334 = arith.maximumf %max3A_289, %min3A_281 : vector<64x4096xf32>
    %min3A_335 = arith.minimumf %max3A_289, %min3A_281 : vector<64x4096xf32>
    %select_n3A_336 = arith.select %or3A_333, %select_n3A_291, %select_n3A_283 : vector<64x4096xi1>, vector<64x4096xi32>
    %select_n3A_337 = arith.select %or3A_333, %select_n3A_283, %select_n3A_291 : vector<64x4096xi1>, vector<64x4096xi32>
    %gt3A_338 = arith.cmpf ogt, %min3A_290, %min3A_249 : vector<64x4096xf32>
    %eq3A_339 = arith.cmpf oeq, %min3A_290, %min3A_249 : vector<64x4096xf32>
    %lt3A_340 = arith.cmpi slt, %select_n3A_292, %select_n3A_251 : vector<64x4096xi32>
    %and3A_341 = arith.andi %eq3A_339, %lt3A_340 : vector<64x4096xi1>
    %or3A_342 = arith.ori %gt3A_338, %and3A_341 : vector<64x4096xi1>
    %max3A_343 = arith.maximumf %min3A_290, %min3A_249 : vector<64x4096xf32>
    %min3A_344 = arith.minimumf %min3A_290, %min3A_249 : vector<64x4096xf32>
    %select_n3A_345 = arith.select %or3A_342, %select_n3A_292, %select_n3A_251 : vector<64x4096xi1>, vector<64x4096xi32>
    %select_n3A_346 = arith.select %or3A_342, %select_n3A_251, %select_n3A_292 : vector<64x4096xi1>, vector<64x4096xi32>
    %ge3A_347 = arith.cmpf oge, %max3A_218, %max3A_238 : vector<64x4096xf32>
    %max3A_348 = arith.maximumf %max3A_218, %max3A_238 : vector<64x4096xf32>
    %min3A_349 = arith.minimumf %max3A_218, %max3A_238 : vector<64x4096xf32>
    %select_n3A_350 = arith.select %ge3A_347, %select_n3A_220, %select_n3A_240 : vector<64x4096xi1>, vector<64x4096xi32>
    %select_n3A_351 = arith.select %ge3A_347, %select_n3A_240, %select_n3A_220 : vector<64x4096xi1>, vector<64x4096xi32>
    %ge3A_352 = arith.cmpf oge, %max3A_298, %max3A_325 : vector<64x4096xf32>
    %max3A_353 = arith.maximumf %max3A_298, %max3A_325 : vector<64x4096xf32>
    %min3A_354 = arith.minimumf %max3A_298, %max3A_325 : vector<64x4096xf32>
    %select_n3A_355 = arith.select %ge3A_352, %select_n3A_300, %select_n3A_327 : vector<64x4096xi1>, vector<64x4096xi32>
    %select_n3A_356 = arith.select %ge3A_352, %select_n3A_327, %select_n3A_300 : vector<64x4096xi1>, vector<64x4096xi32>
    %ge3A_357 = arith.cmpf oge, %min3A_299, %min3A_326 : vector<64x4096xf32>
    %max3A_358 = arith.maximumf %min3A_299, %min3A_326 : vector<64x4096xf32>
    %min3A_359 = arith.minimumf %min3A_299, %min3A_326 : vector<64x4096xf32>
    %select_n3A_360 = arith.select %ge3A_357, %select_n3A_301, %select_n3A_328 : vector<64x4096xi1>, vector<64x4096xi32>
    %select_n3A_361 = arith.select %ge3A_357, %select_n3A_328, %select_n3A_301 : vector<64x4096xi1>, vector<64x4096xi32>
    %ge3A_362 = arith.cmpf oge, %max3A_307, %max3A_334 : vector<64x4096xf32>
    %max3A_363 = arith.maximumf %max3A_307, %max3A_334 : vector<64x4096xf32>
    %min3A_364 = arith.minimumf %max3A_307, %max3A_334 : vector<64x4096xf32>
    %select_n3A_365 = arith.select %ge3A_362, %select_n3A_309, %select_n3A_336 : vector<64x4096xi1>, vector<64x4096xi32>
    %select_n3A_366 = arith.select %ge3A_362, %select_n3A_336, %select_n3A_309 : vector<64x4096xi1>, vector<64x4096xi32>
    %ge3A_367 = arith.cmpf oge, %min3A_308, %min3A_335 : vector<64x4096xf32>
    %max3A_368 = arith.maximumf %min3A_308, %min3A_335 : vector<64x4096xf32>
    %min3A_369 = arith.minimumf %min3A_308, %min3A_335 : vector<64x4096xf32>
    %select_n3A_370 = arith.select %ge3A_367, %select_n3A_310, %select_n3A_337 : vector<64x4096xi1>, vector<64x4096xi32>
    %select_n3A_371 = arith.select %ge3A_367, %select_n3A_337, %select_n3A_310 : vector<64x4096xi1>, vector<64x4096xi32>
    %ge3A_372 = arith.cmpf oge, %max3A_316, %max3A_343 : vector<64x4096xf32>
    %max3A_373 = arith.maximumf %max3A_316, %max3A_343 : vector<64x4096xf32>
    %min3A_374 = arith.minimumf %max3A_316, %max3A_343 : vector<64x4096xf32>
    %select_n3A_375 = arith.select %ge3A_372, %select_n3A_318, %select_n3A_345 : vector<64x4096xi1>, vector<64x4096xi32>
    %select_n3A_376 = arith.select %ge3A_372, %select_n3A_345, %select_n3A_318 : vector<64x4096xi1>, vector<64x4096xi32>
    %ge3A_377 = arith.cmpf oge, %min3A_317, %min3A_344 : vector<64x4096xf32>
    %max3A_378 = arith.maximumf %min3A_317, %min3A_344 : vector<64x4096xf32>
    %min3A_379 = arith.minimumf %min3A_317, %min3A_344 : vector<64x4096xf32>
    %select_n3A_380 = arith.select %ge3A_377, %select_n3A_319, %select_n3A_346 : vector<64x4096xi1>, vector<64x4096xi32>
    %select_n3A_381 = arith.select %ge3A_377, %select_n3A_346, %select_n3A_319 : vector<64x4096xi1>, vector<64x4096xi32>
    %ge3A_382 = arith.cmpf oge, %min3A_234, %min3A_254 : vector<64x4096xf32>
    %max3A_383 = arith.maximumf %min3A_234, %min3A_254 : vector<64x4096xf32>
    %min3A_384 = arith.minimumf %min3A_234, %min3A_254 : vector<64x4096xf32>
    %select_n3A_385 = arith.select %ge3A_382, %select_n3A_236, %select_n3A_256 : vector<64x4096xi1>, vector<64x4096xi32>
    %select_n3A_386 = arith.select %ge3A_382, %select_n3A_256, %select_n3A_236 : vector<64x4096xi1>, vector<64x4096xi32>
    %gt3A_387 = arith.cmpf ogt, %max3A_368, %min3A_349 : vector<64x4096xf32>
    %eq3A_388 = arith.cmpf oeq, %max3A_368, %min3A_349 : vector<64x4096xf32>
    %lt3A_389 = arith.cmpi slt, %select_n3A_370, %select_n3A_351 : vector<64x4096xi32>
    %and3A_390 = arith.andi %eq3A_388, %lt3A_389 : vector<64x4096xi1>
    %or3A_391 = arith.ori %gt3A_387, %and3A_390 : vector<64x4096xi1>
    %max3A_392 = arith.maximumf %max3A_368, %min3A_349 : vector<64x4096xf32>
    %min3A_393 = arith.minimumf %max3A_368, %min3A_349 : vector<64x4096xf32>
    %select_n3A_394 = arith.select %or3A_391, %select_n3A_370, %select_n3A_351 : vector<64x4096xi1>, vector<64x4096xi32>
    %select_n3A_395 = arith.select %or3A_391, %select_n3A_351, %select_n3A_370 : vector<64x4096xi1>, vector<64x4096xi32>
    %gt3A_396 = arith.cmpf ogt, %max3A_373, %min3A_354 : vector<64x4096xf32>
    %eq3A_397 = arith.cmpf oeq, %max3A_373, %min3A_354 : vector<64x4096xf32>
    %lt3A_398 = arith.cmpi slt, %select_n3A_375, %select_n3A_356 : vector<64x4096xi32>
    %and3A_399 = arith.andi %eq3A_397, %lt3A_398 : vector<64x4096xi1>
    %or3A_400 = arith.ori %gt3A_396, %and3A_399 : vector<64x4096xi1>
    %max3A_401 = arith.maximumf %max3A_373, %min3A_354 : vector<64x4096xf32>
    %min3A_402 = arith.minimumf %max3A_373, %min3A_354 : vector<64x4096xf32>
    %select_n3A_403 = arith.select %or3A_400, %select_n3A_375, %select_n3A_356 : vector<64x4096xi1>, vector<64x4096xi32>
    %select_n3A_404 = arith.select %or3A_400, %select_n3A_356, %select_n3A_375 : vector<64x4096xi1>, vector<64x4096xi32>
    %gt3A_405 = arith.cmpf ogt, %max3A_378, %min3A_359 : vector<64x4096xf32>
    %eq3A_406 = arith.cmpf oeq, %max3A_378, %min3A_359 : vector<64x4096xf32>
    %lt3A_407 = arith.cmpi slt, %select_n3A_380, %select_n3A_361 : vector<64x4096xi32>
    %and3A_408 = arith.andi %eq3A_406, %lt3A_407 : vector<64x4096xi1>
    %or3A_409 = arith.ori %gt3A_405, %and3A_408 : vector<64x4096xi1>
    %max3A_410 = arith.maximumf %max3A_378, %min3A_359 : vector<64x4096xf32>
    %min3A_411 = arith.minimumf %max3A_378, %min3A_359 : vector<64x4096xf32>
    %select_n3A_412 = arith.select %or3A_409, %select_n3A_380, %select_n3A_361 : vector<64x4096xi1>, vector<64x4096xi32>
    %select_n3A_413 = arith.select %or3A_409, %select_n3A_361, %select_n3A_380 : vector<64x4096xi1>, vector<64x4096xi32>
    %gt3A_414 = arith.cmpf ogt, %max3A_383, %min3A_364 : vector<64x4096xf32>
    %eq3A_415 = arith.cmpf oeq, %max3A_383, %min3A_364 : vector<64x4096xf32>
    %lt3A_416 = arith.cmpi slt, %select_n3A_385, %select_n3A_366 : vector<64x4096xi32>
    %and3A_417 = arith.andi %eq3A_415, %lt3A_416 : vector<64x4096xi1>
    %or3A_418 = arith.ori %gt3A_414, %and3A_417 : vector<64x4096xi1>
    %max3A_419 = arith.maximumf %max3A_383, %min3A_364 : vector<64x4096xf32>
    %min3A_420 = arith.minimumf %max3A_383, %min3A_364 : vector<64x4096xf32>
    %select_n3A_421 = arith.select %or3A_418, %select_n3A_385, %select_n3A_366 : vector<64x4096xi1>, vector<64x4096xi32>
    %select_n3A_422 = arith.select %or3A_418, %select_n3A_366, %select_n3A_385 : vector<64x4096xi1>, vector<64x4096xi32>
    %gt3A_423 = arith.cmpf ogt, %max3A_358, %max3A_392 : vector<64x4096xf32>
    %eq3A_424 = arith.cmpf oeq, %max3A_358, %max3A_392 : vector<64x4096xf32>
    %lt3A_425 = arith.cmpi slt, %select_n3A_360, %select_n3A_394 : vector<64x4096xi32>
    %and3A_426 = arith.andi %eq3A_424, %lt3A_425 : vector<64x4096xi1>
    %or3A_427 = arith.ori %gt3A_423, %and3A_426 : vector<64x4096xi1>
    %max3A_428 = arith.maximumf %max3A_358, %max3A_392 : vector<64x4096xf32>
    %min3A_429 = arith.minimumf %max3A_358, %max3A_392 : vector<64x4096xf32>
    %select_n3A_430 = arith.select %or3A_427, %select_n3A_360, %select_n3A_394 : vector<64x4096xi1>, vector<64x4096xi32>
    %select_n3A_431 = arith.select %or3A_427, %select_n3A_394, %select_n3A_360 : vector<64x4096xi1>, vector<64x4096xi32>
    %gt3A_432 = arith.cmpf ogt, %max3A_363, %max3A_401 : vector<64x4096xf32>
    %eq3A_433 = arith.cmpf oeq, %max3A_363, %max3A_401 : vector<64x4096xf32>
    %lt3A_434 = arith.cmpi slt, %select_n3A_365, %select_n3A_403 : vector<64x4096xi32>
    %and3A_435 = arith.andi %eq3A_433, %lt3A_434 : vector<64x4096xi1>
    %or3A_436 = arith.ori %gt3A_432, %and3A_435 : vector<64x4096xi1>
    %max3A_437 = arith.maximumf %max3A_363, %max3A_401 : vector<64x4096xf32>
    %min3A_438 = arith.minimumf %max3A_363, %max3A_401 : vector<64x4096xf32>
    %select_n3A_439 = arith.select %or3A_436, %select_n3A_365, %select_n3A_403 : vector<64x4096xi1>, vector<64x4096xi32>
    %select_n3A_440 = arith.select %or3A_436, %select_n3A_403, %select_n3A_365 : vector<64x4096xi1>, vector<64x4096xi32>
    %gt3A_441 = arith.cmpf ogt, %max3A_410, %min3A_393 : vector<64x4096xf32>
    %eq3A_442 = arith.cmpf oeq, %max3A_410, %min3A_393 : vector<64x4096xf32>
    %lt3A_443 = arith.cmpi slt, %select_n3A_412, %select_n3A_395 : vector<64x4096xi32>
    %and3A_444 = arith.andi %eq3A_442, %lt3A_443 : vector<64x4096xi1>
    %or3A_445 = arith.ori %gt3A_441, %and3A_444 : vector<64x4096xi1>
    %max3A_446 = arith.maximumf %max3A_410, %min3A_393 : vector<64x4096xf32>
    %min3A_447 = arith.minimumf %max3A_410, %min3A_393 : vector<64x4096xf32>
    %select_n3A_448 = arith.select %or3A_445, %select_n3A_412, %select_n3A_395 : vector<64x4096xi1>, vector<64x4096xi32>
    %select_n3A_449 = arith.select %or3A_445, %select_n3A_395, %select_n3A_412 : vector<64x4096xi1>, vector<64x4096xi32>
    %gt3A_450 = arith.cmpf ogt, %max3A_419, %min3A_402 : vector<64x4096xf32>
    %eq3A_451 = arith.cmpf oeq, %max3A_419, %min3A_402 : vector<64x4096xf32>
    %lt3A_452 = arith.cmpi slt, %select_n3A_421, %select_n3A_404 : vector<64x4096xi32>
    %and3A_453 = arith.andi %eq3A_451, %lt3A_452 : vector<64x4096xi1>
    %or3A_454 = arith.ori %gt3A_450, %and3A_453 : vector<64x4096xi1>
    %max3A_455 = arith.maximumf %max3A_419, %min3A_402 : vector<64x4096xf32>
    %min3A_456 = arith.minimumf %max3A_419, %min3A_402 : vector<64x4096xf32>
    %select_n3A_457 = arith.select %or3A_454, %select_n3A_421, %select_n3A_404 : vector<64x4096xi1>, vector<64x4096xi32>
    %select_n3A_458 = arith.select %or3A_454, %select_n3A_404, %select_n3A_421 : vector<64x4096xi1>, vector<64x4096xi32>
    %gt3A_459 = arith.cmpf ogt, %min3A_411, %min3A_369 : vector<64x4096xf32>
    %eq3A_460 = arith.cmpf oeq, %min3A_411, %min3A_369 : vector<64x4096xf32>
    %lt3A_461 = arith.cmpi slt, %select_n3A_413, %select_n3A_371 : vector<64x4096xi32>
    %and3A_462 = arith.andi %eq3A_460, %lt3A_461 : vector<64x4096xi1>
    %or3A_463 = arith.ori %gt3A_459, %and3A_462 : vector<64x4096xi1>
    %max3A_464 = arith.maximumf %min3A_411, %min3A_369 : vector<64x4096xf32>
    %min3A_465 = arith.minimumf %min3A_411, %min3A_369 : vector<64x4096xf32>
    %select_n3A_466 = arith.select %or3A_463, %select_n3A_413, %select_n3A_371 : vector<64x4096xi1>, vector<64x4096xi32>
    %select_n3A_467 = arith.select %or3A_463, %select_n3A_371, %select_n3A_413 : vector<64x4096xi1>, vector<64x4096xi32>
    %gt3A_468 = arith.cmpf ogt, %min3A_420, %min3A_374 : vector<64x4096xf32>
    %eq3A_469 = arith.cmpf oeq, %min3A_420, %min3A_374 : vector<64x4096xf32>
    %lt3A_470 = arith.cmpi slt, %select_n3A_422, %select_n3A_376 : vector<64x4096xi32>
    %and3A_471 = arith.andi %eq3A_469, %lt3A_470 : vector<64x4096xi1>
    %or3A_472 = arith.ori %gt3A_468, %and3A_471 : vector<64x4096xi1>
    %max3A_473 = arith.maximumf %min3A_420, %min3A_374 : vector<64x4096xf32>
    %min3A_474 = arith.minimumf %min3A_420, %min3A_374 : vector<64x4096xf32>
    %select_n3A_475 = arith.select %or3A_472, %select_n3A_422, %select_n3A_376 : vector<64x4096xi1>, vector<64x4096xi32>
    %select_n3A_476 = arith.select %or3A_472, %select_n3A_376, %select_n3A_422 : vector<64x4096xi1>, vector<64x4096xi32>
    %gt3A_477 = arith.cmpf ogt, %max3A_353, %max3A_428 : vector<64x4096xf32>
    %eq3A_478 = arith.cmpf oeq, %max3A_353, %max3A_428 : vector<64x4096xf32>
    %lt3A_479 = arith.cmpi slt, %select_n3A_355, %select_n3A_430 : vector<64x4096xi32>
    %and3A_480 = arith.andi %eq3A_478, %lt3A_479 : vector<64x4096xi1>
    %or3A_481 = arith.ori %gt3A_477, %and3A_480 : vector<64x4096xi1>
    %max3A_482 = arith.maximumf %max3A_353, %max3A_428 : vector<64x4096xf32>
    %min3A_483 = arith.minimumf %max3A_353, %max3A_428 : vector<64x4096xf32>
    %select_n3A_484 = arith.select %or3A_481, %select_n3A_355, %select_n3A_430 : vector<64x4096xi1>, vector<64x4096xi32>
    %select_n3A_485 = arith.select %or3A_481, %select_n3A_430, %select_n3A_355 : vector<64x4096xi1>, vector<64x4096xi32>
    %gt3A_486 = arith.cmpf ogt, %max3A_437, %min3A_429 : vector<64x4096xf32>
    %eq3A_487 = arith.cmpf oeq, %max3A_437, %min3A_429 : vector<64x4096xf32>
    %lt3A_488 = arith.cmpi slt, %select_n3A_439, %select_n3A_431 : vector<64x4096xi32>
    %and3A_489 = arith.andi %eq3A_487, %lt3A_488 : vector<64x4096xi1>
    %or3A_490 = arith.ori %gt3A_486, %and3A_489 : vector<64x4096xi1>
    %max3A_491 = arith.maximumf %max3A_437, %min3A_429 : vector<64x4096xf32>
    %min3A_492 = arith.minimumf %max3A_437, %min3A_429 : vector<64x4096xf32>
    %select_n3A_493 = arith.select %or3A_490, %select_n3A_439, %select_n3A_431 : vector<64x4096xi1>, vector<64x4096xi32>
    %select_n3A_494 = arith.select %or3A_490, %select_n3A_431, %select_n3A_439 : vector<64x4096xi1>, vector<64x4096xi32>
    %gt3A_495 = arith.cmpf ogt, %min3A_438, %max3A_446 : vector<64x4096xf32>
    %eq3A_496 = arith.cmpf oeq, %min3A_438, %max3A_446 : vector<64x4096xf32>
    %lt3A_497 = arith.cmpi slt, %select_n3A_440, %select_n3A_448 : vector<64x4096xi32>
    %and3A_498 = arith.andi %eq3A_496, %lt3A_497 : vector<64x4096xi1>
    %or3A_499 = arith.ori %gt3A_495, %and3A_498 : vector<64x4096xi1>
    %max3A_500 = arith.maximumf %min3A_438, %max3A_446 : vector<64x4096xf32>
    %min3A_501 = arith.minimumf %min3A_438, %max3A_446 : vector<64x4096xf32>
    %select_n3A_502 = arith.select %or3A_499, %select_n3A_440, %select_n3A_448 : vector<64x4096xi1>, vector<64x4096xi32>
    %select_n3A_503 = arith.select %or3A_499, %select_n3A_448, %select_n3A_440 : vector<64x4096xi1>, vector<64x4096xi32>
    %gt3A_504 = arith.cmpf ogt, %max3A_455, %min3A_447 : vector<64x4096xf32>
    %eq3A_505 = arith.cmpf oeq, %max3A_455, %min3A_447 : vector<64x4096xf32>
    %lt3A_506 = arith.cmpi slt, %select_n3A_457, %select_n3A_449 : vector<64x4096xi32>
    %and3A_507 = arith.andi %eq3A_505, %lt3A_506 : vector<64x4096xi1>
    %or3A_508 = arith.ori %gt3A_504, %and3A_507 : vector<64x4096xi1>
    %max3A_509 = arith.maximumf %max3A_455, %min3A_447 : vector<64x4096xf32>
    %min3A_510 = arith.minimumf %max3A_455, %min3A_447 : vector<64x4096xf32>
    %select_n3A_511 = arith.select %or3A_508, %select_n3A_457, %select_n3A_449 : vector<64x4096xi1>, vector<64x4096xi32>
    %select_n3A_512 = arith.select %or3A_508, %select_n3A_449, %select_n3A_457 : vector<64x4096xi1>, vector<64x4096xi32>
    %gt3A_513 = arith.cmpf ogt, %min3A_456, %max3A_464 : vector<64x4096xf32>
    %eq3A_514 = arith.cmpf oeq, %min3A_456, %max3A_464 : vector<64x4096xf32>
    %lt3A_515 = arith.cmpi slt, %select_n3A_458, %select_n3A_466 : vector<64x4096xi32>
    %and3A_516 = arith.andi %eq3A_514, %lt3A_515 : vector<64x4096xi1>
    %or3A_517 = arith.ori %gt3A_513, %and3A_516 : vector<64x4096xi1>
    %max3A_518 = arith.maximumf %min3A_456, %max3A_464 : vector<64x4096xf32>
    %min3A_519 = arith.minimumf %min3A_456, %max3A_464 : vector<64x4096xf32>
    %select_n3A_520 = arith.select %or3A_517, %select_n3A_458, %select_n3A_466 : vector<64x4096xi1>, vector<64x4096xi32>
    %select_n3A_521 = arith.select %or3A_517, %select_n3A_466, %select_n3A_458 : vector<64x4096xi1>, vector<64x4096xi32>
    %gt3A_522 = arith.cmpf ogt, %max3A_473, %min3A_465 : vector<64x4096xf32>
    %eq3A_523 = arith.cmpf oeq, %max3A_473, %min3A_465 : vector<64x4096xf32>
    %lt3A_524 = arith.cmpi slt, %select_n3A_475, %select_n3A_467 : vector<64x4096xi32>
    %and3A_525 = arith.andi %eq3A_523, %lt3A_524 : vector<64x4096xi1>
    %or3A_526 = arith.ori %gt3A_522, %and3A_525 : vector<64x4096xi1>
    %max3A_527 = arith.maximumf %max3A_473, %min3A_465 : vector<64x4096xf32>
    %min3A_528 = arith.minimumf %max3A_473, %min3A_465 : vector<64x4096xf32>
    %select_n3A_529 = arith.select %or3A_526, %select_n3A_475, %select_n3A_467 : vector<64x4096xi1>, vector<64x4096xi32>
    %select_n3A_530 = arith.select %or3A_526, %select_n3A_467, %select_n3A_475 : vector<64x4096xi1>, vector<64x4096xi32>
    %gt3A_531 = arith.cmpf ogt, %min3A_474, %min3A_379 : vector<64x4096xf32>
    %eq3A_532 = arith.cmpf oeq, %min3A_474, %min3A_379 : vector<64x4096xf32>
    %lt3A_533 = arith.cmpi slt, %select_n3A_476, %select_n3A_381 : vector<64x4096xi32>
    %and3A_534 = arith.andi %eq3A_532, %lt3A_533 : vector<64x4096xi1>
    %or3A_535 = arith.ori %gt3A_531, %and3A_534 : vector<64x4096xi1>
    %max3A_536 = arith.maximumf %min3A_474, %min3A_379 : vector<64x4096xf32>
    %min3A_537 = arith.minimumf %min3A_474, %min3A_379 : vector<64x4096xf32>
    %select_n3A_538 = arith.select %or3A_535, %select_n3A_476, %select_n3A_381 : vector<64x4096xi1>, vector<64x4096xi32>
    %select_n3A_539 = arith.select %or3A_535, %select_n3A_381, %select_n3A_476 : vector<64x4096xi1>, vector<64x4096xi32>
    %slice3A_540 = vector.extract_strided_slice %max3A_348 {offsets = [0, 0], sizes = [32, 4096], strides = [1, 1]} : vector<64x4096xf32> to vector<32x4096xf32>
    %slice3A_541 = vector.extract_strided_slice %select_n3A_350 {offsets = [0, 0], sizes = [32, 4096], strides = [1, 1]} : vector<64x4096xi32> to vector<32x4096xi32>
    %slice3A_542 = vector.extract_strided_slice %min3A_384 {offsets = [32, 0], sizes = [32, 4096], strides = [1, 1]} : vector<64x4096xf32> to vector<32x4096xf32>
    %slice3A_543 = vector.extract_strided_slice %select_n3A_386 {offsets = [32, 0], sizes = [32, 4096], strides = [1, 1]} : vector<64x4096xi32> to vector<32x4096xi32>
    %ge3A_544 = arith.cmpf oge, %slice3A_540, %slice3A_542 : vector<32x4096xf32>
    %max3A_545 = arith.maximumf %slice3A_540, %slice3A_542 : vector<32x4096xf32>
    %select_n3A_546 = arith.select %ge3A_544, %slice3A_541, %slice3A_543 : vector<32x4096xi1>, vector<32x4096xi32>
    %slice3A_547 = vector.extract_strided_slice %max3A_482 {offsets = [0, 0], sizes = [32, 4096], strides = [1, 1]} : vector<64x4096xf32> to vector<32x4096xf32>
    %slice3A_548 = vector.extract_strided_slice %select_n3A_484 {offsets = [0, 0], sizes = [32, 4096], strides = [1, 1]} : vector<64x4096xi32> to vector<32x4096xi32>
    %slice3A_549 = vector.extract_strided_slice %min3A_537 {offsets = [32, 0], sizes = [32, 4096], strides = [1, 1]} : vector<64x4096xf32> to vector<32x4096xf32>
    %slice3A_550 = vector.extract_strided_slice %select_n3A_539 {offsets = [32, 0], sizes = [32, 4096], strides = [1, 1]} : vector<64x4096xi32> to vector<32x4096xi32>
    %ge3A_551 = arith.cmpf oge, %slice3A_547, %slice3A_549 : vector<32x4096xf32>
    %max3A_552 = arith.maximumf %slice3A_547, %slice3A_549 : vector<32x4096xf32>
    %select_n3A_553 = arith.select %ge3A_551, %slice3A_548, %slice3A_550 : vector<32x4096xi1>, vector<32x4096xi32>
    %slice3A_554 = vector.extract_strided_slice %min3A_483 {offsets = [0, 0], sizes = [32, 4096], strides = [1, 1]} : vector<64x4096xf32> to vector<32x4096xf32>
    %slice3A_555 = vector.extract_strided_slice %select_n3A_485 {offsets = [0, 0], sizes = [32, 4096], strides = [1, 1]} : vector<64x4096xi32> to vector<32x4096xi32>
    %slice3A_556 = vector.extract_strided_slice %max3A_536 {offsets = [32, 0], sizes = [32, 4096], strides = [1, 1]} : vector<64x4096xf32> to vector<32x4096xf32>
    %slice3A_557 = vector.extract_strided_slice %select_n3A_538 {offsets = [32, 0], sizes = [32, 4096], strides = [1, 1]} : vector<64x4096xi32> to vector<32x4096xi32>
    %ge3A_558 = arith.cmpf oge, %slice3A_554, %slice3A_556 : vector<32x4096xf32>
    %max3A_559 = arith.maximumf %slice3A_554, %slice3A_556 : vector<32x4096xf32>
    %select_n3A_560 = arith.select %ge3A_558, %slice3A_555, %slice3A_557 : vector<32x4096xi1>, vector<32x4096xi32>
    %slice3A_561 = vector.extract_strided_slice %max3A_491 {offsets = [0, 0], sizes = [32, 4096], strides = [1, 1]} : vector<64x4096xf32> to vector<32x4096xf32>
    %slice3A_562 = vector.extract_strided_slice %select_n3A_493 {offsets = [0, 0], sizes = [32, 4096], strides = [1, 1]} : vector<64x4096xi32> to vector<32x4096xi32>
    %slice3A_563 = vector.extract_strided_slice %min3A_528 {offsets = [32, 0], sizes = [32, 4096], strides = [1, 1]} : vector<64x4096xf32> to vector<32x4096xf32>
    %slice3A_564 = vector.extract_strided_slice %select_n3A_530 {offsets = [32, 0], sizes = [32, 4096], strides = [1, 1]} : vector<64x4096xi32> to vector<32x4096xi32>
    %ge3A_565 = arith.cmpf oge, %slice3A_561, %slice3A_563 : vector<32x4096xf32>
    %max3A_566 = arith.maximumf %slice3A_561, %slice3A_563 : vector<32x4096xf32>
    %select_n3A_567 = arith.select %ge3A_565, %slice3A_562, %slice3A_564 : vector<32x4096xi1>, vector<32x4096xi32>
    %slice3A_568 = vector.extract_strided_slice %min3A_492 {offsets = [0, 0], sizes = [32, 4096], strides = [1, 1]} : vector<64x4096xf32> to vector<32x4096xf32>
    %slice3A_569 = vector.extract_strided_slice %select_n3A_494 {offsets = [0, 0], sizes = [32, 4096], strides = [1, 1]} : vector<64x4096xi32> to vector<32x4096xi32>
    %slice3A_570 = vector.extract_strided_slice %max3A_527 {offsets = [32, 0], sizes = [32, 4096], strides = [1, 1]} : vector<64x4096xf32> to vector<32x4096xf32>
    %slice3A_571 = vector.extract_strided_slice %select_n3A_529 {offsets = [32, 0], sizes = [32, 4096], strides = [1, 1]} : vector<64x4096xi32> to vector<32x4096xi32>
    %ge3A_572 = arith.cmpf oge, %slice3A_568, %slice3A_570 : vector<32x4096xf32>
    %max3A_573 = arith.maximumf %slice3A_568, %slice3A_570 : vector<32x4096xf32>
    %select_n3A_574 = arith.select %ge3A_572, %slice3A_569, %slice3A_571 : vector<32x4096xi1>, vector<32x4096xi32>
    %slice3A_575 = vector.extract_strided_slice %max3A_500 {offsets = [0, 0], sizes = [32, 4096], strides = [1, 1]} : vector<64x4096xf32> to vector<32x4096xf32>
    %slice3A_576 = vector.extract_strided_slice %select_n3A_502 {offsets = [0, 0], sizes = [32, 4096], strides = [1, 1]} : vector<64x4096xi32> to vector<32x4096xi32>
    %slice3A_577 = vector.extract_strided_slice %min3A_519 {offsets = [32, 0], sizes = [32, 4096], strides = [1, 1]} : vector<64x4096xf32> to vector<32x4096xf32>
    %slice3A_578 = vector.extract_strided_slice %select_n3A_521 {offsets = [32, 0], sizes = [32, 4096], strides = [1, 1]} : vector<64x4096xi32> to vector<32x4096xi32>
    %ge3A_579 = arith.cmpf oge, %slice3A_575, %slice3A_577 : vector<32x4096xf32>
    %max3A_580 = arith.maximumf %slice3A_575, %slice3A_577 : vector<32x4096xf32>
    %select_n3A_581 = arith.select %ge3A_579, %slice3A_576, %slice3A_578 : vector<32x4096xi1>, vector<32x4096xi32>
    %slice3A_582 = vector.extract_strided_slice %min3A_501 {offsets = [0, 0], sizes = [32, 4096], strides = [1, 1]} : vector<64x4096xf32> to vector<32x4096xf32>
    %slice3A_583 = vector.extract_strided_slice %select_n3A_503 {offsets = [0, 0], sizes = [32, 4096], strides = [1, 1]} : vector<64x4096xi32> to vector<32x4096xi32>
    %slice3A_584 = vector.extract_strided_slice %max3A_518 {offsets = [32, 0], sizes = [32, 4096], strides = [1, 1]} : vector<64x4096xf32> to vector<32x4096xf32>
    %slice3A_585 = vector.extract_strided_slice %select_n3A_520 {offsets = [32, 0], sizes = [32, 4096], strides = [1, 1]} : vector<64x4096xi32> to vector<32x4096xi32>
    %ge3A_586 = arith.cmpf oge, %slice3A_582, %slice3A_584 : vector<32x4096xf32>
    %max3A_587 = arith.maximumf %slice3A_582, %slice3A_584 : vector<32x4096xf32>
    %select_n3A_588 = arith.select %ge3A_586, %slice3A_583, %slice3A_585 : vector<32x4096xi1>, vector<32x4096xi32>
    %slice3A_589 = vector.extract_strided_slice %max3A_509 {offsets = [0, 0], sizes = [32, 4096], strides = [1, 1]} : vector<64x4096xf32> to vector<32x4096xf32>
    %slice3A_590 = vector.extract_strided_slice %select_n3A_511 {offsets = [0, 0], sizes = [32, 4096], strides = [1, 1]} : vector<64x4096xi32> to vector<32x4096xi32>
    %slice3A_591 = vector.extract_strided_slice %min3A_510 {offsets = [32, 0], sizes = [32, 4096], strides = [1, 1]} : vector<64x4096xf32> to vector<32x4096xf32>
    %slice3A_592 = vector.extract_strided_slice %select_n3A_512 {offsets = [32, 0], sizes = [32, 4096], strides = [1, 1]} : vector<64x4096xi32> to vector<32x4096xi32>
    %ge3A_593 = arith.cmpf oge, %slice3A_589, %slice3A_591 : vector<32x4096xf32>
    %max3A_594 = arith.maximumf %slice3A_589, %slice3A_591 : vector<32x4096xf32>
    %select_n3A_595 = arith.select %ge3A_593, %slice3A_590, %slice3A_592 : vector<32x4096xi1>, vector<32x4096xi32>
    %slice3A_596 = vector.extract_strided_slice %min3A_510 {offsets = [0, 0], sizes = [32, 4096], strides = [1, 1]} : vector<64x4096xf32> to vector<32x4096xf32>
    %slice3A_597 = vector.extract_strided_slice %select_n3A_512 {offsets = [0, 0], sizes = [32, 4096], strides = [1, 1]} : vector<64x4096xi32> to vector<32x4096xi32>
    %slice3A_598 = vector.extract_strided_slice %max3A_509 {offsets = [32, 0], sizes = [32, 4096], strides = [1, 1]} : vector<64x4096xf32> to vector<32x4096xf32>
    %slice3A_599 = vector.extract_strided_slice %select_n3A_511 {offsets = [32, 0], sizes = [32, 4096], strides = [1, 1]} : vector<64x4096xi32> to vector<32x4096xi32>
    %ge3A_600 = arith.cmpf oge, %slice3A_596, %slice3A_598 : vector<32x4096xf32>
    %max3A_601 = arith.maximumf %slice3A_596, %slice3A_598 : vector<32x4096xf32>
    %select_n3A_602 = arith.select %ge3A_600, %slice3A_597, %slice3A_599 : vector<32x4096xi1>, vector<32x4096xi32>
    %slice3A_603 = vector.extract_strided_slice %max3A_518 {offsets = [0, 0], sizes = [32, 4096], strides = [1, 1]} : vector<64x4096xf32> to vector<32x4096xf32>
    %slice3A_604 = vector.extract_strided_slice %select_n3A_520 {offsets = [0, 0], sizes = [32, 4096], strides = [1, 1]} : vector<64x4096xi32> to vector<32x4096xi32>
    %slice3A_605 = vector.extract_strided_slice %min3A_501 {offsets = [32, 0], sizes = [32, 4096], strides = [1, 1]} : vector<64x4096xf32> to vector<32x4096xf32>
    %slice3A_606 = vector.extract_strided_slice %select_n3A_503 {offsets = [32, 0], sizes = [32, 4096], strides = [1, 1]} : vector<64x4096xi32> to vector<32x4096xi32>
    %ge3A_607 = arith.cmpf oge, %slice3A_603, %slice3A_605 : vector<32x4096xf32>
    %max3A_608 = arith.maximumf %slice3A_603, %slice3A_605 : vector<32x4096xf32>
    %select_n3A_609 = arith.select %ge3A_607, %slice3A_604, %slice3A_606 : vector<32x4096xi1>, vector<32x4096xi32>
    %slice3A_610 = vector.extract_strided_slice %min3A_519 {offsets = [0, 0], sizes = [32, 4096], strides = [1, 1]} : vector<64x4096xf32> to vector<32x4096xf32>
    %slice3A_611 = vector.extract_strided_slice %select_n3A_521 {offsets = [0, 0], sizes = [32, 4096], strides = [1, 1]} : vector<64x4096xi32> to vector<32x4096xi32>
    %slice3A_612 = vector.extract_strided_slice %max3A_500 {offsets = [32, 0], sizes = [32, 4096], strides = [1, 1]} : vector<64x4096xf32> to vector<32x4096xf32>
    %slice3A_613 = vector.extract_strided_slice %select_n3A_502 {offsets = [32, 0], sizes = [32, 4096], strides = [1, 1]} : vector<64x4096xi32> to vector<32x4096xi32>
    %ge3A_614 = arith.cmpf oge, %slice3A_610, %slice3A_612 : vector<32x4096xf32>
    %max3A_615 = arith.maximumf %slice3A_610, %slice3A_612 : vector<32x4096xf32>
    %select_n3A_616 = arith.select %ge3A_614, %slice3A_611, %slice3A_613 : vector<32x4096xi1>, vector<32x4096xi32>
    %slice3A_617 = vector.extract_strided_slice %max3A_527 {offsets = [0, 0], sizes = [32, 4096], strides = [1, 1]} : vector<64x4096xf32> to vector<32x4096xf32>
    %slice3A_618 = vector.extract_strided_slice %select_n3A_529 {offsets = [0, 0], sizes = [32, 4096], strides = [1, 1]} : vector<64x4096xi32> to vector<32x4096xi32>
    %slice3A_619 = vector.extract_strided_slice %min3A_492 {offsets = [32, 0], sizes = [32, 4096], strides = [1, 1]} : vector<64x4096xf32> to vector<32x4096xf32>
    %slice3A_620 = vector.extract_strided_slice %select_n3A_494 {offsets = [32, 0], sizes = [32, 4096], strides = [1, 1]} : vector<64x4096xi32> to vector<32x4096xi32>
    %ge3A_621 = arith.cmpf oge, %slice3A_617, %slice3A_619 : vector<32x4096xf32>
    %max3A_622 = arith.maximumf %slice3A_617, %slice3A_619 : vector<32x4096xf32>
    %select_n3A_623 = arith.select %ge3A_621, %slice3A_618, %slice3A_620 : vector<32x4096xi1>, vector<32x4096xi32>
    %slice3A_624 = vector.extract_strided_slice %min3A_528 {offsets = [0, 0], sizes = [32, 4096], strides = [1, 1]} : vector<64x4096xf32> to vector<32x4096xf32>
    %slice3A_625 = vector.extract_strided_slice %select_n3A_530 {offsets = [0, 0], sizes = [32, 4096], strides = [1, 1]} : vector<64x4096xi32> to vector<32x4096xi32>
    %slice3A_626 = vector.extract_strided_slice %max3A_491 {offsets = [32, 0], sizes = [32, 4096], strides = [1, 1]} : vector<64x4096xf32> to vector<32x4096xf32>
    %slice3A_627 = vector.extract_strided_slice %select_n3A_493 {offsets = [32, 0], sizes = [32, 4096], strides = [1, 1]} : vector<64x4096xi32> to vector<32x4096xi32>
    %ge3A_628 = arith.cmpf oge, %slice3A_624, %slice3A_626 : vector<32x4096xf32>
    %max3A_629 = arith.maximumf %slice3A_624, %slice3A_626 : vector<32x4096xf32>
    %select_n3A_630 = arith.select %ge3A_628, %slice3A_625, %slice3A_627 : vector<32x4096xi1>, vector<32x4096xi32>
    %slice3A_631 = vector.extract_strided_slice %max3A_536 {offsets = [0, 0], sizes = [32, 4096], strides = [1, 1]} : vector<64x4096xf32> to vector<32x4096xf32>
    %slice3A_632 = vector.extract_strided_slice %select_n3A_538 {offsets = [0, 0], sizes = [32, 4096], strides = [1, 1]} : vector<64x4096xi32> to vector<32x4096xi32>
    %slice3A_633 = vector.extract_strided_slice %min3A_483 {offsets = [32, 0], sizes = [32, 4096], strides = [1, 1]} : vector<64x4096xf32> to vector<32x4096xf32>
    %slice3A_634 = vector.extract_strided_slice %select_n3A_485 {offsets = [32, 0], sizes = [32, 4096], strides = [1, 1]} : vector<64x4096xi32> to vector<32x4096xi32>
    %ge3A_635 = arith.cmpf oge, %slice3A_631, %slice3A_633 : vector<32x4096xf32>
    %max3A_636 = arith.maximumf %slice3A_631, %slice3A_633 : vector<32x4096xf32>
    %select_n3A_637 = arith.select %ge3A_635, %slice3A_632, %slice3A_634 : vector<32x4096xi1>, vector<32x4096xi32>
    %slice3A_638 = vector.extract_strided_slice %min3A_537 {offsets = [0, 0], sizes = [32, 4096], strides = [1, 1]} : vector<64x4096xf32> to vector<32x4096xf32>
    %slice3A_639 = vector.extract_strided_slice %select_n3A_539 {offsets = [0, 0], sizes = [32, 4096], strides = [1, 1]} : vector<64x4096xi32> to vector<32x4096xi32>
    %slice3A_640 = vector.extract_strided_slice %max3A_482 {offsets = [32, 0], sizes = [32, 4096], strides = [1, 1]} : vector<64x4096xf32> to vector<32x4096xf32>
    %slice3A_641 = vector.extract_strided_slice %select_n3A_484 {offsets = [32, 0], sizes = [32, 4096], strides = [1, 1]} : vector<64x4096xi32> to vector<32x4096xi32>
    %ge3A_642 = arith.cmpf oge, %slice3A_638, %slice3A_640 : vector<32x4096xf32>
    %max3A_643 = arith.maximumf %slice3A_638, %slice3A_640 : vector<32x4096xf32>
    %select_n3A_644 = arith.select %ge3A_642, %slice3A_639, %slice3A_641 : vector<32x4096xi1>, vector<32x4096xi32>
    %slice3A_645 = vector.extract_strided_slice %min3A_384 {offsets = [0, 0], sizes = [32, 4096], strides = [1, 1]} : vector<64x4096xf32> to vector<32x4096xf32>
    %slice3A_646 = vector.extract_strided_slice %select_n3A_386 {offsets = [0, 0], sizes = [32, 4096], strides = [1, 1]} : vector<64x4096xi32> to vector<32x4096xi32>
    %slice3A_647 = vector.extract_strided_slice %max3A_348 {offsets = [32, 0], sizes = [32, 4096], strides = [1, 1]} : vector<64x4096xf32> to vector<32x4096xf32>
    %slice3A_648 = vector.extract_strided_slice %select_n3A_350 {offsets = [32, 0], sizes = [32, 4096], strides = [1, 1]} : vector<64x4096xi32> to vector<32x4096xi32>
    %ge3A_649 = arith.cmpf oge, %slice3A_645, %slice3A_647 : vector<32x4096xf32>
    %max3A_650 = arith.maximumf %slice3A_645, %slice3A_647 : vector<32x4096xf32>
    %select_n3A_651 = arith.select %ge3A_649, %slice3A_646, %slice3A_648 : vector<32x4096xi1>, vector<32x4096xi32>
    %gt3A_652 = arith.cmpf ogt, %max3A_545, %max3A_601 : vector<32x4096xf32>
    %eq3A_653 = arith.cmpf oeq, %max3A_545, %max3A_601 : vector<32x4096xf32>
    %lt3A_654 = arith.cmpi slt, %select_n3A_546, %select_n3A_602 : vector<32x4096xi32>
    %and3A_655 = arith.andi %eq3A_653, %lt3A_654 : vector<32x4096xi1>
    %or3A_656 = arith.ori %gt3A_652, %and3A_655 : vector<32x4096xi1>
    %max3A_657 = arith.maximumf %max3A_545, %max3A_601 : vector<32x4096xf32>
    %min3A_658 = arith.minimumf %max3A_545, %max3A_601 : vector<32x4096xf32>
    %select_n3A_659 = arith.select %or3A_656, %select_n3A_546, %select_n3A_602 : vector<32x4096xi1>, vector<32x4096xi32>
    %select_n3A_660 = arith.select %or3A_656, %select_n3A_602, %select_n3A_546 : vector<32x4096xi1>, vector<32x4096xi32>
    %gt3A_661 = arith.cmpf ogt, %max3A_552, %max3A_608 : vector<32x4096xf32>
    %eq3A_662 = arith.cmpf oeq, %max3A_552, %max3A_608 : vector<32x4096xf32>
    %lt3A_663 = arith.cmpi slt, %select_n3A_553, %select_n3A_609 : vector<32x4096xi32>
    %and3A_664 = arith.andi %eq3A_662, %lt3A_663 : vector<32x4096xi1>
    %or3A_665 = arith.ori %gt3A_661, %and3A_664 : vector<32x4096xi1>
    %max3A_666 = arith.maximumf %max3A_552, %max3A_608 : vector<32x4096xf32>
    %min3A_667 = arith.minimumf %max3A_552, %max3A_608 : vector<32x4096xf32>
    %select_n3A_668 = arith.select %or3A_665, %select_n3A_553, %select_n3A_609 : vector<32x4096xi1>, vector<32x4096xi32>
    %select_n3A_669 = arith.select %or3A_665, %select_n3A_609, %select_n3A_553 : vector<32x4096xi1>, vector<32x4096xi32>
    %gt3A_670 = arith.cmpf ogt, %max3A_559, %max3A_615 : vector<32x4096xf32>
    %eq3A_671 = arith.cmpf oeq, %max3A_559, %max3A_615 : vector<32x4096xf32>
    %lt3A_672 = arith.cmpi slt, %select_n3A_560, %select_n3A_616 : vector<32x4096xi32>
    %and3A_673 = arith.andi %eq3A_671, %lt3A_672 : vector<32x4096xi1>
    %or3A_674 = arith.ori %gt3A_670, %and3A_673 : vector<32x4096xi1>
    %max3A_675 = arith.maximumf %max3A_559, %max3A_615 : vector<32x4096xf32>
    %min3A_676 = arith.minimumf %max3A_559, %max3A_615 : vector<32x4096xf32>
    %select_n3A_677 = arith.select %or3A_674, %select_n3A_560, %select_n3A_616 : vector<32x4096xi1>, vector<32x4096xi32>
    %select_n3A_678 = arith.select %or3A_674, %select_n3A_616, %select_n3A_560 : vector<32x4096xi1>, vector<32x4096xi32>
    %gt3A_679 = arith.cmpf ogt, %max3A_566, %max3A_622 : vector<32x4096xf32>
    %eq3A_680 = arith.cmpf oeq, %max3A_566, %max3A_622 : vector<32x4096xf32>
    %lt3A_681 = arith.cmpi slt, %select_n3A_567, %select_n3A_623 : vector<32x4096xi32>
    %and3A_682 = arith.andi %eq3A_680, %lt3A_681 : vector<32x4096xi1>
    %or3A_683 = arith.ori %gt3A_679, %and3A_682 : vector<32x4096xi1>
    %max3A_684 = arith.maximumf %max3A_566, %max3A_622 : vector<32x4096xf32>
    %min3A_685 = arith.minimumf %max3A_566, %max3A_622 : vector<32x4096xf32>
    %select_n3A_686 = arith.select %or3A_683, %select_n3A_567, %select_n3A_623 : vector<32x4096xi1>, vector<32x4096xi32>
    %select_n3A_687 = arith.select %or3A_683, %select_n3A_623, %select_n3A_567 : vector<32x4096xi1>, vector<32x4096xi32>
    %gt3A_688 = arith.cmpf ogt, %max3A_573, %max3A_629 : vector<32x4096xf32>
    %eq3A_689 = arith.cmpf oeq, %max3A_573, %max3A_629 : vector<32x4096xf32>
    %lt3A_690 = arith.cmpi slt, %select_n3A_574, %select_n3A_630 : vector<32x4096xi32>
    %and3A_691 = arith.andi %eq3A_689, %lt3A_690 : vector<32x4096xi1>
    %or3A_692 = arith.ori %gt3A_688, %and3A_691 : vector<32x4096xi1>
    %max3A_693 = arith.maximumf %max3A_573, %max3A_629 : vector<32x4096xf32>
    %min3A_694 = arith.minimumf %max3A_573, %max3A_629 : vector<32x4096xf32>
    %select_n3A_695 = arith.select %or3A_692, %select_n3A_574, %select_n3A_630 : vector<32x4096xi1>, vector<32x4096xi32>
    %select_n3A_696 = arith.select %or3A_692, %select_n3A_630, %select_n3A_574 : vector<32x4096xi1>, vector<32x4096xi32>
    %gt3A_697 = arith.cmpf ogt, %max3A_580, %max3A_636 : vector<32x4096xf32>
    %eq3A_698 = arith.cmpf oeq, %max3A_580, %max3A_636 : vector<32x4096xf32>
    %lt3A_699 = arith.cmpi slt, %select_n3A_581, %select_n3A_637 : vector<32x4096xi32>
    %and3A_700 = arith.andi %eq3A_698, %lt3A_699 : vector<32x4096xi1>
    %or3A_701 = arith.ori %gt3A_697, %and3A_700 : vector<32x4096xi1>
    %max3A_702 = arith.maximumf %max3A_580, %max3A_636 : vector<32x4096xf32>
    %min3A_703 = arith.minimumf %max3A_580, %max3A_636 : vector<32x4096xf32>
    %select_n3A_704 = arith.select %or3A_701, %select_n3A_581, %select_n3A_637 : vector<32x4096xi1>, vector<32x4096xi32>
    %select_n3A_705 = arith.select %or3A_701, %select_n3A_637, %select_n3A_581 : vector<32x4096xi1>, vector<32x4096xi32>
    %gt3A_706 = arith.cmpf ogt, %max3A_587, %max3A_643 : vector<32x4096xf32>
    %eq3A_707 = arith.cmpf oeq, %max3A_587, %max3A_643 : vector<32x4096xf32>
    %lt3A_708 = arith.cmpi slt, %select_n3A_588, %select_n3A_644 : vector<32x4096xi32>
    %and3A_709 = arith.andi %eq3A_707, %lt3A_708 : vector<32x4096xi1>
    %or3A_710 = arith.ori %gt3A_706, %and3A_709 : vector<32x4096xi1>
    %max3A_711 = arith.maximumf %max3A_587, %max3A_643 : vector<32x4096xf32>
    %min3A_712 = arith.minimumf %max3A_587, %max3A_643 : vector<32x4096xf32>
    %select_n3A_713 = arith.select %or3A_710, %select_n3A_588, %select_n3A_644 : vector<32x4096xi1>, vector<32x4096xi32>
    %select_n3A_714 = arith.select %or3A_710, %select_n3A_644, %select_n3A_588 : vector<32x4096xi1>, vector<32x4096xi32>
    %gt3A_715 = arith.cmpf ogt, %max3A_594, %max3A_650 : vector<32x4096xf32>
    %eq3A_716 = arith.cmpf oeq, %max3A_594, %max3A_650 : vector<32x4096xf32>
    %lt3A_717 = arith.cmpi slt, %select_n3A_595, %select_n3A_651 : vector<32x4096xi32>
    %and3A_718 = arith.andi %eq3A_716, %lt3A_717 : vector<32x4096xi1>
    %or3A_719 = arith.ori %gt3A_715, %and3A_718 : vector<32x4096xi1>
    %max3A_720 = arith.maximumf %max3A_594, %max3A_650 : vector<32x4096xf32>
    %min3A_721 = arith.minimumf %max3A_594, %max3A_650 : vector<32x4096xf32>
    %select_n3A_722 = arith.select %or3A_719, %select_n3A_595, %select_n3A_651 : vector<32x4096xi1>, vector<32x4096xi32>
    %select_n3A_723 = arith.select %or3A_719, %select_n3A_651, %select_n3A_595 : vector<32x4096xi1>, vector<32x4096xi32>
    %gt3A_724 = arith.cmpf ogt, %max3A_657, %max3A_693 : vector<32x4096xf32>
    %eq3A_725 = arith.cmpf oeq, %max3A_657, %max3A_693 : vector<32x4096xf32>
    %lt3A_726 = arith.cmpi slt, %select_n3A_659, %select_n3A_695 : vector<32x4096xi32>
    %and3A_727 = arith.andi %eq3A_725, %lt3A_726 : vector<32x4096xi1>
    %or3A_728 = arith.ori %gt3A_724, %and3A_727 : vector<32x4096xi1>
    %max3A_729 = arith.maximumf %max3A_657, %max3A_693 : vector<32x4096xf32>
    %min3A_730 = arith.minimumf %max3A_657, %max3A_693 : vector<32x4096xf32>
    %select_n3A_731 = arith.select %or3A_728, %select_n3A_659, %select_n3A_695 : vector<32x4096xi1>, vector<32x4096xi32>
    %select_n3A_732 = arith.select %or3A_728, %select_n3A_695, %select_n3A_659 : vector<32x4096xi1>, vector<32x4096xi32>
    %gt3A_733 = arith.cmpf ogt, %max3A_666, %max3A_702 : vector<32x4096xf32>
    %eq3A_734 = arith.cmpf oeq, %max3A_666, %max3A_702 : vector<32x4096xf32>
    %lt3A_735 = arith.cmpi slt, %select_n3A_668, %select_n3A_704 : vector<32x4096xi32>
    %and3A_736 = arith.andi %eq3A_734, %lt3A_735 : vector<32x4096xi1>
    %or3A_737 = arith.ori %gt3A_733, %and3A_736 : vector<32x4096xi1>
    %max3A_738 = arith.maximumf %max3A_666, %max3A_702 : vector<32x4096xf32>
    %min3A_739 = arith.minimumf %max3A_666, %max3A_702 : vector<32x4096xf32>
    %select_n3A_740 = arith.select %or3A_737, %select_n3A_668, %select_n3A_704 : vector<32x4096xi1>, vector<32x4096xi32>
    %select_n3A_741 = arith.select %or3A_737, %select_n3A_704, %select_n3A_668 : vector<32x4096xi1>, vector<32x4096xi32>
    %gt3A_742 = arith.cmpf ogt, %max3A_675, %max3A_711 : vector<32x4096xf32>
    %eq3A_743 = arith.cmpf oeq, %max3A_675, %max3A_711 : vector<32x4096xf32>
    %lt3A_744 = arith.cmpi slt, %select_n3A_677, %select_n3A_713 : vector<32x4096xi32>
    %and3A_745 = arith.andi %eq3A_743, %lt3A_744 : vector<32x4096xi1>
    %or3A_746 = arith.ori %gt3A_742, %and3A_745 : vector<32x4096xi1>
    %max3A_747 = arith.maximumf %max3A_675, %max3A_711 : vector<32x4096xf32>
    %min3A_748 = arith.minimumf %max3A_675, %max3A_711 : vector<32x4096xf32>
    %select_n3A_749 = arith.select %or3A_746, %select_n3A_677, %select_n3A_713 : vector<32x4096xi1>, vector<32x4096xi32>
    %select_n3A_750 = arith.select %or3A_746, %select_n3A_713, %select_n3A_677 : vector<32x4096xi1>, vector<32x4096xi32>
    %gt3A_751 = arith.cmpf ogt, %max3A_684, %max3A_720 : vector<32x4096xf32>
    %eq3A_752 = arith.cmpf oeq, %max3A_684, %max3A_720 : vector<32x4096xf32>
    %lt3A_753 = arith.cmpi slt, %select_n3A_686, %select_n3A_722 : vector<32x4096xi32>
    %and3A_754 = arith.andi %eq3A_752, %lt3A_753 : vector<32x4096xi1>
    %or3A_755 = arith.ori %gt3A_751, %and3A_754 : vector<32x4096xi1>
    %max3A_756 = arith.maximumf %max3A_684, %max3A_720 : vector<32x4096xf32>
    %min3A_757 = arith.minimumf %max3A_684, %max3A_720 : vector<32x4096xf32>
    %select_n3A_758 = arith.select %or3A_755, %select_n3A_686, %select_n3A_722 : vector<32x4096xi1>, vector<32x4096xi32>
    %select_n3A_759 = arith.select %or3A_755, %select_n3A_722, %select_n3A_686 : vector<32x4096xi1>, vector<32x4096xi32>
    %gt3A_760 = arith.cmpf ogt, %min3A_658, %min3A_694 : vector<32x4096xf32>
    %eq3A_761 = arith.cmpf oeq, %min3A_658, %min3A_694 : vector<32x4096xf32>
    %lt3A_762 = arith.cmpi slt, %select_n3A_660, %select_n3A_696 : vector<32x4096xi32>
    %and3A_763 = arith.andi %eq3A_761, %lt3A_762 : vector<32x4096xi1>
    %or3A_764 = arith.ori %gt3A_760, %and3A_763 : vector<32x4096xi1>
    %max3A_765 = arith.maximumf %min3A_658, %min3A_694 : vector<32x4096xf32>
    %min3A_766 = arith.minimumf %min3A_658, %min3A_694 : vector<32x4096xf32>
    %select_n3A_767 = arith.select %or3A_764, %select_n3A_660, %select_n3A_696 : vector<32x4096xi1>, vector<32x4096xi32>
    %select_n3A_768 = arith.select %or3A_764, %select_n3A_696, %select_n3A_660 : vector<32x4096xi1>, vector<32x4096xi32>
    %gt3A_769 = arith.cmpf ogt, %min3A_667, %min3A_703 : vector<32x4096xf32>
    %eq3A_770 = arith.cmpf oeq, %min3A_667, %min3A_703 : vector<32x4096xf32>
    %lt3A_771 = arith.cmpi slt, %select_n3A_669, %select_n3A_705 : vector<32x4096xi32>
    %and3A_772 = arith.andi %eq3A_770, %lt3A_771 : vector<32x4096xi1>
    %or3A_773 = arith.ori %gt3A_769, %and3A_772 : vector<32x4096xi1>
    %max3A_774 = arith.maximumf %min3A_667, %min3A_703 : vector<32x4096xf32>
    %min3A_775 = arith.minimumf %min3A_667, %min3A_703 : vector<32x4096xf32>
    %select_n3A_776 = arith.select %or3A_773, %select_n3A_669, %select_n3A_705 : vector<32x4096xi1>, vector<32x4096xi32>
    %select_n3A_777 = arith.select %or3A_773, %select_n3A_705, %select_n3A_669 : vector<32x4096xi1>, vector<32x4096xi32>
    %gt3A_778 = arith.cmpf ogt, %min3A_676, %min3A_712 : vector<32x4096xf32>
    %eq3A_779 = arith.cmpf oeq, %min3A_676, %min3A_712 : vector<32x4096xf32>
    %lt3A_780 = arith.cmpi slt, %select_n3A_678, %select_n3A_714 : vector<32x4096xi32>
    %and3A_781 = arith.andi %eq3A_779, %lt3A_780 : vector<32x4096xi1>
    %or3A_782 = arith.ori %gt3A_778, %and3A_781 : vector<32x4096xi1>
    %max3A_783 = arith.maximumf %min3A_676, %min3A_712 : vector<32x4096xf32>
    %min3A_784 = arith.minimumf %min3A_676, %min3A_712 : vector<32x4096xf32>
    %select_n3A_785 = arith.select %or3A_782, %select_n3A_678, %select_n3A_714 : vector<32x4096xi1>, vector<32x4096xi32>
    %select_n3A_786 = arith.select %or3A_782, %select_n3A_714, %select_n3A_678 : vector<32x4096xi1>, vector<32x4096xi32>
    %gt3A_787 = arith.cmpf ogt, %min3A_685, %min3A_721 : vector<32x4096xf32>
    %eq3A_788 = arith.cmpf oeq, %min3A_685, %min3A_721 : vector<32x4096xf32>
    %lt3A_789 = arith.cmpi slt, %select_n3A_687, %select_n3A_723 : vector<32x4096xi32>
    %and3A_790 = arith.andi %eq3A_788, %lt3A_789 : vector<32x4096xi1>
    %or3A_791 = arith.ori %gt3A_787, %and3A_790 : vector<32x4096xi1>
    %max3A_792 = arith.maximumf %min3A_685, %min3A_721 : vector<32x4096xf32>
    %min3A_793 = arith.minimumf %min3A_685, %min3A_721 : vector<32x4096xf32>
    %select_n3A_794 = arith.select %or3A_791, %select_n3A_687, %select_n3A_723 : vector<32x4096xi1>, vector<32x4096xi32>
    %select_n3A_795 = arith.select %or3A_791, %select_n3A_723, %select_n3A_687 : vector<32x4096xi1>, vector<32x4096xi32>
    %gt3A_796 = arith.cmpf ogt, %max3A_729, %max3A_747 : vector<32x4096xf32>
    %eq3A_797 = arith.cmpf oeq, %max3A_729, %max3A_747 : vector<32x4096xf32>
    %lt3A_798 = arith.cmpi slt, %select_n3A_731, %select_n3A_749 : vector<32x4096xi32>
    %and3A_799 = arith.andi %eq3A_797, %lt3A_798 : vector<32x4096xi1>
    %or3A_800 = arith.ori %gt3A_796, %and3A_799 : vector<32x4096xi1>
    %max3A_801 = arith.maximumf %max3A_729, %max3A_747 : vector<32x4096xf32>
    %min3A_802 = arith.minimumf %max3A_729, %max3A_747 : vector<32x4096xf32>
    %select_n3A_803 = arith.select %or3A_800, %select_n3A_731, %select_n3A_749 : vector<32x4096xi1>, vector<32x4096xi32>
    %select_n3A_804 = arith.select %or3A_800, %select_n3A_749, %select_n3A_731 : vector<32x4096xi1>, vector<32x4096xi32>
    %gt3A_805 = arith.cmpf ogt, %max3A_738, %max3A_756 : vector<32x4096xf32>
    %eq3A_806 = arith.cmpf oeq, %max3A_738, %max3A_756 : vector<32x4096xf32>
    %lt3A_807 = arith.cmpi slt, %select_n3A_740, %select_n3A_758 : vector<32x4096xi32>
    %and3A_808 = arith.andi %eq3A_806, %lt3A_807 : vector<32x4096xi1>
    %or3A_809 = arith.ori %gt3A_805, %and3A_808 : vector<32x4096xi1>
    %max3A_810 = arith.maximumf %max3A_738, %max3A_756 : vector<32x4096xf32>
    %min3A_811 = arith.minimumf %max3A_738, %max3A_756 : vector<32x4096xf32>
    %select_n3A_812 = arith.select %or3A_809, %select_n3A_740, %select_n3A_758 : vector<32x4096xi1>, vector<32x4096xi32>
    %select_n3A_813 = arith.select %or3A_809, %select_n3A_758, %select_n3A_740 : vector<32x4096xi1>, vector<32x4096xi32>
    %gt3A_814 = arith.cmpf ogt, %min3A_730, %min3A_748 : vector<32x4096xf32>
    %eq3A_815 = arith.cmpf oeq, %min3A_730, %min3A_748 : vector<32x4096xf32>
    %lt3A_816 = arith.cmpi slt, %select_n3A_732, %select_n3A_750 : vector<32x4096xi32>
    %and3A_817 = arith.andi %eq3A_815, %lt3A_816 : vector<32x4096xi1>
    %or3A_818 = arith.ori %gt3A_814, %and3A_817 : vector<32x4096xi1>
    %max3A_819 = arith.maximumf %min3A_730, %min3A_748 : vector<32x4096xf32>
    %min3A_820 = arith.minimumf %min3A_730, %min3A_748 : vector<32x4096xf32>
    %select_n3A_821 = arith.select %or3A_818, %select_n3A_732, %select_n3A_750 : vector<32x4096xi1>, vector<32x4096xi32>
    %select_n3A_822 = arith.select %or3A_818, %select_n3A_750, %select_n3A_732 : vector<32x4096xi1>, vector<32x4096xi32>
    %gt3A_823 = arith.cmpf ogt, %min3A_739, %min3A_757 : vector<32x4096xf32>
    %eq3A_824 = arith.cmpf oeq, %min3A_739, %min3A_757 : vector<32x4096xf32>
    %lt3A_825 = arith.cmpi slt, %select_n3A_741, %select_n3A_759 : vector<32x4096xi32>
    %and3A_826 = arith.andi %eq3A_824, %lt3A_825 : vector<32x4096xi1>
    %or3A_827 = arith.ori %gt3A_823, %and3A_826 : vector<32x4096xi1>
    %max3A_828 = arith.maximumf %min3A_739, %min3A_757 : vector<32x4096xf32>
    %min3A_829 = arith.minimumf %min3A_739, %min3A_757 : vector<32x4096xf32>
    %select_n3A_830 = arith.select %or3A_827, %select_n3A_741, %select_n3A_759 : vector<32x4096xi1>, vector<32x4096xi32>
    %select_n3A_831 = arith.select %or3A_827, %select_n3A_759, %select_n3A_741 : vector<32x4096xi1>, vector<32x4096xi32>
    %gt3A_832 = arith.cmpf ogt, %max3A_765, %max3A_783 : vector<32x4096xf32>
    %eq3A_833 = arith.cmpf oeq, %max3A_765, %max3A_783 : vector<32x4096xf32>
    %lt3A_834 = arith.cmpi slt, %select_n3A_767, %select_n3A_785 : vector<32x4096xi32>
    %and3A_835 = arith.andi %eq3A_833, %lt3A_834 : vector<32x4096xi1>
    %or3A_836 = arith.ori %gt3A_832, %and3A_835 : vector<32x4096xi1>
    %max3A_837 = arith.maximumf %max3A_765, %max3A_783 : vector<32x4096xf32>
    %min3A_838 = arith.minimumf %max3A_765, %max3A_783 : vector<32x4096xf32>
    %select_n3A_839 = arith.select %or3A_836, %select_n3A_767, %select_n3A_785 : vector<32x4096xi1>, vector<32x4096xi32>
    %select_n3A_840 = arith.select %or3A_836, %select_n3A_785, %select_n3A_767 : vector<32x4096xi1>, vector<32x4096xi32>
    %gt3A_841 = arith.cmpf ogt, %max3A_774, %max3A_792 : vector<32x4096xf32>
    %eq3A_842 = arith.cmpf oeq, %max3A_774, %max3A_792 : vector<32x4096xf32>
    %lt3A_843 = arith.cmpi slt, %select_n3A_776, %select_n3A_794 : vector<32x4096xi32>
    %and3A_844 = arith.andi %eq3A_842, %lt3A_843 : vector<32x4096xi1>
    %or3A_845 = arith.ori %gt3A_841, %and3A_844 : vector<32x4096xi1>
    %max3A_846 = arith.maximumf %max3A_774, %max3A_792 : vector<32x4096xf32>
    %min3A_847 = arith.minimumf %max3A_774, %max3A_792 : vector<32x4096xf32>
    %select_n3A_848 = arith.select %or3A_845, %select_n3A_776, %select_n3A_794 : vector<32x4096xi1>, vector<32x4096xi32>
    %select_n3A_849 = arith.select %or3A_845, %select_n3A_794, %select_n3A_776 : vector<32x4096xi1>, vector<32x4096xi32>
    %gt3A_850 = arith.cmpf ogt, %min3A_766, %min3A_784 : vector<32x4096xf32>
    %eq3A_851 = arith.cmpf oeq, %min3A_766, %min3A_784 : vector<32x4096xf32>
    %lt3A_852 = arith.cmpi slt, %select_n3A_768, %select_n3A_786 : vector<32x4096xi32>
    %and3A_853 = arith.andi %eq3A_851, %lt3A_852 : vector<32x4096xi1>
    %or3A_854 = arith.ori %gt3A_850, %and3A_853 : vector<32x4096xi1>
    %max3A_855 = arith.maximumf %min3A_766, %min3A_784 : vector<32x4096xf32>
    %min3A_856 = arith.minimumf %min3A_766, %min3A_784 : vector<32x4096xf32>
    %select_n3A_857 = arith.select %or3A_854, %select_n3A_768, %select_n3A_786 : vector<32x4096xi1>, vector<32x4096xi32>
    %select_n3A_858 = arith.select %or3A_854, %select_n3A_786, %select_n3A_768 : vector<32x4096xi1>, vector<32x4096xi32>
    %gt3A_859 = arith.cmpf ogt, %min3A_775, %min3A_793 : vector<32x4096xf32>
    %eq3A_860 = arith.cmpf oeq, %min3A_775, %min3A_793 : vector<32x4096xf32>
    %lt3A_861 = arith.cmpi slt, %select_n3A_777, %select_n3A_795 : vector<32x4096xi32>
    %and3A_862 = arith.andi %eq3A_860, %lt3A_861 : vector<32x4096xi1>
    %or3A_863 = arith.ori %gt3A_859, %and3A_862 : vector<32x4096xi1>
    %max3A_864 = arith.maximumf %min3A_775, %min3A_793 : vector<32x4096xf32>
    %min3A_865 = arith.minimumf %min3A_775, %min3A_793 : vector<32x4096xf32>
    %select_n3A_866 = arith.select %or3A_863, %select_n3A_777, %select_n3A_795 : vector<32x4096xi1>, vector<32x4096xi32>
    %select_n3A_867 = arith.select %or3A_863, %select_n3A_795, %select_n3A_777 : vector<32x4096xi1>, vector<32x4096xi32>
    %gt3A_868 = arith.cmpf ogt, %max3A_801, %max3A_810 : vector<32x4096xf32>
    %eq3A_869 = arith.cmpf oeq, %max3A_801, %max3A_810 : vector<32x4096xf32>
    %lt3A_870 = arith.cmpi slt, %select_n3A_803, %select_n3A_812 : vector<32x4096xi32>
    %and3A_871 = arith.andi %eq3A_869, %lt3A_870 : vector<32x4096xi1>
    %or3A_872 = arith.ori %gt3A_868, %and3A_871 : vector<32x4096xi1>
    %max3A_873 = arith.maximumf %max3A_801, %max3A_810 : vector<32x4096xf32>
    %min3A_874 = arith.minimumf %max3A_801, %max3A_810 : vector<32x4096xf32>
    %select_n3A_875 = arith.select %or3A_872, %select_n3A_803, %select_n3A_812 : vector<32x4096xi1>, vector<32x4096xi32>
    %select_n3A_876 = arith.select %or3A_872, %select_n3A_812, %select_n3A_803 : vector<32x4096xi1>, vector<32x4096xi32>
    %gt3A_877 = arith.cmpf ogt, %min3A_802, %min3A_811 : vector<32x4096xf32>
    %eq3A_878 = arith.cmpf oeq, %min3A_802, %min3A_811 : vector<32x4096xf32>
    %lt3A_879 = arith.cmpi slt, %select_n3A_804, %select_n3A_813 : vector<32x4096xi32>
    %and3A_880 = arith.andi %eq3A_878, %lt3A_879 : vector<32x4096xi1>
    %or3A_881 = arith.ori %gt3A_877, %and3A_880 : vector<32x4096xi1>
    %max3A_882 = arith.maximumf %min3A_802, %min3A_811 : vector<32x4096xf32>
    %min3A_883 = arith.minimumf %min3A_802, %min3A_811 : vector<32x4096xf32>
    %select_n3A_884 = arith.select %or3A_881, %select_n3A_804, %select_n3A_813 : vector<32x4096xi1>, vector<32x4096xi32>
    %select_n3A_885 = arith.select %or3A_881, %select_n3A_813, %select_n3A_804 : vector<32x4096xi1>, vector<32x4096xi32>
    %gt3A_886 = arith.cmpf ogt, %max3A_819, %max3A_828 : vector<32x4096xf32>
    %eq3A_887 = arith.cmpf oeq, %max3A_819, %max3A_828 : vector<32x4096xf32>
    %lt3A_888 = arith.cmpi slt, %select_n3A_821, %select_n3A_830 : vector<32x4096xi32>
    %and3A_889 = arith.andi %eq3A_887, %lt3A_888 : vector<32x4096xi1>
    %or3A_890 = arith.ori %gt3A_886, %and3A_889 : vector<32x4096xi1>
    %max3A_891 = arith.maximumf %max3A_819, %max3A_828 : vector<32x4096xf32>
    %min3A_892 = arith.minimumf %max3A_819, %max3A_828 : vector<32x4096xf32>
    %select_n3A_893 = arith.select %or3A_890, %select_n3A_821, %select_n3A_830 : vector<32x4096xi1>, vector<32x4096xi32>
    %select_n3A_894 = arith.select %or3A_890, %select_n3A_830, %select_n3A_821 : vector<32x4096xi1>, vector<32x4096xi32>
    %gt3A_895 = arith.cmpf ogt, %min3A_820, %min3A_829 : vector<32x4096xf32>
    %eq3A_896 = arith.cmpf oeq, %min3A_820, %min3A_829 : vector<32x4096xf32>
    %lt3A_897 = arith.cmpi slt, %select_n3A_822, %select_n3A_831 : vector<32x4096xi32>
    %and3A_898 = arith.andi %eq3A_896, %lt3A_897 : vector<32x4096xi1>
    %or3A_899 = arith.ori %gt3A_895, %and3A_898 : vector<32x4096xi1>
    %max3A_900 = arith.maximumf %min3A_820, %min3A_829 : vector<32x4096xf32>
    %min3A_901 = arith.minimumf %min3A_820, %min3A_829 : vector<32x4096xf32>
    %select_n3A_902 = arith.select %or3A_899, %select_n3A_822, %select_n3A_831 : vector<32x4096xi1>, vector<32x4096xi32>
    %select_n3A_903 = arith.select %or3A_899, %select_n3A_831, %select_n3A_822 : vector<32x4096xi1>, vector<32x4096xi32>
    %gt3A_904 = arith.cmpf ogt, %max3A_837, %max3A_846 : vector<32x4096xf32>
    %eq3A_905 = arith.cmpf oeq, %max3A_837, %max3A_846 : vector<32x4096xf32>
    %lt3A_906 = arith.cmpi slt, %select_n3A_839, %select_n3A_848 : vector<32x4096xi32>
    %and3A_907 = arith.andi %eq3A_905, %lt3A_906 : vector<32x4096xi1>
    %or3A_908 = arith.ori %gt3A_904, %and3A_907 : vector<32x4096xi1>
    %max3A_909 = arith.maximumf %max3A_837, %max3A_846 : vector<32x4096xf32>
    %min3A_910 = arith.minimumf %max3A_837, %max3A_846 : vector<32x4096xf32>
    %select_n3A_911 = arith.select %or3A_908, %select_n3A_839, %select_n3A_848 : vector<32x4096xi1>, vector<32x4096xi32>
    %select_n3A_912 = arith.select %or3A_908, %select_n3A_848, %select_n3A_839 : vector<32x4096xi1>, vector<32x4096xi32>
    %gt3A_913 = arith.cmpf ogt, %min3A_838, %min3A_847 : vector<32x4096xf32>
    %eq3A_914 = arith.cmpf oeq, %min3A_838, %min3A_847 : vector<32x4096xf32>
    %lt3A_915 = arith.cmpi slt, %select_n3A_840, %select_n3A_849 : vector<32x4096xi32>
    %and3A_916 = arith.andi %eq3A_914, %lt3A_915 : vector<32x4096xi1>
    %or3A_917 = arith.ori %gt3A_913, %and3A_916 : vector<32x4096xi1>
    %max3A_918 = arith.maximumf %min3A_838, %min3A_847 : vector<32x4096xf32>
    %min3A_919 = arith.minimumf %min3A_838, %min3A_847 : vector<32x4096xf32>
    %select_n3A_920 = arith.select %or3A_917, %select_n3A_840, %select_n3A_849 : vector<32x4096xi1>, vector<32x4096xi32>
    %select_n3A_921 = arith.select %or3A_917, %select_n3A_849, %select_n3A_840 : vector<32x4096xi1>, vector<32x4096xi32>
    %gt3A_922 = arith.cmpf ogt, %max3A_855, %max3A_864 : vector<32x4096xf32>
    %eq3A_923 = arith.cmpf oeq, %max3A_855, %max3A_864 : vector<32x4096xf32>
    %lt3A_924 = arith.cmpi slt, %select_n3A_857, %select_n3A_866 : vector<32x4096xi32>
    %and3A_925 = arith.andi %eq3A_923, %lt3A_924 : vector<32x4096xi1>
    %or3A_926 = arith.ori %gt3A_922, %and3A_925 : vector<32x4096xi1>
    %max3A_927 = arith.maximumf %max3A_855, %max3A_864 : vector<32x4096xf32>
    %min3A_928 = arith.minimumf %max3A_855, %max3A_864 : vector<32x4096xf32>
    %select_n3A_929 = arith.select %or3A_926, %select_n3A_857, %select_n3A_866 : vector<32x4096xi1>, vector<32x4096xi32>
    %select_n3A_930 = arith.select %or3A_926, %select_n3A_866, %select_n3A_857 : vector<32x4096xi1>, vector<32x4096xi32>
    %gt3A_931 = arith.cmpf ogt, %min3A_856, %min3A_865 : vector<32x4096xf32>
    %eq3A_932 = arith.cmpf oeq, %min3A_856, %min3A_865 : vector<32x4096xf32>
    %lt3A_933 = arith.cmpi slt, %select_n3A_858, %select_n3A_867 : vector<32x4096xi32>
    %and3A_934 = arith.andi %eq3A_932, %lt3A_933 : vector<32x4096xi1>
    %or3A_935 = arith.ori %gt3A_931, %and3A_934 : vector<32x4096xi1>
    %max3A_936 = arith.maximumf %min3A_856, %min3A_865 : vector<32x4096xf32>
    %min3A_937 = arith.minimumf %min3A_856, %min3A_865 : vector<32x4096xf32>
    %select_n3A_938 = arith.select %or3A_935, %select_n3A_858, %select_n3A_867 : vector<32x4096xi1>, vector<32x4096xi32>
    %select_n3A_939 = arith.select %or3A_935, %select_n3A_867, %select_n3A_858 : vector<32x4096xi1>, vector<32x4096xi32>
    %slice3A_940 = vector.extract_strided_slice %max3A_873 {offsets = [0, 0], sizes = [16, 4096], strides = [1, 1]} : vector<32x4096xf32> to vector<16x4096xf32>
    %slice3A_941 = vector.extract_strided_slice %select_n3A_875 {offsets = [0, 0], sizes = [16, 4096], strides = [1, 1]} : vector<32x4096xi32> to vector<16x4096xi32>
    %slice3A_942 = vector.extract_strided_slice %min3A_937 {offsets = [16, 0], sizes = [16, 4096], strides = [1, 1]} : vector<32x4096xf32> to vector<16x4096xf32>
    %slice3A_943 = vector.extract_strided_slice %select_n3A_939 {offsets = [16, 0], sizes = [16, 4096], strides = [1, 1]} : vector<32x4096xi32> to vector<16x4096xi32>
    %ge3A_944 = arith.cmpf oge, %slice3A_940, %slice3A_942 : vector<16x4096xf32>
    %max3A_945 = arith.maximumf %slice3A_940, %slice3A_942 : vector<16x4096xf32>
    %select_n3A_946 = arith.select %ge3A_944, %slice3A_941, %slice3A_943 : vector<16x4096xi1>, vector<16x4096xi32>
    %slice3A_947 = vector.extract_strided_slice %min3A_874 {offsets = [0, 0], sizes = [16, 4096], strides = [1, 1]} : vector<32x4096xf32> to vector<16x4096xf32>
    %slice3A_948 = vector.extract_strided_slice %select_n3A_876 {offsets = [0, 0], sizes = [16, 4096], strides = [1, 1]} : vector<32x4096xi32> to vector<16x4096xi32>
    %slice3A_949 = vector.extract_strided_slice %max3A_936 {offsets = [16, 0], sizes = [16, 4096], strides = [1, 1]} : vector<32x4096xf32> to vector<16x4096xf32>
    %slice3A_950 = vector.extract_strided_slice %select_n3A_938 {offsets = [16, 0], sizes = [16, 4096], strides = [1, 1]} : vector<32x4096xi32> to vector<16x4096xi32>
    %ge3A_951 = arith.cmpf oge, %slice3A_947, %slice3A_949 : vector<16x4096xf32>
    %max3A_952 = arith.maximumf %slice3A_947, %slice3A_949 : vector<16x4096xf32>
    %select_n3A_953 = arith.select %ge3A_951, %slice3A_948, %slice3A_950 : vector<16x4096xi1>, vector<16x4096xi32>
    %slice3A_954 = vector.extract_strided_slice %max3A_882 {offsets = [0, 0], sizes = [16, 4096], strides = [1, 1]} : vector<32x4096xf32> to vector<16x4096xf32>
    %slice3A_955 = vector.extract_strided_slice %select_n3A_884 {offsets = [0, 0], sizes = [16, 4096], strides = [1, 1]} : vector<32x4096xi32> to vector<16x4096xi32>
    %slice3A_956 = vector.extract_strided_slice %min3A_928 {offsets = [16, 0], sizes = [16, 4096], strides = [1, 1]} : vector<32x4096xf32> to vector<16x4096xf32>
    %slice3A_957 = vector.extract_strided_slice %select_n3A_930 {offsets = [16, 0], sizes = [16, 4096], strides = [1, 1]} : vector<32x4096xi32> to vector<16x4096xi32>
    %ge3A_958 = arith.cmpf oge, %slice3A_954, %slice3A_956 : vector<16x4096xf32>
    %max3A_959 = arith.maximumf %slice3A_954, %slice3A_956 : vector<16x4096xf32>
    %select_n3A_960 = arith.select %ge3A_958, %slice3A_955, %slice3A_957 : vector<16x4096xi1>, vector<16x4096xi32>
    %slice3A_961 = vector.extract_strided_slice %min3A_883 {offsets = [0, 0], sizes = [16, 4096], strides = [1, 1]} : vector<32x4096xf32> to vector<16x4096xf32>
    %slice3A_962 = vector.extract_strided_slice %select_n3A_885 {offsets = [0, 0], sizes = [16, 4096], strides = [1, 1]} : vector<32x4096xi32> to vector<16x4096xi32>
    %slice3A_963 = vector.extract_strided_slice %max3A_927 {offsets = [16, 0], sizes = [16, 4096], strides = [1, 1]} : vector<32x4096xf32> to vector<16x4096xf32>
    %slice3A_964 = vector.extract_strided_slice %select_n3A_929 {offsets = [16, 0], sizes = [16, 4096], strides = [1, 1]} : vector<32x4096xi32> to vector<16x4096xi32>
    %ge3A_965 = arith.cmpf oge, %slice3A_961, %slice3A_963 : vector<16x4096xf32>
    %max3A_966 = arith.maximumf %slice3A_961, %slice3A_963 : vector<16x4096xf32>
    %select_n3A_967 = arith.select %ge3A_965, %slice3A_962, %slice3A_964 : vector<16x4096xi1>, vector<16x4096xi32>
    %slice3A_968 = vector.extract_strided_slice %max3A_891 {offsets = [0, 0], sizes = [16, 4096], strides = [1, 1]} : vector<32x4096xf32> to vector<16x4096xf32>
    %slice3A_969 = vector.extract_strided_slice %select_n3A_893 {offsets = [0, 0], sizes = [16, 4096], strides = [1, 1]} : vector<32x4096xi32> to vector<16x4096xi32>
    %slice3A_970 = vector.extract_strided_slice %min3A_919 {offsets = [16, 0], sizes = [16, 4096], strides = [1, 1]} : vector<32x4096xf32> to vector<16x4096xf32>
    %slice3A_971 = vector.extract_strided_slice %select_n3A_921 {offsets = [16, 0], sizes = [16, 4096], strides = [1, 1]} : vector<32x4096xi32> to vector<16x4096xi32>
    %ge3A_972 = arith.cmpf oge, %slice3A_968, %slice3A_970 : vector<16x4096xf32>
    %max3A_973 = arith.maximumf %slice3A_968, %slice3A_970 : vector<16x4096xf32>
    %select_n3A_974 = arith.select %ge3A_972, %slice3A_969, %slice3A_971 : vector<16x4096xi1>, vector<16x4096xi32>
    %slice3A_975 = vector.extract_strided_slice %min3A_892 {offsets = [0, 0], sizes = [16, 4096], strides = [1, 1]} : vector<32x4096xf32> to vector<16x4096xf32>
    %slice3A_976 = vector.extract_strided_slice %select_n3A_894 {offsets = [0, 0], sizes = [16, 4096], strides = [1, 1]} : vector<32x4096xi32> to vector<16x4096xi32>
    %slice3A_977 = vector.extract_strided_slice %max3A_918 {offsets = [16, 0], sizes = [16, 4096], strides = [1, 1]} : vector<32x4096xf32> to vector<16x4096xf32>
    %slice3A_978 = vector.extract_strided_slice %select_n3A_920 {offsets = [16, 0], sizes = [16, 4096], strides = [1, 1]} : vector<32x4096xi32> to vector<16x4096xi32>
    %ge3A_979 = arith.cmpf oge, %slice3A_975, %slice3A_977 : vector<16x4096xf32>
    %max3A_980 = arith.maximumf %slice3A_975, %slice3A_977 : vector<16x4096xf32>
    %select_n3A_981 = arith.select %ge3A_979, %slice3A_976, %slice3A_978 : vector<16x4096xi1>, vector<16x4096xi32>
    %slice3A_982 = vector.extract_strided_slice %max3A_900 {offsets = [0, 0], sizes = [16, 4096], strides = [1, 1]} : vector<32x4096xf32> to vector<16x4096xf32>
    %slice3A_983 = vector.extract_strided_slice %select_n3A_902 {offsets = [0, 0], sizes = [16, 4096], strides = [1, 1]} : vector<32x4096xi32> to vector<16x4096xi32>
    %slice3A_984 = vector.extract_strided_slice %min3A_910 {offsets = [16, 0], sizes = [16, 4096], strides = [1, 1]} : vector<32x4096xf32> to vector<16x4096xf32>
    %slice3A_985 = vector.extract_strided_slice %select_n3A_912 {offsets = [16, 0], sizes = [16, 4096], strides = [1, 1]} : vector<32x4096xi32> to vector<16x4096xi32>
    %ge3A_986 = arith.cmpf oge, %slice3A_982, %slice3A_984 : vector<16x4096xf32>
    %max3A_987 = arith.maximumf %slice3A_982, %slice3A_984 : vector<16x4096xf32>
    %select_n3A_988 = arith.select %ge3A_986, %slice3A_983, %slice3A_985 : vector<16x4096xi1>, vector<16x4096xi32>
    %slice3A_989 = vector.extract_strided_slice %min3A_901 {offsets = [0, 0], sizes = [16, 4096], strides = [1, 1]} : vector<32x4096xf32> to vector<16x4096xf32>
    %slice3A_990 = vector.extract_strided_slice %select_n3A_903 {offsets = [0, 0], sizes = [16, 4096], strides = [1, 1]} : vector<32x4096xi32> to vector<16x4096xi32>
    %slice3A_991 = vector.extract_strided_slice %max3A_909 {offsets = [16, 0], sizes = [16, 4096], strides = [1, 1]} : vector<32x4096xf32> to vector<16x4096xf32>
    %slice3A_992 = vector.extract_strided_slice %select_n3A_911 {offsets = [16, 0], sizes = [16, 4096], strides = [1, 1]} : vector<32x4096xi32> to vector<16x4096xi32>
    %ge3A_993 = arith.cmpf oge, %slice3A_989, %slice3A_991 : vector<16x4096xf32>
    %max3A_994 = arith.maximumf %slice3A_989, %slice3A_991 : vector<16x4096xf32>
    %select_n3A_995 = arith.select %ge3A_993, %slice3A_990, %slice3A_992 : vector<16x4096xi1>, vector<16x4096xi32>
    %slice3A_996 = vector.extract_strided_slice %max3A_909 {offsets = [0, 0], sizes = [16, 4096], strides = [1, 1]} : vector<32x4096xf32> to vector<16x4096xf32>
    %slice3A_997 = vector.extract_strided_slice %select_n3A_911 {offsets = [0, 0], sizes = [16, 4096], strides = [1, 1]} : vector<32x4096xi32> to vector<16x4096xi32>
    %slice3A_998 = vector.extract_strided_slice %min3A_901 {offsets = [16, 0], sizes = [16, 4096], strides = [1, 1]} : vector<32x4096xf32> to vector<16x4096xf32>
    %slice3A_999 = vector.extract_strided_slice %select_n3A_903 {offsets = [16, 0], sizes = [16, 4096], strides = [1, 1]} : vector<32x4096xi32> to vector<16x4096xi32>
    %ge3A_1000 = arith.cmpf oge, %slice3A_996, %slice3A_998 : vector<16x4096xf32>
    %max3A_1001 = arith.maximumf %slice3A_996, %slice3A_998 : vector<16x4096xf32>
    %select_n3A_1002 = arith.select %ge3A_1000, %slice3A_997, %slice3A_999 : vector<16x4096xi1>, vector<16x4096xi32>
    %slice3A_1003 = vector.extract_strided_slice %min3A_910 {offsets = [0, 0], sizes = [16, 4096], strides = [1, 1]} : vector<32x4096xf32> to vector<16x4096xf32>
    %slice3A_1004 = vector.extract_strided_slice %select_n3A_912 {offsets = [0, 0], sizes = [16, 4096], strides = [1, 1]} : vector<32x4096xi32> to vector<16x4096xi32>
    %slice3A_1005 = vector.extract_strided_slice %max3A_900 {offsets = [16, 0], sizes = [16, 4096], strides = [1, 1]} : vector<32x4096xf32> to vector<16x4096xf32>
    %slice3A_1006 = vector.extract_strided_slice %select_n3A_902 {offsets = [16, 0], sizes = [16, 4096], strides = [1, 1]} : vector<32x4096xi32> to vector<16x4096xi32>
    %ge3A_1007 = arith.cmpf oge, %slice3A_1003, %slice3A_1005 : vector<16x4096xf32>
    %max3A_1008 = arith.maximumf %slice3A_1003, %slice3A_1005 : vector<16x4096xf32>
    %select_n3A_1009 = arith.select %ge3A_1007, %slice3A_1004, %slice3A_1006 : vector<16x4096xi1>, vector<16x4096xi32>
    %slice3A_1010 = vector.extract_strided_slice %max3A_918 {offsets = [0, 0], sizes = [16, 4096], strides = [1, 1]} : vector<32x4096xf32> to vector<16x4096xf32>
    %slice3A_1011 = vector.extract_strided_slice %select_n3A_920 {offsets = [0, 0], sizes = [16, 4096], strides = [1, 1]} : vector<32x4096xi32> to vector<16x4096xi32>
    %slice3A_1012 = vector.extract_strided_slice %min3A_892 {offsets = [16, 0], sizes = [16, 4096], strides = [1, 1]} : vector<32x4096xf32> to vector<16x4096xf32>
    %slice3A_1013 = vector.extract_strided_slice %select_n3A_894 {offsets = [16, 0], sizes = [16, 4096], strides = [1, 1]} : vector<32x4096xi32> to vector<16x4096xi32>
    %ge3A_1014 = arith.cmpf oge, %slice3A_1010, %slice3A_1012 : vector<16x4096xf32>
    %max3A_1015 = arith.maximumf %slice3A_1010, %slice3A_1012 : vector<16x4096xf32>
    %select_n3A_1016 = arith.select %ge3A_1014, %slice3A_1011, %slice3A_1013 : vector<16x4096xi1>, vector<16x4096xi32>
    %slice3A_1017 = vector.extract_strided_slice %min3A_919 {offsets = [0, 0], sizes = [16, 4096], strides = [1, 1]} : vector<32x4096xf32> to vector<16x4096xf32>
    %slice3A_1018 = vector.extract_strided_slice %select_n3A_921 {offsets = [0, 0], sizes = [16, 4096], strides = [1, 1]} : vector<32x4096xi32> to vector<16x4096xi32>
    %slice3A_1019 = vector.extract_strided_slice %max3A_891 {offsets = [16, 0], sizes = [16, 4096], strides = [1, 1]} : vector<32x4096xf32> to vector<16x4096xf32>
    %slice3A_1020 = vector.extract_strided_slice %select_n3A_893 {offsets = [16, 0], sizes = [16, 4096], strides = [1, 1]} : vector<32x4096xi32> to vector<16x4096xi32>
    %ge3A_1021 = arith.cmpf oge, %slice3A_1017, %slice3A_1019 : vector<16x4096xf32>
    %max3A_1022 = arith.maximumf %slice3A_1017, %slice3A_1019 : vector<16x4096xf32>
    %select_n3A_1023 = arith.select %ge3A_1021, %slice3A_1018, %slice3A_1020 : vector<16x4096xi1>, vector<16x4096xi32>
    %slice3A_1024 = vector.extract_strided_slice %max3A_927 {offsets = [0, 0], sizes = [16, 4096], strides = [1, 1]} : vector<32x4096xf32> to vector<16x4096xf32>
    %slice3A_1025 = vector.extract_strided_slice %select_n3A_929 {offsets = [0, 0], sizes = [16, 4096], strides = [1, 1]} : vector<32x4096xi32> to vector<16x4096xi32>
    %slice3A_1026 = vector.extract_strided_slice %min3A_883 {offsets = [16, 0], sizes = [16, 4096], strides = [1, 1]} : vector<32x4096xf32> to vector<16x4096xf32>
    %slice3A_1027 = vector.extract_strided_slice %select_n3A_885 {offsets = [16, 0], sizes = [16, 4096], strides = [1, 1]} : vector<32x4096xi32> to vector<16x4096xi32>
    %ge3A_1028 = arith.cmpf oge, %slice3A_1024, %slice3A_1026 : vector<16x4096xf32>
    %max3A_1029 = arith.maximumf %slice3A_1024, %slice3A_1026 : vector<16x4096xf32>
    %select_n3A_1030 = arith.select %ge3A_1028, %slice3A_1025, %slice3A_1027 : vector<16x4096xi1>, vector<16x4096xi32>
    %slice3A_1031 = vector.extract_strided_slice %min3A_928 {offsets = [0, 0], sizes = [16, 4096], strides = [1, 1]} : vector<32x4096xf32> to vector<16x4096xf32>
    %slice3A_1032 = vector.extract_strided_slice %select_n3A_930 {offsets = [0, 0], sizes = [16, 4096], strides = [1, 1]} : vector<32x4096xi32> to vector<16x4096xi32>
    %slice3A_1033 = vector.extract_strided_slice %max3A_882 {offsets = [16, 0], sizes = [16, 4096], strides = [1, 1]} : vector<32x4096xf32> to vector<16x4096xf32>
    %slice3A_1034 = vector.extract_strided_slice %select_n3A_884 {offsets = [16, 0], sizes = [16, 4096], strides = [1, 1]} : vector<32x4096xi32> to vector<16x4096xi32>
    %ge3A_1035 = arith.cmpf oge, %slice3A_1031, %slice3A_1033 : vector<16x4096xf32>
    %max3A_1036 = arith.maximumf %slice3A_1031, %slice3A_1033 : vector<16x4096xf32>
    %select_n3A_1037 = arith.select %ge3A_1035, %slice3A_1032, %slice3A_1034 : vector<16x4096xi1>, vector<16x4096xi32>
    %slice3A_1038 = vector.extract_strided_slice %max3A_936 {offsets = [0, 0], sizes = [16, 4096], strides = [1, 1]} : vector<32x4096xf32> to vector<16x4096xf32>
    %slice3A_1039 = vector.extract_strided_slice %select_n3A_938 {offsets = [0, 0], sizes = [16, 4096], strides = [1, 1]} : vector<32x4096xi32> to vector<16x4096xi32>
    %slice3A_1040 = vector.extract_strided_slice %min3A_874 {offsets = [16, 0], sizes = [16, 4096], strides = [1, 1]} : vector<32x4096xf32> to vector<16x4096xf32>
    %slice3A_1041 = vector.extract_strided_slice %select_n3A_876 {offsets = [16, 0], sizes = [16, 4096], strides = [1, 1]} : vector<32x4096xi32> to vector<16x4096xi32>
    %ge3A_1042 = arith.cmpf oge, %slice3A_1038, %slice3A_1040 : vector<16x4096xf32>
    %max3A_1043 = arith.maximumf %slice3A_1038, %slice3A_1040 : vector<16x4096xf32>
    %select_n3A_1044 = arith.select %ge3A_1042, %slice3A_1039, %slice3A_1041 : vector<16x4096xi1>, vector<16x4096xi32>
    %slice3A_1045 = vector.extract_strided_slice %min3A_937 {offsets = [0, 0], sizes = [16, 4096], strides = [1, 1]} : vector<32x4096xf32> to vector<16x4096xf32>
    %slice3A_1046 = vector.extract_strided_slice %select_n3A_939 {offsets = [0, 0], sizes = [16, 4096], strides = [1, 1]} : vector<32x4096xi32> to vector<16x4096xi32>
    %slice3A_1047 = vector.extract_strided_slice %max3A_873 {offsets = [16, 0], sizes = [16, 4096], strides = [1, 1]} : vector<32x4096xf32> to vector<16x4096xf32>
    %slice3A_1048 = vector.extract_strided_slice %select_n3A_875 {offsets = [16, 0], sizes = [16, 4096], strides = [1, 1]} : vector<32x4096xi32> to vector<16x4096xi32>
    %ge3A_1049 = arith.cmpf oge, %slice3A_1045, %slice3A_1047 : vector<16x4096xf32>
    %max3A_1050 = arith.maximumf %slice3A_1045, %slice3A_1047 : vector<16x4096xf32>
    %select_n3A_1051 = arith.select %ge3A_1049, %slice3A_1046, %slice3A_1048 : vector<16x4096xi1>, vector<16x4096xi32>
    %gt3A_1052 = arith.cmpf ogt, %max3A_945, %max3A_1001 : vector<16x4096xf32>
    %eq3A_1053 = arith.cmpf oeq, %max3A_945, %max3A_1001 : vector<16x4096xf32>
    %lt3A_1054 = arith.cmpi slt, %select_n3A_946, %select_n3A_1002 : vector<16x4096xi32>
    %and3A_1055 = arith.andi %eq3A_1053, %lt3A_1054 : vector<16x4096xi1>
    %or3A_1056 = arith.ori %gt3A_1052, %and3A_1055 : vector<16x4096xi1>
    %max3A_1057 = arith.maximumf %max3A_945, %max3A_1001 : vector<16x4096xf32>
    %min3A_1058 = arith.minimumf %max3A_945, %max3A_1001 : vector<16x4096xf32>
    %select_n3A_1059 = arith.select %or3A_1056, %select_n3A_946, %select_n3A_1002 : vector<16x4096xi1>, vector<16x4096xi32>
    %select_n3A_1060 = arith.select %or3A_1056, %select_n3A_1002, %select_n3A_946 : vector<16x4096xi1>, vector<16x4096xi32>
    %gt3A_1061 = arith.cmpf ogt, %max3A_952, %max3A_1008 : vector<16x4096xf32>
    %eq3A_1062 = arith.cmpf oeq, %max3A_952, %max3A_1008 : vector<16x4096xf32>
    %lt3A_1063 = arith.cmpi slt, %select_n3A_953, %select_n3A_1009 : vector<16x4096xi32>
    %and3A_1064 = arith.andi %eq3A_1062, %lt3A_1063 : vector<16x4096xi1>
    %or3A_1065 = arith.ori %gt3A_1061, %and3A_1064 : vector<16x4096xi1>
    %max3A_1066 = arith.maximumf %max3A_952, %max3A_1008 : vector<16x4096xf32>
    %min3A_1067 = arith.minimumf %max3A_952, %max3A_1008 : vector<16x4096xf32>
    %select_n3A_1068 = arith.select %or3A_1065, %select_n3A_953, %select_n3A_1009 : vector<16x4096xi1>, vector<16x4096xi32>
    %select_n3A_1069 = arith.select %or3A_1065, %select_n3A_1009, %select_n3A_953 : vector<16x4096xi1>, vector<16x4096xi32>
    %gt3A_1070 = arith.cmpf ogt, %max3A_959, %max3A_1015 : vector<16x4096xf32>
    %eq3A_1071 = arith.cmpf oeq, %max3A_959, %max3A_1015 : vector<16x4096xf32>
    %lt3A_1072 = arith.cmpi slt, %select_n3A_960, %select_n3A_1016 : vector<16x4096xi32>
    %and3A_1073 = arith.andi %eq3A_1071, %lt3A_1072 : vector<16x4096xi1>
    %or3A_1074 = arith.ori %gt3A_1070, %and3A_1073 : vector<16x4096xi1>
    %max3A_1075 = arith.maximumf %max3A_959, %max3A_1015 : vector<16x4096xf32>
    %min3A_1076 = arith.minimumf %max3A_959, %max3A_1015 : vector<16x4096xf32>
    %select_n3A_1077 = arith.select %or3A_1074, %select_n3A_960, %select_n3A_1016 : vector<16x4096xi1>, vector<16x4096xi32>
    %select_n3A_1078 = arith.select %or3A_1074, %select_n3A_1016, %select_n3A_960 : vector<16x4096xi1>, vector<16x4096xi32>
    %gt3A_1079 = arith.cmpf ogt, %max3A_966, %max3A_1022 : vector<16x4096xf32>
    %eq3A_1080 = arith.cmpf oeq, %max3A_966, %max3A_1022 : vector<16x4096xf32>
    %lt3A_1081 = arith.cmpi slt, %select_n3A_967, %select_n3A_1023 : vector<16x4096xi32>
    %and3A_1082 = arith.andi %eq3A_1080, %lt3A_1081 : vector<16x4096xi1>
    %or3A_1083 = arith.ori %gt3A_1079, %and3A_1082 : vector<16x4096xi1>
    %max3A_1084 = arith.maximumf %max3A_966, %max3A_1022 : vector<16x4096xf32>
    %min3A_1085 = arith.minimumf %max3A_966, %max3A_1022 : vector<16x4096xf32>
    %select_n3A_1086 = arith.select %or3A_1083, %select_n3A_967, %select_n3A_1023 : vector<16x4096xi1>, vector<16x4096xi32>
    %select_n3A_1087 = arith.select %or3A_1083, %select_n3A_1023, %select_n3A_967 : vector<16x4096xi1>, vector<16x4096xi32>
    %gt3A_1088 = arith.cmpf ogt, %max3A_973, %max3A_1029 : vector<16x4096xf32>
    %eq3A_1089 = arith.cmpf oeq, %max3A_973, %max3A_1029 : vector<16x4096xf32>
    %lt3A_1090 = arith.cmpi slt, %select_n3A_974, %select_n3A_1030 : vector<16x4096xi32>
    %and3A_1091 = arith.andi %eq3A_1089, %lt3A_1090 : vector<16x4096xi1>
    %or3A_1092 = arith.ori %gt3A_1088, %and3A_1091 : vector<16x4096xi1>
    %max3A_1093 = arith.maximumf %max3A_973, %max3A_1029 : vector<16x4096xf32>
    %min3A_1094 = arith.minimumf %max3A_973, %max3A_1029 : vector<16x4096xf32>
    %select_n3A_1095 = arith.select %or3A_1092, %select_n3A_974, %select_n3A_1030 : vector<16x4096xi1>, vector<16x4096xi32>
    %select_n3A_1096 = arith.select %or3A_1092, %select_n3A_1030, %select_n3A_974 : vector<16x4096xi1>, vector<16x4096xi32>
    %gt3A_1097 = arith.cmpf ogt, %max3A_980, %max3A_1036 : vector<16x4096xf32>
    %eq3A_1098 = arith.cmpf oeq, %max3A_980, %max3A_1036 : vector<16x4096xf32>
    %lt3A_1099 = arith.cmpi slt, %select_n3A_981, %select_n3A_1037 : vector<16x4096xi32>
    %and3A_1100 = arith.andi %eq3A_1098, %lt3A_1099 : vector<16x4096xi1>
    %or3A_1101 = arith.ori %gt3A_1097, %and3A_1100 : vector<16x4096xi1>
    %max3A_1102 = arith.maximumf %max3A_980, %max3A_1036 : vector<16x4096xf32>
    %min3A_1103 = arith.minimumf %max3A_980, %max3A_1036 : vector<16x4096xf32>
    %select_n3A_1104 = arith.select %or3A_1101, %select_n3A_981, %select_n3A_1037 : vector<16x4096xi1>, vector<16x4096xi32>
    %select_n3A_1105 = arith.select %or3A_1101, %select_n3A_1037, %select_n3A_981 : vector<16x4096xi1>, vector<16x4096xi32>
    %gt3A_1106 = arith.cmpf ogt, %max3A_987, %max3A_1043 : vector<16x4096xf32>
    %eq3A_1107 = arith.cmpf oeq, %max3A_987, %max3A_1043 : vector<16x4096xf32>
    %lt3A_1108 = arith.cmpi slt, %select_n3A_988, %select_n3A_1044 : vector<16x4096xi32>
    %and3A_1109 = arith.andi %eq3A_1107, %lt3A_1108 : vector<16x4096xi1>
    %or3A_1110 = arith.ori %gt3A_1106, %and3A_1109 : vector<16x4096xi1>
    %max3A_1111 = arith.maximumf %max3A_987, %max3A_1043 : vector<16x4096xf32>
    %min3A_1112 = arith.minimumf %max3A_987, %max3A_1043 : vector<16x4096xf32>
    %select_n3A_1113 = arith.select %or3A_1110, %select_n3A_988, %select_n3A_1044 : vector<16x4096xi1>, vector<16x4096xi32>
    %select_n3A_1114 = arith.select %or3A_1110, %select_n3A_1044, %select_n3A_988 : vector<16x4096xi1>, vector<16x4096xi32>
    %gt3A_1115 = arith.cmpf ogt, %max3A_994, %max3A_1050 : vector<16x4096xf32>
    %eq3A_1116 = arith.cmpf oeq, %max3A_994, %max3A_1050 : vector<16x4096xf32>
    %lt3A_1117 = arith.cmpi slt, %select_n3A_995, %select_n3A_1051 : vector<16x4096xi32>
    %and3A_1118 = arith.andi %eq3A_1116, %lt3A_1117 : vector<16x4096xi1>
    %or3A_1119 = arith.ori %gt3A_1115, %and3A_1118 : vector<16x4096xi1>
    %max3A_1120 = arith.maximumf %max3A_994, %max3A_1050 : vector<16x4096xf32>
    %min3A_1121 = arith.minimumf %max3A_994, %max3A_1050 : vector<16x4096xf32>
    %select_n3A_1122 = arith.select %or3A_1119, %select_n3A_995, %select_n3A_1051 : vector<16x4096xi1>, vector<16x4096xi32>
    %select_n3A_1123 = arith.select %or3A_1119, %select_n3A_1051, %select_n3A_995 : vector<16x4096xi1>, vector<16x4096xi32>
    %gt3A_1124 = arith.cmpf ogt, %max3A_1057, %max3A_1093 : vector<16x4096xf32>
    %eq3A_1125 = arith.cmpf oeq, %max3A_1057, %max3A_1093 : vector<16x4096xf32>
    %lt3A_1126 = arith.cmpi slt, %select_n3A_1059, %select_n3A_1095 : vector<16x4096xi32>
    %and3A_1127 = arith.andi %eq3A_1125, %lt3A_1126 : vector<16x4096xi1>
    %or3A_1128 = arith.ori %gt3A_1124, %and3A_1127 : vector<16x4096xi1>
    %max3A_1129 = arith.maximumf %max3A_1057, %max3A_1093 : vector<16x4096xf32>
    %min3A_1130 = arith.minimumf %max3A_1057, %max3A_1093 : vector<16x4096xf32>
    %select_n3A_1131 = arith.select %or3A_1128, %select_n3A_1059, %select_n3A_1095 : vector<16x4096xi1>, vector<16x4096xi32>
    %select_n3A_1132 = arith.select %or3A_1128, %select_n3A_1095, %select_n3A_1059 : vector<16x4096xi1>, vector<16x4096xi32>
    %gt3A_1133 = arith.cmpf ogt, %max3A_1066, %max3A_1102 : vector<16x4096xf32>
    %eq3A_1134 = arith.cmpf oeq, %max3A_1066, %max3A_1102 : vector<16x4096xf32>
    %lt3A_1135 = arith.cmpi slt, %select_n3A_1068, %select_n3A_1104 : vector<16x4096xi32>
    %and3A_1136 = arith.andi %eq3A_1134, %lt3A_1135 : vector<16x4096xi1>
    %or3A_1137 = arith.ori %gt3A_1133, %and3A_1136 : vector<16x4096xi1>
    %max3A_1138 = arith.maximumf %max3A_1066, %max3A_1102 : vector<16x4096xf32>
    %min3A_1139 = arith.minimumf %max3A_1066, %max3A_1102 : vector<16x4096xf32>
    %select_n3A_1140 = arith.select %or3A_1137, %select_n3A_1068, %select_n3A_1104 : vector<16x4096xi1>, vector<16x4096xi32>
    %select_n3A_1141 = arith.select %or3A_1137, %select_n3A_1104, %select_n3A_1068 : vector<16x4096xi1>, vector<16x4096xi32>
    %gt3A_1142 = arith.cmpf ogt, %max3A_1075, %max3A_1111 : vector<16x4096xf32>
    %eq3A_1143 = arith.cmpf oeq, %max3A_1075, %max3A_1111 : vector<16x4096xf32>
    %lt3A_1144 = arith.cmpi slt, %select_n3A_1077, %select_n3A_1113 : vector<16x4096xi32>
    %and3A_1145 = arith.andi %eq3A_1143, %lt3A_1144 : vector<16x4096xi1>
    %or3A_1146 = arith.ori %gt3A_1142, %and3A_1145 : vector<16x4096xi1>
    %max3A_1147 = arith.maximumf %max3A_1075, %max3A_1111 : vector<16x4096xf32>
    %min3A_1148 = arith.minimumf %max3A_1075, %max3A_1111 : vector<16x4096xf32>
    %select_n3A_1149 = arith.select %or3A_1146, %select_n3A_1077, %select_n3A_1113 : vector<16x4096xi1>, vector<16x4096xi32>
    %select_n3A_1150 = arith.select %or3A_1146, %select_n3A_1113, %select_n3A_1077 : vector<16x4096xi1>, vector<16x4096xi32>
    %gt3A_1151 = arith.cmpf ogt, %max3A_1084, %max3A_1120 : vector<16x4096xf32>
    %eq3A_1152 = arith.cmpf oeq, %max3A_1084, %max3A_1120 : vector<16x4096xf32>
    %lt3A_1153 = arith.cmpi slt, %select_n3A_1086, %select_n3A_1122 : vector<16x4096xi32>
    %and3A_1154 = arith.andi %eq3A_1152, %lt3A_1153 : vector<16x4096xi1>
    %or3A_1155 = arith.ori %gt3A_1151, %and3A_1154 : vector<16x4096xi1>
    %max3A_1156 = arith.maximumf %max3A_1084, %max3A_1120 : vector<16x4096xf32>
    %min3A_1157 = arith.minimumf %max3A_1084, %max3A_1120 : vector<16x4096xf32>
    %select_n3A_1158 = arith.select %or3A_1155, %select_n3A_1086, %select_n3A_1122 : vector<16x4096xi1>, vector<16x4096xi32>
    %select_n3A_1159 = arith.select %or3A_1155, %select_n3A_1122, %select_n3A_1086 : vector<16x4096xi1>, vector<16x4096xi32>
    %gt3A_1160 = arith.cmpf ogt, %min3A_1058, %min3A_1094 : vector<16x4096xf32>
    %eq3A_1161 = arith.cmpf oeq, %min3A_1058, %min3A_1094 : vector<16x4096xf32>
    %lt3A_1162 = arith.cmpi slt, %select_n3A_1060, %select_n3A_1096 : vector<16x4096xi32>
    %and3A_1163 = arith.andi %eq3A_1161, %lt3A_1162 : vector<16x4096xi1>
    %or3A_1164 = arith.ori %gt3A_1160, %and3A_1163 : vector<16x4096xi1>
    %max3A_1165 = arith.maximumf %min3A_1058, %min3A_1094 : vector<16x4096xf32>
    %min3A_1166 = arith.minimumf %min3A_1058, %min3A_1094 : vector<16x4096xf32>
    %select_n3A_1167 = arith.select %or3A_1164, %select_n3A_1060, %select_n3A_1096 : vector<16x4096xi1>, vector<16x4096xi32>
    %select_n3A_1168 = arith.select %or3A_1164, %select_n3A_1096, %select_n3A_1060 : vector<16x4096xi1>, vector<16x4096xi32>
    %gt3A_1169 = arith.cmpf ogt, %min3A_1067, %min3A_1103 : vector<16x4096xf32>
    %eq3A_1170 = arith.cmpf oeq, %min3A_1067, %min3A_1103 : vector<16x4096xf32>
    %lt3A_1171 = arith.cmpi slt, %select_n3A_1069, %select_n3A_1105 : vector<16x4096xi32>
    %and3A_1172 = arith.andi %eq3A_1170, %lt3A_1171 : vector<16x4096xi1>
    %or3A_1173 = arith.ori %gt3A_1169, %and3A_1172 : vector<16x4096xi1>
    %max3A_1174 = arith.maximumf %min3A_1067, %min3A_1103 : vector<16x4096xf32>
    %min3A_1175 = arith.minimumf %min3A_1067, %min3A_1103 : vector<16x4096xf32>
    %select_n3A_1176 = arith.select %or3A_1173, %select_n3A_1069, %select_n3A_1105 : vector<16x4096xi1>, vector<16x4096xi32>
    %select_n3A_1177 = arith.select %or3A_1173, %select_n3A_1105, %select_n3A_1069 : vector<16x4096xi1>, vector<16x4096xi32>
    %gt3A_1178 = arith.cmpf ogt, %min3A_1076, %min3A_1112 : vector<16x4096xf32>
    %eq3A_1179 = arith.cmpf oeq, %min3A_1076, %min3A_1112 : vector<16x4096xf32>
    %lt3A_1180 = arith.cmpi slt, %select_n3A_1078, %select_n3A_1114 : vector<16x4096xi32>
    %and3A_1181 = arith.andi %eq3A_1179, %lt3A_1180 : vector<16x4096xi1>
    %or3A_1182 = arith.ori %gt3A_1178, %and3A_1181 : vector<16x4096xi1>
    %max3A_1183 = arith.maximumf %min3A_1076, %min3A_1112 : vector<16x4096xf32>
    %min3A_1184 = arith.minimumf %min3A_1076, %min3A_1112 : vector<16x4096xf32>
    %select_n3A_1185 = arith.select %or3A_1182, %select_n3A_1078, %select_n3A_1114 : vector<16x4096xi1>, vector<16x4096xi32>
    %select_n3A_1186 = arith.select %or3A_1182, %select_n3A_1114, %select_n3A_1078 : vector<16x4096xi1>, vector<16x4096xi32>
    %gt3A_1187 = arith.cmpf ogt, %min3A_1085, %min3A_1121 : vector<16x4096xf32>
    %eq3A_1188 = arith.cmpf oeq, %min3A_1085, %min3A_1121 : vector<16x4096xf32>
    %lt3A_1189 = arith.cmpi slt, %select_n3A_1087, %select_n3A_1123 : vector<16x4096xi32>
    %and3A_1190 = arith.andi %eq3A_1188, %lt3A_1189 : vector<16x4096xi1>
    %or3A_1191 = arith.ori %gt3A_1187, %and3A_1190 : vector<16x4096xi1>
    %max3A_1192 = arith.maximumf %min3A_1085, %min3A_1121 : vector<16x4096xf32>
    %min3A_1193 = arith.minimumf %min3A_1085, %min3A_1121 : vector<16x4096xf32>
    %select_n3A_1194 = arith.select %or3A_1191, %select_n3A_1087, %select_n3A_1123 : vector<16x4096xi1>, vector<16x4096xi32>
    %select_n3A_1195 = arith.select %or3A_1191, %select_n3A_1123, %select_n3A_1087 : vector<16x4096xi1>, vector<16x4096xi32>
    %gt3A_1196 = arith.cmpf ogt, %max3A_1129, %max3A_1147 : vector<16x4096xf32>
    %eq3A_1197 = arith.cmpf oeq, %max3A_1129, %max3A_1147 : vector<16x4096xf32>
    %lt3A_1198 = arith.cmpi slt, %select_n3A_1131, %select_n3A_1149 : vector<16x4096xi32>
    %and3A_1199 = arith.andi %eq3A_1197, %lt3A_1198 : vector<16x4096xi1>
    %or3A_1200 = arith.ori %gt3A_1196, %and3A_1199 : vector<16x4096xi1>
    %max3A_1201 = arith.maximumf %max3A_1129, %max3A_1147 : vector<16x4096xf32>
    %min3A_1202 = arith.minimumf %max3A_1129, %max3A_1147 : vector<16x4096xf32>
    %select_n3A_1203 = arith.select %or3A_1200, %select_n3A_1131, %select_n3A_1149 : vector<16x4096xi1>, vector<16x4096xi32>
    %select_n3A_1204 = arith.select %or3A_1200, %select_n3A_1149, %select_n3A_1131 : vector<16x4096xi1>, vector<16x4096xi32>
    %gt3A_1205 = arith.cmpf ogt, %max3A_1138, %max3A_1156 : vector<16x4096xf32>
    %eq3A_1206 = arith.cmpf oeq, %max3A_1138, %max3A_1156 : vector<16x4096xf32>
    %lt3A_1207 = arith.cmpi slt, %select_n3A_1140, %select_n3A_1158 : vector<16x4096xi32>
    %and3A_1208 = arith.andi %eq3A_1206, %lt3A_1207 : vector<16x4096xi1>
    %or3A_1209 = arith.ori %gt3A_1205, %and3A_1208 : vector<16x4096xi1>
    %max3A_1210 = arith.maximumf %max3A_1138, %max3A_1156 : vector<16x4096xf32>
    %min3A_1211 = arith.minimumf %max3A_1138, %max3A_1156 : vector<16x4096xf32>
    %select_n3A_1212 = arith.select %or3A_1209, %select_n3A_1140, %select_n3A_1158 : vector<16x4096xi1>, vector<16x4096xi32>
    %select_n3A_1213 = arith.select %or3A_1209, %select_n3A_1158, %select_n3A_1140 : vector<16x4096xi1>, vector<16x4096xi32>
    %gt3A_1214 = arith.cmpf ogt, %min3A_1130, %min3A_1148 : vector<16x4096xf32>
    %eq3A_1215 = arith.cmpf oeq, %min3A_1130, %min3A_1148 : vector<16x4096xf32>
    %lt3A_1216 = arith.cmpi slt, %select_n3A_1132, %select_n3A_1150 : vector<16x4096xi32>
    %and3A_1217 = arith.andi %eq3A_1215, %lt3A_1216 : vector<16x4096xi1>
    %or3A_1218 = arith.ori %gt3A_1214, %and3A_1217 : vector<16x4096xi1>
    %max3A_1219 = arith.maximumf %min3A_1130, %min3A_1148 : vector<16x4096xf32>
    %min3A_1220 = arith.minimumf %min3A_1130, %min3A_1148 : vector<16x4096xf32>
    %select_n3A_1221 = arith.select %or3A_1218, %select_n3A_1132, %select_n3A_1150 : vector<16x4096xi1>, vector<16x4096xi32>
    %select_n3A_1222 = arith.select %or3A_1218, %select_n3A_1150, %select_n3A_1132 : vector<16x4096xi1>, vector<16x4096xi32>
    %gt3A_1223 = arith.cmpf ogt, %min3A_1139, %min3A_1157 : vector<16x4096xf32>
    %eq3A_1224 = arith.cmpf oeq, %min3A_1139, %min3A_1157 : vector<16x4096xf32>
    %lt3A_1225 = arith.cmpi slt, %select_n3A_1141, %select_n3A_1159 : vector<16x4096xi32>
    %and3A_1226 = arith.andi %eq3A_1224, %lt3A_1225 : vector<16x4096xi1>
    %or3A_1227 = arith.ori %gt3A_1223, %and3A_1226 : vector<16x4096xi1>
    %max3A_1228 = arith.maximumf %min3A_1139, %min3A_1157 : vector<16x4096xf32>
    %min3A_1229 = arith.minimumf %min3A_1139, %min3A_1157 : vector<16x4096xf32>
    %select_n3A_1230 = arith.select %or3A_1227, %select_n3A_1141, %select_n3A_1159 : vector<16x4096xi1>, vector<16x4096xi32>
    %select_n3A_1231 = arith.select %or3A_1227, %select_n3A_1159, %select_n3A_1141 : vector<16x4096xi1>, vector<16x4096xi32>
    %gt3A_1232 = arith.cmpf ogt, %max3A_1165, %max3A_1183 : vector<16x4096xf32>
    %eq3A_1233 = arith.cmpf oeq, %max3A_1165, %max3A_1183 : vector<16x4096xf32>
    %lt3A_1234 = arith.cmpi slt, %select_n3A_1167, %select_n3A_1185 : vector<16x4096xi32>
    %and3A_1235 = arith.andi %eq3A_1233, %lt3A_1234 : vector<16x4096xi1>
    %or3A_1236 = arith.ori %gt3A_1232, %and3A_1235 : vector<16x4096xi1>
    %max3A_1237 = arith.maximumf %max3A_1165, %max3A_1183 : vector<16x4096xf32>
    %min3A_1238 = arith.minimumf %max3A_1165, %max3A_1183 : vector<16x4096xf32>
    %select_n3A_1239 = arith.select %or3A_1236, %select_n3A_1167, %select_n3A_1185 : vector<16x4096xi1>, vector<16x4096xi32>
    %select_n3A_1240 = arith.select %or3A_1236, %select_n3A_1185, %select_n3A_1167 : vector<16x4096xi1>, vector<16x4096xi32>
    %gt3A_1241 = arith.cmpf ogt, %max3A_1174, %max3A_1192 : vector<16x4096xf32>
    %eq3A_1242 = arith.cmpf oeq, %max3A_1174, %max3A_1192 : vector<16x4096xf32>
    %lt3A_1243 = arith.cmpi slt, %select_n3A_1176, %select_n3A_1194 : vector<16x4096xi32>
    %and3A_1244 = arith.andi %eq3A_1242, %lt3A_1243 : vector<16x4096xi1>
    %or3A_1245 = arith.ori %gt3A_1241, %and3A_1244 : vector<16x4096xi1>
    %max3A_1246 = arith.maximumf %max3A_1174, %max3A_1192 : vector<16x4096xf32>
    %min3A_1247 = arith.minimumf %max3A_1174, %max3A_1192 : vector<16x4096xf32>
    %select_n3A_1248 = arith.select %or3A_1245, %select_n3A_1176, %select_n3A_1194 : vector<16x4096xi1>, vector<16x4096xi32>
    %select_n3A_1249 = arith.select %or3A_1245, %select_n3A_1194, %select_n3A_1176 : vector<16x4096xi1>, vector<16x4096xi32>
    %gt3A_1250 = arith.cmpf ogt, %min3A_1166, %min3A_1184 : vector<16x4096xf32>
    %eq3A_1251 = arith.cmpf oeq, %min3A_1166, %min3A_1184 : vector<16x4096xf32>
    %lt3A_1252 = arith.cmpi slt, %select_n3A_1168, %select_n3A_1186 : vector<16x4096xi32>
    %and3A_1253 = arith.andi %eq3A_1251, %lt3A_1252 : vector<16x4096xi1>
    %or3A_1254 = arith.ori %gt3A_1250, %and3A_1253 : vector<16x4096xi1>
    %max3A_1255 = arith.maximumf %min3A_1166, %min3A_1184 : vector<16x4096xf32>
    %min3A_1256 = arith.minimumf %min3A_1166, %min3A_1184 : vector<16x4096xf32>
    %select_n3A_1257 = arith.select %or3A_1254, %select_n3A_1168, %select_n3A_1186 : vector<16x4096xi1>, vector<16x4096xi32>
    %select_n3A_1258 = arith.select %or3A_1254, %select_n3A_1186, %select_n3A_1168 : vector<16x4096xi1>, vector<16x4096xi32>
    %gt3A_1259 = arith.cmpf ogt, %min3A_1175, %min3A_1193 : vector<16x4096xf32>
    %eq3A_1260 = arith.cmpf oeq, %min3A_1175, %min3A_1193 : vector<16x4096xf32>
    %lt3A_1261 = arith.cmpi slt, %select_n3A_1177, %select_n3A_1195 : vector<16x4096xi32>
    %and3A_1262 = arith.andi %eq3A_1260, %lt3A_1261 : vector<16x4096xi1>
    %or3A_1263 = arith.ori %gt3A_1259, %and3A_1262 : vector<16x4096xi1>
    %max3A_1264 = arith.maximumf %min3A_1175, %min3A_1193 : vector<16x4096xf32>
    %min3A_1265 = arith.minimumf %min3A_1175, %min3A_1193 : vector<16x4096xf32>
    %select_n3A_1266 = arith.select %or3A_1263, %select_n3A_1177, %select_n3A_1195 : vector<16x4096xi1>, vector<16x4096xi32>
    %select_n3A_1267 = arith.select %or3A_1263, %select_n3A_1195, %select_n3A_1177 : vector<16x4096xi1>, vector<16x4096xi32>
    %gt3A_1268 = arith.cmpf ogt, %max3A_1201, %max3A_1210 : vector<16x4096xf32>
    %eq3A_1269 = arith.cmpf oeq, %max3A_1201, %max3A_1210 : vector<16x4096xf32>
    %lt3A_1270 = arith.cmpi slt, %select_n3A_1203, %select_n3A_1212 : vector<16x4096xi32>
    %and3A_1271 = arith.andi %eq3A_1269, %lt3A_1270 : vector<16x4096xi1>
    %or3A_1272 = arith.ori %gt3A_1268, %and3A_1271 : vector<16x4096xi1>
    %max3A_1273 = arith.maximumf %max3A_1201, %max3A_1210 : vector<16x4096xf32>
    %min3A_1274 = arith.minimumf %max3A_1201, %max3A_1210 : vector<16x4096xf32>
    %select_n3A_1275 = arith.select %or3A_1272, %select_n3A_1203, %select_n3A_1212 : vector<16x4096xi1>, vector<16x4096xi32>
    %select_n3A_1276 = arith.select %or3A_1272, %select_n3A_1212, %select_n3A_1203 : vector<16x4096xi1>, vector<16x4096xi32>
    %gt3A_1277 = arith.cmpf ogt, %min3A_1202, %min3A_1211 : vector<16x4096xf32>
    %eq3A_1278 = arith.cmpf oeq, %min3A_1202, %min3A_1211 : vector<16x4096xf32>
    %lt3A_1279 = arith.cmpi slt, %select_n3A_1204, %select_n3A_1213 : vector<16x4096xi32>
    %and3A_1280 = arith.andi %eq3A_1278, %lt3A_1279 : vector<16x4096xi1>
    %or3A_1281 = arith.ori %gt3A_1277, %and3A_1280 : vector<16x4096xi1>
    %max3A_1282 = arith.maximumf %min3A_1202, %min3A_1211 : vector<16x4096xf32>
    %min3A_1283 = arith.minimumf %min3A_1202, %min3A_1211 : vector<16x4096xf32>
    %select_n3A_1284 = arith.select %or3A_1281, %select_n3A_1204, %select_n3A_1213 : vector<16x4096xi1>, vector<16x4096xi32>
    %select_n3A_1285 = arith.select %or3A_1281, %select_n3A_1213, %select_n3A_1204 : vector<16x4096xi1>, vector<16x4096xi32>
    %gt3A_1286 = arith.cmpf ogt, %max3A_1219, %max3A_1228 : vector<16x4096xf32>
    %eq3A_1287 = arith.cmpf oeq, %max3A_1219, %max3A_1228 : vector<16x4096xf32>
    %lt3A_1288 = arith.cmpi slt, %select_n3A_1221, %select_n3A_1230 : vector<16x4096xi32>
    %and3A_1289 = arith.andi %eq3A_1287, %lt3A_1288 : vector<16x4096xi1>
    %or3A_1290 = arith.ori %gt3A_1286, %and3A_1289 : vector<16x4096xi1>
    %max3A_1291 = arith.maximumf %max3A_1219, %max3A_1228 : vector<16x4096xf32>
    %min3A_1292 = arith.minimumf %max3A_1219, %max3A_1228 : vector<16x4096xf32>
    %select_n3A_1293 = arith.select %or3A_1290, %select_n3A_1221, %select_n3A_1230 : vector<16x4096xi1>, vector<16x4096xi32>
    %select_n3A_1294 = arith.select %or3A_1290, %select_n3A_1230, %select_n3A_1221 : vector<16x4096xi1>, vector<16x4096xi32>
    %gt3A_1295 = arith.cmpf ogt, %min3A_1220, %min3A_1229 : vector<16x4096xf32>
    %eq3A_1296 = arith.cmpf oeq, %min3A_1220, %min3A_1229 : vector<16x4096xf32>
    %lt3A_1297 = arith.cmpi slt, %select_n3A_1222, %select_n3A_1231 : vector<16x4096xi32>
    %and3A_1298 = arith.andi %eq3A_1296, %lt3A_1297 : vector<16x4096xi1>
    %or3A_1299 = arith.ori %gt3A_1295, %and3A_1298 : vector<16x4096xi1>
    %max3A_1300 = arith.maximumf %min3A_1220, %min3A_1229 : vector<16x4096xf32>
    %min3A_1301 = arith.minimumf %min3A_1220, %min3A_1229 : vector<16x4096xf32>
    %select_n3A_1302 = arith.select %or3A_1299, %select_n3A_1222, %select_n3A_1231 : vector<16x4096xi1>, vector<16x4096xi32>
    %select_n3A_1303 = arith.select %or3A_1299, %select_n3A_1231, %select_n3A_1222 : vector<16x4096xi1>, vector<16x4096xi32>
    %gt3A_1304 = arith.cmpf ogt, %max3A_1237, %max3A_1246 : vector<16x4096xf32>
    %eq3A_1305 = arith.cmpf oeq, %max3A_1237, %max3A_1246 : vector<16x4096xf32>
    %lt3A_1306 = arith.cmpi slt, %select_n3A_1239, %select_n3A_1248 : vector<16x4096xi32>
    %and3A_1307 = arith.andi %eq3A_1305, %lt3A_1306 : vector<16x4096xi1>
    %or3A_1308 = arith.ori %gt3A_1304, %and3A_1307 : vector<16x4096xi1>
    %max3A_1309 = arith.maximumf %max3A_1237, %max3A_1246 : vector<16x4096xf32>
    %min3A_1310 = arith.minimumf %max3A_1237, %max3A_1246 : vector<16x4096xf32>
    %select_n3A_1311 = arith.select %or3A_1308, %select_n3A_1239, %select_n3A_1248 : vector<16x4096xi1>, vector<16x4096xi32>
    %select_n3A_1312 = arith.select %or3A_1308, %select_n3A_1248, %select_n3A_1239 : vector<16x4096xi1>, vector<16x4096xi32>
    %gt3A_1313 = arith.cmpf ogt, %min3A_1238, %min3A_1247 : vector<16x4096xf32>
    %eq3A_1314 = arith.cmpf oeq, %min3A_1238, %min3A_1247 : vector<16x4096xf32>
    %lt3A_1315 = arith.cmpi slt, %select_n3A_1240, %select_n3A_1249 : vector<16x4096xi32>
    %and3A_1316 = arith.andi %eq3A_1314, %lt3A_1315 : vector<16x4096xi1>
    %or3A_1317 = arith.ori %gt3A_1313, %and3A_1316 : vector<16x4096xi1>
    %max3A_1318 = arith.maximumf %min3A_1238, %min3A_1247 : vector<16x4096xf32>
    %min3A_1319 = arith.minimumf %min3A_1238, %min3A_1247 : vector<16x4096xf32>
    %select_n3A_1320 = arith.select %or3A_1317, %select_n3A_1240, %select_n3A_1249 : vector<16x4096xi1>, vector<16x4096xi32>
    %select_n3A_1321 = arith.select %or3A_1317, %select_n3A_1249, %select_n3A_1240 : vector<16x4096xi1>, vector<16x4096xi32>
    %gt3A_1322 = arith.cmpf ogt, %max3A_1255, %max3A_1264 : vector<16x4096xf32>
    %eq3A_1323 = arith.cmpf oeq, %max3A_1255, %max3A_1264 : vector<16x4096xf32>
    %lt3A_1324 = arith.cmpi slt, %select_n3A_1257, %select_n3A_1266 : vector<16x4096xi32>
    %and3A_1325 = arith.andi %eq3A_1323, %lt3A_1324 : vector<16x4096xi1>
    %or3A_1326 = arith.ori %gt3A_1322, %and3A_1325 : vector<16x4096xi1>
    %max3A_1327 = arith.maximumf %max3A_1255, %max3A_1264 : vector<16x4096xf32>
    %min3A_1328 = arith.minimumf %max3A_1255, %max3A_1264 : vector<16x4096xf32>
    %select_n3A_1329 = arith.select %or3A_1326, %select_n3A_1257, %select_n3A_1266 : vector<16x4096xi1>, vector<16x4096xi32>
    %select_n3A_1330 = arith.select %or3A_1326, %select_n3A_1266, %select_n3A_1257 : vector<16x4096xi1>, vector<16x4096xi32>
    %gt3A_1331 = arith.cmpf ogt, %min3A_1256, %min3A_1265 : vector<16x4096xf32>
    %eq3A_1332 = arith.cmpf oeq, %min3A_1256, %min3A_1265 : vector<16x4096xf32>
    %lt3A_1333 = arith.cmpi slt, %select_n3A_1258, %select_n3A_1267 : vector<16x4096xi32>
    %and3A_1334 = arith.andi %eq3A_1332, %lt3A_1333 : vector<16x4096xi1>
    %or3A_1335 = arith.ori %gt3A_1331, %and3A_1334 : vector<16x4096xi1>
    %max3A_1336 = arith.maximumf %min3A_1256, %min3A_1265 : vector<16x4096xf32>
    %min3A_1337 = arith.minimumf %min3A_1256, %min3A_1265 : vector<16x4096xf32>
    %select_n3A_1338 = arith.select %or3A_1335, %select_n3A_1258, %select_n3A_1267 : vector<16x4096xi1>, vector<16x4096xi32>
    %select_n3A_1339 = arith.select %or3A_1335, %select_n3A_1267, %select_n3A_1258 : vector<16x4096xi1>, vector<16x4096xi32>
    %slice3A_1340 = vector.extract_strided_slice %max3A_1273 {offsets = [0, 0], sizes = [8, 4096], strides = [1, 1]} : vector<16x4096xf32> to vector<8x4096xf32>
    %slice3A_1341 = vector.extract_strided_slice %select_n3A_1275 {offsets = [0, 0], sizes = [8, 4096], strides = [1, 1]} : vector<16x4096xi32> to vector<8x4096xi32>
    %slice3A_1342 = vector.extract_strided_slice %min3A_1337 {offsets = [8, 0], sizes = [8, 4096], strides = [1, 1]} : vector<16x4096xf32> to vector<8x4096xf32>
    %slice3A_1343 = vector.extract_strided_slice %select_n3A_1339 {offsets = [8, 0], sizes = [8, 4096], strides = [1, 1]} : vector<16x4096xi32> to vector<8x4096xi32>
    %ge3A_1344 = arith.cmpf oge, %slice3A_1340, %slice3A_1342 : vector<8x4096xf32>
    %max3A_1345 = arith.maximumf %slice3A_1340, %slice3A_1342 : vector<8x4096xf32>
    %select_n3A_1346 = arith.select %ge3A_1344, %slice3A_1341, %slice3A_1343 : vector<8x4096xi1>, vector<8x4096xi32>
    %slice3A_1347 = vector.extract_strided_slice %min3A_1274 {offsets = [0, 0], sizes = [8, 4096], strides = [1, 1]} : vector<16x4096xf32> to vector<8x4096xf32>
    %slice3A_1348 = vector.extract_strided_slice %select_n3A_1276 {offsets = [0, 0], sizes = [8, 4096], strides = [1, 1]} : vector<16x4096xi32> to vector<8x4096xi32>
    %slice3A_1349 = vector.extract_strided_slice %max3A_1336 {offsets = [8, 0], sizes = [8, 4096], strides = [1, 1]} : vector<16x4096xf32> to vector<8x4096xf32>
    %slice3A_1350 = vector.extract_strided_slice %select_n3A_1338 {offsets = [8, 0], sizes = [8, 4096], strides = [1, 1]} : vector<16x4096xi32> to vector<8x4096xi32>
    %ge3A_1351 = arith.cmpf oge, %slice3A_1347, %slice3A_1349 : vector<8x4096xf32>
    %max3A_1352 = arith.maximumf %slice3A_1347, %slice3A_1349 : vector<8x4096xf32>
    %select_n3A_1353 = arith.select %ge3A_1351, %slice3A_1348, %slice3A_1350 : vector<8x4096xi1>, vector<8x4096xi32>
    %slice3A_1354 = vector.extract_strided_slice %max3A_1282 {offsets = [0, 0], sizes = [8, 4096], strides = [1, 1]} : vector<16x4096xf32> to vector<8x4096xf32>
    %slice3A_1355 = vector.extract_strided_slice %select_n3A_1284 {offsets = [0, 0], sizes = [8, 4096], strides = [1, 1]} : vector<16x4096xi32> to vector<8x4096xi32>
    %slice3A_1356 = vector.extract_strided_slice %min3A_1328 {offsets = [8, 0], sizes = [8, 4096], strides = [1, 1]} : vector<16x4096xf32> to vector<8x4096xf32>
    %slice3A_1357 = vector.extract_strided_slice %select_n3A_1330 {offsets = [8, 0], sizes = [8, 4096], strides = [1, 1]} : vector<16x4096xi32> to vector<8x4096xi32>
    %ge3A_1358 = arith.cmpf oge, %slice3A_1354, %slice3A_1356 : vector<8x4096xf32>
    %max3A_1359 = arith.maximumf %slice3A_1354, %slice3A_1356 : vector<8x4096xf32>
    %select_n3A_1360 = arith.select %ge3A_1358, %slice3A_1355, %slice3A_1357 : vector<8x4096xi1>, vector<8x4096xi32>
    %slice3A_1361 = vector.extract_strided_slice %min3A_1283 {offsets = [0, 0], sizes = [8, 4096], strides = [1, 1]} : vector<16x4096xf32> to vector<8x4096xf32>
    %slice3A_1362 = vector.extract_strided_slice %select_n3A_1285 {offsets = [0, 0], sizes = [8, 4096], strides = [1, 1]} : vector<16x4096xi32> to vector<8x4096xi32>
    %slice3A_1363 = vector.extract_strided_slice %max3A_1327 {offsets = [8, 0], sizes = [8, 4096], strides = [1, 1]} : vector<16x4096xf32> to vector<8x4096xf32>
    %slice3A_1364 = vector.extract_strided_slice %select_n3A_1329 {offsets = [8, 0], sizes = [8, 4096], strides = [1, 1]} : vector<16x4096xi32> to vector<8x4096xi32>
    %ge3A_1365 = arith.cmpf oge, %slice3A_1361, %slice3A_1363 : vector<8x4096xf32>
    %max3A_1366 = arith.maximumf %slice3A_1361, %slice3A_1363 : vector<8x4096xf32>
    %select_n3A_1367 = arith.select %ge3A_1365, %slice3A_1362, %slice3A_1364 : vector<8x4096xi1>, vector<8x4096xi32>
    %slice3A_1368 = vector.extract_strided_slice %max3A_1291 {offsets = [0, 0], sizes = [8, 4096], strides = [1, 1]} : vector<16x4096xf32> to vector<8x4096xf32>
    %slice3A_1369 = vector.extract_strided_slice %select_n3A_1293 {offsets = [0, 0], sizes = [8, 4096], strides = [1, 1]} : vector<16x4096xi32> to vector<8x4096xi32>
    %slice3A_1370 = vector.extract_strided_slice %min3A_1319 {offsets = [8, 0], sizes = [8, 4096], strides = [1, 1]} : vector<16x4096xf32> to vector<8x4096xf32>
    %slice3A_1371 = vector.extract_strided_slice %select_n3A_1321 {offsets = [8, 0], sizes = [8, 4096], strides = [1, 1]} : vector<16x4096xi32> to vector<8x4096xi32>
    %ge3A_1372 = arith.cmpf oge, %slice3A_1368, %slice3A_1370 : vector<8x4096xf32>
    %max3A_1373 = arith.maximumf %slice3A_1368, %slice3A_1370 : vector<8x4096xf32>
    %select_n3A_1374 = arith.select %ge3A_1372, %slice3A_1369, %slice3A_1371 : vector<8x4096xi1>, vector<8x4096xi32>
    %slice3A_1375 = vector.extract_strided_slice %min3A_1292 {offsets = [0, 0], sizes = [8, 4096], strides = [1, 1]} : vector<16x4096xf32> to vector<8x4096xf32>
    %slice3A_1376 = vector.extract_strided_slice %select_n3A_1294 {offsets = [0, 0], sizes = [8, 4096], strides = [1, 1]} : vector<16x4096xi32> to vector<8x4096xi32>
    %slice3A_1377 = vector.extract_strided_slice %max3A_1318 {offsets = [8, 0], sizes = [8, 4096], strides = [1, 1]} : vector<16x4096xf32> to vector<8x4096xf32>
    %slice3A_1378 = vector.extract_strided_slice %select_n3A_1320 {offsets = [8, 0], sizes = [8, 4096], strides = [1, 1]} : vector<16x4096xi32> to vector<8x4096xi32>
    %ge3A_1379 = arith.cmpf oge, %slice3A_1375, %slice3A_1377 : vector<8x4096xf32>
    %max3A_1380 = arith.maximumf %slice3A_1375, %slice3A_1377 : vector<8x4096xf32>
    %select_n3A_1381 = arith.select %ge3A_1379, %slice3A_1376, %slice3A_1378 : vector<8x4096xi1>, vector<8x4096xi32>
    %slice3A_1382 = vector.extract_strided_slice %max3A_1300 {offsets = [0, 0], sizes = [8, 4096], strides = [1, 1]} : vector<16x4096xf32> to vector<8x4096xf32>
    %slice3A_1383 = vector.extract_strided_slice %select_n3A_1302 {offsets = [0, 0], sizes = [8, 4096], strides = [1, 1]} : vector<16x4096xi32> to vector<8x4096xi32>
    %slice3A_1384 = vector.extract_strided_slice %min3A_1310 {offsets = [8, 0], sizes = [8, 4096], strides = [1, 1]} : vector<16x4096xf32> to vector<8x4096xf32>
    %slice3A_1385 = vector.extract_strided_slice %select_n3A_1312 {offsets = [8, 0], sizes = [8, 4096], strides = [1, 1]} : vector<16x4096xi32> to vector<8x4096xi32>
    %ge3A_1386 = arith.cmpf oge, %slice3A_1382, %slice3A_1384 : vector<8x4096xf32>
    %max3A_1387 = arith.maximumf %slice3A_1382, %slice3A_1384 : vector<8x4096xf32>
    %select_n3A_1388 = arith.select %ge3A_1386, %slice3A_1383, %slice3A_1385 : vector<8x4096xi1>, vector<8x4096xi32>
    %slice3A_1389 = vector.extract_strided_slice %min3A_1301 {offsets = [0, 0], sizes = [8, 4096], strides = [1, 1]} : vector<16x4096xf32> to vector<8x4096xf32>
    %slice3A_1390 = vector.extract_strided_slice %select_n3A_1303 {offsets = [0, 0], sizes = [8, 4096], strides = [1, 1]} : vector<16x4096xi32> to vector<8x4096xi32>
    %slice3A_1391 = vector.extract_strided_slice %max3A_1309 {offsets = [8, 0], sizes = [8, 4096], strides = [1, 1]} : vector<16x4096xf32> to vector<8x4096xf32>
    %slice3A_1392 = vector.extract_strided_slice %select_n3A_1311 {offsets = [8, 0], sizes = [8, 4096], strides = [1, 1]} : vector<16x4096xi32> to vector<8x4096xi32>
    %ge3A_1393 = arith.cmpf oge, %slice3A_1389, %slice3A_1391 : vector<8x4096xf32>
    %max3A_1394 = arith.maximumf %slice3A_1389, %slice3A_1391 : vector<8x4096xf32>
    %select_n3A_1395 = arith.select %ge3A_1393, %slice3A_1390, %slice3A_1392 : vector<8x4096xi1>, vector<8x4096xi32>
    %slice3A_1396 = vector.extract_strided_slice %max3A_1309 {offsets = [0, 0], sizes = [8, 4096], strides = [1, 1]} : vector<16x4096xf32> to vector<8x4096xf32>
    %slice3A_1397 = vector.extract_strided_slice %select_n3A_1311 {offsets = [0, 0], sizes = [8, 4096], strides = [1, 1]} : vector<16x4096xi32> to vector<8x4096xi32>
    %slice3A_1398 = vector.extract_strided_slice %min3A_1301 {offsets = [8, 0], sizes = [8, 4096], strides = [1, 1]} : vector<16x4096xf32> to vector<8x4096xf32>
    %slice3A_1399 = vector.extract_strided_slice %select_n3A_1303 {offsets = [8, 0], sizes = [8, 4096], strides = [1, 1]} : vector<16x4096xi32> to vector<8x4096xi32>
    %ge3A_1400 = arith.cmpf oge, %slice3A_1396, %slice3A_1398 : vector<8x4096xf32>
    %max3A_1401 = arith.maximumf %slice3A_1396, %slice3A_1398 : vector<8x4096xf32>
    %select_n3A_1402 = arith.select %ge3A_1400, %slice3A_1397, %slice3A_1399 : vector<8x4096xi1>, vector<8x4096xi32>
    %slice3A_1403 = vector.extract_strided_slice %min3A_1310 {offsets = [0, 0], sizes = [8, 4096], strides = [1, 1]} : vector<16x4096xf32> to vector<8x4096xf32>
    %slice3A_1404 = vector.extract_strided_slice %select_n3A_1312 {offsets = [0, 0], sizes = [8, 4096], strides = [1, 1]} : vector<16x4096xi32> to vector<8x4096xi32>
    %slice3A_1405 = vector.extract_strided_slice %max3A_1300 {offsets = [8, 0], sizes = [8, 4096], strides = [1, 1]} : vector<16x4096xf32> to vector<8x4096xf32>
    %slice3A_1406 = vector.extract_strided_slice %select_n3A_1302 {offsets = [8, 0], sizes = [8, 4096], strides = [1, 1]} : vector<16x4096xi32> to vector<8x4096xi32>
    %ge3A_1407 = arith.cmpf oge, %slice3A_1403, %slice3A_1405 : vector<8x4096xf32>
    %max3A_1408 = arith.maximumf %slice3A_1403, %slice3A_1405 : vector<8x4096xf32>
    %select_n3A_1409 = arith.select %ge3A_1407, %slice3A_1404, %slice3A_1406 : vector<8x4096xi1>, vector<8x4096xi32>
    %slice3A_1410 = vector.extract_strided_slice %max3A_1318 {offsets = [0, 0], sizes = [8, 4096], strides = [1, 1]} : vector<16x4096xf32> to vector<8x4096xf32>
    %slice3A_1411 = vector.extract_strided_slice %select_n3A_1320 {offsets = [0, 0], sizes = [8, 4096], strides = [1, 1]} : vector<16x4096xi32> to vector<8x4096xi32>
    %slice3A_1412 = vector.extract_strided_slice %min3A_1292 {offsets = [8, 0], sizes = [8, 4096], strides = [1, 1]} : vector<16x4096xf32> to vector<8x4096xf32>
    %slice3A_1413 = vector.extract_strided_slice %select_n3A_1294 {offsets = [8, 0], sizes = [8, 4096], strides = [1, 1]} : vector<16x4096xi32> to vector<8x4096xi32>
    %ge3A_1414 = arith.cmpf oge, %slice3A_1410, %slice3A_1412 : vector<8x4096xf32>
    %max3A_1415 = arith.maximumf %slice3A_1410, %slice3A_1412 : vector<8x4096xf32>
    %select_n3A_1416 = arith.select %ge3A_1414, %slice3A_1411, %slice3A_1413 : vector<8x4096xi1>, vector<8x4096xi32>
    %slice3A_1417 = vector.extract_strided_slice %min3A_1319 {offsets = [0, 0], sizes = [8, 4096], strides = [1, 1]} : vector<16x4096xf32> to vector<8x4096xf32>
    %slice3A_1418 = vector.extract_strided_slice %select_n3A_1321 {offsets = [0, 0], sizes = [8, 4096], strides = [1, 1]} : vector<16x4096xi32> to vector<8x4096xi32>
    %slice3A_1419 = vector.extract_strided_slice %max3A_1291 {offsets = [8, 0], sizes = [8, 4096], strides = [1, 1]} : vector<16x4096xf32> to vector<8x4096xf32>
    %slice3A_1420 = vector.extract_strided_slice %select_n3A_1293 {offsets = [8, 0], sizes = [8, 4096], strides = [1, 1]} : vector<16x4096xi32> to vector<8x4096xi32>
    %ge3A_1421 = arith.cmpf oge, %slice3A_1417, %slice3A_1419 : vector<8x4096xf32>
    %max3A_1422 = arith.maximumf %slice3A_1417, %slice3A_1419 : vector<8x4096xf32>
    %select_n3A_1423 = arith.select %ge3A_1421, %slice3A_1418, %slice3A_1420 : vector<8x4096xi1>, vector<8x4096xi32>
    %slice3A_1424 = vector.extract_strided_slice %max3A_1327 {offsets = [0, 0], sizes = [8, 4096], strides = [1, 1]} : vector<16x4096xf32> to vector<8x4096xf32>
    %slice3A_1425 = vector.extract_strided_slice %select_n3A_1329 {offsets = [0, 0], sizes = [8, 4096], strides = [1, 1]} : vector<16x4096xi32> to vector<8x4096xi32>
    %slice3A_1426 = vector.extract_strided_slice %min3A_1283 {offsets = [8, 0], sizes = [8, 4096], strides = [1, 1]} : vector<16x4096xf32> to vector<8x4096xf32>
    %slice3A_1427 = vector.extract_strided_slice %select_n3A_1285 {offsets = [8, 0], sizes = [8, 4096], strides = [1, 1]} : vector<16x4096xi32> to vector<8x4096xi32>
    %ge3A_1428 = arith.cmpf oge, %slice3A_1424, %slice3A_1426 : vector<8x4096xf32>
    %max3A_1429 = arith.maximumf %slice3A_1424, %slice3A_1426 : vector<8x4096xf32>
    %select_n3A_1430 = arith.select %ge3A_1428, %slice3A_1425, %slice3A_1427 : vector<8x4096xi1>, vector<8x4096xi32>
    %slice3A_1431 = vector.extract_strided_slice %min3A_1328 {offsets = [0, 0], sizes = [8, 4096], strides = [1, 1]} : vector<16x4096xf32> to vector<8x4096xf32>
    %slice3A_1432 = vector.extract_strided_slice %select_n3A_1330 {offsets = [0, 0], sizes = [8, 4096], strides = [1, 1]} : vector<16x4096xi32> to vector<8x4096xi32>
    %slice3A_1433 = vector.extract_strided_slice %max3A_1282 {offsets = [8, 0], sizes = [8, 4096], strides = [1, 1]} : vector<16x4096xf32> to vector<8x4096xf32>
    %slice3A_1434 = vector.extract_strided_slice %select_n3A_1284 {offsets = [8, 0], sizes = [8, 4096], strides = [1, 1]} : vector<16x4096xi32> to vector<8x4096xi32>
    %ge3A_1435 = arith.cmpf oge, %slice3A_1431, %slice3A_1433 : vector<8x4096xf32>
    %max3A_1436 = arith.maximumf %slice3A_1431, %slice3A_1433 : vector<8x4096xf32>
    %select_n3A_1437 = arith.select %ge3A_1435, %slice3A_1432, %slice3A_1434 : vector<8x4096xi1>, vector<8x4096xi32>
    %slice3A_1438 = vector.extract_strided_slice %max3A_1336 {offsets = [0, 0], sizes = [8, 4096], strides = [1, 1]} : vector<16x4096xf32> to vector<8x4096xf32>
    %slice3A_1439 = vector.extract_strided_slice %select_n3A_1338 {offsets = [0, 0], sizes = [8, 4096], strides = [1, 1]} : vector<16x4096xi32> to vector<8x4096xi32>
    %slice3A_1440 = vector.extract_strided_slice %min3A_1274 {offsets = [8, 0], sizes = [8, 4096], strides = [1, 1]} : vector<16x4096xf32> to vector<8x4096xf32>
    %slice3A_1441 = vector.extract_strided_slice %select_n3A_1276 {offsets = [8, 0], sizes = [8, 4096], strides = [1, 1]} : vector<16x4096xi32> to vector<8x4096xi32>
    %ge3A_1442 = arith.cmpf oge, %slice3A_1438, %slice3A_1440 : vector<8x4096xf32>
    %max3A_1443 = arith.maximumf %slice3A_1438, %slice3A_1440 : vector<8x4096xf32>
    %select_n3A_1444 = arith.select %ge3A_1442, %slice3A_1439, %slice3A_1441 : vector<8x4096xi1>, vector<8x4096xi32>
    %slice3A_1445 = vector.extract_strided_slice %min3A_1337 {offsets = [0, 0], sizes = [8, 4096], strides = [1, 1]} : vector<16x4096xf32> to vector<8x4096xf32>
    %slice3A_1446 = vector.extract_strided_slice %select_n3A_1339 {offsets = [0, 0], sizes = [8, 4096], strides = [1, 1]} : vector<16x4096xi32> to vector<8x4096xi32>
    %slice3A_1447 = vector.extract_strided_slice %max3A_1273 {offsets = [8, 0], sizes = [8, 4096], strides = [1, 1]} : vector<16x4096xf32> to vector<8x4096xf32>
    %slice3A_1448 = vector.extract_strided_slice %select_n3A_1275 {offsets = [8, 0], sizes = [8, 4096], strides = [1, 1]} : vector<16x4096xi32> to vector<8x4096xi32>
    %ge3A_1449 = arith.cmpf oge, %slice3A_1445, %slice3A_1447 : vector<8x4096xf32>
    %max3A_1450 = arith.maximumf %slice3A_1445, %slice3A_1447 : vector<8x4096xf32>
    %select_n3A_1451 = arith.select %ge3A_1449, %slice3A_1446, %slice3A_1448 : vector<8x4096xi1>, vector<8x4096xi32>
    %gt3A_1452 = arith.cmpf ogt, %max3A_1345, %max3A_1401 : vector<8x4096xf32>
    %eq3A_1453 = arith.cmpf oeq, %max3A_1345, %max3A_1401 : vector<8x4096xf32>
    %lt3A_1454 = arith.cmpi slt, %select_n3A_1346, %select_n3A_1402 : vector<8x4096xi32>
    %and3A_1455 = arith.andi %eq3A_1453, %lt3A_1454 : vector<8x4096xi1>
    %or3A_1456 = arith.ori %gt3A_1452, %and3A_1455 : vector<8x4096xi1>
    %max3A_1457 = arith.maximumf %max3A_1345, %max3A_1401 : vector<8x4096xf32>
    %min3A_1458 = arith.minimumf %max3A_1345, %max3A_1401 : vector<8x4096xf32>
    %select_n3A_1459 = arith.select %or3A_1456, %select_n3A_1346, %select_n3A_1402 : vector<8x4096xi1>, vector<8x4096xi32>
    %select_n3A_1460 = arith.select %or3A_1456, %select_n3A_1402, %select_n3A_1346 : vector<8x4096xi1>, vector<8x4096xi32>
    %gt3A_1461 = arith.cmpf ogt, %max3A_1352, %max3A_1408 : vector<8x4096xf32>
    %eq3A_1462 = arith.cmpf oeq, %max3A_1352, %max3A_1408 : vector<8x4096xf32>
    %lt3A_1463 = arith.cmpi slt, %select_n3A_1353, %select_n3A_1409 : vector<8x4096xi32>
    %and3A_1464 = arith.andi %eq3A_1462, %lt3A_1463 : vector<8x4096xi1>
    %or3A_1465 = arith.ori %gt3A_1461, %and3A_1464 : vector<8x4096xi1>
    %max3A_1466 = arith.maximumf %max3A_1352, %max3A_1408 : vector<8x4096xf32>
    %min3A_1467 = arith.minimumf %max3A_1352, %max3A_1408 : vector<8x4096xf32>
    %select_n3A_1468 = arith.select %or3A_1465, %select_n3A_1353, %select_n3A_1409 : vector<8x4096xi1>, vector<8x4096xi32>
    %select_n3A_1469 = arith.select %or3A_1465, %select_n3A_1409, %select_n3A_1353 : vector<8x4096xi1>, vector<8x4096xi32>
    %gt3A_1470 = arith.cmpf ogt, %max3A_1359, %max3A_1415 : vector<8x4096xf32>
    %eq3A_1471 = arith.cmpf oeq, %max3A_1359, %max3A_1415 : vector<8x4096xf32>
    %lt3A_1472 = arith.cmpi slt, %select_n3A_1360, %select_n3A_1416 : vector<8x4096xi32>
    %and3A_1473 = arith.andi %eq3A_1471, %lt3A_1472 : vector<8x4096xi1>
    %or3A_1474 = arith.ori %gt3A_1470, %and3A_1473 : vector<8x4096xi1>
    %max3A_1475 = arith.maximumf %max3A_1359, %max3A_1415 : vector<8x4096xf32>
    %min3A_1476 = arith.minimumf %max3A_1359, %max3A_1415 : vector<8x4096xf32>
    %select_n3A_1477 = arith.select %or3A_1474, %select_n3A_1360, %select_n3A_1416 : vector<8x4096xi1>, vector<8x4096xi32>
    %select_n3A_1478 = arith.select %or3A_1474, %select_n3A_1416, %select_n3A_1360 : vector<8x4096xi1>, vector<8x4096xi32>
    %gt3A_1479 = arith.cmpf ogt, %max3A_1366, %max3A_1422 : vector<8x4096xf32>
    %eq3A_1480 = arith.cmpf oeq, %max3A_1366, %max3A_1422 : vector<8x4096xf32>
    %lt3A_1481 = arith.cmpi slt, %select_n3A_1367, %select_n3A_1423 : vector<8x4096xi32>
    %and3A_1482 = arith.andi %eq3A_1480, %lt3A_1481 : vector<8x4096xi1>
    %or3A_1483 = arith.ori %gt3A_1479, %and3A_1482 : vector<8x4096xi1>
    %max3A_1484 = arith.maximumf %max3A_1366, %max3A_1422 : vector<8x4096xf32>
    %min3A_1485 = arith.minimumf %max3A_1366, %max3A_1422 : vector<8x4096xf32>
    %select_n3A_1486 = arith.select %or3A_1483, %select_n3A_1367, %select_n3A_1423 : vector<8x4096xi1>, vector<8x4096xi32>
    %select_n3A_1487 = arith.select %or3A_1483, %select_n3A_1423, %select_n3A_1367 : vector<8x4096xi1>, vector<8x4096xi32>
    %gt3A_1488 = arith.cmpf ogt, %max3A_1373, %max3A_1429 : vector<8x4096xf32>
    %eq3A_1489 = arith.cmpf oeq, %max3A_1373, %max3A_1429 : vector<8x4096xf32>
    %lt3A_1490 = arith.cmpi slt, %select_n3A_1374, %select_n3A_1430 : vector<8x4096xi32>
    %and3A_1491 = arith.andi %eq3A_1489, %lt3A_1490 : vector<8x4096xi1>
    %or3A_1492 = arith.ori %gt3A_1488, %and3A_1491 : vector<8x4096xi1>
    %max3A_1493 = arith.maximumf %max3A_1373, %max3A_1429 : vector<8x4096xf32>
    %min3A_1494 = arith.minimumf %max3A_1373, %max3A_1429 : vector<8x4096xf32>
    %select_n3A_1495 = arith.select %or3A_1492, %select_n3A_1374, %select_n3A_1430 : vector<8x4096xi1>, vector<8x4096xi32>
    %select_n3A_1496 = arith.select %or3A_1492, %select_n3A_1430, %select_n3A_1374 : vector<8x4096xi1>, vector<8x4096xi32>
    %gt3A_1497 = arith.cmpf ogt, %max3A_1380, %max3A_1436 : vector<8x4096xf32>
    %eq3A_1498 = arith.cmpf oeq, %max3A_1380, %max3A_1436 : vector<8x4096xf32>
    %lt3A_1499 = arith.cmpi slt, %select_n3A_1381, %select_n3A_1437 : vector<8x4096xi32>
    %and3A_1500 = arith.andi %eq3A_1498, %lt3A_1499 : vector<8x4096xi1>
    %or3A_1501 = arith.ori %gt3A_1497, %and3A_1500 : vector<8x4096xi1>
    %max3A_1502 = arith.maximumf %max3A_1380, %max3A_1436 : vector<8x4096xf32>
    %min3A_1503 = arith.minimumf %max3A_1380, %max3A_1436 : vector<8x4096xf32>
    %select_n3A_1504 = arith.select %or3A_1501, %select_n3A_1381, %select_n3A_1437 : vector<8x4096xi1>, vector<8x4096xi32>
    %select_n3A_1505 = arith.select %or3A_1501, %select_n3A_1437, %select_n3A_1381 : vector<8x4096xi1>, vector<8x4096xi32>
    %gt3A_1506 = arith.cmpf ogt, %max3A_1387, %max3A_1443 : vector<8x4096xf32>
    %eq3A_1507 = arith.cmpf oeq, %max3A_1387, %max3A_1443 : vector<8x4096xf32>
    %lt3A_1508 = arith.cmpi slt, %select_n3A_1388, %select_n3A_1444 : vector<8x4096xi32>
    %and3A_1509 = arith.andi %eq3A_1507, %lt3A_1508 : vector<8x4096xi1>
    %or3A_1510 = arith.ori %gt3A_1506, %and3A_1509 : vector<8x4096xi1>
    %max3A_1511 = arith.maximumf %max3A_1387, %max3A_1443 : vector<8x4096xf32>
    %min3A_1512 = arith.minimumf %max3A_1387, %max3A_1443 : vector<8x4096xf32>
    %select_n3A_1513 = arith.select %or3A_1510, %select_n3A_1388, %select_n3A_1444 : vector<8x4096xi1>, vector<8x4096xi32>
    %select_n3A_1514 = arith.select %or3A_1510, %select_n3A_1444, %select_n3A_1388 : vector<8x4096xi1>, vector<8x4096xi32>
    %gt3A_1515 = arith.cmpf ogt, %max3A_1394, %max3A_1450 : vector<8x4096xf32>
    %eq3A_1516 = arith.cmpf oeq, %max3A_1394, %max3A_1450 : vector<8x4096xf32>
    %lt3A_1517 = arith.cmpi slt, %select_n3A_1395, %select_n3A_1451 : vector<8x4096xi32>
    %and3A_1518 = arith.andi %eq3A_1516, %lt3A_1517 : vector<8x4096xi1>
    %or3A_1519 = arith.ori %gt3A_1515, %and3A_1518 : vector<8x4096xi1>
    %max3A_1520 = arith.maximumf %max3A_1394, %max3A_1450 : vector<8x4096xf32>
    %min3A_1521 = arith.minimumf %max3A_1394, %max3A_1450 : vector<8x4096xf32>
    %select_n3A_1522 = arith.select %or3A_1519, %select_n3A_1395, %select_n3A_1451 : vector<8x4096xi1>, vector<8x4096xi32>
    %select_n3A_1523 = arith.select %or3A_1519, %select_n3A_1451, %select_n3A_1395 : vector<8x4096xi1>, vector<8x4096xi32>
    %gt3A_1524 = arith.cmpf ogt, %max3A_1457, %max3A_1493 : vector<8x4096xf32>
    %eq3A_1525 = arith.cmpf oeq, %max3A_1457, %max3A_1493 : vector<8x4096xf32>
    %lt3A_1526 = arith.cmpi slt, %select_n3A_1459, %select_n3A_1495 : vector<8x4096xi32>
    %and3A_1527 = arith.andi %eq3A_1525, %lt3A_1526 : vector<8x4096xi1>
    %or3A_1528 = arith.ori %gt3A_1524, %and3A_1527 : vector<8x4096xi1>
    %max3A_1529 = arith.maximumf %max3A_1457, %max3A_1493 : vector<8x4096xf32>
    %min3A_1530 = arith.minimumf %max3A_1457, %max3A_1493 : vector<8x4096xf32>
    %select_n3A_1531 = arith.select %or3A_1528, %select_n3A_1459, %select_n3A_1495 : vector<8x4096xi1>, vector<8x4096xi32>
    %select_n3A_1532 = arith.select %or3A_1528, %select_n3A_1495, %select_n3A_1459 : vector<8x4096xi1>, vector<8x4096xi32>
    %gt3A_1533 = arith.cmpf ogt, %max3A_1466, %max3A_1502 : vector<8x4096xf32>
    %eq3A_1534 = arith.cmpf oeq, %max3A_1466, %max3A_1502 : vector<8x4096xf32>
    %lt3A_1535 = arith.cmpi slt, %select_n3A_1468, %select_n3A_1504 : vector<8x4096xi32>
    %and3A_1536 = arith.andi %eq3A_1534, %lt3A_1535 : vector<8x4096xi1>
    %or3A_1537 = arith.ori %gt3A_1533, %and3A_1536 : vector<8x4096xi1>
    %max3A_1538 = arith.maximumf %max3A_1466, %max3A_1502 : vector<8x4096xf32>
    %min3A_1539 = arith.minimumf %max3A_1466, %max3A_1502 : vector<8x4096xf32>
    %select_n3A_1540 = arith.select %or3A_1537, %select_n3A_1468, %select_n3A_1504 : vector<8x4096xi1>, vector<8x4096xi32>
    %select_n3A_1541 = arith.select %or3A_1537, %select_n3A_1504, %select_n3A_1468 : vector<8x4096xi1>, vector<8x4096xi32>
    %gt3A_1542 = arith.cmpf ogt, %max3A_1475, %max3A_1511 : vector<8x4096xf32>
    %eq3A_1543 = arith.cmpf oeq, %max3A_1475, %max3A_1511 : vector<8x4096xf32>
    %lt3A_1544 = arith.cmpi slt, %select_n3A_1477, %select_n3A_1513 : vector<8x4096xi32>
    %and3A_1545 = arith.andi %eq3A_1543, %lt3A_1544 : vector<8x4096xi1>
    %or3A_1546 = arith.ori %gt3A_1542, %and3A_1545 : vector<8x4096xi1>
    %max3A_1547 = arith.maximumf %max3A_1475, %max3A_1511 : vector<8x4096xf32>
    %min3A_1548 = arith.minimumf %max3A_1475, %max3A_1511 : vector<8x4096xf32>
    %select_n3A_1549 = arith.select %or3A_1546, %select_n3A_1477, %select_n3A_1513 : vector<8x4096xi1>, vector<8x4096xi32>
    %select_n3A_1550 = arith.select %or3A_1546, %select_n3A_1513, %select_n3A_1477 : vector<8x4096xi1>, vector<8x4096xi32>
    %gt3A_1551 = arith.cmpf ogt, %max3A_1484, %max3A_1520 : vector<8x4096xf32>
    %eq3A_1552 = arith.cmpf oeq, %max3A_1484, %max3A_1520 : vector<8x4096xf32>
    %lt3A_1553 = arith.cmpi slt, %select_n3A_1486, %select_n3A_1522 : vector<8x4096xi32>
    %and3A_1554 = arith.andi %eq3A_1552, %lt3A_1553 : vector<8x4096xi1>
    %or3A_1555 = arith.ori %gt3A_1551, %and3A_1554 : vector<8x4096xi1>
    %max3A_1556 = arith.maximumf %max3A_1484, %max3A_1520 : vector<8x4096xf32>
    %min3A_1557 = arith.minimumf %max3A_1484, %max3A_1520 : vector<8x4096xf32>
    %select_n3A_1558 = arith.select %or3A_1555, %select_n3A_1486, %select_n3A_1522 : vector<8x4096xi1>, vector<8x4096xi32>
    %select_n3A_1559 = arith.select %or3A_1555, %select_n3A_1522, %select_n3A_1486 : vector<8x4096xi1>, vector<8x4096xi32>
    %gt3A_1560 = arith.cmpf ogt, %min3A_1458, %min3A_1494 : vector<8x4096xf32>
    %eq3A_1561 = arith.cmpf oeq, %min3A_1458, %min3A_1494 : vector<8x4096xf32>
    %lt3A_1562 = arith.cmpi slt, %select_n3A_1460, %select_n3A_1496 : vector<8x4096xi32>
    %and3A_1563 = arith.andi %eq3A_1561, %lt3A_1562 : vector<8x4096xi1>
    %or3A_1564 = arith.ori %gt3A_1560, %and3A_1563 : vector<8x4096xi1>
    %max3A_1565 = arith.maximumf %min3A_1458, %min3A_1494 : vector<8x4096xf32>
    %min3A_1566 = arith.minimumf %min3A_1458, %min3A_1494 : vector<8x4096xf32>
    %select_n3A_1567 = arith.select %or3A_1564, %select_n3A_1460, %select_n3A_1496 : vector<8x4096xi1>, vector<8x4096xi32>
    %select_n3A_1568 = arith.select %or3A_1564, %select_n3A_1496, %select_n3A_1460 : vector<8x4096xi1>, vector<8x4096xi32>
    %gt3A_1569 = arith.cmpf ogt, %min3A_1467, %min3A_1503 : vector<8x4096xf32>
    %eq3A_1570 = arith.cmpf oeq, %min3A_1467, %min3A_1503 : vector<8x4096xf32>
    %lt3A_1571 = arith.cmpi slt, %select_n3A_1469, %select_n3A_1505 : vector<8x4096xi32>
    %and3A_1572 = arith.andi %eq3A_1570, %lt3A_1571 : vector<8x4096xi1>
    %or3A_1573 = arith.ori %gt3A_1569, %and3A_1572 : vector<8x4096xi1>
    %max3A_1574 = arith.maximumf %min3A_1467, %min3A_1503 : vector<8x4096xf32>
    %min3A_1575 = arith.minimumf %min3A_1467, %min3A_1503 : vector<8x4096xf32>
    %select_n3A_1576 = arith.select %or3A_1573, %select_n3A_1469, %select_n3A_1505 : vector<8x4096xi1>, vector<8x4096xi32>
    %select_n3A_1577 = arith.select %or3A_1573, %select_n3A_1505, %select_n3A_1469 : vector<8x4096xi1>, vector<8x4096xi32>
    %gt3A_1578 = arith.cmpf ogt, %min3A_1476, %min3A_1512 : vector<8x4096xf32>
    %eq3A_1579 = arith.cmpf oeq, %min3A_1476, %min3A_1512 : vector<8x4096xf32>
    %lt3A_1580 = arith.cmpi slt, %select_n3A_1478, %select_n3A_1514 : vector<8x4096xi32>
    %and3A_1581 = arith.andi %eq3A_1579, %lt3A_1580 : vector<8x4096xi1>
    %or3A_1582 = arith.ori %gt3A_1578, %and3A_1581 : vector<8x4096xi1>
    %max3A_1583 = arith.maximumf %min3A_1476, %min3A_1512 : vector<8x4096xf32>
    %min3A_1584 = arith.minimumf %min3A_1476, %min3A_1512 : vector<8x4096xf32>
    %select_n3A_1585 = arith.select %or3A_1582, %select_n3A_1478, %select_n3A_1514 : vector<8x4096xi1>, vector<8x4096xi32>
    %select_n3A_1586 = arith.select %or3A_1582, %select_n3A_1514, %select_n3A_1478 : vector<8x4096xi1>, vector<8x4096xi32>
    %gt3A_1587 = arith.cmpf ogt, %min3A_1485, %min3A_1521 : vector<8x4096xf32>
    %eq3A_1588 = arith.cmpf oeq, %min3A_1485, %min3A_1521 : vector<8x4096xf32>
    %lt3A_1589 = arith.cmpi slt, %select_n3A_1487, %select_n3A_1523 : vector<8x4096xi32>
    %and3A_1590 = arith.andi %eq3A_1588, %lt3A_1589 : vector<8x4096xi1>
    %or3A_1591 = arith.ori %gt3A_1587, %and3A_1590 : vector<8x4096xi1>
    %max3A_1592 = arith.maximumf %min3A_1485, %min3A_1521 : vector<8x4096xf32>
    %min3A_1593 = arith.minimumf %min3A_1485, %min3A_1521 : vector<8x4096xf32>
    %select_n3A_1594 = arith.select %or3A_1591, %select_n3A_1487, %select_n3A_1523 : vector<8x4096xi1>, vector<8x4096xi32>
    %select_n3A_1595 = arith.select %or3A_1591, %select_n3A_1523, %select_n3A_1487 : vector<8x4096xi1>, vector<8x4096xi32>
    %gt3A_1596 = arith.cmpf ogt, %max3A_1529, %max3A_1547 : vector<8x4096xf32>
    %eq3A_1597 = arith.cmpf oeq, %max3A_1529, %max3A_1547 : vector<8x4096xf32>
    %lt3A_1598 = arith.cmpi slt, %select_n3A_1531, %select_n3A_1549 : vector<8x4096xi32>
    %and3A_1599 = arith.andi %eq3A_1597, %lt3A_1598 : vector<8x4096xi1>
    %or3A_1600 = arith.ori %gt3A_1596, %and3A_1599 : vector<8x4096xi1>
    %max3A_1601 = arith.maximumf %max3A_1529, %max3A_1547 : vector<8x4096xf32>
    %min3A_1602 = arith.minimumf %max3A_1529, %max3A_1547 : vector<8x4096xf32>
    %select_n3A_1603 = arith.select %or3A_1600, %select_n3A_1531, %select_n3A_1549 : vector<8x4096xi1>, vector<8x4096xi32>
    %select_n3A_1604 = arith.select %or3A_1600, %select_n3A_1549, %select_n3A_1531 : vector<8x4096xi1>, vector<8x4096xi32>
    %gt3A_1605 = arith.cmpf ogt, %max3A_1538, %max3A_1556 : vector<8x4096xf32>
    %eq3A_1606 = arith.cmpf oeq, %max3A_1538, %max3A_1556 : vector<8x4096xf32>
    %lt3A_1607 = arith.cmpi slt, %select_n3A_1540, %select_n3A_1558 : vector<8x4096xi32>
    %and3A_1608 = arith.andi %eq3A_1606, %lt3A_1607 : vector<8x4096xi1>
    %or3A_1609 = arith.ori %gt3A_1605, %and3A_1608 : vector<8x4096xi1>
    %max3A_1610 = arith.maximumf %max3A_1538, %max3A_1556 : vector<8x4096xf32>
    %min3A_1611 = arith.minimumf %max3A_1538, %max3A_1556 : vector<8x4096xf32>
    %select_n3A_1612 = arith.select %or3A_1609, %select_n3A_1540, %select_n3A_1558 : vector<8x4096xi1>, vector<8x4096xi32>
    %select_n3A_1613 = arith.select %or3A_1609, %select_n3A_1558, %select_n3A_1540 : vector<8x4096xi1>, vector<8x4096xi32>
    %gt3A_1614 = arith.cmpf ogt, %min3A_1530, %min3A_1548 : vector<8x4096xf32>
    %eq3A_1615 = arith.cmpf oeq, %min3A_1530, %min3A_1548 : vector<8x4096xf32>
    %lt3A_1616 = arith.cmpi slt, %select_n3A_1532, %select_n3A_1550 : vector<8x4096xi32>
    %and3A_1617 = arith.andi %eq3A_1615, %lt3A_1616 : vector<8x4096xi1>
    %or3A_1618 = arith.ori %gt3A_1614, %and3A_1617 : vector<8x4096xi1>
    %max3A_1619 = arith.maximumf %min3A_1530, %min3A_1548 : vector<8x4096xf32>
    %min3A_1620 = arith.minimumf %min3A_1530, %min3A_1548 : vector<8x4096xf32>
    %select_n3A_1621 = arith.select %or3A_1618, %select_n3A_1532, %select_n3A_1550 : vector<8x4096xi1>, vector<8x4096xi32>
    %select_n3A_1622 = arith.select %or3A_1618, %select_n3A_1550, %select_n3A_1532 : vector<8x4096xi1>, vector<8x4096xi32>
    %gt3A_1623 = arith.cmpf ogt, %min3A_1539, %min3A_1557 : vector<8x4096xf32>
    %eq3A_1624 = arith.cmpf oeq, %min3A_1539, %min3A_1557 : vector<8x4096xf32>
    %lt3A_1625 = arith.cmpi slt, %select_n3A_1541, %select_n3A_1559 : vector<8x4096xi32>
    %and3A_1626 = arith.andi %eq3A_1624, %lt3A_1625 : vector<8x4096xi1>
    %or3A_1627 = arith.ori %gt3A_1623, %and3A_1626 : vector<8x4096xi1>
    %max3A_1628 = arith.maximumf %min3A_1539, %min3A_1557 : vector<8x4096xf32>
    %min3A_1629 = arith.minimumf %min3A_1539, %min3A_1557 : vector<8x4096xf32>
    %select_n3A_1630 = arith.select %or3A_1627, %select_n3A_1541, %select_n3A_1559 : vector<8x4096xi1>, vector<8x4096xi32>
    %select_n3A_1631 = arith.select %or3A_1627, %select_n3A_1559, %select_n3A_1541 : vector<8x4096xi1>, vector<8x4096xi32>
    %gt3A_1632 = arith.cmpf ogt, %max3A_1565, %max3A_1583 : vector<8x4096xf32>
    %eq3A_1633 = arith.cmpf oeq, %max3A_1565, %max3A_1583 : vector<8x4096xf32>
    %lt3A_1634 = arith.cmpi slt, %select_n3A_1567, %select_n3A_1585 : vector<8x4096xi32>
    %and3A_1635 = arith.andi %eq3A_1633, %lt3A_1634 : vector<8x4096xi1>
    %or3A_1636 = arith.ori %gt3A_1632, %and3A_1635 : vector<8x4096xi1>
    %max3A_1637 = arith.maximumf %max3A_1565, %max3A_1583 : vector<8x4096xf32>
    %min3A_1638 = arith.minimumf %max3A_1565, %max3A_1583 : vector<8x4096xf32>
    %select_n3A_1639 = arith.select %or3A_1636, %select_n3A_1567, %select_n3A_1585 : vector<8x4096xi1>, vector<8x4096xi32>
    %select_n3A_1640 = arith.select %or3A_1636, %select_n3A_1585, %select_n3A_1567 : vector<8x4096xi1>, vector<8x4096xi32>
    %gt3A_1641 = arith.cmpf ogt, %max3A_1574, %max3A_1592 : vector<8x4096xf32>
    %eq3A_1642 = arith.cmpf oeq, %max3A_1574, %max3A_1592 : vector<8x4096xf32>
    %lt3A_1643 = arith.cmpi slt, %select_n3A_1576, %select_n3A_1594 : vector<8x4096xi32>
    %and3A_1644 = arith.andi %eq3A_1642, %lt3A_1643 : vector<8x4096xi1>
    %or3A_1645 = arith.ori %gt3A_1641, %and3A_1644 : vector<8x4096xi1>
    %max3A_1646 = arith.maximumf %max3A_1574, %max3A_1592 : vector<8x4096xf32>
    %min3A_1647 = arith.minimumf %max3A_1574, %max3A_1592 : vector<8x4096xf32>
    %select_n3A_1648 = arith.select %or3A_1645, %select_n3A_1576, %select_n3A_1594 : vector<8x4096xi1>, vector<8x4096xi32>
    %select_n3A_1649 = arith.select %or3A_1645, %select_n3A_1594, %select_n3A_1576 : vector<8x4096xi1>, vector<8x4096xi32>
    %gt3A_1650 = arith.cmpf ogt, %min3A_1566, %min3A_1584 : vector<8x4096xf32>
    %eq3A_1651 = arith.cmpf oeq, %min3A_1566, %min3A_1584 : vector<8x4096xf32>
    %lt3A_1652 = arith.cmpi slt, %select_n3A_1568, %select_n3A_1586 : vector<8x4096xi32>
    %and3A_1653 = arith.andi %eq3A_1651, %lt3A_1652 : vector<8x4096xi1>
    %or3A_1654 = arith.ori %gt3A_1650, %and3A_1653 : vector<8x4096xi1>
    %max3A_1655 = arith.maximumf %min3A_1566, %min3A_1584 : vector<8x4096xf32>
    %min3A_1656 = arith.minimumf %min3A_1566, %min3A_1584 : vector<8x4096xf32>
    %select_n3A_1657 = arith.select %or3A_1654, %select_n3A_1568, %select_n3A_1586 : vector<8x4096xi1>, vector<8x4096xi32>
    %select_n3A_1658 = arith.select %or3A_1654, %select_n3A_1586, %select_n3A_1568 : vector<8x4096xi1>, vector<8x4096xi32>
    %gt3A_1659 = arith.cmpf ogt, %min3A_1575, %min3A_1593 : vector<8x4096xf32>
    %eq3A_1660 = arith.cmpf oeq, %min3A_1575, %min3A_1593 : vector<8x4096xf32>
    %lt3A_1661 = arith.cmpi slt, %select_n3A_1577, %select_n3A_1595 : vector<8x4096xi32>
    %and3A_1662 = arith.andi %eq3A_1660, %lt3A_1661 : vector<8x4096xi1>
    %or3A_1663 = arith.ori %gt3A_1659, %and3A_1662 : vector<8x4096xi1>
    %max3A_1664 = arith.maximumf %min3A_1575, %min3A_1593 : vector<8x4096xf32>
    %min3A_1665 = arith.minimumf %min3A_1575, %min3A_1593 : vector<8x4096xf32>
    %select_n3A_1666 = arith.select %or3A_1663, %select_n3A_1577, %select_n3A_1595 : vector<8x4096xi1>, vector<8x4096xi32>
    %select_n3A_1667 = arith.select %or3A_1663, %select_n3A_1595, %select_n3A_1577 : vector<8x4096xi1>, vector<8x4096xi32>
    %gt3A_1668 = arith.cmpf ogt, %max3A_1601, %max3A_1610 : vector<8x4096xf32>
    %eq3A_1669 = arith.cmpf oeq, %max3A_1601, %max3A_1610 : vector<8x4096xf32>
    %lt3A_1670 = arith.cmpi slt, %select_n3A_1603, %select_n3A_1612 : vector<8x4096xi32>
    %and3A_1671 = arith.andi %eq3A_1669, %lt3A_1670 : vector<8x4096xi1>
    %or3A_1672 = arith.ori %gt3A_1668, %and3A_1671 : vector<8x4096xi1>
    %max3A_1673 = arith.maximumf %max3A_1601, %max3A_1610 : vector<8x4096xf32>
    %min3A_1674 = arith.minimumf %max3A_1601, %max3A_1610 : vector<8x4096xf32>
    %select_n3A_1675 = arith.select %or3A_1672, %select_n3A_1603, %select_n3A_1612 : vector<8x4096xi1>, vector<8x4096xi32>
    %select_n3A_1676 = arith.select %or3A_1672, %select_n3A_1612, %select_n3A_1603 : vector<8x4096xi1>, vector<8x4096xi32>
    %gt3A_1677 = arith.cmpf ogt, %min3A_1602, %min3A_1611 : vector<8x4096xf32>
    %eq3A_1678 = arith.cmpf oeq, %min3A_1602, %min3A_1611 : vector<8x4096xf32>
    %lt3A_1679 = arith.cmpi slt, %select_n3A_1604, %select_n3A_1613 : vector<8x4096xi32>
    %and3A_1680 = arith.andi %eq3A_1678, %lt3A_1679 : vector<8x4096xi1>
    %or3A_1681 = arith.ori %gt3A_1677, %and3A_1680 : vector<8x4096xi1>
    %max3A_1682 = arith.maximumf %min3A_1602, %min3A_1611 : vector<8x4096xf32>
    %min3A_1683 = arith.minimumf %min3A_1602, %min3A_1611 : vector<8x4096xf32>
    %select_n3A_1684 = arith.select %or3A_1681, %select_n3A_1604, %select_n3A_1613 : vector<8x4096xi1>, vector<8x4096xi32>
    %select_n3A_1685 = arith.select %or3A_1681, %select_n3A_1613, %select_n3A_1604 : vector<8x4096xi1>, vector<8x4096xi32>
    %gt3A_1686 = arith.cmpf ogt, %max3A_1619, %max3A_1628 : vector<8x4096xf32>
    %eq3A_1687 = arith.cmpf oeq, %max3A_1619, %max3A_1628 : vector<8x4096xf32>
    %lt3A_1688 = arith.cmpi slt, %select_n3A_1621, %select_n3A_1630 : vector<8x4096xi32>
    %and3A_1689 = arith.andi %eq3A_1687, %lt3A_1688 : vector<8x4096xi1>
    %or3A_1690 = arith.ori %gt3A_1686, %and3A_1689 : vector<8x4096xi1>
    %max3A_1691 = arith.maximumf %max3A_1619, %max3A_1628 : vector<8x4096xf32>
    %min3A_1692 = arith.minimumf %max3A_1619, %max3A_1628 : vector<8x4096xf32>
    %select_n3A_1693 = arith.select %or3A_1690, %select_n3A_1621, %select_n3A_1630 : vector<8x4096xi1>, vector<8x4096xi32>
    %select_n3A_1694 = arith.select %or3A_1690, %select_n3A_1630, %select_n3A_1621 : vector<8x4096xi1>, vector<8x4096xi32>
    %gt3A_1695 = arith.cmpf ogt, %min3A_1620, %min3A_1629 : vector<8x4096xf32>
    %eq3A_1696 = arith.cmpf oeq, %min3A_1620, %min3A_1629 : vector<8x4096xf32>
    %lt3A_1697 = arith.cmpi slt, %select_n3A_1622, %select_n3A_1631 : vector<8x4096xi32>
    %and3A_1698 = arith.andi %eq3A_1696, %lt3A_1697 : vector<8x4096xi1>
    %or3A_1699 = arith.ori %gt3A_1695, %and3A_1698 : vector<8x4096xi1>
    %max3A_1700 = arith.maximumf %min3A_1620, %min3A_1629 : vector<8x4096xf32>
    %min3A_1701 = arith.minimumf %min3A_1620, %min3A_1629 : vector<8x4096xf32>
    %select_n3A_1702 = arith.select %or3A_1699, %select_n3A_1622, %select_n3A_1631 : vector<8x4096xi1>, vector<8x4096xi32>
    %select_n3A_1703 = arith.select %or3A_1699, %select_n3A_1631, %select_n3A_1622 : vector<8x4096xi1>, vector<8x4096xi32>
    %gt3A_1704 = arith.cmpf ogt, %max3A_1637, %max3A_1646 : vector<8x4096xf32>
    %eq3A_1705 = arith.cmpf oeq, %max3A_1637, %max3A_1646 : vector<8x4096xf32>
    %lt3A_1706 = arith.cmpi slt, %select_n3A_1639, %select_n3A_1648 : vector<8x4096xi32>
    %and3A_1707 = arith.andi %eq3A_1705, %lt3A_1706 : vector<8x4096xi1>
    %or3A_1708 = arith.ori %gt3A_1704, %and3A_1707 : vector<8x4096xi1>
    %max3A_1709 = arith.maximumf %max3A_1637, %max3A_1646 : vector<8x4096xf32>
    %min3A_1710 = arith.minimumf %max3A_1637, %max3A_1646 : vector<8x4096xf32>
    %select_n3A_1711 = arith.select %or3A_1708, %select_n3A_1639, %select_n3A_1648 : vector<8x4096xi1>, vector<8x4096xi32>
    %select_n3A_1712 = arith.select %or3A_1708, %select_n3A_1648, %select_n3A_1639 : vector<8x4096xi1>, vector<8x4096xi32>
    %gt3A_1713 = arith.cmpf ogt, %min3A_1638, %min3A_1647 : vector<8x4096xf32>
    %eq3A_1714 = arith.cmpf oeq, %min3A_1638, %min3A_1647 : vector<8x4096xf32>
    %lt3A_1715 = arith.cmpi slt, %select_n3A_1640, %select_n3A_1649 : vector<8x4096xi32>
    %and3A_1716 = arith.andi %eq3A_1714, %lt3A_1715 : vector<8x4096xi1>
    %or3A_1717 = arith.ori %gt3A_1713, %and3A_1716 : vector<8x4096xi1>
    %max3A_1718 = arith.maximumf %min3A_1638, %min3A_1647 : vector<8x4096xf32>
    %min3A_1719 = arith.minimumf %min3A_1638, %min3A_1647 : vector<8x4096xf32>
    %select_n3A_1720 = arith.select %or3A_1717, %select_n3A_1640, %select_n3A_1649 : vector<8x4096xi1>, vector<8x4096xi32>
    %select_n3A_1721 = arith.select %or3A_1717, %select_n3A_1649, %select_n3A_1640 : vector<8x4096xi1>, vector<8x4096xi32>
    %gt3A_1722 = arith.cmpf ogt, %max3A_1655, %max3A_1664 : vector<8x4096xf32>
    %eq3A_1723 = arith.cmpf oeq, %max3A_1655, %max3A_1664 : vector<8x4096xf32>
    %lt3A_1724 = arith.cmpi slt, %select_n3A_1657, %select_n3A_1666 : vector<8x4096xi32>
    %and3A_1725 = arith.andi %eq3A_1723, %lt3A_1724 : vector<8x4096xi1>
    %or3A_1726 = arith.ori %gt3A_1722, %and3A_1725 : vector<8x4096xi1>
    %max3A_1727 = arith.maximumf %max3A_1655, %max3A_1664 : vector<8x4096xf32>
    %min3A_1728 = arith.minimumf %max3A_1655, %max3A_1664 : vector<8x4096xf32>
    %select_n3A_1729 = arith.select %or3A_1726, %select_n3A_1657, %select_n3A_1666 : vector<8x4096xi1>, vector<8x4096xi32>
    %select_n3A_1730 = arith.select %or3A_1726, %select_n3A_1666, %select_n3A_1657 : vector<8x4096xi1>, vector<8x4096xi32>
    %gt3A_1731 = arith.cmpf ogt, %min3A_1656, %min3A_1665 : vector<8x4096xf32>
    %eq3A_1732 = arith.cmpf oeq, %min3A_1656, %min3A_1665 : vector<8x4096xf32>
    %lt3A_1733 = arith.cmpi slt, %select_n3A_1658, %select_n3A_1667 : vector<8x4096xi32>
    %and3A_1734 = arith.andi %eq3A_1732, %lt3A_1733 : vector<8x4096xi1>
    %or3A_1735 = arith.ori %gt3A_1731, %and3A_1734 : vector<8x4096xi1>
    %max3A_1736 = arith.maximumf %min3A_1656, %min3A_1665 : vector<8x4096xf32>
    %min3A_1737 = arith.minimumf %min3A_1656, %min3A_1665 : vector<8x4096xf32>
    %select_n3A_1738 = arith.select %or3A_1735, %select_n3A_1658, %select_n3A_1667 : vector<8x4096xi1>, vector<8x4096xi32>
    %select_n3A_1739 = arith.select %or3A_1735, %select_n3A_1667, %select_n3A_1658 : vector<8x4096xi1>, vector<8x4096xi32>
    %slice3A_1740 = vector.extract_strided_slice %max3A_1673 {offsets = [0, 0], sizes = [4, 4096], strides = [1, 1]} : vector<8x4096xf32> to vector<4x4096xf32>
    %slice3A_1741 = vector.extract_strided_slice %select_n3A_1675 {offsets = [0, 0], sizes = [4, 4096], strides = [1, 1]} : vector<8x4096xi32> to vector<4x4096xi32>
    %slice3A_1742 = vector.extract_strided_slice %min3A_1737 {offsets = [4, 0], sizes = [4, 4096], strides = [1, 1]} : vector<8x4096xf32> to vector<4x4096xf32>
    %slice3A_1743 = vector.extract_strided_slice %select_n3A_1739 {offsets = [4, 0], sizes = [4, 4096], strides = [1, 1]} : vector<8x4096xi32> to vector<4x4096xi32>
    %ge3A_1744 = arith.cmpf oge, %slice3A_1740, %slice3A_1742 : vector<4x4096xf32>
    %max3A_1745 = arith.maximumf %slice3A_1740, %slice3A_1742 : vector<4x4096xf32>
    %select_n3A_1746 = arith.select %ge3A_1744, %slice3A_1741, %slice3A_1743 : vector<4x4096xi1>, vector<4x4096xi32>
    %slice3A_1747 = vector.extract_strided_slice %min3A_1674 {offsets = [0, 0], sizes = [4, 4096], strides = [1, 1]} : vector<8x4096xf32> to vector<4x4096xf32>
    %slice3A_1748 = vector.extract_strided_slice %select_n3A_1676 {offsets = [0, 0], sizes = [4, 4096], strides = [1, 1]} : vector<8x4096xi32> to vector<4x4096xi32>
    %slice3A_1749 = vector.extract_strided_slice %max3A_1736 {offsets = [4, 0], sizes = [4, 4096], strides = [1, 1]} : vector<8x4096xf32> to vector<4x4096xf32>
    %slice3A_1750 = vector.extract_strided_slice %select_n3A_1738 {offsets = [4, 0], sizes = [4, 4096], strides = [1, 1]} : vector<8x4096xi32> to vector<4x4096xi32>
    %ge3A_1751 = arith.cmpf oge, %slice3A_1747, %slice3A_1749 : vector<4x4096xf32>
    %max3A_1752 = arith.maximumf %slice3A_1747, %slice3A_1749 : vector<4x4096xf32>
    %select_n3A_1753 = arith.select %ge3A_1751, %slice3A_1748, %slice3A_1750 : vector<4x4096xi1>, vector<4x4096xi32>
    %slice3A_1754 = vector.extract_strided_slice %max3A_1682 {offsets = [0, 0], sizes = [4, 4096], strides = [1, 1]} : vector<8x4096xf32> to vector<4x4096xf32>
    %slice3A_1755 = vector.extract_strided_slice %select_n3A_1684 {offsets = [0, 0], sizes = [4, 4096], strides = [1, 1]} : vector<8x4096xi32> to vector<4x4096xi32>
    %slice3A_1756 = vector.extract_strided_slice %min3A_1728 {offsets = [4, 0], sizes = [4, 4096], strides = [1, 1]} : vector<8x4096xf32> to vector<4x4096xf32>
    %slice3A_1757 = vector.extract_strided_slice %select_n3A_1730 {offsets = [4, 0], sizes = [4, 4096], strides = [1, 1]} : vector<8x4096xi32> to vector<4x4096xi32>
    %ge3A_1758 = arith.cmpf oge, %slice3A_1754, %slice3A_1756 : vector<4x4096xf32>
    %max3A_1759 = arith.maximumf %slice3A_1754, %slice3A_1756 : vector<4x4096xf32>
    %select_n3A_1760 = arith.select %ge3A_1758, %slice3A_1755, %slice3A_1757 : vector<4x4096xi1>, vector<4x4096xi32>
    %slice3A_1761 = vector.extract_strided_slice %min3A_1683 {offsets = [0, 0], sizes = [4, 4096], strides = [1, 1]} : vector<8x4096xf32> to vector<4x4096xf32>
    %slice3A_1762 = vector.extract_strided_slice %select_n3A_1685 {offsets = [0, 0], sizes = [4, 4096], strides = [1, 1]} : vector<8x4096xi32> to vector<4x4096xi32>
    %slice3A_1763 = vector.extract_strided_slice %max3A_1727 {offsets = [4, 0], sizes = [4, 4096], strides = [1, 1]} : vector<8x4096xf32> to vector<4x4096xf32>
    %slice3A_1764 = vector.extract_strided_slice %select_n3A_1729 {offsets = [4, 0], sizes = [4, 4096], strides = [1, 1]} : vector<8x4096xi32> to vector<4x4096xi32>
    %ge3A_1765 = arith.cmpf oge, %slice3A_1761, %slice3A_1763 : vector<4x4096xf32>
    %max3A_1766 = arith.maximumf %slice3A_1761, %slice3A_1763 : vector<4x4096xf32>
    %select_n3A_1767 = arith.select %ge3A_1765, %slice3A_1762, %slice3A_1764 : vector<4x4096xi1>, vector<4x4096xi32>
    %slice3A_1768 = vector.extract_strided_slice %max3A_1691 {offsets = [0, 0], sizes = [4, 4096], strides = [1, 1]} : vector<8x4096xf32> to vector<4x4096xf32>
    %slice3A_1769 = vector.extract_strided_slice %select_n3A_1693 {offsets = [0, 0], sizes = [4, 4096], strides = [1, 1]} : vector<8x4096xi32> to vector<4x4096xi32>
    %slice3A_1770 = vector.extract_strided_slice %min3A_1719 {offsets = [4, 0], sizes = [4, 4096], strides = [1, 1]} : vector<8x4096xf32> to vector<4x4096xf32>
    %slice3A_1771 = vector.extract_strided_slice %select_n3A_1721 {offsets = [4, 0], sizes = [4, 4096], strides = [1, 1]} : vector<8x4096xi32> to vector<4x4096xi32>
    %ge3A_1772 = arith.cmpf oge, %slice3A_1768, %slice3A_1770 : vector<4x4096xf32>
    %max3A_1773 = arith.maximumf %slice3A_1768, %slice3A_1770 : vector<4x4096xf32>
    %select_n3A_1774 = arith.select %ge3A_1772, %slice3A_1769, %slice3A_1771 : vector<4x4096xi1>, vector<4x4096xi32>
    %slice3A_1775 = vector.extract_strided_slice %min3A_1692 {offsets = [0, 0], sizes = [4, 4096], strides = [1, 1]} : vector<8x4096xf32> to vector<4x4096xf32>
    %slice3A_1776 = vector.extract_strided_slice %select_n3A_1694 {offsets = [0, 0], sizes = [4, 4096], strides = [1, 1]} : vector<8x4096xi32> to vector<4x4096xi32>
    %slice3A_1777 = vector.extract_strided_slice %max3A_1718 {offsets = [4, 0], sizes = [4, 4096], strides = [1, 1]} : vector<8x4096xf32> to vector<4x4096xf32>
    %slice3A_1778 = vector.extract_strided_slice %select_n3A_1720 {offsets = [4, 0], sizes = [4, 4096], strides = [1, 1]} : vector<8x4096xi32> to vector<4x4096xi32>
    %ge3A_1779 = arith.cmpf oge, %slice3A_1775, %slice3A_1777 : vector<4x4096xf32>
    %max3A_1780 = arith.maximumf %slice3A_1775, %slice3A_1777 : vector<4x4096xf32>
    %select_n3A_1781 = arith.select %ge3A_1779, %slice3A_1776, %slice3A_1778 : vector<4x4096xi1>, vector<4x4096xi32>
    %slice3A_1782 = vector.extract_strided_slice %max3A_1700 {offsets = [0, 0], sizes = [4, 4096], strides = [1, 1]} : vector<8x4096xf32> to vector<4x4096xf32>
    %slice3A_1783 = vector.extract_strided_slice %select_n3A_1702 {offsets = [0, 0], sizes = [4, 4096], strides = [1, 1]} : vector<8x4096xi32> to vector<4x4096xi32>
    %slice3A_1784 = vector.extract_strided_slice %min3A_1710 {offsets = [4, 0], sizes = [4, 4096], strides = [1, 1]} : vector<8x4096xf32> to vector<4x4096xf32>
    %slice3A_1785 = vector.extract_strided_slice %select_n3A_1712 {offsets = [4, 0], sizes = [4, 4096], strides = [1, 1]} : vector<8x4096xi32> to vector<4x4096xi32>
    %ge3A_1786 = arith.cmpf oge, %slice3A_1782, %slice3A_1784 : vector<4x4096xf32>
    %max3A_1787 = arith.maximumf %slice3A_1782, %slice3A_1784 : vector<4x4096xf32>
    %select_n3A_1788 = arith.select %ge3A_1786, %slice3A_1783, %slice3A_1785 : vector<4x4096xi1>, vector<4x4096xi32>
    %slice3A_1789 = vector.extract_strided_slice %min3A_1701 {offsets = [0, 0], sizes = [4, 4096], strides = [1, 1]} : vector<8x4096xf32> to vector<4x4096xf32>
    %slice3A_1790 = vector.extract_strided_slice %select_n3A_1703 {offsets = [0, 0], sizes = [4, 4096], strides = [1, 1]} : vector<8x4096xi32> to vector<4x4096xi32>
    %slice3A_1791 = vector.extract_strided_slice %max3A_1709 {offsets = [4, 0], sizes = [4, 4096], strides = [1, 1]} : vector<8x4096xf32> to vector<4x4096xf32>
    %slice3A_1792 = vector.extract_strided_slice %select_n3A_1711 {offsets = [4, 0], sizes = [4, 4096], strides = [1, 1]} : vector<8x4096xi32> to vector<4x4096xi32>
    %ge3A_1793 = arith.cmpf oge, %slice3A_1789, %slice3A_1791 : vector<4x4096xf32>
    %max3A_1794 = arith.maximumf %slice3A_1789, %slice3A_1791 : vector<4x4096xf32>
    %select_n3A_1795 = arith.select %ge3A_1793, %slice3A_1790, %slice3A_1792 : vector<4x4096xi1>, vector<4x4096xi32>
    %slice3A_1796 = vector.extract_strided_slice %max3A_1709 {offsets = [0, 0], sizes = [4, 4096], strides = [1, 1]} : vector<8x4096xf32> to vector<4x4096xf32>
    %slice3A_1797 = vector.extract_strided_slice %select_n3A_1711 {offsets = [0, 0], sizes = [4, 4096], strides = [1, 1]} : vector<8x4096xi32> to vector<4x4096xi32>
    %slice3A_1798 = vector.extract_strided_slice %min3A_1701 {offsets = [4, 0], sizes = [4, 4096], strides = [1, 1]} : vector<8x4096xf32> to vector<4x4096xf32>
    %slice3A_1799 = vector.extract_strided_slice %select_n3A_1703 {offsets = [4, 0], sizes = [4, 4096], strides = [1, 1]} : vector<8x4096xi32> to vector<4x4096xi32>
    %ge3A_1800 = arith.cmpf oge, %slice3A_1796, %slice3A_1798 : vector<4x4096xf32>
    %max3A_1801 = arith.maximumf %slice3A_1796, %slice3A_1798 : vector<4x4096xf32>
    %select_n3A_1802 = arith.select %ge3A_1800, %slice3A_1797, %slice3A_1799 : vector<4x4096xi1>, vector<4x4096xi32>
    %slice3A_1803 = vector.extract_strided_slice %min3A_1710 {offsets = [0, 0], sizes = [4, 4096], strides = [1, 1]} : vector<8x4096xf32> to vector<4x4096xf32>
    %slice3A_1804 = vector.extract_strided_slice %select_n3A_1712 {offsets = [0, 0], sizes = [4, 4096], strides = [1, 1]} : vector<8x4096xi32> to vector<4x4096xi32>
    %slice3A_1805 = vector.extract_strided_slice %max3A_1700 {offsets = [4, 0], sizes = [4, 4096], strides = [1, 1]} : vector<8x4096xf32> to vector<4x4096xf32>
    %slice3A_1806 = vector.extract_strided_slice %select_n3A_1702 {offsets = [4, 0], sizes = [4, 4096], strides = [1, 1]} : vector<8x4096xi32> to vector<4x4096xi32>
    %ge3A_1807 = arith.cmpf oge, %slice3A_1803, %slice3A_1805 : vector<4x4096xf32>
    %max3A_1808 = arith.maximumf %slice3A_1803, %slice3A_1805 : vector<4x4096xf32>
    %select_n3A_1809 = arith.select %ge3A_1807, %slice3A_1804, %slice3A_1806 : vector<4x4096xi1>, vector<4x4096xi32>
    %slice3A_1810 = vector.extract_strided_slice %max3A_1718 {offsets = [0, 0], sizes = [4, 4096], strides = [1, 1]} : vector<8x4096xf32> to vector<4x4096xf32>
    %slice3A_1811 = vector.extract_strided_slice %select_n3A_1720 {offsets = [0, 0], sizes = [4, 4096], strides = [1, 1]} : vector<8x4096xi32> to vector<4x4096xi32>
    %slice3A_1812 = vector.extract_strided_slice %min3A_1692 {offsets = [4, 0], sizes = [4, 4096], strides = [1, 1]} : vector<8x4096xf32> to vector<4x4096xf32>
    %slice3A_1813 = vector.extract_strided_slice %select_n3A_1694 {offsets = [4, 0], sizes = [4, 4096], strides = [1, 1]} : vector<8x4096xi32> to vector<4x4096xi32>
    %ge3A_1814 = arith.cmpf oge, %slice3A_1810, %slice3A_1812 : vector<4x4096xf32>
    %max3A_1815 = arith.maximumf %slice3A_1810, %slice3A_1812 : vector<4x4096xf32>
    %select_n3A_1816 = arith.select %ge3A_1814, %slice3A_1811, %slice3A_1813 : vector<4x4096xi1>, vector<4x4096xi32>
    %slice3A_1817 = vector.extract_strided_slice %min3A_1719 {offsets = [0, 0], sizes = [4, 4096], strides = [1, 1]} : vector<8x4096xf32> to vector<4x4096xf32>
    %slice3A_1818 = vector.extract_strided_slice %select_n3A_1721 {offsets = [0, 0], sizes = [4, 4096], strides = [1, 1]} : vector<8x4096xi32> to vector<4x4096xi32>
    %slice3A_1819 = vector.extract_strided_slice %max3A_1691 {offsets = [4, 0], sizes = [4, 4096], strides = [1, 1]} : vector<8x4096xf32> to vector<4x4096xf32>
    %slice3A_1820 = vector.extract_strided_slice %select_n3A_1693 {offsets = [4, 0], sizes = [4, 4096], strides = [1, 1]} : vector<8x4096xi32> to vector<4x4096xi32>
    %ge3A_1821 = arith.cmpf oge, %slice3A_1817, %slice3A_1819 : vector<4x4096xf32>
    %max3A_1822 = arith.maximumf %slice3A_1817, %slice3A_1819 : vector<4x4096xf32>
    %select_n3A_1823 = arith.select %ge3A_1821, %slice3A_1818, %slice3A_1820 : vector<4x4096xi1>, vector<4x4096xi32>
    %slice3A_1824 = vector.extract_strided_slice %max3A_1727 {offsets = [0, 0], sizes = [4, 4096], strides = [1, 1]} : vector<8x4096xf32> to vector<4x4096xf32>
    %slice3A_1825 = vector.extract_strided_slice %select_n3A_1729 {offsets = [0, 0], sizes = [4, 4096], strides = [1, 1]} : vector<8x4096xi32> to vector<4x4096xi32>
    %slice3A_1826 = vector.extract_strided_slice %min3A_1683 {offsets = [4, 0], sizes = [4, 4096], strides = [1, 1]} : vector<8x4096xf32> to vector<4x4096xf32>
    %slice3A_1827 = vector.extract_strided_slice %select_n3A_1685 {offsets = [4, 0], sizes = [4, 4096], strides = [1, 1]} : vector<8x4096xi32> to vector<4x4096xi32>
    %ge3A_1828 = arith.cmpf oge, %slice3A_1824, %slice3A_1826 : vector<4x4096xf32>
    %max3A_1829 = arith.maximumf %slice3A_1824, %slice3A_1826 : vector<4x4096xf32>
    %select_n3A_1830 = arith.select %ge3A_1828, %slice3A_1825, %slice3A_1827 : vector<4x4096xi1>, vector<4x4096xi32>
    %slice3A_1831 = vector.extract_strided_slice %min3A_1728 {offsets = [0, 0], sizes = [4, 4096], strides = [1, 1]} : vector<8x4096xf32> to vector<4x4096xf32>
    %slice3A_1832 = vector.extract_strided_slice %select_n3A_1730 {offsets = [0, 0], sizes = [4, 4096], strides = [1, 1]} : vector<8x4096xi32> to vector<4x4096xi32>
    %slice3A_1833 = vector.extract_strided_slice %max3A_1682 {offsets = [4, 0], sizes = [4, 4096], strides = [1, 1]} : vector<8x4096xf32> to vector<4x4096xf32>
    %slice3A_1834 = vector.extract_strided_slice %select_n3A_1684 {offsets = [4, 0], sizes = [4, 4096], strides = [1, 1]} : vector<8x4096xi32> to vector<4x4096xi32>
    %ge3A_1835 = arith.cmpf oge, %slice3A_1831, %slice3A_1833 : vector<4x4096xf32>
    %max3A_1836 = arith.maximumf %slice3A_1831, %slice3A_1833 : vector<4x4096xf32>
    %select_n3A_1837 = arith.select %ge3A_1835, %slice3A_1832, %slice3A_1834 : vector<4x4096xi1>, vector<4x4096xi32>
    %slice3A_1838 = vector.extract_strided_slice %max3A_1736 {offsets = [0, 0], sizes = [4, 4096], strides = [1, 1]} : vector<8x4096xf32> to vector<4x4096xf32>
    %slice3A_1839 = vector.extract_strided_slice %select_n3A_1738 {offsets = [0, 0], sizes = [4, 4096], strides = [1, 1]} : vector<8x4096xi32> to vector<4x4096xi32>
    %slice3A_1840 = vector.extract_strided_slice %min3A_1674 {offsets = [4, 0], sizes = [4, 4096], strides = [1, 1]} : vector<8x4096xf32> to vector<4x4096xf32>
    %slice3A_1841 = vector.extract_strided_slice %select_n3A_1676 {offsets = [4, 0], sizes = [4, 4096], strides = [1, 1]} : vector<8x4096xi32> to vector<4x4096xi32>
    %ge3A_1842 = arith.cmpf oge, %slice3A_1838, %slice3A_1840 : vector<4x4096xf32>
    %max3A_1843 = arith.maximumf %slice3A_1838, %slice3A_1840 : vector<4x4096xf32>
    %select_n3A_1844 = arith.select %ge3A_1842, %slice3A_1839, %slice3A_1841 : vector<4x4096xi1>, vector<4x4096xi32>
    %slice3A_1845 = vector.extract_strided_slice %min3A_1737 {offsets = [0, 0], sizes = [4, 4096], strides = [1, 1]} : vector<8x4096xf32> to vector<4x4096xf32>
    %slice3A_1846 = vector.extract_strided_slice %select_n3A_1739 {offsets = [0, 0], sizes = [4, 4096], strides = [1, 1]} : vector<8x4096xi32> to vector<4x4096xi32>
    %slice3A_1847 = vector.extract_strided_slice %max3A_1673 {offsets = [4, 0], sizes = [4, 4096], strides = [1, 1]} : vector<8x4096xf32> to vector<4x4096xf32>
    %slice3A_1848 = vector.extract_strided_slice %select_n3A_1675 {offsets = [4, 0], sizes = [4, 4096], strides = [1, 1]} : vector<8x4096xi32> to vector<4x4096xi32>
    %ge3A_1849 = arith.cmpf oge, %slice3A_1845, %slice3A_1847 : vector<4x4096xf32>
    %max3A_1850 = arith.maximumf %slice3A_1845, %slice3A_1847 : vector<4x4096xf32>
    %select_n3A_1851 = arith.select %ge3A_1849, %slice3A_1846, %slice3A_1848 : vector<4x4096xi1>, vector<4x4096xi32>
    %gt3A_1852 = arith.cmpf ogt, %max3A_1745, %max3A_1801 : vector<4x4096xf32>
    %eq3A_1853 = arith.cmpf oeq, %max3A_1745, %max3A_1801 : vector<4x4096xf32>
    %lt3A_1854 = arith.cmpi slt, %select_n3A_1746, %select_n3A_1802 : vector<4x4096xi32>
    %and3A_1855 = arith.andi %eq3A_1853, %lt3A_1854 : vector<4x4096xi1>
    %or3A_1856 = arith.ori %gt3A_1852, %and3A_1855 : vector<4x4096xi1>
    %max3A_1857 = arith.maximumf %max3A_1745, %max3A_1801 : vector<4x4096xf32>
    %min3A_1858 = arith.minimumf %max3A_1745, %max3A_1801 : vector<4x4096xf32>
    %select_n3A_1859 = arith.select %or3A_1856, %select_n3A_1746, %select_n3A_1802 : vector<4x4096xi1>, vector<4x4096xi32>
    %select_n3A_1860 = arith.select %or3A_1856, %select_n3A_1802, %select_n3A_1746 : vector<4x4096xi1>, vector<4x4096xi32>
    %gt3A_1861 = arith.cmpf ogt, %max3A_1752, %max3A_1808 : vector<4x4096xf32>
    %eq3A_1862 = arith.cmpf oeq, %max3A_1752, %max3A_1808 : vector<4x4096xf32>
    %lt3A_1863 = arith.cmpi slt, %select_n3A_1753, %select_n3A_1809 : vector<4x4096xi32>
    %and3A_1864 = arith.andi %eq3A_1862, %lt3A_1863 : vector<4x4096xi1>
    %or3A_1865 = arith.ori %gt3A_1861, %and3A_1864 : vector<4x4096xi1>
    %max3A_1866 = arith.maximumf %max3A_1752, %max3A_1808 : vector<4x4096xf32>
    %min3A_1867 = arith.minimumf %max3A_1752, %max3A_1808 : vector<4x4096xf32>
    %select_n3A_1868 = arith.select %or3A_1865, %select_n3A_1753, %select_n3A_1809 : vector<4x4096xi1>, vector<4x4096xi32>
    %select_n3A_1869 = arith.select %or3A_1865, %select_n3A_1809, %select_n3A_1753 : vector<4x4096xi1>, vector<4x4096xi32>
    %gt3A_1870 = arith.cmpf ogt, %max3A_1759, %max3A_1815 : vector<4x4096xf32>
    %eq3A_1871 = arith.cmpf oeq, %max3A_1759, %max3A_1815 : vector<4x4096xf32>
    %lt3A_1872 = arith.cmpi slt, %select_n3A_1760, %select_n3A_1816 : vector<4x4096xi32>
    %and3A_1873 = arith.andi %eq3A_1871, %lt3A_1872 : vector<4x4096xi1>
    %or3A_1874 = arith.ori %gt3A_1870, %and3A_1873 : vector<4x4096xi1>
    %max3A_1875 = arith.maximumf %max3A_1759, %max3A_1815 : vector<4x4096xf32>
    %min3A_1876 = arith.minimumf %max3A_1759, %max3A_1815 : vector<4x4096xf32>
    %select_n3A_1877 = arith.select %or3A_1874, %select_n3A_1760, %select_n3A_1816 : vector<4x4096xi1>, vector<4x4096xi32>
    %select_n3A_1878 = arith.select %or3A_1874, %select_n3A_1816, %select_n3A_1760 : vector<4x4096xi1>, vector<4x4096xi32>
    %gt3A_1879 = arith.cmpf ogt, %max3A_1766, %max3A_1822 : vector<4x4096xf32>
    %eq3A_1880 = arith.cmpf oeq, %max3A_1766, %max3A_1822 : vector<4x4096xf32>
    %lt3A_1881 = arith.cmpi slt, %select_n3A_1767, %select_n3A_1823 : vector<4x4096xi32>
    %and3A_1882 = arith.andi %eq3A_1880, %lt3A_1881 : vector<4x4096xi1>
    %or3A_1883 = arith.ori %gt3A_1879, %and3A_1882 : vector<4x4096xi1>
    %max3A_1884 = arith.maximumf %max3A_1766, %max3A_1822 : vector<4x4096xf32>
    %min3A_1885 = arith.minimumf %max3A_1766, %max3A_1822 : vector<4x4096xf32>
    %select_n3A_1886 = arith.select %or3A_1883, %select_n3A_1767, %select_n3A_1823 : vector<4x4096xi1>, vector<4x4096xi32>
    %select_n3A_1887 = arith.select %or3A_1883, %select_n3A_1823, %select_n3A_1767 : vector<4x4096xi1>, vector<4x4096xi32>
    %gt3A_1888 = arith.cmpf ogt, %max3A_1773, %max3A_1829 : vector<4x4096xf32>
    %eq3A_1889 = arith.cmpf oeq, %max3A_1773, %max3A_1829 : vector<4x4096xf32>
    %lt3A_1890 = arith.cmpi slt, %select_n3A_1774, %select_n3A_1830 : vector<4x4096xi32>
    %and3A_1891 = arith.andi %eq3A_1889, %lt3A_1890 : vector<4x4096xi1>
    %or3A_1892 = arith.ori %gt3A_1888, %and3A_1891 : vector<4x4096xi1>
    %max3A_1893 = arith.maximumf %max3A_1773, %max3A_1829 : vector<4x4096xf32>
    %min3A_1894 = arith.minimumf %max3A_1773, %max3A_1829 : vector<4x4096xf32>
    %select_n3A_1895 = arith.select %or3A_1892, %select_n3A_1774, %select_n3A_1830 : vector<4x4096xi1>, vector<4x4096xi32>
    %select_n3A_1896 = arith.select %or3A_1892, %select_n3A_1830, %select_n3A_1774 : vector<4x4096xi1>, vector<4x4096xi32>
    %gt3A_1897 = arith.cmpf ogt, %max3A_1780, %max3A_1836 : vector<4x4096xf32>
    %eq3A_1898 = arith.cmpf oeq, %max3A_1780, %max3A_1836 : vector<4x4096xf32>
    %lt3A_1899 = arith.cmpi slt, %select_n3A_1781, %select_n3A_1837 : vector<4x4096xi32>
    %and3A_1900 = arith.andi %eq3A_1898, %lt3A_1899 : vector<4x4096xi1>
    %or3A_1901 = arith.ori %gt3A_1897, %and3A_1900 : vector<4x4096xi1>
    %max3A_1902 = arith.maximumf %max3A_1780, %max3A_1836 : vector<4x4096xf32>
    %min3A_1903 = arith.minimumf %max3A_1780, %max3A_1836 : vector<4x4096xf32>
    %select_n3A_1904 = arith.select %or3A_1901, %select_n3A_1781, %select_n3A_1837 : vector<4x4096xi1>, vector<4x4096xi32>
    %select_n3A_1905 = arith.select %or3A_1901, %select_n3A_1837, %select_n3A_1781 : vector<4x4096xi1>, vector<4x4096xi32>
    %gt3A_1906 = arith.cmpf ogt, %max3A_1787, %max3A_1843 : vector<4x4096xf32>
    %eq3A_1907 = arith.cmpf oeq, %max3A_1787, %max3A_1843 : vector<4x4096xf32>
    %lt3A_1908 = arith.cmpi slt, %select_n3A_1788, %select_n3A_1844 : vector<4x4096xi32>
    %and3A_1909 = arith.andi %eq3A_1907, %lt3A_1908 : vector<4x4096xi1>
    %or3A_1910 = arith.ori %gt3A_1906, %and3A_1909 : vector<4x4096xi1>
    %max3A_1911 = arith.maximumf %max3A_1787, %max3A_1843 : vector<4x4096xf32>
    %min3A_1912 = arith.minimumf %max3A_1787, %max3A_1843 : vector<4x4096xf32>
    %select_n3A_1913 = arith.select %or3A_1910, %select_n3A_1788, %select_n3A_1844 : vector<4x4096xi1>, vector<4x4096xi32>
    %select_n3A_1914 = arith.select %or3A_1910, %select_n3A_1844, %select_n3A_1788 : vector<4x4096xi1>, vector<4x4096xi32>
    %gt3A_1915 = arith.cmpf ogt, %max3A_1794, %max3A_1850 : vector<4x4096xf32>
    %eq3A_1916 = arith.cmpf oeq, %max3A_1794, %max3A_1850 : vector<4x4096xf32>
    %lt3A_1917 = arith.cmpi slt, %select_n3A_1795, %select_n3A_1851 : vector<4x4096xi32>
    %and3A_1918 = arith.andi %eq3A_1916, %lt3A_1917 : vector<4x4096xi1>
    %or3A_1919 = arith.ori %gt3A_1915, %and3A_1918 : vector<4x4096xi1>
    %max3A_1920 = arith.maximumf %max3A_1794, %max3A_1850 : vector<4x4096xf32>
    %min3A_1921 = arith.minimumf %max3A_1794, %max3A_1850 : vector<4x4096xf32>
    %select_n3A_1922 = arith.select %or3A_1919, %select_n3A_1795, %select_n3A_1851 : vector<4x4096xi1>, vector<4x4096xi32>
    %select_n3A_1923 = arith.select %or3A_1919, %select_n3A_1851, %select_n3A_1795 : vector<4x4096xi1>, vector<4x4096xi32>
    %gt3A_1924 = arith.cmpf ogt, %max3A_1857, %max3A_1893 : vector<4x4096xf32>
    %eq3A_1925 = arith.cmpf oeq, %max3A_1857, %max3A_1893 : vector<4x4096xf32>
    %lt3A_1926 = arith.cmpi slt, %select_n3A_1859, %select_n3A_1895 : vector<4x4096xi32>
    %and3A_1927 = arith.andi %eq3A_1925, %lt3A_1926 : vector<4x4096xi1>
    %or3A_1928 = arith.ori %gt3A_1924, %and3A_1927 : vector<4x4096xi1>
    %max3A_1929 = arith.maximumf %max3A_1857, %max3A_1893 : vector<4x4096xf32>
    %min3A_1930 = arith.minimumf %max3A_1857, %max3A_1893 : vector<4x4096xf32>
    %select_n3A_1931 = arith.select %or3A_1928, %select_n3A_1859, %select_n3A_1895 : vector<4x4096xi1>, vector<4x4096xi32>
    %select_n3A_1932 = arith.select %or3A_1928, %select_n3A_1895, %select_n3A_1859 : vector<4x4096xi1>, vector<4x4096xi32>
    %gt3A_1933 = arith.cmpf ogt, %max3A_1866, %max3A_1902 : vector<4x4096xf32>
    %eq3A_1934 = arith.cmpf oeq, %max3A_1866, %max3A_1902 : vector<4x4096xf32>
    %lt3A_1935 = arith.cmpi slt, %select_n3A_1868, %select_n3A_1904 : vector<4x4096xi32>
    %and3A_1936 = arith.andi %eq3A_1934, %lt3A_1935 : vector<4x4096xi1>
    %or3A_1937 = arith.ori %gt3A_1933, %and3A_1936 : vector<4x4096xi1>
    %max3A_1938 = arith.maximumf %max3A_1866, %max3A_1902 : vector<4x4096xf32>
    %min3A_1939 = arith.minimumf %max3A_1866, %max3A_1902 : vector<4x4096xf32>
    %select_n3A_1940 = arith.select %or3A_1937, %select_n3A_1868, %select_n3A_1904 : vector<4x4096xi1>, vector<4x4096xi32>
    %select_n3A_1941 = arith.select %or3A_1937, %select_n3A_1904, %select_n3A_1868 : vector<4x4096xi1>, vector<4x4096xi32>
    %gt3A_1942 = arith.cmpf ogt, %max3A_1875, %max3A_1911 : vector<4x4096xf32>
    %eq3A_1943 = arith.cmpf oeq, %max3A_1875, %max3A_1911 : vector<4x4096xf32>
    %lt3A_1944 = arith.cmpi slt, %select_n3A_1877, %select_n3A_1913 : vector<4x4096xi32>
    %and3A_1945 = arith.andi %eq3A_1943, %lt3A_1944 : vector<4x4096xi1>
    %or3A_1946 = arith.ori %gt3A_1942, %and3A_1945 : vector<4x4096xi1>
    %max3A_1947 = arith.maximumf %max3A_1875, %max3A_1911 : vector<4x4096xf32>
    %min3A_1948 = arith.minimumf %max3A_1875, %max3A_1911 : vector<4x4096xf32>
    %select_n3A_1949 = arith.select %or3A_1946, %select_n3A_1877, %select_n3A_1913 : vector<4x4096xi1>, vector<4x4096xi32>
    %select_n3A_1950 = arith.select %or3A_1946, %select_n3A_1913, %select_n3A_1877 : vector<4x4096xi1>, vector<4x4096xi32>
    %gt3A_1951 = arith.cmpf ogt, %max3A_1884, %max3A_1920 : vector<4x4096xf32>
    %eq3A_1952 = arith.cmpf oeq, %max3A_1884, %max3A_1920 : vector<4x4096xf32>
    %lt3A_1953 = arith.cmpi slt, %select_n3A_1886, %select_n3A_1922 : vector<4x4096xi32>
    %and3A_1954 = arith.andi %eq3A_1952, %lt3A_1953 : vector<4x4096xi1>
    %or3A_1955 = arith.ori %gt3A_1951, %and3A_1954 : vector<4x4096xi1>
    %max3A_1956 = arith.maximumf %max3A_1884, %max3A_1920 : vector<4x4096xf32>
    %min3A_1957 = arith.minimumf %max3A_1884, %max3A_1920 : vector<4x4096xf32>
    %select_n3A_1958 = arith.select %or3A_1955, %select_n3A_1886, %select_n3A_1922 : vector<4x4096xi1>, vector<4x4096xi32>
    %select_n3A_1959 = arith.select %or3A_1955, %select_n3A_1922, %select_n3A_1886 : vector<4x4096xi1>, vector<4x4096xi32>
    %gt3A_1960 = arith.cmpf ogt, %min3A_1858, %min3A_1894 : vector<4x4096xf32>
    %eq3A_1961 = arith.cmpf oeq, %min3A_1858, %min3A_1894 : vector<4x4096xf32>
    %lt3A_1962 = arith.cmpi slt, %select_n3A_1860, %select_n3A_1896 : vector<4x4096xi32>
    %and3A_1963 = arith.andi %eq3A_1961, %lt3A_1962 : vector<4x4096xi1>
    %or3A_1964 = arith.ori %gt3A_1960, %and3A_1963 : vector<4x4096xi1>
    %max3A_1965 = arith.maximumf %min3A_1858, %min3A_1894 : vector<4x4096xf32>
    %min3A_1966 = arith.minimumf %min3A_1858, %min3A_1894 : vector<4x4096xf32>
    %select_n3A_1967 = arith.select %or3A_1964, %select_n3A_1860, %select_n3A_1896 : vector<4x4096xi1>, vector<4x4096xi32>
    %select_n3A_1968 = arith.select %or3A_1964, %select_n3A_1896, %select_n3A_1860 : vector<4x4096xi1>, vector<4x4096xi32>
    %gt3A_1969 = arith.cmpf ogt, %min3A_1867, %min3A_1903 : vector<4x4096xf32>
    %eq3A_1970 = arith.cmpf oeq, %min3A_1867, %min3A_1903 : vector<4x4096xf32>
    %lt3A_1971 = arith.cmpi slt, %select_n3A_1869, %select_n3A_1905 : vector<4x4096xi32>
    %and3A_1972 = arith.andi %eq3A_1970, %lt3A_1971 : vector<4x4096xi1>
    %or3A_1973 = arith.ori %gt3A_1969, %and3A_1972 : vector<4x4096xi1>
    %max3A_1974 = arith.maximumf %min3A_1867, %min3A_1903 : vector<4x4096xf32>
    %min3A_1975 = arith.minimumf %min3A_1867, %min3A_1903 : vector<4x4096xf32>
    %select_n3A_1976 = arith.select %or3A_1973, %select_n3A_1869, %select_n3A_1905 : vector<4x4096xi1>, vector<4x4096xi32>
    %select_n3A_1977 = arith.select %or3A_1973, %select_n3A_1905, %select_n3A_1869 : vector<4x4096xi1>, vector<4x4096xi32>
    %gt3A_1978 = arith.cmpf ogt, %min3A_1876, %min3A_1912 : vector<4x4096xf32>
    %eq3A_1979 = arith.cmpf oeq, %min3A_1876, %min3A_1912 : vector<4x4096xf32>
    %lt3A_1980 = arith.cmpi slt, %select_n3A_1878, %select_n3A_1914 : vector<4x4096xi32>
    %and3A_1981 = arith.andi %eq3A_1979, %lt3A_1980 : vector<4x4096xi1>
    %or3A_1982 = arith.ori %gt3A_1978, %and3A_1981 : vector<4x4096xi1>
    %max3A_1983 = arith.maximumf %min3A_1876, %min3A_1912 : vector<4x4096xf32>
    %min3A_1984 = arith.minimumf %min3A_1876, %min3A_1912 : vector<4x4096xf32>
    %select_n3A_1985 = arith.select %or3A_1982, %select_n3A_1878, %select_n3A_1914 : vector<4x4096xi1>, vector<4x4096xi32>
    %select_n3A_1986 = arith.select %or3A_1982, %select_n3A_1914, %select_n3A_1878 : vector<4x4096xi1>, vector<4x4096xi32>
    %gt3A_1987 = arith.cmpf ogt, %min3A_1885, %min3A_1921 : vector<4x4096xf32>
    %eq3A_1988 = arith.cmpf oeq, %min3A_1885, %min3A_1921 : vector<4x4096xf32>
    %lt3A_1989 = arith.cmpi slt, %select_n3A_1887, %select_n3A_1923 : vector<4x4096xi32>
    %and3A_1990 = arith.andi %eq3A_1988, %lt3A_1989 : vector<4x4096xi1>
    %or3A_1991 = arith.ori %gt3A_1987, %and3A_1990 : vector<4x4096xi1>
    %max3A_1992 = arith.maximumf %min3A_1885, %min3A_1921 : vector<4x4096xf32>
    %min3A_1993 = arith.minimumf %min3A_1885, %min3A_1921 : vector<4x4096xf32>
    %select_n3A_1994 = arith.select %or3A_1991, %select_n3A_1887, %select_n3A_1923 : vector<4x4096xi1>, vector<4x4096xi32>
    %select_n3A_1995 = arith.select %or3A_1991, %select_n3A_1923, %select_n3A_1887 : vector<4x4096xi1>, vector<4x4096xi32>
    %gt3A_1996 = arith.cmpf ogt, %max3A_1929, %max3A_1947 : vector<4x4096xf32>
    %eq3A_1997 = arith.cmpf oeq, %max3A_1929, %max3A_1947 : vector<4x4096xf32>
    %lt3A_1998 = arith.cmpi slt, %select_n3A_1931, %select_n3A_1949 : vector<4x4096xi32>
    %and3A_1999 = arith.andi %eq3A_1997, %lt3A_1998 : vector<4x4096xi1>
    %or3A_2000 = arith.ori %gt3A_1996, %and3A_1999 : vector<4x4096xi1>
    %max3A_2001 = arith.maximumf %max3A_1929, %max3A_1947 : vector<4x4096xf32>
    %min3A_2002 = arith.minimumf %max3A_1929, %max3A_1947 : vector<4x4096xf32>
    %select_n3A_2003 = arith.select %or3A_2000, %select_n3A_1931, %select_n3A_1949 : vector<4x4096xi1>, vector<4x4096xi32>
    %select_n3A_2004 = arith.select %or3A_2000, %select_n3A_1949, %select_n3A_1931 : vector<4x4096xi1>, vector<4x4096xi32>
    %gt3A_2005 = arith.cmpf ogt, %max3A_1938, %max3A_1956 : vector<4x4096xf32>
    %eq3A_2006 = arith.cmpf oeq, %max3A_1938, %max3A_1956 : vector<4x4096xf32>
    %lt3A_2007 = arith.cmpi slt, %select_n3A_1940, %select_n3A_1958 : vector<4x4096xi32>
    %and3A_2008 = arith.andi %eq3A_2006, %lt3A_2007 : vector<4x4096xi1>
    %or3A_2009 = arith.ori %gt3A_2005, %and3A_2008 : vector<4x4096xi1>
    %max3A_2010 = arith.maximumf %max3A_1938, %max3A_1956 : vector<4x4096xf32>
    %min3A_2011 = arith.minimumf %max3A_1938, %max3A_1956 : vector<4x4096xf32>
    %select_n3A_2012 = arith.select %or3A_2009, %select_n3A_1940, %select_n3A_1958 : vector<4x4096xi1>, vector<4x4096xi32>
    %select_n3A_2013 = arith.select %or3A_2009, %select_n3A_1958, %select_n3A_1940 : vector<4x4096xi1>, vector<4x4096xi32>
    %gt3A_2014 = arith.cmpf ogt, %min3A_1930, %min3A_1948 : vector<4x4096xf32>
    %eq3A_2015 = arith.cmpf oeq, %min3A_1930, %min3A_1948 : vector<4x4096xf32>
    %lt3A_2016 = arith.cmpi slt, %select_n3A_1932, %select_n3A_1950 : vector<4x4096xi32>
    %and3A_2017 = arith.andi %eq3A_2015, %lt3A_2016 : vector<4x4096xi1>
    %or3A_2018 = arith.ori %gt3A_2014, %and3A_2017 : vector<4x4096xi1>
    %max3A_2019 = arith.maximumf %min3A_1930, %min3A_1948 : vector<4x4096xf32>
    %min3A_2020 = arith.minimumf %min3A_1930, %min3A_1948 : vector<4x4096xf32>
    %select_n3A_2021 = arith.select %or3A_2018, %select_n3A_1932, %select_n3A_1950 : vector<4x4096xi1>, vector<4x4096xi32>
    %select_n3A_2022 = arith.select %or3A_2018, %select_n3A_1950, %select_n3A_1932 : vector<4x4096xi1>, vector<4x4096xi32>
    %gt3A_2023 = arith.cmpf ogt, %min3A_1939, %min3A_1957 : vector<4x4096xf32>
    %eq3A_2024 = arith.cmpf oeq, %min3A_1939, %min3A_1957 : vector<4x4096xf32>
    %lt3A_2025 = arith.cmpi slt, %select_n3A_1941, %select_n3A_1959 : vector<4x4096xi32>
    %and3A_2026 = arith.andi %eq3A_2024, %lt3A_2025 : vector<4x4096xi1>
    %or3A_2027 = arith.ori %gt3A_2023, %and3A_2026 : vector<4x4096xi1>
    %max3A_2028 = arith.maximumf %min3A_1939, %min3A_1957 : vector<4x4096xf32>
    %min3A_2029 = arith.minimumf %min3A_1939, %min3A_1957 : vector<4x4096xf32>
    %select_n3A_2030 = arith.select %or3A_2027, %select_n3A_1941, %select_n3A_1959 : vector<4x4096xi1>, vector<4x4096xi32>
    %select_n3A_2031 = arith.select %or3A_2027, %select_n3A_1959, %select_n3A_1941 : vector<4x4096xi1>, vector<4x4096xi32>
    %gt3A_2032 = arith.cmpf ogt, %max3A_1965, %max3A_1983 : vector<4x4096xf32>
    %eq3A_2033 = arith.cmpf oeq, %max3A_1965, %max3A_1983 : vector<4x4096xf32>
    %lt3A_2034 = arith.cmpi slt, %select_n3A_1967, %select_n3A_1985 : vector<4x4096xi32>
    %and3A_2035 = arith.andi %eq3A_2033, %lt3A_2034 : vector<4x4096xi1>
    %or3A_2036 = arith.ori %gt3A_2032, %and3A_2035 : vector<4x4096xi1>
    %max3A_2037 = arith.maximumf %max3A_1965, %max3A_1983 : vector<4x4096xf32>
    %min3A_2038 = arith.minimumf %max3A_1965, %max3A_1983 : vector<4x4096xf32>
    %select_n3A_2039 = arith.select %or3A_2036, %select_n3A_1967, %select_n3A_1985 : vector<4x4096xi1>, vector<4x4096xi32>
    %select_n3A_2040 = arith.select %or3A_2036, %select_n3A_1985, %select_n3A_1967 : vector<4x4096xi1>, vector<4x4096xi32>
    %gt3A_2041 = arith.cmpf ogt, %max3A_1974, %max3A_1992 : vector<4x4096xf32>
    %eq3A_2042 = arith.cmpf oeq, %max3A_1974, %max3A_1992 : vector<4x4096xf32>
    %lt3A_2043 = arith.cmpi slt, %select_n3A_1976, %select_n3A_1994 : vector<4x4096xi32>
    %and3A_2044 = arith.andi %eq3A_2042, %lt3A_2043 : vector<4x4096xi1>
    %or3A_2045 = arith.ori %gt3A_2041, %and3A_2044 : vector<4x4096xi1>
    %max3A_2046 = arith.maximumf %max3A_1974, %max3A_1992 : vector<4x4096xf32>
    %min3A_2047 = arith.minimumf %max3A_1974, %max3A_1992 : vector<4x4096xf32>
    %select_n3A_2048 = arith.select %or3A_2045, %select_n3A_1976, %select_n3A_1994 : vector<4x4096xi1>, vector<4x4096xi32>
    %select_n3A_2049 = arith.select %or3A_2045, %select_n3A_1994, %select_n3A_1976 : vector<4x4096xi1>, vector<4x4096xi32>
    %gt3A_2050 = arith.cmpf ogt, %min3A_1966, %min3A_1984 : vector<4x4096xf32>
    %eq3A_2051 = arith.cmpf oeq, %min3A_1966, %min3A_1984 : vector<4x4096xf32>
    %lt3A_2052 = arith.cmpi slt, %select_n3A_1968, %select_n3A_1986 : vector<4x4096xi32>
    %and3A_2053 = arith.andi %eq3A_2051, %lt3A_2052 : vector<4x4096xi1>
    %or3A_2054 = arith.ori %gt3A_2050, %and3A_2053 : vector<4x4096xi1>
    %max3A_2055 = arith.maximumf %min3A_1966, %min3A_1984 : vector<4x4096xf32>
    %min3A_2056 = arith.minimumf %min3A_1966, %min3A_1984 : vector<4x4096xf32>
    %select_n3A_2057 = arith.select %or3A_2054, %select_n3A_1968, %select_n3A_1986 : vector<4x4096xi1>, vector<4x4096xi32>
    %select_n3A_2058 = arith.select %or3A_2054, %select_n3A_1986, %select_n3A_1968 : vector<4x4096xi1>, vector<4x4096xi32>
    %gt3A_2059 = arith.cmpf ogt, %min3A_1975, %min3A_1993 : vector<4x4096xf32>
    %eq3A_2060 = arith.cmpf oeq, %min3A_1975, %min3A_1993 : vector<4x4096xf32>
    %lt3A_2061 = arith.cmpi slt, %select_n3A_1977, %select_n3A_1995 : vector<4x4096xi32>
    %and3A_2062 = arith.andi %eq3A_2060, %lt3A_2061 : vector<4x4096xi1>
    %or3A_2063 = arith.ori %gt3A_2059, %and3A_2062 : vector<4x4096xi1>
    %max3A_2064 = arith.maximumf %min3A_1975, %min3A_1993 : vector<4x4096xf32>
    %min3A_2065 = arith.minimumf %min3A_1975, %min3A_1993 : vector<4x4096xf32>
    %select_n3A_2066 = arith.select %or3A_2063, %select_n3A_1977, %select_n3A_1995 : vector<4x4096xi1>, vector<4x4096xi32>
    %select_n3A_2067 = arith.select %or3A_2063, %select_n3A_1995, %select_n3A_1977 : vector<4x4096xi1>, vector<4x4096xi32>
    %gt3A_2068 = arith.cmpf ogt, %max3A_2001, %max3A_2010 : vector<4x4096xf32>
    %eq3A_2069 = arith.cmpf oeq, %max3A_2001, %max3A_2010 : vector<4x4096xf32>
    %lt3A_2070 = arith.cmpi slt, %select_n3A_2003, %select_n3A_2012 : vector<4x4096xi32>
    %and3A_2071 = arith.andi %eq3A_2069, %lt3A_2070 : vector<4x4096xi1>
    %or3A_2072 = arith.ori %gt3A_2068, %and3A_2071 : vector<4x4096xi1>
    %max3A_2073 = arith.maximumf %max3A_2001, %max3A_2010 : vector<4x4096xf32>
    %min3A_2074 = arith.minimumf %max3A_2001, %max3A_2010 : vector<4x4096xf32>
    %select_n3A_2075 = arith.select %or3A_2072, %select_n3A_2003, %select_n3A_2012 : vector<4x4096xi1>, vector<4x4096xi32>
    %select_n3A_2076 = arith.select %or3A_2072, %select_n3A_2012, %select_n3A_2003 : vector<4x4096xi1>, vector<4x4096xi32>
    %gt3A_2077 = arith.cmpf ogt, %min3A_2002, %min3A_2011 : vector<4x4096xf32>
    %eq3A_2078 = arith.cmpf oeq, %min3A_2002, %min3A_2011 : vector<4x4096xf32>
    %lt3A_2079 = arith.cmpi slt, %select_n3A_2004, %select_n3A_2013 : vector<4x4096xi32>
    %and3A_2080 = arith.andi %eq3A_2078, %lt3A_2079 : vector<4x4096xi1>
    %or3A_2081 = arith.ori %gt3A_2077, %and3A_2080 : vector<4x4096xi1>
    %max3A_2082 = arith.maximumf %min3A_2002, %min3A_2011 : vector<4x4096xf32>
    %min3A_2083 = arith.minimumf %min3A_2002, %min3A_2011 : vector<4x4096xf32>
    %select_n3A_2084 = arith.select %or3A_2081, %select_n3A_2004, %select_n3A_2013 : vector<4x4096xi1>, vector<4x4096xi32>
    %select_n3A_2085 = arith.select %or3A_2081, %select_n3A_2013, %select_n3A_2004 : vector<4x4096xi1>, vector<4x4096xi32>
    %gt3A_2086 = arith.cmpf ogt, %max3A_2019, %max3A_2028 : vector<4x4096xf32>
    %eq3A_2087 = arith.cmpf oeq, %max3A_2019, %max3A_2028 : vector<4x4096xf32>
    %lt3A_2088 = arith.cmpi slt, %select_n3A_2021, %select_n3A_2030 : vector<4x4096xi32>
    %and3A_2089 = arith.andi %eq3A_2087, %lt3A_2088 : vector<4x4096xi1>
    %or3A_2090 = arith.ori %gt3A_2086, %and3A_2089 : vector<4x4096xi1>
    %max3A_2091 = arith.maximumf %max3A_2019, %max3A_2028 : vector<4x4096xf32>
    %min3A_2092 = arith.minimumf %max3A_2019, %max3A_2028 : vector<4x4096xf32>
    %select_n3A_2093 = arith.select %or3A_2090, %select_n3A_2021, %select_n3A_2030 : vector<4x4096xi1>, vector<4x4096xi32>
    %select_n3A_2094 = arith.select %or3A_2090, %select_n3A_2030, %select_n3A_2021 : vector<4x4096xi1>, vector<4x4096xi32>
    %gt3A_2095 = arith.cmpf ogt, %min3A_2020, %min3A_2029 : vector<4x4096xf32>
    %eq3A_2096 = arith.cmpf oeq, %min3A_2020, %min3A_2029 : vector<4x4096xf32>
    %lt3A_2097 = arith.cmpi slt, %select_n3A_2022, %select_n3A_2031 : vector<4x4096xi32>
    %and3A_2098 = arith.andi %eq3A_2096, %lt3A_2097 : vector<4x4096xi1>
    %or3A_2099 = arith.ori %gt3A_2095, %and3A_2098 : vector<4x4096xi1>
    %max3A_2100 = arith.maximumf %min3A_2020, %min3A_2029 : vector<4x4096xf32>
    %min3A_2101 = arith.minimumf %min3A_2020, %min3A_2029 : vector<4x4096xf32>
    %select_n3A_2102 = arith.select %or3A_2099, %select_n3A_2022, %select_n3A_2031 : vector<4x4096xi1>, vector<4x4096xi32>
    %select_n3A_2103 = arith.select %or3A_2099, %select_n3A_2031, %select_n3A_2022 : vector<4x4096xi1>, vector<4x4096xi32>
    %gt3A_2104 = arith.cmpf ogt, %max3A_2037, %max3A_2046 : vector<4x4096xf32>
    %eq3A_2105 = arith.cmpf oeq, %max3A_2037, %max3A_2046 : vector<4x4096xf32>
    %lt3A_2106 = arith.cmpi slt, %select_n3A_2039, %select_n3A_2048 : vector<4x4096xi32>
    %and3A_2107 = arith.andi %eq3A_2105, %lt3A_2106 : vector<4x4096xi1>
    %or3A_2108 = arith.ori %gt3A_2104, %and3A_2107 : vector<4x4096xi1>
    %max3A_2109 = arith.maximumf %max3A_2037, %max3A_2046 : vector<4x4096xf32>
    %min3A_2110 = arith.minimumf %max3A_2037, %max3A_2046 : vector<4x4096xf32>
    %select_n3A_2111 = arith.select %or3A_2108, %select_n3A_2039, %select_n3A_2048 : vector<4x4096xi1>, vector<4x4096xi32>
    %select_n3A_2112 = arith.select %or3A_2108, %select_n3A_2048, %select_n3A_2039 : vector<4x4096xi1>, vector<4x4096xi32>
    %gt3A_2113 = arith.cmpf ogt, %min3A_2038, %min3A_2047 : vector<4x4096xf32>
    %eq3A_2114 = arith.cmpf oeq, %min3A_2038, %min3A_2047 : vector<4x4096xf32>
    %lt3A_2115 = arith.cmpi slt, %select_n3A_2040, %select_n3A_2049 : vector<4x4096xi32>
    %and3A_2116 = arith.andi %eq3A_2114, %lt3A_2115 : vector<4x4096xi1>
    %or3A_2117 = arith.ori %gt3A_2113, %and3A_2116 : vector<4x4096xi1>
    %max3A_2118 = arith.maximumf %min3A_2038, %min3A_2047 : vector<4x4096xf32>
    %min3A_2119 = arith.minimumf %min3A_2038, %min3A_2047 : vector<4x4096xf32>
    %select_n3A_2120 = arith.select %or3A_2117, %select_n3A_2040, %select_n3A_2049 : vector<4x4096xi1>, vector<4x4096xi32>
    %select_n3A_2121 = arith.select %or3A_2117, %select_n3A_2049, %select_n3A_2040 : vector<4x4096xi1>, vector<4x4096xi32>
    %gt3A_2122 = arith.cmpf ogt, %max3A_2055, %max3A_2064 : vector<4x4096xf32>
    %eq3A_2123 = arith.cmpf oeq, %max3A_2055, %max3A_2064 : vector<4x4096xf32>
    %lt3A_2124 = arith.cmpi slt, %select_n3A_2057, %select_n3A_2066 : vector<4x4096xi32>
    %and3A_2125 = arith.andi %eq3A_2123, %lt3A_2124 : vector<4x4096xi1>
    %or3A_2126 = arith.ori %gt3A_2122, %and3A_2125 : vector<4x4096xi1>
    %max3A_2127 = arith.maximumf %max3A_2055, %max3A_2064 : vector<4x4096xf32>
    %min3A_2128 = arith.minimumf %max3A_2055, %max3A_2064 : vector<4x4096xf32>
    %select_n3A_2129 = arith.select %or3A_2126, %select_n3A_2057, %select_n3A_2066 : vector<4x4096xi1>, vector<4x4096xi32>
    %select_n3A_2130 = arith.select %or3A_2126, %select_n3A_2066, %select_n3A_2057 : vector<4x4096xi1>, vector<4x4096xi32>
    %gt3A_2131 = arith.cmpf ogt, %min3A_2056, %min3A_2065 : vector<4x4096xf32>
    %eq3A_2132 = arith.cmpf oeq, %min3A_2056, %min3A_2065 : vector<4x4096xf32>
    %lt3A_2133 = arith.cmpi slt, %select_n3A_2058, %select_n3A_2067 : vector<4x4096xi32>
    %and3A_2134 = arith.andi %eq3A_2132, %lt3A_2133 : vector<4x4096xi1>
    %or3A_2135 = arith.ori %gt3A_2131, %and3A_2134 : vector<4x4096xi1>
    %max3A_2136 = arith.maximumf %min3A_2056, %min3A_2065 : vector<4x4096xf32>
    %min3A_2137 = arith.minimumf %min3A_2056, %min3A_2065 : vector<4x4096xf32>
    %select_n3A_2138 = arith.select %or3A_2135, %select_n3A_2058, %select_n3A_2067 : vector<4x4096xi1>, vector<4x4096xi32>
    %select_n3A_2139 = arith.select %or3A_2135, %select_n3A_2067, %select_n3A_2058 : vector<4x4096xi1>, vector<4x4096xi32>
    %slice3A_2140 = vector.extract_strided_slice %max3A_2073 {offsets = [0, 0], sizes = [2, 4096], strides = [1, 1]} : vector<4x4096xf32> to vector<2x4096xf32>
    %slice3A_2141 = vector.extract_strided_slice %select_n3A_2075 {offsets = [0, 0], sizes = [2, 4096], strides = [1, 1]} : vector<4x4096xi32> to vector<2x4096xi32>
    %slice3A_2142 = vector.extract_strided_slice %min3A_2137 {offsets = [2, 0], sizes = [2, 4096], strides = [1, 1]} : vector<4x4096xf32> to vector<2x4096xf32>
    %slice3A_2143 = vector.extract_strided_slice %select_n3A_2139 {offsets = [2, 0], sizes = [2, 4096], strides = [1, 1]} : vector<4x4096xi32> to vector<2x4096xi32>
    %ge3A_2144 = arith.cmpf oge, %slice3A_2140, %slice3A_2142 : vector<2x4096xf32>
    %max3A_2145 = arith.maximumf %slice3A_2140, %slice3A_2142 : vector<2x4096xf32>
    %select_n3A_2146 = arith.select %ge3A_2144, %slice3A_2141, %slice3A_2143 : vector<2x4096xi1>, vector<2x4096xi32>
    %slice3A_2147 = vector.extract_strided_slice %min3A_2074 {offsets = [0, 0], sizes = [2, 4096], strides = [1, 1]} : vector<4x4096xf32> to vector<2x4096xf32>
    %slice3A_2148 = vector.extract_strided_slice %select_n3A_2076 {offsets = [0, 0], sizes = [2, 4096], strides = [1, 1]} : vector<4x4096xi32> to vector<2x4096xi32>
    %slice3A_2149 = vector.extract_strided_slice %max3A_2136 {offsets = [2, 0], sizes = [2, 4096], strides = [1, 1]} : vector<4x4096xf32> to vector<2x4096xf32>
    %slice3A_2150 = vector.extract_strided_slice %select_n3A_2138 {offsets = [2, 0], sizes = [2, 4096], strides = [1, 1]} : vector<4x4096xi32> to vector<2x4096xi32>
    %ge3A_2151 = arith.cmpf oge, %slice3A_2147, %slice3A_2149 : vector<2x4096xf32>
    %max3A_2152 = arith.maximumf %slice3A_2147, %slice3A_2149 : vector<2x4096xf32>
    %select_n3A_2153 = arith.select %ge3A_2151, %slice3A_2148, %slice3A_2150 : vector<2x4096xi1>, vector<2x4096xi32>
    %slice3A_2154 = vector.extract_strided_slice %max3A_2082 {offsets = [0, 0], sizes = [2, 4096], strides = [1, 1]} : vector<4x4096xf32> to vector<2x4096xf32>
    %slice3A_2155 = vector.extract_strided_slice %select_n3A_2084 {offsets = [0, 0], sizes = [2, 4096], strides = [1, 1]} : vector<4x4096xi32> to vector<2x4096xi32>
    %slice3A_2156 = vector.extract_strided_slice %min3A_2128 {offsets = [2, 0], sizes = [2, 4096], strides = [1, 1]} : vector<4x4096xf32> to vector<2x4096xf32>
    %slice3A_2157 = vector.extract_strided_slice %select_n3A_2130 {offsets = [2, 0], sizes = [2, 4096], strides = [1, 1]} : vector<4x4096xi32> to vector<2x4096xi32>
    %ge3A_2158 = arith.cmpf oge, %slice3A_2154, %slice3A_2156 : vector<2x4096xf32>
    %max3A_2159 = arith.maximumf %slice3A_2154, %slice3A_2156 : vector<2x4096xf32>
    %select_n3A_2160 = arith.select %ge3A_2158, %slice3A_2155, %slice3A_2157 : vector<2x4096xi1>, vector<2x4096xi32>
    %slice3A_2161 = vector.extract_strided_slice %min3A_2083 {offsets = [0, 0], sizes = [2, 4096], strides = [1, 1]} : vector<4x4096xf32> to vector<2x4096xf32>
    %slice3A_2162 = vector.extract_strided_slice %select_n3A_2085 {offsets = [0, 0], sizes = [2, 4096], strides = [1, 1]} : vector<4x4096xi32> to vector<2x4096xi32>
    %slice3A_2163 = vector.extract_strided_slice %max3A_2127 {offsets = [2, 0], sizes = [2, 4096], strides = [1, 1]} : vector<4x4096xf32> to vector<2x4096xf32>
    %slice3A_2164 = vector.extract_strided_slice %select_n3A_2129 {offsets = [2, 0], sizes = [2, 4096], strides = [1, 1]} : vector<4x4096xi32> to vector<2x4096xi32>
    %ge3A_2165 = arith.cmpf oge, %slice3A_2161, %slice3A_2163 : vector<2x4096xf32>
    %max3A_2166 = arith.maximumf %slice3A_2161, %slice3A_2163 : vector<2x4096xf32>
    %select_n3A_2167 = arith.select %ge3A_2165, %slice3A_2162, %slice3A_2164 : vector<2x4096xi1>, vector<2x4096xi32>
    %slice3A_2168 = vector.extract_strided_slice %max3A_2091 {offsets = [0, 0], sizes = [2, 4096], strides = [1, 1]} : vector<4x4096xf32> to vector<2x4096xf32>
    %slice3A_2169 = vector.extract_strided_slice %select_n3A_2093 {offsets = [0, 0], sizes = [2, 4096], strides = [1, 1]} : vector<4x4096xi32> to vector<2x4096xi32>
    %slice3A_2170 = vector.extract_strided_slice %min3A_2119 {offsets = [2, 0], sizes = [2, 4096], strides = [1, 1]} : vector<4x4096xf32> to vector<2x4096xf32>
    %slice3A_2171 = vector.extract_strided_slice %select_n3A_2121 {offsets = [2, 0], sizes = [2, 4096], strides = [1, 1]} : vector<4x4096xi32> to vector<2x4096xi32>
    %ge3A_2172 = arith.cmpf oge, %slice3A_2168, %slice3A_2170 : vector<2x4096xf32>
    %max3A_2173 = arith.maximumf %slice3A_2168, %slice3A_2170 : vector<2x4096xf32>
    %select_n3A_2174 = arith.select %ge3A_2172, %slice3A_2169, %slice3A_2171 : vector<2x4096xi1>, vector<2x4096xi32>
    %slice3A_2175 = vector.extract_strided_slice %min3A_2092 {offsets = [0, 0], sizes = [2, 4096], strides = [1, 1]} : vector<4x4096xf32> to vector<2x4096xf32>
    %slice3A_2176 = vector.extract_strided_slice %select_n3A_2094 {offsets = [0, 0], sizes = [2, 4096], strides = [1, 1]} : vector<4x4096xi32> to vector<2x4096xi32>
    %slice3A_2177 = vector.extract_strided_slice %max3A_2118 {offsets = [2, 0], sizes = [2, 4096], strides = [1, 1]} : vector<4x4096xf32> to vector<2x4096xf32>
    %slice3A_2178 = vector.extract_strided_slice %select_n3A_2120 {offsets = [2, 0], sizes = [2, 4096], strides = [1, 1]} : vector<4x4096xi32> to vector<2x4096xi32>
    %ge3A_2179 = arith.cmpf oge, %slice3A_2175, %slice3A_2177 : vector<2x4096xf32>
    %max3A_2180 = arith.maximumf %slice3A_2175, %slice3A_2177 : vector<2x4096xf32>
    %select_n3A_2181 = arith.select %ge3A_2179, %slice3A_2176, %slice3A_2178 : vector<2x4096xi1>, vector<2x4096xi32>
    %slice3A_2182 = vector.extract_strided_slice %max3A_2100 {offsets = [0, 0], sizes = [2, 4096], strides = [1, 1]} : vector<4x4096xf32> to vector<2x4096xf32>
    %slice3A_2183 = vector.extract_strided_slice %select_n3A_2102 {offsets = [0, 0], sizes = [2, 4096], strides = [1, 1]} : vector<4x4096xi32> to vector<2x4096xi32>
    %slice3A_2184 = vector.extract_strided_slice %min3A_2110 {offsets = [2, 0], sizes = [2, 4096], strides = [1, 1]} : vector<4x4096xf32> to vector<2x4096xf32>
    %slice3A_2185 = vector.extract_strided_slice %select_n3A_2112 {offsets = [2, 0], sizes = [2, 4096], strides = [1, 1]} : vector<4x4096xi32> to vector<2x4096xi32>
    %ge3A_2186 = arith.cmpf oge, %slice3A_2182, %slice3A_2184 : vector<2x4096xf32>
    %max3A_2187 = arith.maximumf %slice3A_2182, %slice3A_2184 : vector<2x4096xf32>
    %select_n3A_2188 = arith.select %ge3A_2186, %slice3A_2183, %slice3A_2185 : vector<2x4096xi1>, vector<2x4096xi32>
    %slice3A_2189 = vector.extract_strided_slice %min3A_2101 {offsets = [0, 0], sizes = [2, 4096], strides = [1, 1]} : vector<4x4096xf32> to vector<2x4096xf32>
    %slice3A_2190 = vector.extract_strided_slice %select_n3A_2103 {offsets = [0, 0], sizes = [2, 4096], strides = [1, 1]} : vector<4x4096xi32> to vector<2x4096xi32>
    %slice3A_2191 = vector.extract_strided_slice %max3A_2109 {offsets = [2, 0], sizes = [2, 4096], strides = [1, 1]} : vector<4x4096xf32> to vector<2x4096xf32>
    %slice3A_2192 = vector.extract_strided_slice %select_n3A_2111 {offsets = [2, 0], sizes = [2, 4096], strides = [1, 1]} : vector<4x4096xi32> to vector<2x4096xi32>
    %ge3A_2193 = arith.cmpf oge, %slice3A_2189, %slice3A_2191 : vector<2x4096xf32>
    %max3A_2194 = arith.maximumf %slice3A_2189, %slice3A_2191 : vector<2x4096xf32>
    %select_n3A_2195 = arith.select %ge3A_2193, %slice3A_2190, %slice3A_2192 : vector<2x4096xi1>, vector<2x4096xi32>
    %slice3A_2196 = vector.extract_strided_slice %max3A_2109 {offsets = [0, 0], sizes = [2, 4096], strides = [1, 1]} : vector<4x4096xf32> to vector<2x4096xf32>
    %slice3A_2197 = vector.extract_strided_slice %select_n3A_2111 {offsets = [0, 0], sizes = [2, 4096], strides = [1, 1]} : vector<4x4096xi32> to vector<2x4096xi32>
    %slice3A_2198 = vector.extract_strided_slice %min3A_2101 {offsets = [2, 0], sizes = [2, 4096], strides = [1, 1]} : vector<4x4096xf32> to vector<2x4096xf32>
    %slice3A_2199 = vector.extract_strided_slice %select_n3A_2103 {offsets = [2, 0], sizes = [2, 4096], strides = [1, 1]} : vector<4x4096xi32> to vector<2x4096xi32>
    %ge3A_2200 = arith.cmpf oge, %slice3A_2196, %slice3A_2198 : vector<2x4096xf32>
    %max3A_2201 = arith.maximumf %slice3A_2196, %slice3A_2198 : vector<2x4096xf32>
    %select_n3A_2202 = arith.select %ge3A_2200, %slice3A_2197, %slice3A_2199 : vector<2x4096xi1>, vector<2x4096xi32>
    %slice3A_2203 = vector.extract_strided_slice %min3A_2110 {offsets = [0, 0], sizes = [2, 4096], strides = [1, 1]} : vector<4x4096xf32> to vector<2x4096xf32>
    %slice3A_2204 = vector.extract_strided_slice %select_n3A_2112 {offsets = [0, 0], sizes = [2, 4096], strides = [1, 1]} : vector<4x4096xi32> to vector<2x4096xi32>
    %slice3A_2205 = vector.extract_strided_slice %max3A_2100 {offsets = [2, 0], sizes = [2, 4096], strides = [1, 1]} : vector<4x4096xf32> to vector<2x4096xf32>
    %slice3A_2206 = vector.extract_strided_slice %select_n3A_2102 {offsets = [2, 0], sizes = [2, 4096], strides = [1, 1]} : vector<4x4096xi32> to vector<2x4096xi32>
    %ge3A_2207 = arith.cmpf oge, %slice3A_2203, %slice3A_2205 : vector<2x4096xf32>
    %max3A_2208 = arith.maximumf %slice3A_2203, %slice3A_2205 : vector<2x4096xf32>
    %select_n3A_2209 = arith.select %ge3A_2207, %slice3A_2204, %slice3A_2206 : vector<2x4096xi1>, vector<2x4096xi32>
    %slice3A_2210 = vector.extract_strided_slice %max3A_2118 {offsets = [0, 0], sizes = [2, 4096], strides = [1, 1]} : vector<4x4096xf32> to vector<2x4096xf32>
    %slice3A_2211 = vector.extract_strided_slice %select_n3A_2120 {offsets = [0, 0], sizes = [2, 4096], strides = [1, 1]} : vector<4x4096xi32> to vector<2x4096xi32>
    %slice3A_2212 = vector.extract_strided_slice %min3A_2092 {offsets = [2, 0], sizes = [2, 4096], strides = [1, 1]} : vector<4x4096xf32> to vector<2x4096xf32>
    %slice3A_2213 = vector.extract_strided_slice %select_n3A_2094 {offsets = [2, 0], sizes = [2, 4096], strides = [1, 1]} : vector<4x4096xi32> to vector<2x4096xi32>
    %ge3A_2214 = arith.cmpf oge, %slice3A_2210, %slice3A_2212 : vector<2x4096xf32>
    %max3A_2215 = arith.maximumf %slice3A_2210, %slice3A_2212 : vector<2x4096xf32>
    %select_n3A_2216 = arith.select %ge3A_2214, %slice3A_2211, %slice3A_2213 : vector<2x4096xi1>, vector<2x4096xi32>
    %slice3A_2217 = vector.extract_strided_slice %min3A_2119 {offsets = [0, 0], sizes = [2, 4096], strides = [1, 1]} : vector<4x4096xf32> to vector<2x4096xf32>
    %slice3A_2218 = vector.extract_strided_slice %select_n3A_2121 {offsets = [0, 0], sizes = [2, 4096], strides = [1, 1]} : vector<4x4096xi32> to vector<2x4096xi32>
    %slice3A_2219 = vector.extract_strided_slice %max3A_2091 {offsets = [2, 0], sizes = [2, 4096], strides = [1, 1]} : vector<4x4096xf32> to vector<2x4096xf32>
    %slice3A_2220 = vector.extract_strided_slice %select_n3A_2093 {offsets = [2, 0], sizes = [2, 4096], strides = [1, 1]} : vector<4x4096xi32> to vector<2x4096xi32>
    %ge3A_2221 = arith.cmpf oge, %slice3A_2217, %slice3A_2219 : vector<2x4096xf32>
    %max3A_2222 = arith.maximumf %slice3A_2217, %slice3A_2219 : vector<2x4096xf32>
    %select_n3A_2223 = arith.select %ge3A_2221, %slice3A_2218, %slice3A_2220 : vector<2x4096xi1>, vector<2x4096xi32>
    %slice3A_2224 = vector.extract_strided_slice %max3A_2127 {offsets = [0, 0], sizes = [2, 4096], strides = [1, 1]} : vector<4x4096xf32> to vector<2x4096xf32>
    %slice3A_2225 = vector.extract_strided_slice %select_n3A_2129 {offsets = [0, 0], sizes = [2, 4096], strides = [1, 1]} : vector<4x4096xi32> to vector<2x4096xi32>
    %slice3A_2226 = vector.extract_strided_slice %min3A_2083 {offsets = [2, 0], sizes = [2, 4096], strides = [1, 1]} : vector<4x4096xf32> to vector<2x4096xf32>
    %slice3A_2227 = vector.extract_strided_slice %select_n3A_2085 {offsets = [2, 0], sizes = [2, 4096], strides = [1, 1]} : vector<4x4096xi32> to vector<2x4096xi32>
    %ge3A_2228 = arith.cmpf oge, %slice3A_2224, %slice3A_2226 : vector<2x4096xf32>
    %max3A_2229 = arith.maximumf %slice3A_2224, %slice3A_2226 : vector<2x4096xf32>
    %select_n3A_2230 = arith.select %ge3A_2228, %slice3A_2225, %slice3A_2227 : vector<2x4096xi1>, vector<2x4096xi32>
    %slice3A_2231 = vector.extract_strided_slice %min3A_2128 {offsets = [0, 0], sizes = [2, 4096], strides = [1, 1]} : vector<4x4096xf32> to vector<2x4096xf32>
    %slice3A_2232 = vector.extract_strided_slice %select_n3A_2130 {offsets = [0, 0], sizes = [2, 4096], strides = [1, 1]} : vector<4x4096xi32> to vector<2x4096xi32>
    %slice3A_2233 = vector.extract_strided_slice %max3A_2082 {offsets = [2, 0], sizes = [2, 4096], strides = [1, 1]} : vector<4x4096xf32> to vector<2x4096xf32>
    %slice3A_2234 = vector.extract_strided_slice %select_n3A_2084 {offsets = [2, 0], sizes = [2, 4096], strides = [1, 1]} : vector<4x4096xi32> to vector<2x4096xi32>
    %ge3A_2235 = arith.cmpf oge, %slice3A_2231, %slice3A_2233 : vector<2x4096xf32>
    %max3A_2236 = arith.maximumf %slice3A_2231, %slice3A_2233 : vector<2x4096xf32>
    %select_n3A_2237 = arith.select %ge3A_2235, %slice3A_2232, %slice3A_2234 : vector<2x4096xi1>, vector<2x4096xi32>
    %slice3A_2238 = vector.extract_strided_slice %max3A_2136 {offsets = [0, 0], sizes = [2, 4096], strides = [1, 1]} : vector<4x4096xf32> to vector<2x4096xf32>
    %slice3A_2239 = vector.extract_strided_slice %select_n3A_2138 {offsets = [0, 0], sizes = [2, 4096], strides = [1, 1]} : vector<4x4096xi32> to vector<2x4096xi32>
    %slice3A_2240 = vector.extract_strided_slice %min3A_2074 {offsets = [2, 0], sizes = [2, 4096], strides = [1, 1]} : vector<4x4096xf32> to vector<2x4096xf32>
    %slice3A_2241 = vector.extract_strided_slice %select_n3A_2076 {offsets = [2, 0], sizes = [2, 4096], strides = [1, 1]} : vector<4x4096xi32> to vector<2x4096xi32>
    %ge3A_2242 = arith.cmpf oge, %slice3A_2238, %slice3A_2240 : vector<2x4096xf32>
    %max3A_2243 = arith.maximumf %slice3A_2238, %slice3A_2240 : vector<2x4096xf32>
    %select_n3A_2244 = arith.select %ge3A_2242, %slice3A_2239, %slice3A_2241 : vector<2x4096xi1>, vector<2x4096xi32>
    %slice3A_2245 = vector.extract_strided_slice %min3A_2137 {offsets = [0, 0], sizes = [2, 4096], strides = [1, 1]} : vector<4x4096xf32> to vector<2x4096xf32>
    %slice3A_2246 = vector.extract_strided_slice %select_n3A_2139 {offsets = [0, 0], sizes = [2, 4096], strides = [1, 1]} : vector<4x4096xi32> to vector<2x4096xi32>
    %slice3A_2247 = vector.extract_strided_slice %max3A_2073 {offsets = [2, 0], sizes = [2, 4096], strides = [1, 1]} : vector<4x4096xf32> to vector<2x4096xf32>
    %slice3A_2248 = vector.extract_strided_slice %select_n3A_2075 {offsets = [2, 0], sizes = [2, 4096], strides = [1, 1]} : vector<4x4096xi32> to vector<2x4096xi32>
    %ge3A_2249 = arith.cmpf oge, %slice3A_2245, %slice3A_2247 : vector<2x4096xf32>
    %max3A_2250 = arith.maximumf %slice3A_2245, %slice3A_2247 : vector<2x4096xf32>
    %select_n3A_2251 = arith.select %ge3A_2249, %slice3A_2246, %slice3A_2248 : vector<2x4096xi1>, vector<2x4096xi32>
    %gt3A_2252 = arith.cmpf ogt, %max3A_2145, %max3A_2201 : vector<2x4096xf32>
    %eq3A_2253 = arith.cmpf oeq, %max3A_2145, %max3A_2201 : vector<2x4096xf32>
    %lt3A_2254 = arith.cmpi slt, %select_n3A_2146, %select_n3A_2202 : vector<2x4096xi32>
    %and3A_2255 = arith.andi %eq3A_2253, %lt3A_2254 : vector<2x4096xi1>
    %or3A_2256 = arith.ori %gt3A_2252, %and3A_2255 : vector<2x4096xi1>
    %max3A_2257 = arith.maximumf %max3A_2145, %max3A_2201 : vector<2x4096xf32>
    %min3A_2258 = arith.minimumf %max3A_2145, %max3A_2201 : vector<2x4096xf32>
    %select_n3A_2259 = arith.select %or3A_2256, %select_n3A_2146, %select_n3A_2202 : vector<2x4096xi1>, vector<2x4096xi32>
    %select_n3A_2260 = arith.select %or3A_2256, %select_n3A_2202, %select_n3A_2146 : vector<2x4096xi1>, vector<2x4096xi32>
    %gt3A_2261 = arith.cmpf ogt, %max3A_2152, %max3A_2208 : vector<2x4096xf32>
    %eq3A_2262 = arith.cmpf oeq, %max3A_2152, %max3A_2208 : vector<2x4096xf32>
    %lt3A_2263 = arith.cmpi slt, %select_n3A_2153, %select_n3A_2209 : vector<2x4096xi32>
    %and3A_2264 = arith.andi %eq3A_2262, %lt3A_2263 : vector<2x4096xi1>
    %or3A_2265 = arith.ori %gt3A_2261, %and3A_2264 : vector<2x4096xi1>
    %max3A_2266 = arith.maximumf %max3A_2152, %max3A_2208 : vector<2x4096xf32>
    %min3A_2267 = arith.minimumf %max3A_2152, %max3A_2208 : vector<2x4096xf32>
    %select_n3A_2268 = arith.select %or3A_2265, %select_n3A_2153, %select_n3A_2209 : vector<2x4096xi1>, vector<2x4096xi32>
    %select_n3A_2269 = arith.select %or3A_2265, %select_n3A_2209, %select_n3A_2153 : vector<2x4096xi1>, vector<2x4096xi32>
    %gt3A_2270 = arith.cmpf ogt, %max3A_2159, %max3A_2215 : vector<2x4096xf32>
    %eq3A_2271 = arith.cmpf oeq, %max3A_2159, %max3A_2215 : vector<2x4096xf32>
    %lt3A_2272 = arith.cmpi slt, %select_n3A_2160, %select_n3A_2216 : vector<2x4096xi32>
    %and3A_2273 = arith.andi %eq3A_2271, %lt3A_2272 : vector<2x4096xi1>
    %or3A_2274 = arith.ori %gt3A_2270, %and3A_2273 : vector<2x4096xi1>
    %max3A_2275 = arith.maximumf %max3A_2159, %max3A_2215 : vector<2x4096xf32>
    %min3A_2276 = arith.minimumf %max3A_2159, %max3A_2215 : vector<2x4096xf32>
    %select_n3A_2277 = arith.select %or3A_2274, %select_n3A_2160, %select_n3A_2216 : vector<2x4096xi1>, vector<2x4096xi32>
    %select_n3A_2278 = arith.select %or3A_2274, %select_n3A_2216, %select_n3A_2160 : vector<2x4096xi1>, vector<2x4096xi32>
    %gt3A_2279 = arith.cmpf ogt, %max3A_2166, %max3A_2222 : vector<2x4096xf32>
    %eq3A_2280 = arith.cmpf oeq, %max3A_2166, %max3A_2222 : vector<2x4096xf32>
    %lt3A_2281 = arith.cmpi slt, %select_n3A_2167, %select_n3A_2223 : vector<2x4096xi32>
    %and3A_2282 = arith.andi %eq3A_2280, %lt3A_2281 : vector<2x4096xi1>
    %or3A_2283 = arith.ori %gt3A_2279, %and3A_2282 : vector<2x4096xi1>
    %max3A_2284 = arith.maximumf %max3A_2166, %max3A_2222 : vector<2x4096xf32>
    %min3A_2285 = arith.minimumf %max3A_2166, %max3A_2222 : vector<2x4096xf32>
    %select_n3A_2286 = arith.select %or3A_2283, %select_n3A_2167, %select_n3A_2223 : vector<2x4096xi1>, vector<2x4096xi32>
    %select_n3A_2287 = arith.select %or3A_2283, %select_n3A_2223, %select_n3A_2167 : vector<2x4096xi1>, vector<2x4096xi32>
    %gt3A_2288 = arith.cmpf ogt, %max3A_2173, %max3A_2229 : vector<2x4096xf32>
    %eq3A_2289 = arith.cmpf oeq, %max3A_2173, %max3A_2229 : vector<2x4096xf32>
    %lt3A_2290 = arith.cmpi slt, %select_n3A_2174, %select_n3A_2230 : vector<2x4096xi32>
    %and3A_2291 = arith.andi %eq3A_2289, %lt3A_2290 : vector<2x4096xi1>
    %or3A_2292 = arith.ori %gt3A_2288, %and3A_2291 : vector<2x4096xi1>
    %max3A_2293 = arith.maximumf %max3A_2173, %max3A_2229 : vector<2x4096xf32>
    %min3A_2294 = arith.minimumf %max3A_2173, %max3A_2229 : vector<2x4096xf32>
    %select_n3A_2295 = arith.select %or3A_2292, %select_n3A_2174, %select_n3A_2230 : vector<2x4096xi1>, vector<2x4096xi32>
    %select_n3A_2296 = arith.select %or3A_2292, %select_n3A_2230, %select_n3A_2174 : vector<2x4096xi1>, vector<2x4096xi32>
    %gt3A_2297 = arith.cmpf ogt, %max3A_2180, %max3A_2236 : vector<2x4096xf32>
    %eq3A_2298 = arith.cmpf oeq, %max3A_2180, %max3A_2236 : vector<2x4096xf32>
    %lt3A_2299 = arith.cmpi slt, %select_n3A_2181, %select_n3A_2237 : vector<2x4096xi32>
    %and3A_2300 = arith.andi %eq3A_2298, %lt3A_2299 : vector<2x4096xi1>
    %or3A_2301 = arith.ori %gt3A_2297, %and3A_2300 : vector<2x4096xi1>
    %max3A_2302 = arith.maximumf %max3A_2180, %max3A_2236 : vector<2x4096xf32>
    %min3A_2303 = arith.minimumf %max3A_2180, %max3A_2236 : vector<2x4096xf32>
    %select_n3A_2304 = arith.select %or3A_2301, %select_n3A_2181, %select_n3A_2237 : vector<2x4096xi1>, vector<2x4096xi32>
    %select_n3A_2305 = arith.select %or3A_2301, %select_n3A_2237, %select_n3A_2181 : vector<2x4096xi1>, vector<2x4096xi32>
    %gt3A_2306 = arith.cmpf ogt, %max3A_2187, %max3A_2243 : vector<2x4096xf32>
    %eq3A_2307 = arith.cmpf oeq, %max3A_2187, %max3A_2243 : vector<2x4096xf32>
    %lt3A_2308 = arith.cmpi slt, %select_n3A_2188, %select_n3A_2244 : vector<2x4096xi32>
    %and3A_2309 = arith.andi %eq3A_2307, %lt3A_2308 : vector<2x4096xi1>
    %or3A_2310 = arith.ori %gt3A_2306, %and3A_2309 : vector<2x4096xi1>
    %max3A_2311 = arith.maximumf %max3A_2187, %max3A_2243 : vector<2x4096xf32>
    %min3A_2312 = arith.minimumf %max3A_2187, %max3A_2243 : vector<2x4096xf32>
    %select_n3A_2313 = arith.select %or3A_2310, %select_n3A_2188, %select_n3A_2244 : vector<2x4096xi1>, vector<2x4096xi32>
    %select_n3A_2314 = arith.select %or3A_2310, %select_n3A_2244, %select_n3A_2188 : vector<2x4096xi1>, vector<2x4096xi32>
    %gt3A_2315 = arith.cmpf ogt, %max3A_2194, %max3A_2250 : vector<2x4096xf32>
    %eq3A_2316 = arith.cmpf oeq, %max3A_2194, %max3A_2250 : vector<2x4096xf32>
    %lt3A_2317 = arith.cmpi slt, %select_n3A_2195, %select_n3A_2251 : vector<2x4096xi32>
    %and3A_2318 = arith.andi %eq3A_2316, %lt3A_2317 : vector<2x4096xi1>
    %or3A_2319 = arith.ori %gt3A_2315, %and3A_2318 : vector<2x4096xi1>
    %max3A_2320 = arith.maximumf %max3A_2194, %max3A_2250 : vector<2x4096xf32>
    %min3A_2321 = arith.minimumf %max3A_2194, %max3A_2250 : vector<2x4096xf32>
    %select_n3A_2322 = arith.select %or3A_2319, %select_n3A_2195, %select_n3A_2251 : vector<2x4096xi1>, vector<2x4096xi32>
    %select_n3A_2323 = arith.select %or3A_2319, %select_n3A_2251, %select_n3A_2195 : vector<2x4096xi1>, vector<2x4096xi32>
    %gt3A_2324 = arith.cmpf ogt, %max3A_2257, %max3A_2293 : vector<2x4096xf32>
    %eq3A_2325 = arith.cmpf oeq, %max3A_2257, %max3A_2293 : vector<2x4096xf32>
    %lt3A_2326 = arith.cmpi slt, %select_n3A_2259, %select_n3A_2295 : vector<2x4096xi32>
    %and3A_2327 = arith.andi %eq3A_2325, %lt3A_2326 : vector<2x4096xi1>
    %or3A_2328 = arith.ori %gt3A_2324, %and3A_2327 : vector<2x4096xi1>
    %max3A_2329 = arith.maximumf %max3A_2257, %max3A_2293 : vector<2x4096xf32>
    %min3A_2330 = arith.minimumf %max3A_2257, %max3A_2293 : vector<2x4096xf32>
    %select_n3A_2331 = arith.select %or3A_2328, %select_n3A_2259, %select_n3A_2295 : vector<2x4096xi1>, vector<2x4096xi32>
    %select_n3A_2332 = arith.select %or3A_2328, %select_n3A_2295, %select_n3A_2259 : vector<2x4096xi1>, vector<2x4096xi32>
    %gt3A_2333 = arith.cmpf ogt, %max3A_2266, %max3A_2302 : vector<2x4096xf32>
    %eq3A_2334 = arith.cmpf oeq, %max3A_2266, %max3A_2302 : vector<2x4096xf32>
    %lt3A_2335 = arith.cmpi slt, %select_n3A_2268, %select_n3A_2304 : vector<2x4096xi32>
    %and3A_2336 = arith.andi %eq3A_2334, %lt3A_2335 : vector<2x4096xi1>
    %or3A_2337 = arith.ori %gt3A_2333, %and3A_2336 : vector<2x4096xi1>
    %max3A_2338 = arith.maximumf %max3A_2266, %max3A_2302 : vector<2x4096xf32>
    %min3A_2339 = arith.minimumf %max3A_2266, %max3A_2302 : vector<2x4096xf32>
    %select_n3A_2340 = arith.select %or3A_2337, %select_n3A_2268, %select_n3A_2304 : vector<2x4096xi1>, vector<2x4096xi32>
    %select_n3A_2341 = arith.select %or3A_2337, %select_n3A_2304, %select_n3A_2268 : vector<2x4096xi1>, vector<2x4096xi32>
    %gt3A_2342 = arith.cmpf ogt, %max3A_2275, %max3A_2311 : vector<2x4096xf32>
    %eq3A_2343 = arith.cmpf oeq, %max3A_2275, %max3A_2311 : vector<2x4096xf32>
    %lt3A_2344 = arith.cmpi slt, %select_n3A_2277, %select_n3A_2313 : vector<2x4096xi32>
    %and3A_2345 = arith.andi %eq3A_2343, %lt3A_2344 : vector<2x4096xi1>
    %or3A_2346 = arith.ori %gt3A_2342, %and3A_2345 : vector<2x4096xi1>
    %max3A_2347 = arith.maximumf %max3A_2275, %max3A_2311 : vector<2x4096xf32>
    %min3A_2348 = arith.minimumf %max3A_2275, %max3A_2311 : vector<2x4096xf32>
    %select_n3A_2349 = arith.select %or3A_2346, %select_n3A_2277, %select_n3A_2313 : vector<2x4096xi1>, vector<2x4096xi32>
    %select_n3A_2350 = arith.select %or3A_2346, %select_n3A_2313, %select_n3A_2277 : vector<2x4096xi1>, vector<2x4096xi32>
    %gt3A_2351 = arith.cmpf ogt, %max3A_2284, %max3A_2320 : vector<2x4096xf32>
    %eq3A_2352 = arith.cmpf oeq, %max3A_2284, %max3A_2320 : vector<2x4096xf32>
    %lt3A_2353 = arith.cmpi slt, %select_n3A_2286, %select_n3A_2322 : vector<2x4096xi32>
    %and3A_2354 = arith.andi %eq3A_2352, %lt3A_2353 : vector<2x4096xi1>
    %or3A_2355 = arith.ori %gt3A_2351, %and3A_2354 : vector<2x4096xi1>
    %max3A_2356 = arith.maximumf %max3A_2284, %max3A_2320 : vector<2x4096xf32>
    %min3A_2357 = arith.minimumf %max3A_2284, %max3A_2320 : vector<2x4096xf32>
    %select_n3A_2358 = arith.select %or3A_2355, %select_n3A_2286, %select_n3A_2322 : vector<2x4096xi1>, vector<2x4096xi32>
    %select_n3A_2359 = arith.select %or3A_2355, %select_n3A_2322, %select_n3A_2286 : vector<2x4096xi1>, vector<2x4096xi32>
    %gt3A_2360 = arith.cmpf ogt, %min3A_2258, %min3A_2294 : vector<2x4096xf32>
    %eq3A_2361 = arith.cmpf oeq, %min3A_2258, %min3A_2294 : vector<2x4096xf32>
    %lt3A_2362 = arith.cmpi slt, %select_n3A_2260, %select_n3A_2296 : vector<2x4096xi32>
    %and3A_2363 = arith.andi %eq3A_2361, %lt3A_2362 : vector<2x4096xi1>
    %or3A_2364 = arith.ori %gt3A_2360, %and3A_2363 : vector<2x4096xi1>
    %max3A_2365 = arith.maximumf %min3A_2258, %min3A_2294 : vector<2x4096xf32>
    %min3A_2366 = arith.minimumf %min3A_2258, %min3A_2294 : vector<2x4096xf32>
    %select_n3A_2367 = arith.select %or3A_2364, %select_n3A_2260, %select_n3A_2296 : vector<2x4096xi1>, vector<2x4096xi32>
    %select_n3A_2368 = arith.select %or3A_2364, %select_n3A_2296, %select_n3A_2260 : vector<2x4096xi1>, vector<2x4096xi32>
    %gt3A_2369 = arith.cmpf ogt, %min3A_2267, %min3A_2303 : vector<2x4096xf32>
    %eq3A_2370 = arith.cmpf oeq, %min3A_2267, %min3A_2303 : vector<2x4096xf32>
    %lt3A_2371 = arith.cmpi slt, %select_n3A_2269, %select_n3A_2305 : vector<2x4096xi32>
    %and3A_2372 = arith.andi %eq3A_2370, %lt3A_2371 : vector<2x4096xi1>
    %or3A_2373 = arith.ori %gt3A_2369, %and3A_2372 : vector<2x4096xi1>
    %max3A_2374 = arith.maximumf %min3A_2267, %min3A_2303 : vector<2x4096xf32>
    %min3A_2375 = arith.minimumf %min3A_2267, %min3A_2303 : vector<2x4096xf32>
    %select_n3A_2376 = arith.select %or3A_2373, %select_n3A_2269, %select_n3A_2305 : vector<2x4096xi1>, vector<2x4096xi32>
    %select_n3A_2377 = arith.select %or3A_2373, %select_n3A_2305, %select_n3A_2269 : vector<2x4096xi1>, vector<2x4096xi32>
    %gt3A_2378 = arith.cmpf ogt, %min3A_2276, %min3A_2312 : vector<2x4096xf32>
    %eq3A_2379 = arith.cmpf oeq, %min3A_2276, %min3A_2312 : vector<2x4096xf32>
    %lt3A_2380 = arith.cmpi slt, %select_n3A_2278, %select_n3A_2314 : vector<2x4096xi32>
    %and3A_2381 = arith.andi %eq3A_2379, %lt3A_2380 : vector<2x4096xi1>
    %or3A_2382 = arith.ori %gt3A_2378, %and3A_2381 : vector<2x4096xi1>
    %max3A_2383 = arith.maximumf %min3A_2276, %min3A_2312 : vector<2x4096xf32>
    %min3A_2384 = arith.minimumf %min3A_2276, %min3A_2312 : vector<2x4096xf32>
    %select_n3A_2385 = arith.select %or3A_2382, %select_n3A_2278, %select_n3A_2314 : vector<2x4096xi1>, vector<2x4096xi32>
    %select_n3A_2386 = arith.select %or3A_2382, %select_n3A_2314, %select_n3A_2278 : vector<2x4096xi1>, vector<2x4096xi32>
    %gt3A_2387 = arith.cmpf ogt, %min3A_2285, %min3A_2321 : vector<2x4096xf32>
    %eq3A_2388 = arith.cmpf oeq, %min3A_2285, %min3A_2321 : vector<2x4096xf32>
    %lt3A_2389 = arith.cmpi slt, %select_n3A_2287, %select_n3A_2323 : vector<2x4096xi32>
    %and3A_2390 = arith.andi %eq3A_2388, %lt3A_2389 : vector<2x4096xi1>
    %or3A_2391 = arith.ori %gt3A_2387, %and3A_2390 : vector<2x4096xi1>
    %max3A_2392 = arith.maximumf %min3A_2285, %min3A_2321 : vector<2x4096xf32>
    %min3A_2393 = arith.minimumf %min3A_2285, %min3A_2321 : vector<2x4096xf32>
    %select_n3A_2394 = arith.select %or3A_2391, %select_n3A_2287, %select_n3A_2323 : vector<2x4096xi1>, vector<2x4096xi32>
    %select_n3A_2395 = arith.select %or3A_2391, %select_n3A_2323, %select_n3A_2287 : vector<2x4096xi1>, vector<2x4096xi32>
    %gt3A_2396 = arith.cmpf ogt, %max3A_2329, %max3A_2347 : vector<2x4096xf32>
    %eq3A_2397 = arith.cmpf oeq, %max3A_2329, %max3A_2347 : vector<2x4096xf32>
    %lt3A_2398 = arith.cmpi slt, %select_n3A_2331, %select_n3A_2349 : vector<2x4096xi32>
    %and3A_2399 = arith.andi %eq3A_2397, %lt3A_2398 : vector<2x4096xi1>
    %or3A_2400 = arith.ori %gt3A_2396, %and3A_2399 : vector<2x4096xi1>
    %max3A_2401 = arith.maximumf %max3A_2329, %max3A_2347 : vector<2x4096xf32>
    %min3A_2402 = arith.minimumf %max3A_2329, %max3A_2347 : vector<2x4096xf32>
    %select_n3A_2403 = arith.select %or3A_2400, %select_n3A_2331, %select_n3A_2349 : vector<2x4096xi1>, vector<2x4096xi32>
    %select_n3A_2404 = arith.select %or3A_2400, %select_n3A_2349, %select_n3A_2331 : vector<2x4096xi1>, vector<2x4096xi32>
    %gt3A_2405 = arith.cmpf ogt, %max3A_2338, %max3A_2356 : vector<2x4096xf32>
    %eq3A_2406 = arith.cmpf oeq, %max3A_2338, %max3A_2356 : vector<2x4096xf32>
    %lt3A_2407 = arith.cmpi slt, %select_n3A_2340, %select_n3A_2358 : vector<2x4096xi32>
    %and3A_2408 = arith.andi %eq3A_2406, %lt3A_2407 : vector<2x4096xi1>
    %or3A_2409 = arith.ori %gt3A_2405, %and3A_2408 : vector<2x4096xi1>
    %max3A_2410 = arith.maximumf %max3A_2338, %max3A_2356 : vector<2x4096xf32>
    %min3A_2411 = arith.minimumf %max3A_2338, %max3A_2356 : vector<2x4096xf32>
    %select_n3A_2412 = arith.select %or3A_2409, %select_n3A_2340, %select_n3A_2358 : vector<2x4096xi1>, vector<2x4096xi32>
    %select_n3A_2413 = arith.select %or3A_2409, %select_n3A_2358, %select_n3A_2340 : vector<2x4096xi1>, vector<2x4096xi32>
    %gt3A_2414 = arith.cmpf ogt, %min3A_2330, %min3A_2348 : vector<2x4096xf32>
    %eq3A_2415 = arith.cmpf oeq, %min3A_2330, %min3A_2348 : vector<2x4096xf32>
    %lt3A_2416 = arith.cmpi slt, %select_n3A_2332, %select_n3A_2350 : vector<2x4096xi32>
    %and3A_2417 = arith.andi %eq3A_2415, %lt3A_2416 : vector<2x4096xi1>
    %or3A_2418 = arith.ori %gt3A_2414, %and3A_2417 : vector<2x4096xi1>
    %max3A_2419 = arith.maximumf %min3A_2330, %min3A_2348 : vector<2x4096xf32>
    %min3A_2420 = arith.minimumf %min3A_2330, %min3A_2348 : vector<2x4096xf32>
    %select_n3A_2421 = arith.select %or3A_2418, %select_n3A_2332, %select_n3A_2350 : vector<2x4096xi1>, vector<2x4096xi32>
    %select_n3A_2422 = arith.select %or3A_2418, %select_n3A_2350, %select_n3A_2332 : vector<2x4096xi1>, vector<2x4096xi32>
    %gt3A_2423 = arith.cmpf ogt, %min3A_2339, %min3A_2357 : vector<2x4096xf32>
    %eq3A_2424 = arith.cmpf oeq, %min3A_2339, %min3A_2357 : vector<2x4096xf32>
    %lt3A_2425 = arith.cmpi slt, %select_n3A_2341, %select_n3A_2359 : vector<2x4096xi32>
    %and3A_2426 = arith.andi %eq3A_2424, %lt3A_2425 : vector<2x4096xi1>
    %or3A_2427 = arith.ori %gt3A_2423, %and3A_2426 : vector<2x4096xi1>
    %max3A_2428 = arith.maximumf %min3A_2339, %min3A_2357 : vector<2x4096xf32>
    %min3A_2429 = arith.minimumf %min3A_2339, %min3A_2357 : vector<2x4096xf32>
    %select_n3A_2430 = arith.select %or3A_2427, %select_n3A_2341, %select_n3A_2359 : vector<2x4096xi1>, vector<2x4096xi32>
    %select_n3A_2431 = arith.select %or3A_2427, %select_n3A_2359, %select_n3A_2341 : vector<2x4096xi1>, vector<2x4096xi32>
    %gt3A_2432 = arith.cmpf ogt, %max3A_2365, %max3A_2383 : vector<2x4096xf32>
    %eq3A_2433 = arith.cmpf oeq, %max3A_2365, %max3A_2383 : vector<2x4096xf32>
    %lt3A_2434 = arith.cmpi slt, %select_n3A_2367, %select_n3A_2385 : vector<2x4096xi32>
    %and3A_2435 = arith.andi %eq3A_2433, %lt3A_2434 : vector<2x4096xi1>
    %or3A_2436 = arith.ori %gt3A_2432, %and3A_2435 : vector<2x4096xi1>
    %max3A_2437 = arith.maximumf %max3A_2365, %max3A_2383 : vector<2x4096xf32>
    %min3A_2438 = arith.minimumf %max3A_2365, %max3A_2383 : vector<2x4096xf32>
    %select_n3A_2439 = arith.select %or3A_2436, %select_n3A_2367, %select_n3A_2385 : vector<2x4096xi1>, vector<2x4096xi32>
    %select_n3A_2440 = arith.select %or3A_2436, %select_n3A_2385, %select_n3A_2367 : vector<2x4096xi1>, vector<2x4096xi32>
    %gt3A_2441 = arith.cmpf ogt, %max3A_2374, %max3A_2392 : vector<2x4096xf32>
    %eq3A_2442 = arith.cmpf oeq, %max3A_2374, %max3A_2392 : vector<2x4096xf32>
    %lt3A_2443 = arith.cmpi slt, %select_n3A_2376, %select_n3A_2394 : vector<2x4096xi32>
    %and3A_2444 = arith.andi %eq3A_2442, %lt3A_2443 : vector<2x4096xi1>
    %or3A_2445 = arith.ori %gt3A_2441, %and3A_2444 : vector<2x4096xi1>
    %max3A_2446 = arith.maximumf %max3A_2374, %max3A_2392 : vector<2x4096xf32>
    %min3A_2447 = arith.minimumf %max3A_2374, %max3A_2392 : vector<2x4096xf32>
    %select_n3A_2448 = arith.select %or3A_2445, %select_n3A_2376, %select_n3A_2394 : vector<2x4096xi1>, vector<2x4096xi32>
    %select_n3A_2449 = arith.select %or3A_2445, %select_n3A_2394, %select_n3A_2376 : vector<2x4096xi1>, vector<2x4096xi32>
    %gt3A_2450 = arith.cmpf ogt, %min3A_2366, %min3A_2384 : vector<2x4096xf32>
    %eq3A_2451 = arith.cmpf oeq, %min3A_2366, %min3A_2384 : vector<2x4096xf32>
    %lt3A_2452 = arith.cmpi slt, %select_n3A_2368, %select_n3A_2386 : vector<2x4096xi32>
    %and3A_2453 = arith.andi %eq3A_2451, %lt3A_2452 : vector<2x4096xi1>
    %or3A_2454 = arith.ori %gt3A_2450, %and3A_2453 : vector<2x4096xi1>
    %max3A_2455 = arith.maximumf %min3A_2366, %min3A_2384 : vector<2x4096xf32>
    %min3A_2456 = arith.minimumf %min3A_2366, %min3A_2384 : vector<2x4096xf32>
    %select_n3A_2457 = arith.select %or3A_2454, %select_n3A_2368, %select_n3A_2386 : vector<2x4096xi1>, vector<2x4096xi32>
    %select_n3A_2458 = arith.select %or3A_2454, %select_n3A_2386, %select_n3A_2368 : vector<2x4096xi1>, vector<2x4096xi32>
    %gt3A_2459 = arith.cmpf ogt, %min3A_2375, %min3A_2393 : vector<2x4096xf32>
    %eq3A_2460 = arith.cmpf oeq, %min3A_2375, %min3A_2393 : vector<2x4096xf32>
    %lt3A_2461 = arith.cmpi slt, %select_n3A_2377, %select_n3A_2395 : vector<2x4096xi32>
    %and3A_2462 = arith.andi %eq3A_2460, %lt3A_2461 : vector<2x4096xi1>
    %or3A_2463 = arith.ori %gt3A_2459, %and3A_2462 : vector<2x4096xi1>
    %max3A_2464 = arith.maximumf %min3A_2375, %min3A_2393 : vector<2x4096xf32>
    %min3A_2465 = arith.minimumf %min3A_2375, %min3A_2393 : vector<2x4096xf32>
    %select_n3A_2466 = arith.select %or3A_2463, %select_n3A_2377, %select_n3A_2395 : vector<2x4096xi1>, vector<2x4096xi32>
    %select_n3A_2467 = arith.select %or3A_2463, %select_n3A_2395, %select_n3A_2377 : vector<2x4096xi1>, vector<2x4096xi32>
    %gt3A_2468 = arith.cmpf ogt, %max3A_2401, %max3A_2410 : vector<2x4096xf32>
    %eq3A_2469 = arith.cmpf oeq, %max3A_2401, %max3A_2410 : vector<2x4096xf32>
    %lt3A_2470 = arith.cmpi slt, %select_n3A_2403, %select_n3A_2412 : vector<2x4096xi32>
    %and3A_2471 = arith.andi %eq3A_2469, %lt3A_2470 : vector<2x4096xi1>
    %or3A_2472 = arith.ori %gt3A_2468, %and3A_2471 : vector<2x4096xi1>
    %max3A_2473 = arith.maximumf %max3A_2401, %max3A_2410 : vector<2x4096xf32>
    %min3A_2474 = arith.minimumf %max3A_2401, %max3A_2410 : vector<2x4096xf32>
    %select_n3A_2475 = arith.select %or3A_2472, %select_n3A_2403, %select_n3A_2412 : vector<2x4096xi1>, vector<2x4096xi32>
    %select_n3A_2476 = arith.select %or3A_2472, %select_n3A_2412, %select_n3A_2403 : vector<2x4096xi1>, vector<2x4096xi32>
    %gt3A_2477 = arith.cmpf ogt, %min3A_2402, %min3A_2411 : vector<2x4096xf32>
    %eq3A_2478 = arith.cmpf oeq, %min3A_2402, %min3A_2411 : vector<2x4096xf32>
    %lt3A_2479 = arith.cmpi slt, %select_n3A_2404, %select_n3A_2413 : vector<2x4096xi32>
    %and3A_2480 = arith.andi %eq3A_2478, %lt3A_2479 : vector<2x4096xi1>
    %or3A_2481 = arith.ori %gt3A_2477, %and3A_2480 : vector<2x4096xi1>
    %max3A_2482 = arith.maximumf %min3A_2402, %min3A_2411 : vector<2x4096xf32>
    %min3A_2483 = arith.minimumf %min3A_2402, %min3A_2411 : vector<2x4096xf32>
    %select_n3A_2484 = arith.select %or3A_2481, %select_n3A_2404, %select_n3A_2413 : vector<2x4096xi1>, vector<2x4096xi32>
    %select_n3A_2485 = arith.select %or3A_2481, %select_n3A_2413, %select_n3A_2404 : vector<2x4096xi1>, vector<2x4096xi32>
    %gt3A_2486 = arith.cmpf ogt, %max3A_2419, %max3A_2428 : vector<2x4096xf32>
    %eq3A_2487 = arith.cmpf oeq, %max3A_2419, %max3A_2428 : vector<2x4096xf32>
    %lt3A_2488 = arith.cmpi slt, %select_n3A_2421, %select_n3A_2430 : vector<2x4096xi32>
    %and3A_2489 = arith.andi %eq3A_2487, %lt3A_2488 : vector<2x4096xi1>
    %or3A_2490 = arith.ori %gt3A_2486, %and3A_2489 : vector<2x4096xi1>
    %max3A_2491 = arith.maximumf %max3A_2419, %max3A_2428 : vector<2x4096xf32>
    %min3A_2492 = arith.minimumf %max3A_2419, %max3A_2428 : vector<2x4096xf32>
    %select_n3A_2493 = arith.select %or3A_2490, %select_n3A_2421, %select_n3A_2430 : vector<2x4096xi1>, vector<2x4096xi32>
    %select_n3A_2494 = arith.select %or3A_2490, %select_n3A_2430, %select_n3A_2421 : vector<2x4096xi1>, vector<2x4096xi32>
    %gt3A_2495 = arith.cmpf ogt, %min3A_2420, %min3A_2429 : vector<2x4096xf32>
    %eq3A_2496 = arith.cmpf oeq, %min3A_2420, %min3A_2429 : vector<2x4096xf32>
    %lt3A_2497 = arith.cmpi slt, %select_n3A_2422, %select_n3A_2431 : vector<2x4096xi32>
    %and3A_2498 = arith.andi %eq3A_2496, %lt3A_2497 : vector<2x4096xi1>
    %or3A_2499 = arith.ori %gt3A_2495, %and3A_2498 : vector<2x4096xi1>
    %max3A_2500 = arith.maximumf %min3A_2420, %min3A_2429 : vector<2x4096xf32>
    %min3A_2501 = arith.minimumf %min3A_2420, %min3A_2429 : vector<2x4096xf32>
    %select_n3A_2502 = arith.select %or3A_2499, %select_n3A_2422, %select_n3A_2431 : vector<2x4096xi1>, vector<2x4096xi32>
    %select_n3A_2503 = arith.select %or3A_2499, %select_n3A_2431, %select_n3A_2422 : vector<2x4096xi1>, vector<2x4096xi32>
    %gt3A_2504 = arith.cmpf ogt, %max3A_2437, %max3A_2446 : vector<2x4096xf32>
    %eq3A_2505 = arith.cmpf oeq, %max3A_2437, %max3A_2446 : vector<2x4096xf32>
    %lt3A_2506 = arith.cmpi slt, %select_n3A_2439, %select_n3A_2448 : vector<2x4096xi32>
    %and3A_2507 = arith.andi %eq3A_2505, %lt3A_2506 : vector<2x4096xi1>
    %or3A_2508 = arith.ori %gt3A_2504, %and3A_2507 : vector<2x4096xi1>
    %max3A_2509 = arith.maximumf %max3A_2437, %max3A_2446 : vector<2x4096xf32>
    %min3A_2510 = arith.minimumf %max3A_2437, %max3A_2446 : vector<2x4096xf32>
    %select_n3A_2511 = arith.select %or3A_2508, %select_n3A_2439, %select_n3A_2448 : vector<2x4096xi1>, vector<2x4096xi32>
    %select_n3A_2512 = arith.select %or3A_2508, %select_n3A_2448, %select_n3A_2439 : vector<2x4096xi1>, vector<2x4096xi32>
    %gt3A_2513 = arith.cmpf ogt, %min3A_2438, %min3A_2447 : vector<2x4096xf32>
    %eq3A_2514 = arith.cmpf oeq, %min3A_2438, %min3A_2447 : vector<2x4096xf32>
    %lt3A_2515 = arith.cmpi slt, %select_n3A_2440, %select_n3A_2449 : vector<2x4096xi32>
    %and3A_2516 = arith.andi %eq3A_2514, %lt3A_2515 : vector<2x4096xi1>
    %or3A_2517 = arith.ori %gt3A_2513, %and3A_2516 : vector<2x4096xi1>
    %max3A_2518 = arith.maximumf %min3A_2438, %min3A_2447 : vector<2x4096xf32>
    %min3A_2519 = arith.minimumf %min3A_2438, %min3A_2447 : vector<2x4096xf32>
    %select_n3A_2520 = arith.select %or3A_2517, %select_n3A_2440, %select_n3A_2449 : vector<2x4096xi1>, vector<2x4096xi32>
    %select_n3A_2521 = arith.select %or3A_2517, %select_n3A_2449, %select_n3A_2440 : vector<2x4096xi1>, vector<2x4096xi32>
    %gt3A_2522 = arith.cmpf ogt, %max3A_2455, %max3A_2464 : vector<2x4096xf32>
    %eq3A_2523 = arith.cmpf oeq, %max3A_2455, %max3A_2464 : vector<2x4096xf32>
    %lt3A_2524 = arith.cmpi slt, %select_n3A_2457, %select_n3A_2466 : vector<2x4096xi32>
    %and3A_2525 = arith.andi %eq3A_2523, %lt3A_2524 : vector<2x4096xi1>
    %or3A_2526 = arith.ori %gt3A_2522, %and3A_2525 : vector<2x4096xi1>
    %max3A_2527 = arith.maximumf %max3A_2455, %max3A_2464 : vector<2x4096xf32>
    %min3A_2528 = arith.minimumf %max3A_2455, %max3A_2464 : vector<2x4096xf32>
    %select_n3A_2529 = arith.select %or3A_2526, %select_n3A_2457, %select_n3A_2466 : vector<2x4096xi1>, vector<2x4096xi32>
    %select_n3A_2530 = arith.select %or3A_2526, %select_n3A_2466, %select_n3A_2457 : vector<2x4096xi1>, vector<2x4096xi32>
    %gt3A_2531 = arith.cmpf ogt, %min3A_2456, %min3A_2465 : vector<2x4096xf32>
    %eq3A_2532 = arith.cmpf oeq, %min3A_2456, %min3A_2465 : vector<2x4096xf32>
    %lt3A_2533 = arith.cmpi slt, %select_n3A_2458, %select_n3A_2467 : vector<2x4096xi32>
    %and3A_2534 = arith.andi %eq3A_2532, %lt3A_2533 : vector<2x4096xi1>
    %or3A_2535 = arith.ori %gt3A_2531, %and3A_2534 : vector<2x4096xi1>
    %max3A_2536 = arith.maximumf %min3A_2456, %min3A_2465 : vector<2x4096xf32>
    %min3A_2537 = arith.minimumf %min3A_2456, %min3A_2465 : vector<2x4096xf32>
    %select_n3A_2538 = arith.select %or3A_2535, %select_n3A_2458, %select_n3A_2467 : vector<2x4096xi1>, vector<2x4096xi32>
    %select_n3A_2539 = arith.select %or3A_2535, %select_n3A_2467, %select_n3A_2458 : vector<2x4096xi1>, vector<2x4096xi32>
    %slice3A_2540 = vector.extract_strided_slice %max3A_2473 {offsets = [0, 0], sizes = [1, 4096], strides = [1, 1]} : vector<2x4096xf32> to vector<1x4096xf32>
    %slice3A_2541 = vector.extract_strided_slice %select_n3A_2475 {offsets = [0, 0], sizes = [1, 4096], strides = [1, 1]} : vector<2x4096xi32> to vector<1x4096xi32>
    %slice3A_2542 = vector.extract_strided_slice %min3A_2537 {offsets = [1, 0], sizes = [1, 4096], strides = [1, 1]} : vector<2x4096xf32> to vector<1x4096xf32>
    %slice3A_2543 = vector.extract_strided_slice %select_n3A_2539 {offsets = [1, 0], sizes = [1, 4096], strides = [1, 1]} : vector<2x4096xi32> to vector<1x4096xi32>
    %ge3A_2544 = arith.cmpf oge, %slice3A_2540, %slice3A_2542 : vector<1x4096xf32>
    %max3A_2545 = arith.maximumf %slice3A_2540, %slice3A_2542 : vector<1x4096xf32>
    %select_n3A_2546 = arith.select %ge3A_2544, %slice3A_2541, %slice3A_2543 : vector<1x4096xi1>, vector<1x4096xi32>
    %slice3A_2547 = vector.extract_strided_slice %min3A_2474 {offsets = [0, 0], sizes = [1, 4096], strides = [1, 1]} : vector<2x4096xf32> to vector<1x4096xf32>
    %slice3A_2548 = vector.extract_strided_slice %select_n3A_2476 {offsets = [0, 0], sizes = [1, 4096], strides = [1, 1]} : vector<2x4096xi32> to vector<1x4096xi32>
    %slice3A_2549 = vector.extract_strided_slice %max3A_2536 {offsets = [1, 0], sizes = [1, 4096], strides = [1, 1]} : vector<2x4096xf32> to vector<1x4096xf32>
    %slice3A_2550 = vector.extract_strided_slice %select_n3A_2538 {offsets = [1, 0], sizes = [1, 4096], strides = [1, 1]} : vector<2x4096xi32> to vector<1x4096xi32>
    %ge3A_2551 = arith.cmpf oge, %slice3A_2547, %slice3A_2549 : vector<1x4096xf32>
    %max3A_2552 = arith.maximumf %slice3A_2547, %slice3A_2549 : vector<1x4096xf32>
    %select_n3A_2553 = arith.select %ge3A_2551, %slice3A_2548, %slice3A_2550 : vector<1x4096xi1>, vector<1x4096xi32>
    %slice3A_2554 = vector.extract_strided_slice %max3A_2482 {offsets = [0, 0], sizes = [1, 4096], strides = [1, 1]} : vector<2x4096xf32> to vector<1x4096xf32>
    %slice3A_2555 = vector.extract_strided_slice %select_n3A_2484 {offsets = [0, 0], sizes = [1, 4096], strides = [1, 1]} : vector<2x4096xi32> to vector<1x4096xi32>
    %slice3A_2556 = vector.extract_strided_slice %min3A_2528 {offsets = [1, 0], sizes = [1, 4096], strides = [1, 1]} : vector<2x4096xf32> to vector<1x4096xf32>
    %slice3A_2557 = vector.extract_strided_slice %select_n3A_2530 {offsets = [1, 0], sizes = [1, 4096], strides = [1, 1]} : vector<2x4096xi32> to vector<1x4096xi32>
    %ge3A_2558 = arith.cmpf oge, %slice3A_2554, %slice3A_2556 : vector<1x4096xf32>
    %max3A_2559 = arith.maximumf %slice3A_2554, %slice3A_2556 : vector<1x4096xf32>
    %select_n3A_2560 = arith.select %ge3A_2558, %slice3A_2555, %slice3A_2557 : vector<1x4096xi1>, vector<1x4096xi32>
    %slice3A_2561 = vector.extract_strided_slice %min3A_2483 {offsets = [0, 0], sizes = [1, 4096], strides = [1, 1]} : vector<2x4096xf32> to vector<1x4096xf32>
    %slice3A_2562 = vector.extract_strided_slice %select_n3A_2485 {offsets = [0, 0], sizes = [1, 4096], strides = [1, 1]} : vector<2x4096xi32> to vector<1x4096xi32>
    %slice3A_2563 = vector.extract_strided_slice %max3A_2527 {offsets = [1, 0], sizes = [1, 4096], strides = [1, 1]} : vector<2x4096xf32> to vector<1x4096xf32>
    %slice3A_2564 = vector.extract_strided_slice %select_n3A_2529 {offsets = [1, 0], sizes = [1, 4096], strides = [1, 1]} : vector<2x4096xi32> to vector<1x4096xi32>
    %ge3A_2565 = arith.cmpf oge, %slice3A_2561, %slice3A_2563 : vector<1x4096xf32>
    %max3A_2566 = arith.maximumf %slice3A_2561, %slice3A_2563 : vector<1x4096xf32>
    %select_n3A_2567 = arith.select %ge3A_2565, %slice3A_2562, %slice3A_2564 : vector<1x4096xi1>, vector<1x4096xi32>
    %slice3A_2568 = vector.extract_strided_slice %max3A_2491 {offsets = [0, 0], sizes = [1, 4096], strides = [1, 1]} : vector<2x4096xf32> to vector<1x4096xf32>
    %slice3A_2569 = vector.extract_strided_slice %select_n3A_2493 {offsets = [0, 0], sizes = [1, 4096], strides = [1, 1]} : vector<2x4096xi32> to vector<1x4096xi32>
    %slice3A_2570 = vector.extract_strided_slice %min3A_2519 {offsets = [1, 0], sizes = [1, 4096], strides = [1, 1]} : vector<2x4096xf32> to vector<1x4096xf32>
    %slice3A_2571 = vector.extract_strided_slice %select_n3A_2521 {offsets = [1, 0], sizes = [1, 4096], strides = [1, 1]} : vector<2x4096xi32> to vector<1x4096xi32>
    %ge3A_2572 = arith.cmpf oge, %slice3A_2568, %slice3A_2570 : vector<1x4096xf32>
    %max3A_2573 = arith.maximumf %slice3A_2568, %slice3A_2570 : vector<1x4096xf32>
    %select_n3A_2574 = arith.select %ge3A_2572, %slice3A_2569, %slice3A_2571 : vector<1x4096xi1>, vector<1x4096xi32>
    %slice3A_2575 = vector.extract_strided_slice %min3A_2492 {offsets = [0, 0], sizes = [1, 4096], strides = [1, 1]} : vector<2x4096xf32> to vector<1x4096xf32>
    %slice3A_2576 = vector.extract_strided_slice %select_n3A_2494 {offsets = [0, 0], sizes = [1, 4096], strides = [1, 1]} : vector<2x4096xi32> to vector<1x4096xi32>
    %slice3A_2577 = vector.extract_strided_slice %max3A_2518 {offsets = [1, 0], sizes = [1, 4096], strides = [1, 1]} : vector<2x4096xf32> to vector<1x4096xf32>
    %slice3A_2578 = vector.extract_strided_slice %select_n3A_2520 {offsets = [1, 0], sizes = [1, 4096], strides = [1, 1]} : vector<2x4096xi32> to vector<1x4096xi32>
    %ge3A_2579 = arith.cmpf oge, %slice3A_2575, %slice3A_2577 : vector<1x4096xf32>
    %max3A_2580 = arith.maximumf %slice3A_2575, %slice3A_2577 : vector<1x4096xf32>
    %select_n3A_2581 = arith.select %ge3A_2579, %slice3A_2576, %slice3A_2578 : vector<1x4096xi1>, vector<1x4096xi32>
    %slice3A_2582 = vector.extract_strided_slice %max3A_2500 {offsets = [0, 0], sizes = [1, 4096], strides = [1, 1]} : vector<2x4096xf32> to vector<1x4096xf32>
    %slice3A_2583 = vector.extract_strided_slice %select_n3A_2502 {offsets = [0, 0], sizes = [1, 4096], strides = [1, 1]} : vector<2x4096xi32> to vector<1x4096xi32>
    %slice3A_2584 = vector.extract_strided_slice %min3A_2510 {offsets = [1, 0], sizes = [1, 4096], strides = [1, 1]} : vector<2x4096xf32> to vector<1x4096xf32>
    %slice3A_2585 = vector.extract_strided_slice %select_n3A_2512 {offsets = [1, 0], sizes = [1, 4096], strides = [1, 1]} : vector<2x4096xi32> to vector<1x4096xi32>
    %ge3A_2586 = arith.cmpf oge, %slice3A_2582, %slice3A_2584 : vector<1x4096xf32>
    %max3A_2587 = arith.maximumf %slice3A_2582, %slice3A_2584 : vector<1x4096xf32>
    %select_n3A_2588 = arith.select %ge3A_2586, %slice3A_2583, %slice3A_2585 : vector<1x4096xi1>, vector<1x4096xi32>
    %slice3A_2589 = vector.extract_strided_slice %min3A_2501 {offsets = [0, 0], sizes = [1, 4096], strides = [1, 1]} : vector<2x4096xf32> to vector<1x4096xf32>
    %slice3A_2590 = vector.extract_strided_slice %select_n3A_2503 {offsets = [0, 0], sizes = [1, 4096], strides = [1, 1]} : vector<2x4096xi32> to vector<1x4096xi32>
    %slice3A_2591 = vector.extract_strided_slice %max3A_2509 {offsets = [1, 0], sizes = [1, 4096], strides = [1, 1]} : vector<2x4096xf32> to vector<1x4096xf32>
    %slice3A_2592 = vector.extract_strided_slice %select_n3A_2511 {offsets = [1, 0], sizes = [1, 4096], strides = [1, 1]} : vector<2x4096xi32> to vector<1x4096xi32>
    %ge3A_2593 = arith.cmpf oge, %slice3A_2589, %slice3A_2591 : vector<1x4096xf32>
    %max3A_2594 = arith.maximumf %slice3A_2589, %slice3A_2591 : vector<1x4096xf32>
    %select_n3A_2595 = arith.select %ge3A_2593, %slice3A_2590, %slice3A_2592 : vector<1x4096xi1>, vector<1x4096xi32>
    %slice3A_2596 = vector.extract_strided_slice %max3A_2509 {offsets = [0, 0], sizes = [1, 4096], strides = [1, 1]} : vector<2x4096xf32> to vector<1x4096xf32>
    %slice3A_2597 = vector.extract_strided_slice %select_n3A_2511 {offsets = [0, 0], sizes = [1, 4096], strides = [1, 1]} : vector<2x4096xi32> to vector<1x4096xi32>
    %slice3A_2598 = vector.extract_strided_slice %min3A_2501 {offsets = [1, 0], sizes = [1, 4096], strides = [1, 1]} : vector<2x4096xf32> to vector<1x4096xf32>
    %slice3A_2599 = vector.extract_strided_slice %select_n3A_2503 {offsets = [1, 0], sizes = [1, 4096], strides = [1, 1]} : vector<2x4096xi32> to vector<1x4096xi32>
    %ge3A_2600 = arith.cmpf oge, %slice3A_2596, %slice3A_2598 : vector<1x4096xf32>
    %max3A_2601 = arith.maximumf %slice3A_2596, %slice3A_2598 : vector<1x4096xf32>
    %select_n3A_2602 = arith.select %ge3A_2600, %slice3A_2597, %slice3A_2599 : vector<1x4096xi1>, vector<1x4096xi32>
    %slice3A_2603 = vector.extract_strided_slice %min3A_2510 {offsets = [0, 0], sizes = [1, 4096], strides = [1, 1]} : vector<2x4096xf32> to vector<1x4096xf32>
    %slice3A_2604 = vector.extract_strided_slice %select_n3A_2512 {offsets = [0, 0], sizes = [1, 4096], strides = [1, 1]} : vector<2x4096xi32> to vector<1x4096xi32>
    %slice3A_2605 = vector.extract_strided_slice %max3A_2500 {offsets = [1, 0], sizes = [1, 4096], strides = [1, 1]} : vector<2x4096xf32> to vector<1x4096xf32>
    %slice3A_2606 = vector.extract_strided_slice %select_n3A_2502 {offsets = [1, 0], sizes = [1, 4096], strides = [1, 1]} : vector<2x4096xi32> to vector<1x4096xi32>
    %ge3A_2607 = arith.cmpf oge, %slice3A_2603, %slice3A_2605 : vector<1x4096xf32>
    %max3A_2608 = arith.maximumf %slice3A_2603, %slice3A_2605 : vector<1x4096xf32>
    %select_n3A_2609 = arith.select %ge3A_2607, %slice3A_2604, %slice3A_2606 : vector<1x4096xi1>, vector<1x4096xi32>
    %slice3A_2610 = vector.extract_strided_slice %max3A_2518 {offsets = [0, 0], sizes = [1, 4096], strides = [1, 1]} : vector<2x4096xf32> to vector<1x4096xf32>
    %slice3A_2611 = vector.extract_strided_slice %select_n3A_2520 {offsets = [0, 0], sizes = [1, 4096], strides = [1, 1]} : vector<2x4096xi32> to vector<1x4096xi32>
    %slice3A_2612 = vector.extract_strided_slice %min3A_2492 {offsets = [1, 0], sizes = [1, 4096], strides = [1, 1]} : vector<2x4096xf32> to vector<1x4096xf32>
    %slice3A_2613 = vector.extract_strided_slice %select_n3A_2494 {offsets = [1, 0], sizes = [1, 4096], strides = [1, 1]} : vector<2x4096xi32> to vector<1x4096xi32>
    %ge3A_2614 = arith.cmpf oge, %slice3A_2610, %slice3A_2612 : vector<1x4096xf32>
    %max3A_2615 = arith.maximumf %slice3A_2610, %slice3A_2612 : vector<1x4096xf32>
    %select_n3A_2616 = arith.select %ge3A_2614, %slice3A_2611, %slice3A_2613 : vector<1x4096xi1>, vector<1x4096xi32>
    %slice3A_2617 = vector.extract_strided_slice %min3A_2519 {offsets = [0, 0], sizes = [1, 4096], strides = [1, 1]} : vector<2x4096xf32> to vector<1x4096xf32>
    %slice3A_2618 = vector.extract_strided_slice %select_n3A_2521 {offsets = [0, 0], sizes = [1, 4096], strides = [1, 1]} : vector<2x4096xi32> to vector<1x4096xi32>
    %slice3A_2619 = vector.extract_strided_slice %max3A_2491 {offsets = [1, 0], sizes = [1, 4096], strides = [1, 1]} : vector<2x4096xf32> to vector<1x4096xf32>
    %slice3A_2620 = vector.extract_strided_slice %select_n3A_2493 {offsets = [1, 0], sizes = [1, 4096], strides = [1, 1]} : vector<2x4096xi32> to vector<1x4096xi32>
    %ge3A_2621 = arith.cmpf oge, %slice3A_2617, %slice3A_2619 : vector<1x4096xf32>
    %max3A_2622 = arith.maximumf %slice3A_2617, %slice3A_2619 : vector<1x4096xf32>
    %select_n3A_2623 = arith.select %ge3A_2621, %slice3A_2618, %slice3A_2620 : vector<1x4096xi1>, vector<1x4096xi32>
    %slice3A_2624 = vector.extract_strided_slice %max3A_2527 {offsets = [0, 0], sizes = [1, 4096], strides = [1, 1]} : vector<2x4096xf32> to vector<1x4096xf32>
    %slice3A_2625 = vector.extract_strided_slice %select_n3A_2529 {offsets = [0, 0], sizes = [1, 4096], strides = [1, 1]} : vector<2x4096xi32> to vector<1x4096xi32>
    %slice3A_2626 = vector.extract_strided_slice %min3A_2483 {offsets = [1, 0], sizes = [1, 4096], strides = [1, 1]} : vector<2x4096xf32> to vector<1x4096xf32>
    %slice3A_2627 = vector.extract_strided_slice %select_n3A_2485 {offsets = [1, 0], sizes = [1, 4096], strides = [1, 1]} : vector<2x4096xi32> to vector<1x4096xi32>
    %ge3A_2628 = arith.cmpf oge, %slice3A_2624, %slice3A_2626 : vector<1x4096xf32>
    %max3A_2629 = arith.maximumf %slice3A_2624, %slice3A_2626 : vector<1x4096xf32>
    %select_n3A_2630 = arith.select %ge3A_2628, %slice3A_2625, %slice3A_2627 : vector<1x4096xi1>, vector<1x4096xi32>
    %slice3A_2631 = vector.extract_strided_slice %min3A_2528 {offsets = [0, 0], sizes = [1, 4096], strides = [1, 1]} : vector<2x4096xf32> to vector<1x4096xf32>
    %slice3A_2632 = vector.extract_strided_slice %select_n3A_2530 {offsets = [0, 0], sizes = [1, 4096], strides = [1, 1]} : vector<2x4096xi32> to vector<1x4096xi32>
    %slice3A_2633 = vector.extract_strided_slice %max3A_2482 {offsets = [1, 0], sizes = [1, 4096], strides = [1, 1]} : vector<2x4096xf32> to vector<1x4096xf32>
    %slice3A_2634 = vector.extract_strided_slice %select_n3A_2484 {offsets = [1, 0], sizes = [1, 4096], strides = [1, 1]} : vector<2x4096xi32> to vector<1x4096xi32>
    %ge3A_2635 = arith.cmpf oge, %slice3A_2631, %slice3A_2633 : vector<1x4096xf32>
    %max3A_2636 = arith.maximumf %slice3A_2631, %slice3A_2633 : vector<1x4096xf32>
    %select_n3A_2637 = arith.select %ge3A_2635, %slice3A_2632, %slice3A_2634 : vector<1x4096xi1>, vector<1x4096xi32>
    %slice3A_2638 = vector.extract_strided_slice %max3A_2536 {offsets = [0, 0], sizes = [1, 4096], strides = [1, 1]} : vector<2x4096xf32> to vector<1x4096xf32>
    %slice3A_2639 = vector.extract_strided_slice %select_n3A_2538 {offsets = [0, 0], sizes = [1, 4096], strides = [1, 1]} : vector<2x4096xi32> to vector<1x4096xi32>
    %slice3A_2640 = vector.extract_strided_slice %min3A_2474 {offsets = [1, 0], sizes = [1, 4096], strides = [1, 1]} : vector<2x4096xf32> to vector<1x4096xf32>
    %slice3A_2641 = vector.extract_strided_slice %select_n3A_2476 {offsets = [1, 0], sizes = [1, 4096], strides = [1, 1]} : vector<2x4096xi32> to vector<1x4096xi32>
    %ge3A_2642 = arith.cmpf oge, %slice3A_2638, %slice3A_2640 : vector<1x4096xf32>
    %max3A_2643 = arith.maximumf %slice3A_2638, %slice3A_2640 : vector<1x4096xf32>
    %select_n3A_2644 = arith.select %ge3A_2642, %slice3A_2639, %slice3A_2641 : vector<1x4096xi1>, vector<1x4096xi32>
    %slice3A_2645 = vector.extract_strided_slice %min3A_2537 {offsets = [0, 0], sizes = [1, 4096], strides = [1, 1]} : vector<2x4096xf32> to vector<1x4096xf32>
    %slice3A_2646 = vector.extract_strided_slice %select_n3A_2539 {offsets = [0, 0], sizes = [1, 4096], strides = [1, 1]} : vector<2x4096xi32> to vector<1x4096xi32>
    %slice3A_2647 = vector.extract_strided_slice %max3A_2473 {offsets = [1, 0], sizes = [1, 4096], strides = [1, 1]} : vector<2x4096xf32> to vector<1x4096xf32>
    %slice3A_2648 = vector.extract_strided_slice %select_n3A_2475 {offsets = [1, 0], sizes = [1, 4096], strides = [1, 1]} : vector<2x4096xi32> to vector<1x4096xi32>
    %ge3A_2649 = arith.cmpf oge, %slice3A_2645, %slice3A_2647 : vector<1x4096xf32>
    %max3A_2650 = arith.maximumf %slice3A_2645, %slice3A_2647 : vector<1x4096xf32>
    %select_n3A_2651 = arith.select %ge3A_2649, %slice3A_2646, %slice3A_2648 : vector<1x4096xi1>, vector<1x4096xi32>
    %gt3A_2652 = arith.cmpf ogt, %max3A_2545, %max3A_2601 : vector<1x4096xf32>
    %eq3A_2653 = arith.cmpf oeq, %max3A_2545, %max3A_2601 : vector<1x4096xf32>
    %lt3A_2654 = arith.cmpi slt, %select_n3A_2546, %select_n3A_2602 : vector<1x4096xi32>
    %and3A_2655 = arith.andi %eq3A_2653, %lt3A_2654 : vector<1x4096xi1>
    %or3A_2656 = arith.ori %gt3A_2652, %and3A_2655 : vector<1x4096xi1>
    %max3A_2657 = arith.maximumf %max3A_2545, %max3A_2601 : vector<1x4096xf32>
    %min3A_2658 = arith.minimumf %max3A_2545, %max3A_2601 : vector<1x4096xf32>
    %select_n3A_2659 = arith.select %or3A_2656, %select_n3A_2546, %select_n3A_2602 : vector<1x4096xi1>, vector<1x4096xi32>
    %select_n3A_2660 = arith.select %or3A_2656, %select_n3A_2602, %select_n3A_2546 : vector<1x4096xi1>, vector<1x4096xi32>
    %gt3A_2661 = arith.cmpf ogt, %max3A_2552, %max3A_2608 : vector<1x4096xf32>
    %eq3A_2662 = arith.cmpf oeq, %max3A_2552, %max3A_2608 : vector<1x4096xf32>
    %lt3A_2663 = arith.cmpi slt, %select_n3A_2553, %select_n3A_2609 : vector<1x4096xi32>
    %and3A_2664 = arith.andi %eq3A_2662, %lt3A_2663 : vector<1x4096xi1>
    %or3A_2665 = arith.ori %gt3A_2661, %and3A_2664 : vector<1x4096xi1>
    %max3A_2666 = arith.maximumf %max3A_2552, %max3A_2608 : vector<1x4096xf32>
    %min3A_2667 = arith.minimumf %max3A_2552, %max3A_2608 : vector<1x4096xf32>
    %select_n3A_2668 = arith.select %or3A_2665, %select_n3A_2553, %select_n3A_2609 : vector<1x4096xi1>, vector<1x4096xi32>
    %select_n3A_2669 = arith.select %or3A_2665, %select_n3A_2609, %select_n3A_2553 : vector<1x4096xi1>, vector<1x4096xi32>
    %gt3A_2670 = arith.cmpf ogt, %max3A_2559, %max3A_2615 : vector<1x4096xf32>
    %eq3A_2671 = arith.cmpf oeq, %max3A_2559, %max3A_2615 : vector<1x4096xf32>
    %lt3A_2672 = arith.cmpi slt, %select_n3A_2560, %select_n3A_2616 : vector<1x4096xi32>
    %and3A_2673 = arith.andi %eq3A_2671, %lt3A_2672 : vector<1x4096xi1>
    %or3A_2674 = arith.ori %gt3A_2670, %and3A_2673 : vector<1x4096xi1>
    %max3A_2675 = arith.maximumf %max3A_2559, %max3A_2615 : vector<1x4096xf32>
    %min3A_2676 = arith.minimumf %max3A_2559, %max3A_2615 : vector<1x4096xf32>
    %select_n3A_2677 = arith.select %or3A_2674, %select_n3A_2560, %select_n3A_2616 : vector<1x4096xi1>, vector<1x4096xi32>
    %select_n3A_2678 = arith.select %or3A_2674, %select_n3A_2616, %select_n3A_2560 : vector<1x4096xi1>, vector<1x4096xi32>
    %gt3A_2679 = arith.cmpf ogt, %max3A_2566, %max3A_2622 : vector<1x4096xf32>
    %eq3A_2680 = arith.cmpf oeq, %max3A_2566, %max3A_2622 : vector<1x4096xf32>
    %lt3A_2681 = arith.cmpi slt, %select_n3A_2567, %select_n3A_2623 : vector<1x4096xi32>
    %and3A_2682 = arith.andi %eq3A_2680, %lt3A_2681 : vector<1x4096xi1>
    %or3A_2683 = arith.ori %gt3A_2679, %and3A_2682 : vector<1x4096xi1>
    %max3A_2684 = arith.maximumf %max3A_2566, %max3A_2622 : vector<1x4096xf32>
    %min3A_2685 = arith.minimumf %max3A_2566, %max3A_2622 : vector<1x4096xf32>
    %select_n3A_2686 = arith.select %or3A_2683, %select_n3A_2567, %select_n3A_2623 : vector<1x4096xi1>, vector<1x4096xi32>
    %select_n3A_2687 = arith.select %or3A_2683, %select_n3A_2623, %select_n3A_2567 : vector<1x4096xi1>, vector<1x4096xi32>
    %gt3A_2688 = arith.cmpf ogt, %max3A_2573, %max3A_2629 : vector<1x4096xf32>
    %eq3A_2689 = arith.cmpf oeq, %max3A_2573, %max3A_2629 : vector<1x4096xf32>
    %lt3A_2690 = arith.cmpi slt, %select_n3A_2574, %select_n3A_2630 : vector<1x4096xi32>
    %and3A_2691 = arith.andi %eq3A_2689, %lt3A_2690 : vector<1x4096xi1>
    %or3A_2692 = arith.ori %gt3A_2688, %and3A_2691 : vector<1x4096xi1>
    %max3A_2693 = arith.maximumf %max3A_2573, %max3A_2629 : vector<1x4096xf32>
    %min3A_2694 = arith.minimumf %max3A_2573, %max3A_2629 : vector<1x4096xf32>
    %select_n3A_2695 = arith.select %or3A_2692, %select_n3A_2574, %select_n3A_2630 : vector<1x4096xi1>, vector<1x4096xi32>
    %select_n3A_2696 = arith.select %or3A_2692, %select_n3A_2630, %select_n3A_2574 : vector<1x4096xi1>, vector<1x4096xi32>
    %gt3A_2697 = arith.cmpf ogt, %max3A_2580, %max3A_2636 : vector<1x4096xf32>
    %eq3A_2698 = arith.cmpf oeq, %max3A_2580, %max3A_2636 : vector<1x4096xf32>
    %lt3A_2699 = arith.cmpi slt, %select_n3A_2581, %select_n3A_2637 : vector<1x4096xi32>
    %and3A_2700 = arith.andi %eq3A_2698, %lt3A_2699 : vector<1x4096xi1>
    %or3A_2701 = arith.ori %gt3A_2697, %and3A_2700 : vector<1x4096xi1>
    %max3A_2702 = arith.maximumf %max3A_2580, %max3A_2636 : vector<1x4096xf32>
    %min3A_2703 = arith.minimumf %max3A_2580, %max3A_2636 : vector<1x4096xf32>
    %select_n3A_2704 = arith.select %or3A_2701, %select_n3A_2581, %select_n3A_2637 : vector<1x4096xi1>, vector<1x4096xi32>
    %select_n3A_2705 = arith.select %or3A_2701, %select_n3A_2637, %select_n3A_2581 : vector<1x4096xi1>, vector<1x4096xi32>
    %gt3A_2706 = arith.cmpf ogt, %max3A_2587, %max3A_2643 : vector<1x4096xf32>
    %eq3A_2707 = arith.cmpf oeq, %max3A_2587, %max3A_2643 : vector<1x4096xf32>
    %lt3A_2708 = arith.cmpi slt, %select_n3A_2588, %select_n3A_2644 : vector<1x4096xi32>
    %and3A_2709 = arith.andi %eq3A_2707, %lt3A_2708 : vector<1x4096xi1>
    %or3A_2710 = arith.ori %gt3A_2706, %and3A_2709 : vector<1x4096xi1>
    %max3A_2711 = arith.maximumf %max3A_2587, %max3A_2643 : vector<1x4096xf32>
    %min3A_2712 = arith.minimumf %max3A_2587, %max3A_2643 : vector<1x4096xf32>
    %select_n3A_2713 = arith.select %or3A_2710, %select_n3A_2588, %select_n3A_2644 : vector<1x4096xi1>, vector<1x4096xi32>
    %select_n3A_2714 = arith.select %or3A_2710, %select_n3A_2644, %select_n3A_2588 : vector<1x4096xi1>, vector<1x4096xi32>
    %gt3A_2715 = arith.cmpf ogt, %max3A_2594, %max3A_2650 : vector<1x4096xf32>
    %eq3A_2716 = arith.cmpf oeq, %max3A_2594, %max3A_2650 : vector<1x4096xf32>
    %lt3A_2717 = arith.cmpi slt, %select_n3A_2595, %select_n3A_2651 : vector<1x4096xi32>
    %and3A_2718 = arith.andi %eq3A_2716, %lt3A_2717 : vector<1x4096xi1>
    %or3A_2719 = arith.ori %gt3A_2715, %and3A_2718 : vector<1x4096xi1>
    %max3A_2720 = arith.maximumf %max3A_2594, %max3A_2650 : vector<1x4096xf32>
    %min3A_2721 = arith.minimumf %max3A_2594, %max3A_2650 : vector<1x4096xf32>
    %select_n3A_2722 = arith.select %or3A_2719, %select_n3A_2595, %select_n3A_2651 : vector<1x4096xi1>, vector<1x4096xi32>
    %select_n3A_2723 = arith.select %or3A_2719, %select_n3A_2651, %select_n3A_2595 : vector<1x4096xi1>, vector<1x4096xi32>
    %gt3A_2724 = arith.cmpf ogt, %max3A_2657, %max3A_2693 : vector<1x4096xf32>
    %eq3A_2725 = arith.cmpf oeq, %max3A_2657, %max3A_2693 : vector<1x4096xf32>
    %lt3A_2726 = arith.cmpi slt, %select_n3A_2659, %select_n3A_2695 : vector<1x4096xi32>
    %and3A_2727 = arith.andi %eq3A_2725, %lt3A_2726 : vector<1x4096xi1>
    %or3A_2728 = arith.ori %gt3A_2724, %and3A_2727 : vector<1x4096xi1>
    %max3A_2729 = arith.maximumf %max3A_2657, %max3A_2693 : vector<1x4096xf32>
    %min3A_2730 = arith.minimumf %max3A_2657, %max3A_2693 : vector<1x4096xf32>
    %select_n3A_2731 = arith.select %or3A_2728, %select_n3A_2659, %select_n3A_2695 : vector<1x4096xi1>, vector<1x4096xi32>
    %select_n3A_2732 = arith.select %or3A_2728, %select_n3A_2695, %select_n3A_2659 : vector<1x4096xi1>, vector<1x4096xi32>
    %gt3A_2733 = arith.cmpf ogt, %max3A_2666, %max3A_2702 : vector<1x4096xf32>
    %eq3A_2734 = arith.cmpf oeq, %max3A_2666, %max3A_2702 : vector<1x4096xf32>
    %lt3A_2735 = arith.cmpi slt, %select_n3A_2668, %select_n3A_2704 : vector<1x4096xi32>
    %and3A_2736 = arith.andi %eq3A_2734, %lt3A_2735 : vector<1x4096xi1>
    %or3A_2737 = arith.ori %gt3A_2733, %and3A_2736 : vector<1x4096xi1>
    %max3A_2738 = arith.maximumf %max3A_2666, %max3A_2702 : vector<1x4096xf32>
    %min3A_2739 = arith.minimumf %max3A_2666, %max3A_2702 : vector<1x4096xf32>
    %select_n3A_2740 = arith.select %or3A_2737, %select_n3A_2668, %select_n3A_2704 : vector<1x4096xi1>, vector<1x4096xi32>
    %select_n3A_2741 = arith.select %or3A_2737, %select_n3A_2704, %select_n3A_2668 : vector<1x4096xi1>, vector<1x4096xi32>
    %gt3A_2742 = arith.cmpf ogt, %max3A_2675, %max3A_2711 : vector<1x4096xf32>
    %eq3A_2743 = arith.cmpf oeq, %max3A_2675, %max3A_2711 : vector<1x4096xf32>
    %lt3A_2744 = arith.cmpi slt, %select_n3A_2677, %select_n3A_2713 : vector<1x4096xi32>
    %and3A_2745 = arith.andi %eq3A_2743, %lt3A_2744 : vector<1x4096xi1>
    %or3A_2746 = arith.ori %gt3A_2742, %and3A_2745 : vector<1x4096xi1>
    %max3A_2747 = arith.maximumf %max3A_2675, %max3A_2711 : vector<1x4096xf32>
    %min3A_2748 = arith.minimumf %max3A_2675, %max3A_2711 : vector<1x4096xf32>
    %select_n3A_2749 = arith.select %or3A_2746, %select_n3A_2677, %select_n3A_2713 : vector<1x4096xi1>, vector<1x4096xi32>
    %select_n3A_2750 = arith.select %or3A_2746, %select_n3A_2713, %select_n3A_2677 : vector<1x4096xi1>, vector<1x4096xi32>
    %gt3A_2751 = arith.cmpf ogt, %max3A_2684, %max3A_2720 : vector<1x4096xf32>
    %eq3A_2752 = arith.cmpf oeq, %max3A_2684, %max3A_2720 : vector<1x4096xf32>
    %lt3A_2753 = arith.cmpi slt, %select_n3A_2686, %select_n3A_2722 : vector<1x4096xi32>
    %and3A_2754 = arith.andi %eq3A_2752, %lt3A_2753 : vector<1x4096xi1>
    %or3A_2755 = arith.ori %gt3A_2751, %and3A_2754 : vector<1x4096xi1>
    %max3A_2756 = arith.maximumf %max3A_2684, %max3A_2720 : vector<1x4096xf32>
    %min3A_2757 = arith.minimumf %max3A_2684, %max3A_2720 : vector<1x4096xf32>
    %select_n3A_2758 = arith.select %or3A_2755, %select_n3A_2686, %select_n3A_2722 : vector<1x4096xi1>, vector<1x4096xi32>
    %select_n3A_2759 = arith.select %or3A_2755, %select_n3A_2722, %select_n3A_2686 : vector<1x4096xi1>, vector<1x4096xi32>
    %gt3A_2760 = arith.cmpf ogt, %min3A_2658, %min3A_2694 : vector<1x4096xf32>
    %eq3A_2761 = arith.cmpf oeq, %min3A_2658, %min3A_2694 : vector<1x4096xf32>
    %lt3A_2762 = arith.cmpi slt, %select_n3A_2660, %select_n3A_2696 : vector<1x4096xi32>
    %and3A_2763 = arith.andi %eq3A_2761, %lt3A_2762 : vector<1x4096xi1>
    %or3A_2764 = arith.ori %gt3A_2760, %and3A_2763 : vector<1x4096xi1>
    %max3A_2765 = arith.maximumf %min3A_2658, %min3A_2694 : vector<1x4096xf32>
    %min3A_2766 = arith.minimumf %min3A_2658, %min3A_2694 : vector<1x4096xf32>
    %select_n3A_2767 = arith.select %or3A_2764, %select_n3A_2660, %select_n3A_2696 : vector<1x4096xi1>, vector<1x4096xi32>
    %select_n3A_2768 = arith.select %or3A_2764, %select_n3A_2696, %select_n3A_2660 : vector<1x4096xi1>, vector<1x4096xi32>
    %gt3A_2769 = arith.cmpf ogt, %min3A_2667, %min3A_2703 : vector<1x4096xf32>
    %eq3A_2770 = arith.cmpf oeq, %min3A_2667, %min3A_2703 : vector<1x4096xf32>
    %lt3A_2771 = arith.cmpi slt, %select_n3A_2669, %select_n3A_2705 : vector<1x4096xi32>
    %and3A_2772 = arith.andi %eq3A_2770, %lt3A_2771 : vector<1x4096xi1>
    %or3A_2773 = arith.ori %gt3A_2769, %and3A_2772 : vector<1x4096xi1>
    %max3A_2774 = arith.maximumf %min3A_2667, %min3A_2703 : vector<1x4096xf32>
    %min3A_2775 = arith.minimumf %min3A_2667, %min3A_2703 : vector<1x4096xf32>
    %select_n3A_2776 = arith.select %or3A_2773, %select_n3A_2669, %select_n3A_2705 : vector<1x4096xi1>, vector<1x4096xi32>
    %select_n3A_2777 = arith.select %or3A_2773, %select_n3A_2705, %select_n3A_2669 : vector<1x4096xi1>, vector<1x4096xi32>
    %gt3A_2778 = arith.cmpf ogt, %min3A_2676, %min3A_2712 : vector<1x4096xf32>
    %eq3A_2779 = arith.cmpf oeq, %min3A_2676, %min3A_2712 : vector<1x4096xf32>
    %lt3A_2780 = arith.cmpi slt, %select_n3A_2678, %select_n3A_2714 : vector<1x4096xi32>
    %and3A_2781 = arith.andi %eq3A_2779, %lt3A_2780 : vector<1x4096xi1>
    %or3A_2782 = arith.ori %gt3A_2778, %and3A_2781 : vector<1x4096xi1>
    %max3A_2783 = arith.maximumf %min3A_2676, %min3A_2712 : vector<1x4096xf32>
    %min3A_2784 = arith.minimumf %min3A_2676, %min3A_2712 : vector<1x4096xf32>
    %select_n3A_2785 = arith.select %or3A_2782, %select_n3A_2678, %select_n3A_2714 : vector<1x4096xi1>, vector<1x4096xi32>
    %select_n3A_2786 = arith.select %or3A_2782, %select_n3A_2714, %select_n3A_2678 : vector<1x4096xi1>, vector<1x4096xi32>
    %gt3A_2787 = arith.cmpf ogt, %min3A_2685, %min3A_2721 : vector<1x4096xf32>
    %eq3A_2788 = arith.cmpf oeq, %min3A_2685, %min3A_2721 : vector<1x4096xf32>
    %lt3A_2789 = arith.cmpi slt, %select_n3A_2687, %select_n3A_2723 : vector<1x4096xi32>
    %and3A_2790 = arith.andi %eq3A_2788, %lt3A_2789 : vector<1x4096xi1>
    %or3A_2791 = arith.ori %gt3A_2787, %and3A_2790 : vector<1x4096xi1>
    %max3A_2792 = arith.maximumf %min3A_2685, %min3A_2721 : vector<1x4096xf32>
    %min3A_2793 = arith.minimumf %min3A_2685, %min3A_2721 : vector<1x4096xf32>
    %select_n3A_2794 = arith.select %or3A_2791, %select_n3A_2687, %select_n3A_2723 : vector<1x4096xi1>, vector<1x4096xi32>
    %select_n3A_2795 = arith.select %or3A_2791, %select_n3A_2723, %select_n3A_2687 : vector<1x4096xi1>, vector<1x4096xi32>
    %gt3A_2796 = arith.cmpf ogt, %max3A_2729, %max3A_2747 : vector<1x4096xf32>
    %eq3A_2797 = arith.cmpf oeq, %max3A_2729, %max3A_2747 : vector<1x4096xf32>
    %lt3A_2798 = arith.cmpi slt, %select_n3A_2731, %select_n3A_2749 : vector<1x4096xi32>
    %and3A_2799 = arith.andi %eq3A_2797, %lt3A_2798 : vector<1x4096xi1>
    %or3A_2800 = arith.ori %gt3A_2796, %and3A_2799 : vector<1x4096xi1>
    %max3A_2801 = arith.maximumf %max3A_2729, %max3A_2747 : vector<1x4096xf32>
    %min3A_2802 = arith.minimumf %max3A_2729, %max3A_2747 : vector<1x4096xf32>
    %select_n3A_2803 = arith.select %or3A_2800, %select_n3A_2731, %select_n3A_2749 : vector<1x4096xi1>, vector<1x4096xi32>
    %select_n3A_2804 = arith.select %or3A_2800, %select_n3A_2749, %select_n3A_2731 : vector<1x4096xi1>, vector<1x4096xi32>
    %gt3A_2805 = arith.cmpf ogt, %max3A_2738, %max3A_2756 : vector<1x4096xf32>
    %eq3A_2806 = arith.cmpf oeq, %max3A_2738, %max3A_2756 : vector<1x4096xf32>
    %lt3A_2807 = arith.cmpi slt, %select_n3A_2740, %select_n3A_2758 : vector<1x4096xi32>
    %and3A_2808 = arith.andi %eq3A_2806, %lt3A_2807 : vector<1x4096xi1>
    %or3A_2809 = arith.ori %gt3A_2805, %and3A_2808 : vector<1x4096xi1>
    %max3A_2810 = arith.maximumf %max3A_2738, %max3A_2756 : vector<1x4096xf32>
    %min3A_2811 = arith.minimumf %max3A_2738, %max3A_2756 : vector<1x4096xf32>
    %select_n3A_2812 = arith.select %or3A_2809, %select_n3A_2740, %select_n3A_2758 : vector<1x4096xi1>, vector<1x4096xi32>
    %select_n3A_2813 = arith.select %or3A_2809, %select_n3A_2758, %select_n3A_2740 : vector<1x4096xi1>, vector<1x4096xi32>
    %gt3A_2814 = arith.cmpf ogt, %min3A_2730, %min3A_2748 : vector<1x4096xf32>
    %eq3A_2815 = arith.cmpf oeq, %min3A_2730, %min3A_2748 : vector<1x4096xf32>
    %lt3A_2816 = arith.cmpi slt, %select_n3A_2732, %select_n3A_2750 : vector<1x4096xi32>
    %and3A_2817 = arith.andi %eq3A_2815, %lt3A_2816 : vector<1x4096xi1>
    %or3A_2818 = arith.ori %gt3A_2814, %and3A_2817 : vector<1x4096xi1>
    %max3A_2819 = arith.maximumf %min3A_2730, %min3A_2748 : vector<1x4096xf32>
    %min3A_2820 = arith.minimumf %min3A_2730, %min3A_2748 : vector<1x4096xf32>
    %select_n3A_2821 = arith.select %or3A_2818, %select_n3A_2732, %select_n3A_2750 : vector<1x4096xi1>, vector<1x4096xi32>
    %select_n3A_2822 = arith.select %or3A_2818, %select_n3A_2750, %select_n3A_2732 : vector<1x4096xi1>, vector<1x4096xi32>
    %gt3A_2823 = arith.cmpf ogt, %min3A_2739, %min3A_2757 : vector<1x4096xf32>
    %eq3A_2824 = arith.cmpf oeq, %min3A_2739, %min3A_2757 : vector<1x4096xf32>
    %lt3A_2825 = arith.cmpi slt, %select_n3A_2741, %select_n3A_2759 : vector<1x4096xi32>
    %and3A_2826 = arith.andi %eq3A_2824, %lt3A_2825 : vector<1x4096xi1>
    %or3A_2827 = arith.ori %gt3A_2823, %and3A_2826 : vector<1x4096xi1>
    %max3A_2828 = arith.maximumf %min3A_2739, %min3A_2757 : vector<1x4096xf32>
    %min3A_2829 = arith.minimumf %min3A_2739, %min3A_2757 : vector<1x4096xf32>
    %select_n3A_2830 = arith.select %or3A_2827, %select_n3A_2741, %select_n3A_2759 : vector<1x4096xi1>, vector<1x4096xi32>
    %select_n3A_2831 = arith.select %or3A_2827, %select_n3A_2759, %select_n3A_2741 : vector<1x4096xi1>, vector<1x4096xi32>
    %gt3A_2832 = arith.cmpf ogt, %max3A_2765, %max3A_2783 : vector<1x4096xf32>
    %eq3A_2833 = arith.cmpf oeq, %max3A_2765, %max3A_2783 : vector<1x4096xf32>
    %lt3A_2834 = arith.cmpi slt, %select_n3A_2767, %select_n3A_2785 : vector<1x4096xi32>
    %and3A_2835 = arith.andi %eq3A_2833, %lt3A_2834 : vector<1x4096xi1>
    %or3A_2836 = arith.ori %gt3A_2832, %and3A_2835 : vector<1x4096xi1>
    %max3A_2837 = arith.maximumf %max3A_2765, %max3A_2783 : vector<1x4096xf32>
    %min3A_2838 = arith.minimumf %max3A_2765, %max3A_2783 : vector<1x4096xf32>
    %select_n3A_2839 = arith.select %or3A_2836, %select_n3A_2767, %select_n3A_2785 : vector<1x4096xi1>, vector<1x4096xi32>
    %select_n3A_2840 = arith.select %or3A_2836, %select_n3A_2785, %select_n3A_2767 : vector<1x4096xi1>, vector<1x4096xi32>
    %gt3A_2841 = arith.cmpf ogt, %max3A_2774, %max3A_2792 : vector<1x4096xf32>
    %eq3A_2842 = arith.cmpf oeq, %max3A_2774, %max3A_2792 : vector<1x4096xf32>
    %lt3A_2843 = arith.cmpi slt, %select_n3A_2776, %select_n3A_2794 : vector<1x4096xi32>
    %and3A_2844 = arith.andi %eq3A_2842, %lt3A_2843 : vector<1x4096xi1>
    %or3A_2845 = arith.ori %gt3A_2841, %and3A_2844 : vector<1x4096xi1>
    %max3A_2846 = arith.maximumf %max3A_2774, %max3A_2792 : vector<1x4096xf32>
    %min3A_2847 = arith.minimumf %max3A_2774, %max3A_2792 : vector<1x4096xf32>
    %select_n3A_2848 = arith.select %or3A_2845, %select_n3A_2776, %select_n3A_2794 : vector<1x4096xi1>, vector<1x4096xi32>
    %select_n3A_2849 = arith.select %or3A_2845, %select_n3A_2794, %select_n3A_2776 : vector<1x4096xi1>, vector<1x4096xi32>
    %gt3A_2850 = arith.cmpf ogt, %min3A_2766, %min3A_2784 : vector<1x4096xf32>
    %eq3A_2851 = arith.cmpf oeq, %min3A_2766, %min3A_2784 : vector<1x4096xf32>
    %lt3A_2852 = arith.cmpi slt, %select_n3A_2768, %select_n3A_2786 : vector<1x4096xi32>
    %and3A_2853 = arith.andi %eq3A_2851, %lt3A_2852 : vector<1x4096xi1>
    %or3A_2854 = arith.ori %gt3A_2850, %and3A_2853 : vector<1x4096xi1>
    %max3A_2855 = arith.maximumf %min3A_2766, %min3A_2784 : vector<1x4096xf32>
    %min3A_2856 = arith.minimumf %min3A_2766, %min3A_2784 : vector<1x4096xf32>
    %select_n3A_2857 = arith.select %or3A_2854, %select_n3A_2768, %select_n3A_2786 : vector<1x4096xi1>, vector<1x4096xi32>
    %select_n3A_2858 = arith.select %or3A_2854, %select_n3A_2786, %select_n3A_2768 : vector<1x4096xi1>, vector<1x4096xi32>
    %gt3A_2859 = arith.cmpf ogt, %min3A_2775, %min3A_2793 : vector<1x4096xf32>
    %eq3A_2860 = arith.cmpf oeq, %min3A_2775, %min3A_2793 : vector<1x4096xf32>
    %lt3A_2861 = arith.cmpi slt, %select_n3A_2777, %select_n3A_2795 : vector<1x4096xi32>
    %and3A_2862 = arith.andi %eq3A_2860, %lt3A_2861 : vector<1x4096xi1>
    %or3A_2863 = arith.ori %gt3A_2859, %and3A_2862 : vector<1x4096xi1>
    %max3A_2864 = arith.maximumf %min3A_2775, %min3A_2793 : vector<1x4096xf32>
    %min3A_2865 = arith.minimumf %min3A_2775, %min3A_2793 : vector<1x4096xf32>
    %select_n3A_2866 = arith.select %or3A_2863, %select_n3A_2777, %select_n3A_2795 : vector<1x4096xi1>, vector<1x4096xi32>
    %select_n3A_2867 = arith.select %or3A_2863, %select_n3A_2795, %select_n3A_2777 : vector<1x4096xi1>, vector<1x4096xi32>
    %gt3A_2868 = arith.cmpf ogt, %max3A_2801, %max3A_2810 : vector<1x4096xf32>
    %eq3A_2869 = arith.cmpf oeq, %max3A_2801, %max3A_2810 : vector<1x4096xf32>
    %lt3A_2870 = arith.cmpi slt, %select_n3A_2803, %select_n3A_2812 : vector<1x4096xi32>
    %and3A_2871 = arith.andi %eq3A_2869, %lt3A_2870 : vector<1x4096xi1>
    %or3A_2872 = arith.ori %gt3A_2868, %and3A_2871 : vector<1x4096xi1>
    %max3A_2873 = arith.maximumf %max3A_2801, %max3A_2810 : vector<1x4096xf32>
    %min3A_2874 = arith.minimumf %max3A_2801, %max3A_2810 : vector<1x4096xf32>
    %select_n3A_2875 = arith.select %or3A_2872, %select_n3A_2803, %select_n3A_2812 : vector<1x4096xi1>, vector<1x4096xi32>
    %select_n3A_2876 = arith.select %or3A_2872, %select_n3A_2812, %select_n3A_2803 : vector<1x4096xi1>, vector<1x4096xi32>
    %gt3A_2877 = arith.cmpf ogt, %min3A_2802, %min3A_2811 : vector<1x4096xf32>
    %eq3A_2878 = arith.cmpf oeq, %min3A_2802, %min3A_2811 : vector<1x4096xf32>
    %lt3A_2879 = arith.cmpi slt, %select_n3A_2804, %select_n3A_2813 : vector<1x4096xi32>
    %and3A_2880 = arith.andi %eq3A_2878, %lt3A_2879 : vector<1x4096xi1>
    %or3A_2881 = arith.ori %gt3A_2877, %and3A_2880 : vector<1x4096xi1>
    %max3A_2882 = arith.maximumf %min3A_2802, %min3A_2811 : vector<1x4096xf32>
    %min3A_2883 = arith.minimumf %min3A_2802, %min3A_2811 : vector<1x4096xf32>
    %select_n3A_2884 = arith.select %or3A_2881, %select_n3A_2804, %select_n3A_2813 : vector<1x4096xi1>, vector<1x4096xi32>
    %select_n3A_2885 = arith.select %or3A_2881, %select_n3A_2813, %select_n3A_2804 : vector<1x4096xi1>, vector<1x4096xi32>
    %gt3A_2886 = arith.cmpf ogt, %max3A_2819, %max3A_2828 : vector<1x4096xf32>
    %eq3A_2887 = arith.cmpf oeq, %max3A_2819, %max3A_2828 : vector<1x4096xf32>
    %lt3A_2888 = arith.cmpi slt, %select_n3A_2821, %select_n3A_2830 : vector<1x4096xi32>
    %and3A_2889 = arith.andi %eq3A_2887, %lt3A_2888 : vector<1x4096xi1>
    %or3A_2890 = arith.ori %gt3A_2886, %and3A_2889 : vector<1x4096xi1>
    %max3A_2891 = arith.maximumf %max3A_2819, %max3A_2828 : vector<1x4096xf32>
    %min3A_2892 = arith.minimumf %max3A_2819, %max3A_2828 : vector<1x4096xf32>
    %select_n3A_2893 = arith.select %or3A_2890, %select_n3A_2821, %select_n3A_2830 : vector<1x4096xi1>, vector<1x4096xi32>
    %select_n3A_2894 = arith.select %or3A_2890, %select_n3A_2830, %select_n3A_2821 : vector<1x4096xi1>, vector<1x4096xi32>
    %gt3A_2895 = arith.cmpf ogt, %min3A_2820, %min3A_2829 : vector<1x4096xf32>
    %eq3A_2896 = arith.cmpf oeq, %min3A_2820, %min3A_2829 : vector<1x4096xf32>
    %lt3A_2897 = arith.cmpi slt, %select_n3A_2822, %select_n3A_2831 : vector<1x4096xi32>
    %and3A_2898 = arith.andi %eq3A_2896, %lt3A_2897 : vector<1x4096xi1>
    %or3A_2899 = arith.ori %gt3A_2895, %and3A_2898 : vector<1x4096xi1>
    %max3A_2900 = arith.maximumf %min3A_2820, %min3A_2829 : vector<1x4096xf32>
    %min3A_2901 = arith.minimumf %min3A_2820, %min3A_2829 : vector<1x4096xf32>
    %select_n3A_2902 = arith.select %or3A_2899, %select_n3A_2822, %select_n3A_2831 : vector<1x4096xi1>, vector<1x4096xi32>
    %select_n3A_2903 = arith.select %or3A_2899, %select_n3A_2831, %select_n3A_2822 : vector<1x4096xi1>, vector<1x4096xi32>
    %gt3A_2904 = arith.cmpf ogt, %max3A_2837, %max3A_2846 : vector<1x4096xf32>
    %eq3A_2905 = arith.cmpf oeq, %max3A_2837, %max3A_2846 : vector<1x4096xf32>
    %lt3A_2906 = arith.cmpi slt, %select_n3A_2839, %select_n3A_2848 : vector<1x4096xi32>
    %and3A_2907 = arith.andi %eq3A_2905, %lt3A_2906 : vector<1x4096xi1>
    %or3A_2908 = arith.ori %gt3A_2904, %and3A_2907 : vector<1x4096xi1>
    %max3A_2909 = arith.maximumf %max3A_2837, %max3A_2846 : vector<1x4096xf32>
    %min3A_2910 = arith.minimumf %max3A_2837, %max3A_2846 : vector<1x4096xf32>
    %select_n3A_2911 = arith.select %or3A_2908, %select_n3A_2839, %select_n3A_2848 : vector<1x4096xi1>, vector<1x4096xi32>
    %select_n3A_2912 = arith.select %or3A_2908, %select_n3A_2848, %select_n3A_2839 : vector<1x4096xi1>, vector<1x4096xi32>
    %gt3A_2913 = arith.cmpf ogt, %min3A_2838, %min3A_2847 : vector<1x4096xf32>
    %eq3A_2914 = arith.cmpf oeq, %min3A_2838, %min3A_2847 : vector<1x4096xf32>
    %lt3A_2915 = arith.cmpi slt, %select_n3A_2840, %select_n3A_2849 : vector<1x4096xi32>
    %and3A_2916 = arith.andi %eq3A_2914, %lt3A_2915 : vector<1x4096xi1>
    %or3A_2917 = arith.ori %gt3A_2913, %and3A_2916 : vector<1x4096xi1>
    %max3A_2918 = arith.maximumf %min3A_2838, %min3A_2847 : vector<1x4096xf32>
    %min3A_2919 = arith.minimumf %min3A_2838, %min3A_2847 : vector<1x4096xf32>
    %select_n3A_2920 = arith.select %or3A_2917, %select_n3A_2840, %select_n3A_2849 : vector<1x4096xi1>, vector<1x4096xi32>
    %select_n3A_2921 = arith.select %or3A_2917, %select_n3A_2849, %select_n3A_2840 : vector<1x4096xi1>, vector<1x4096xi32>
    %gt3A_2922 = arith.cmpf ogt, %max3A_2855, %max3A_2864 : vector<1x4096xf32>
    %eq3A_2923 = arith.cmpf oeq, %max3A_2855, %max3A_2864 : vector<1x4096xf32>
    %lt3A_2924 = arith.cmpi slt, %select_n3A_2857, %select_n3A_2866 : vector<1x4096xi32>
    %and3A_2925 = arith.andi %eq3A_2923, %lt3A_2924 : vector<1x4096xi1>
    %or3A_2926 = arith.ori %gt3A_2922, %and3A_2925 : vector<1x4096xi1>
    %max3A_2927 = arith.maximumf %max3A_2855, %max3A_2864 : vector<1x4096xf32>
    %min3A_2928 = arith.minimumf %max3A_2855, %max3A_2864 : vector<1x4096xf32>
    %select_n3A_2929 = arith.select %or3A_2926, %select_n3A_2857, %select_n3A_2866 : vector<1x4096xi1>, vector<1x4096xi32>
    %select_n3A_2930 = arith.select %or3A_2926, %select_n3A_2866, %select_n3A_2857 : vector<1x4096xi1>, vector<1x4096xi32>
    %gt3A_2931 = arith.cmpf ogt, %min3A_2856, %min3A_2865 : vector<1x4096xf32>
    %eq3A_2932 = arith.cmpf oeq, %min3A_2856, %min3A_2865 : vector<1x4096xf32>
    %lt3A_2933 = arith.cmpi slt, %select_n3A_2858, %select_n3A_2867 : vector<1x4096xi32>
    %and3A_2934 = arith.andi %eq3A_2932, %lt3A_2933 : vector<1x4096xi1>
    %or3A_2935 = arith.ori %gt3A_2931, %and3A_2934 : vector<1x4096xi1>
    %max3A_2936 = arith.maximumf %min3A_2856, %min3A_2865 : vector<1x4096xf32>
    %min3A_2937 = arith.minimumf %min3A_2856, %min3A_2865 : vector<1x4096xf32>
    %select_n3A_2938 = arith.select %or3A_2935, %select_n3A_2858, %select_n3A_2867 : vector<1x4096xi1>, vector<1x4096xi32>
    %select_n3A_2939 = arith.select %or3A_2935, %select_n3A_2867, %select_n3A_2858 : vector<1x4096xi1>, vector<1x4096xi32>
    %squeeze3A = vector.shape_cast %max3A_2873 : vector<1x4096xf32> to vector<4096xf32>
    %swap3A = arith.constant 0 : index
    %swap3A_2940 = arith.constant 0 : index
    %swap3A_2941 = vector.load %arg3[%swap3A, %swap3A_2940] : memref<16x4096xf32, #tpu.memory_space<vmem>>, vector<1x4096xf32>
    %swap3A_2942 = vector.shape_cast %swap3A_2941 : vector<1x4096xf32> to vector<4096xf32>
    %swap3A_2943 = vector.shape_cast %squeeze3A : vector<4096xf32> to vector<1x4096xf32>
    tpu.vector_store %arg3[%swap3A, %swap3A_2940], %swap3A_2943 {strides = array<i32>} : memref<16x4096xf32, #tpu.memory_space<vmem>>, vector<1x4096xf32>,
    %squeeze3A_2944 = vector.shape_cast %select_n3A_2875 : vector<1x4096xi32> to vector<4096xi32>
    %swap3A_2945 = arith.constant 0 : index
    %swap3A_2946 = arith.constant 0 : index
    %swap3A_2947 = vector.load %arg4[%swap3A_2945, %swap3A_2946] : memref<16x4096xi32, #tpu.memory_space<vmem>>, vector<1x4096xi32>
    %swap3A_2948 = vector.shape_cast %swap3A_2947 : vector<1x4096xi32> to vector<4096xi32>
    %swap3A_2949 = vector.shape_cast %squeeze3A_2944 : vector<4096xi32> to vector<1x4096xi32>
    tpu.vector_store %arg4[%swap3A_2945, %swap3A_2946], %swap3A_2949 {strides = array<i32>} : memref<16x4096xi32, #tpu.memory_space<vmem>>, vector<1x4096xi32>,
    %squeeze3A_2950 = vector.shape_cast %min3A_2874 : vector<1x4096xf32> to vector<4096xf32>
    %swap3A_2951 = arith.constant 1 : index
    %swap3A_2952 = arith.constant 0 : index
    %swap3A_2953 = vector.load %arg3[%swap3A_2951, %swap3A_2952] : memref<16x4096xf32, #tpu.memory_space<vmem>>, vector<1x4096xf32>
    %swap3A_2954 = vector.shape_cast %swap3A_2953 : vector<1x4096xf32> to vector<4096xf32>
    %swap3A_2955 = vector.shape_cast %squeeze3A_2950 : vector<4096xf32> to vector<1x4096xf32>
    tpu.vector_store %arg3[%swap3A_2951, %swap3A_2952], %swap3A_2955 {strides = array<i32>} : memref<16x4096xf32, #tpu.memory_space<vmem>>, vector<1x4096xf32>,
    %squeeze3A_2956 = vector.shape_cast %select_n3A_2876 : vector<1x4096xi32> to vector<4096xi32>
    %swap3A_2957 = arith.constant 1 : index
    %swap3A_2958 = arith.constant 0 : index
    %swap3A_2959 = vector.load %arg4[%swap3A_2957, %swap3A_2958] : memref<16x4096xi32, #tpu.memory_space<vmem>>, vector<1x4096xi32>
    %swap3A_2960 = vector.shape_cast %swap3A_2959 : vector<1x4096xi32> to vector<4096xi32>
    %swap3A_2961 = vector.shape_cast %squeeze3A_2956 : vector<4096xi32> to vector<1x4096xi32>
    tpu.vector_store %arg4[%swap3A_2957, %swap3A_2958], %swap3A_2961 {strides = array<i32>} : memref<16x4096xi32, #tpu.memory_space<vmem>>, vector<1x4096xi32>,
    %squeeze3A_2962 = vector.shape_cast %max3A_2882 : vector<1x4096xf32> to vector<4096xf32>
    %swap3A_2963 = arith.constant 2 : index
    %swap3A_2964 = arith.constant 0 : index
    %swap3A_2965 = vector.load %arg3[%swap3A_2963, %swap3A_2964] : memref<16x4096xf32, #tpu.memory_space<vmem>>, vector<1x4096xf32>
    %swap3A_2966 = vector.shape_cast %swap3A_2965 : vector<1x4096xf32> to vector<4096xf32>
    %swap3A_2967 = vector.shape_cast %squeeze3A_2962 : vector<4096xf32> to vector<1x4096xf32>
    tpu.vector_store %arg3[%swap3A_2963, %swap3A_2964], %swap3A_2967 {strides = array<i32>} : memref<16x4096xf32, #tpu.memory_space<vmem>>, vector<1x4096xf32>,
    %squeeze3A_2968 = vector.shape_cast %select_n3A_2884 : vector<1x4096xi32> to vector<4096xi32>
    %swap3A_2969 = arith.constant 2 : index
    %swap3A_2970 = arith.constant 0 : index
    %swap3A_2971 = vector.load %arg4[%swap3A_2969, %swap3A_2970] : memref<16x4096xi32, #tpu.memory_space<vmem>>, vector<1x4096xi32>
    %swap3A_2972 = vector.shape_cast %swap3A_2971 : vector<1x4096xi32> to vector<4096xi32>
    %swap3A_2973 = vector.shape_cast %squeeze3A_2968 : vector<4096xi32> to vector<1x4096xi32>
    tpu.vector_store %arg4[%swap3A_2969, %swap3A_2970], %swap3A_2973 {strides = array<i32>} : memref<16x4096xi32, #tpu.memory_space<vmem>>, vector<1x4096xi32>,
    %squeeze3A_2974 = vector.shape_cast %min3A_2883 : vector<1x4096xf32> to vector<4096xf32>
    %swap3A_2975 = arith.constant 3 : index
    %swap3A_2976 = arith.constant 0 : index
    %swap3A_2977 = vector.load %arg3[%swap3A_2975, %swap3A_2976] : memref<16x4096xf32, #tpu.memory_space<vmem>>, vector<1x4096xf32>
    %swap3A_2978 = vector.shape_cast %swap3A_2977 : vector<1x4096xf32> to vector<4096xf32>
    %swap3A_2979 = vector.shape_cast %squeeze3A_2974 : vector<4096xf32> to vector<1x4096xf32>
    tpu.vector_store %arg3[%swap3A_2975, %swap3A_2976], %swap3A_2979 {strides = array<i32>} : memref<16x4096xf32, #tpu.memory_space<vmem>>, vector<1x4096xf32>,
    %squeeze3A_2980 = vector.shape_cast %select_n3A_2885 : vector<1x4096xi32> to vector<4096xi32>
    %swap3A_2981 = arith.constant 3 : index
    %swap3A_2982 = arith.constant 0 : index
    %swap3A_2983 = vector.load %arg4[%swap3A_2981, %swap3A_2982] : memref<16x4096xi32, #tpu.memory_space<vmem>>, vector<1x4096xi32>
    %swap3A_2984 = vector.shape_cast %swap3A_2983 : vector<1x4096xi32> to vector<4096xi32>
    %swap3A_2985 = vector.shape_cast %squeeze3A_2980 : vector<4096xi32> to vector<1x4096xi32>
    tpu.vector_store %arg4[%swap3A_2981, %swap3A_2982], %swap3A_2985 {strides = array<i32>} : memref<16x4096xi32, #tpu.memory_space<vmem>>, vector<1x4096xi32>,
    %squeeze3A_2986 = vector.shape_cast %max3A_2891 : vector<1x4096xf32> to vector<4096xf32>
    %swap3A_2987 = arith.constant 4 : index
    %swap3A_2988 = arith.constant 0 : index
    %swap3A_2989 = vector.load %arg3[%swap3A_2987, %swap3A_2988] : memref<16x4096xf32, #tpu.memory_space<vmem>>, vector<1x4096xf32>
    %swap3A_2990 = vector.shape_cast %swap3A_2989 : vector<1x4096xf32> to vector<4096xf32>
    %swap3A_2991 = vector.shape_cast %squeeze3A_2986 : vector<4096xf32> to vector<1x4096xf32>
    tpu.vector_store %arg3[%swap3A_2987, %swap3A_2988], %swap3A_2991 {strides = array<i32>} : memref<16x4096xf32, #tpu.memory_space<vmem>>, vector<1x4096xf32>,
    %squeeze3A_2992 = vector.shape_cast %select_n3A_2893 : vector<1x4096xi32> to vector<4096xi32>
    %swap3A_2993 = arith.constant 4 : index
    %swap3A_2994 = arith.constant 0 : index
    %swap3A_2995 = vector.load %arg4[%swap3A_2993, %swap3A_2994] : memref<16x4096xi32, #tpu.memory_space<vmem>>, vector<1x4096xi32>
    %swap3A_2996 = vector.shape_cast %swap3A_2995 : vector<1x4096xi32> to vector<4096xi32>
    %swap3A_2997 = vector.shape_cast %squeeze3A_2992 : vector<4096xi32> to vector<1x4096xi32>
    tpu.vector_store %arg4[%swap3A_2993, %swap3A_2994], %swap3A_2997 {strides = array<i32>} : memref<16x4096xi32, #tpu.memory_space<vmem>>, vector<1x4096xi32>,
    %squeeze3A_2998 = vector.shape_cast %min3A_2892 : vector<1x4096xf32> to vector<4096xf32>
    %swap3A_2999 = arith.constant 5 : index
    %swap3A_3000 = arith.constant 0 : index
    %swap3A_3001 = vector.load %arg3[%swap3A_2999, %swap3A_3000] : memref<16x4096xf32, #tpu.memory_space<vmem>>, vector<1x4096xf32>
    %swap3A_3002 = vector.shape_cast %swap3A_3001 : vector<1x4096xf32> to vector<4096xf32>
    %swap3A_3003 = vector.shape_cast %squeeze3A_2998 : vector<4096xf32> to vector<1x4096xf32>
    tpu.vector_store %arg3[%swap3A_2999, %swap3A_3000], %swap3A_3003 {strides = array<i32>} : memref<16x4096xf32, #tpu.memory_space<vmem>>, vector<1x4096xf32>,
    %squeeze3A_3004 = vector.shape_cast %select_n3A_2894 : vector<1x4096xi32> to vector<4096xi32>
    %swap3A_3005 = arith.constant 5 : index
    %swap3A_3006 = arith.constant 0 : index
    %swap3A_3007 = vector.load %arg4[%swap3A_3005, %swap3A_3006] : memref<16x4096xi32, #tpu.memory_space<vmem>>, vector<1x4096xi32>
    %swap3A_3008 = vector.shape_cast %swap3A_3007 : vector<1x4096xi32> to vector<4096xi32>
    %swap3A_3009 = vector.shape_cast %squeeze3A_3004 : vector<4096xi32> to vector<1x4096xi32>
    tpu.vector_store %arg4[%swap3A_3005, %swap3A_3006], %swap3A_3009 {strides = array<i32>} : memref<16x4096xi32, #tpu.memory_space<vmem>>, vector<1x4096xi32>,
    %squeeze3A_3010 = vector.shape_cast %max3A_2900 : vector<1x4096xf32> to vector<4096xf32>
    %swap3A_3011 = arith.constant 6 : index
    %swap3A_3012 = arith.constant 0 : index
    %swap3A_3013 = vector.load %arg3[%swap3A_3011, %swap3A_3012] : memref<16x4096xf32, #tpu.memory_space<vmem>>, vector<1x4096xf32>
    %swap3A_3014 = vector.shape_cast %swap3A_3013 : vector<1x4096xf32> to vector<4096xf32>
    %swap3A_3015 = vector.shape_cast %squeeze3A_3010 : vector<4096xf32> to vector<1x4096xf32>
    tpu.vector_store %arg3[%swap3A_3011, %swap3A_3012], %swap3A_3015 {strides = array<i32>} : memref<16x4096xf32, #tpu.memory_space<vmem>>, vector<1x4096xf32>,
    %squeeze3A_3016 = vector.shape_cast %select_n3A_2902 : vector<1x4096xi32> to vector<4096xi32>
    %swap3A_3017 = arith.constant 6 : index
    %swap3A_3018 = arith.constant 0 : index
    %swap3A_3019 = vector.load %arg4[%swap3A_3017, %swap3A_3018] : memref<16x4096xi32, #tpu.memory_space<vmem>>, vector<1x4096xi32>
    %swap3A_3020 = vector.shape_cast %swap3A_3019 : vector<1x4096xi32> to vector<4096xi32>
    %swap3A_3021 = vector.shape_cast %squeeze3A_3016 : vector<4096xi32> to vector<1x4096xi32>
    tpu.vector_store %arg4[%swap3A_3017, %swap3A_3018], %swap3A_3021 {strides = array<i32>} : memref<16x4096xi32, #tpu.memory_space<vmem>>, vector<1x4096xi32>,
    %squeeze3A_3022 = vector.shape_cast %min3A_2901 : vector<1x4096xf32> to vector<4096xf32>
    %swap3A_3023 = arith.constant 7 : index
    %swap3A_3024 = arith.constant 0 : index
    %swap3A_3025 = vector.load %arg3[%swap3A_3023, %swap3A_3024] : memref<16x4096xf32, #tpu.memory_space<vmem>>, vector<1x4096xf32>
    %swap3A_3026 = vector.shape_cast %swap3A_3025 : vector<1x4096xf32> to vector<4096xf32>
    %swap3A_3027 = vector.shape_cast %squeeze3A_3022 : vector<4096xf32> to vector<1x4096xf32>
    tpu.vector_store %arg3[%swap3A_3023, %swap3A_3024], %swap3A_3027 {strides = array<i32>} : memref<16x4096xf32, #tpu.memory_space<vmem>>, vector<1x4096xf32>,
    %squeeze3A_3028 = vector.shape_cast %select_n3A_2903 : vector<1x4096xi32> to vector<4096xi32>
    %swap3A_3029 = arith.constant 7 : index
    %swap3A_3030 = arith.constant 0 : index
    %swap3A_3031 = vector.load %arg4[%swap3A_3029, %swap3A_3030] : memref<16x4096xi32, #tpu.memory_space<vmem>>, vector<1x4096xi32>
    %swap3A_3032 = vector.shape_cast %swap3A_3031 : vector<1x4096xi32> to vector<4096xi32>
    %swap3A_3033 = vector.shape_cast %squeeze3A_3028 : vector<4096xi32> to vector<1x4096xi32>
    tpu.vector_store %arg4[%swap3A_3029, %swap3A_3030], %swap3A_3033 {strides = array<i32>} : memref<16x4096xi32, #tpu.memory_space<vmem>>, vector<1x4096xi32>,
    %squeeze3A_3034 = vector.shape_cast %max3A_2909 : vector<1x4096xf32> to vector<4096xf32>
    %swap3A_3035 = arith.constant 8 : index
    %swap3A_3036 = arith.constant 0 : index
    %swap3A_3037 = vector.load %arg3[%swap3A_3035, %swap3A_3036] : memref<16x4096xf32, #tpu.memory_space<vmem>>, vector<1x4096xf32>
    %swap3A_3038 = vector.shape_cast %swap3A_3037 : vector<1x4096xf32> to vector<4096xf32>
    %swap3A_3039 = vector.shape_cast %squeeze3A_3034 : vector<4096xf32> to vector<1x4096xf32>
    tpu.vector_store %arg3[%swap3A_3035, %swap3A_3036], %swap3A_3039 {strides = array<i32>} : memref<16x4096xf32, #tpu.memory_space<vmem>>, vector<1x4096xf32>,
    %squeeze3A_3040 = vector.shape_cast %select_n3A_2911 : vector<1x4096xi32> to vector<4096xi32>
    %swap3A_3041 = arith.constant 8 : index
    %swap3A_3042 = arith.constant 0 : index
    %swap3A_3043 = vector.load %arg4[%swap3A_3041, %swap3A_3042] : memref<16x4096xi32, #tpu.memory_space<vmem>>, vector<1x4096xi32>
    %swap3A_3044 = vector.shape_cast %swap3A_3043 : vector<1x4096xi32> to vector<4096xi32>
    %swap3A_3045 = vector.shape_cast %squeeze3A_3040 : vector<4096xi32> to vector<1x4096xi32>
    tpu.vector_store %arg4[%swap3A_3041, %swap3A_3042], %swap3A_3045 {strides = array<i32>} : memref<16x4096xi32, #tpu.memory_space<vmem>>, vector<1x4096xi32>,
    %squeeze3A_3046 = vector.shape_cast %min3A_2910 : vector<1x4096xf32> to vector<4096xf32>
    %swap3A_3047 = arith.constant 9 : index
    %swap3A_3048 = arith.constant 0 : index
    %swap3A_3049 = vector.load %arg3[%swap3A_3047, %swap3A_3048] : memref<16x4096xf32, #tpu.memory_space<vmem>>, vector<1x4096xf32>
    %swap3A_3050 = vector.shape_cast %swap3A_3049 : vector<1x4096xf32> to vector<4096xf32>
    %swap3A_3051 = vector.shape_cast %squeeze3A_3046 : vector<4096xf32> to vector<1x4096xf32>
    tpu.vector_store %arg3[%swap3A_3047, %swap3A_3048], %swap3A_3051 {strides = array<i32>} : memref<16x4096xf32, #tpu.memory_space<vmem>>, vector<1x4096xf32>,
    %squeeze3A_3052 = vector.shape_cast %select_n3A_2912 : vector<1x4096xi32> to vector<4096xi32>
    %swap3A_3053 = arith.constant 9 : index
    %swap3A_3054 = arith.constant 0 : index
    %swap3A_3055 = vector.load %arg4[%swap3A_3053, %swap3A_3054] : memref<16x4096xi32, #tpu.memory_space<vmem>>, vector<1x4096xi32>
    %swap3A_3056 = vector.shape_cast %swap3A_3055 : vector<1x4096xi32> to vector<4096xi32>
    %swap3A_3057 = vector.shape_cast %squeeze3A_3052 : vector<4096xi32> to vector<1x4096xi32>
    tpu.vector_store %arg4[%swap3A_3053, %swap3A_3054], %swap3A_3057 {strides = array<i32>} : memref<16x4096xi32, #tpu.memory_space<vmem>>, vector<1x4096xi32>,
    %squeeze3A_3058 = vector.shape_cast %max3A_2918 : vector<1x4096xf32> to vector<4096xf32>
    %swap3A_3059 = arith.constant 10 : index
    %swap3A_3060 = arith.constant 0 : index
    %swap3A_3061 = vector.load %arg3[%swap3A_3059, %swap3A_3060] : memref<16x4096xf32, #tpu.memory_space<vmem>>, vector<1x4096xf32>
    %swap3A_3062 = vector.shape_cast %swap3A_3061 : vector<1x4096xf32> to vector<4096xf32>
    %swap3A_3063 = vector.shape_cast %squeeze3A_3058 : vector<4096xf32> to vector<1x4096xf32>
    tpu.vector_store %arg3[%swap3A_3059, %swap3A_3060], %swap3A_3063 {strides = array<i32>} : memref<16x4096xf32, #tpu.memory_space<vmem>>, vector<1x4096xf32>,
    %squeeze3A_3064 = vector.shape_cast %select_n3A_2920 : vector<1x4096xi32> to vector<4096xi32>
    %swap3A_3065 = arith.constant 10 : index
    %swap3A_3066 = arith.constant 0 : index
    %swap3A_3067 = vector.load %arg4[%swap3A_3065, %swap3A_3066] : memref<16x4096xi32, #tpu.memory_space<vmem>>, vector<1x4096xi32>
    %swap3A_3068 = vector.shape_cast %swap3A_3067 : vector<1x4096xi32> to vector<4096xi32>
    %swap3A_3069 = vector.shape_cast %squeeze3A_3064 : vector<4096xi32> to vector<1x4096xi32>
    tpu.vector_store %arg4[%swap3A_3065, %swap3A_3066], %swap3A_3069 {strides = array<i32>} : memref<16x4096xi32, #tpu.memory_space<vmem>>, vector<1x4096xi32>,
    %squeeze3A_3070 = vector.shape_cast %min3A_2919 : vector<1x4096xf32> to vector<4096xf32>
    %swap3A_3071 = arith.constant 11 : index
    %swap3A_3072 = arith.constant 0 : index
    %swap3A_3073 = vector.load %arg3[%swap3A_3071, %swap3A_3072] : memref<16x4096xf32, #tpu.memory_space<vmem>>, vector<1x4096xf32>
    %swap3A_3074 = vector.shape_cast %swap3A_3073 : vector<1x4096xf32> to vector<4096xf32>
    %swap3A_3075 = vector.shape_cast %squeeze3A_3070 : vector<4096xf32> to vector<1x4096xf32>
    tpu.vector_store %arg3[%swap3A_3071, %swap3A_3072], %swap3A_3075 {strides = array<i32>} : memref<16x4096xf32, #tpu.memory_space<vmem>>, vector<1x4096xf32>,
    %squeeze3A_3076 = vector.shape_cast %select_n3A_2921 : vector<1x4096xi32> to vector<4096xi32>
    %swap3A_3077 = arith.constant 11 : index
    %swap3A_3078 = arith.constant 0 : index
    %swap3A_3079 = vector.load %arg4[%swap3A_3077, %swap3A_3078] : memref<16x4096xi32, #tpu.memory_space<vmem>>, vector<1x4096xi32>
    %swap3A_3080 = vector.shape_cast %swap3A_3079 : vector<1x4096xi32> to vector<4096xi32>
    %swap3A_3081 = vector.shape_cast %squeeze3A_3076 : vector<4096xi32> to vector<1x4096xi32>
    tpu.vector_store %arg4[%swap3A_3077, %swap3A_3078], %swap3A_3081 {strides = array<i32>} : memref<16x4096xi32, #tpu.memory_space<vmem>>, vector<1x4096xi32>,
    %squeeze3A_3082 = vector.shape_cast %max3A_2927 : vector<1x4096xf32> to vector<4096xf32>
    %swap3A_3083 = arith.constant 12 : index
    %swap3A_3084 = arith.constant 0 : index
    %swap3A_3085 = vector.load %arg3[%swap3A_3083, %swap3A_3084] : memref<16x4096xf32, #tpu.memory_space<vmem>>, vector<1x4096xf32>
    %swap3A_3086 = vector.shape_cast %swap3A_3085 : vector<1x4096xf32> to vector<4096xf32>
    %swap3A_3087 = vector.shape_cast %squeeze3A_3082 : vector<4096xf32> to vector<1x4096xf32>
    tpu.vector_store %arg3[%swap3A_3083, %swap3A_3084], %swap3A_3087 {strides = array<i32>} : memref<16x4096xf32, #tpu.memory_space<vmem>>, vector<1x4096xf32>,
    %squeeze3A_3088 = vector.shape_cast %select_n3A_2929 : vector<1x4096xi32> to vector<4096xi32>
    %swap3A_3089 = arith.constant 12 : index
    %swap3A_3090 = arith.constant 0 : index
    %swap3A_3091 = vector.load %arg4[%swap3A_3089, %swap3A_3090] : memref<16x4096xi32, #tpu.memory_space<vmem>>, vector<1x4096xi32>
    %swap3A_3092 = vector.shape_cast %swap3A_3091 : vector<1x4096xi32> to vector<4096xi32>
    %swap3A_3093 = vector.shape_cast %squeeze3A_3088 : vector<4096xi32> to vector<1x4096xi32>
    tpu.vector_store %arg4[%swap3A_3089, %swap3A_3090], %swap3A_3093 {strides = array<i32>} : memref<16x4096xi32, #tpu.memory_space<vmem>>, vector<1x4096xi32>,
    %squeeze3A_3094 = vector.shape_cast %min3A_2928 : vector<1x4096xf32> to vector<4096xf32>
    %swap3A_3095 = arith.constant 13 : index
    %swap3A_3096 = arith.constant 0 : index
    %swap3A_3097 = vector.load %arg3[%swap3A_3095, %swap3A_3096] : memref<16x4096xf32, #tpu.memory_space<vmem>>, vector<1x4096xf32>
    %swap3A_3098 = vector.shape_cast %swap3A_3097 : vector<1x4096xf32> to vector<4096xf32>
    %swap3A_3099 = vector.shape_cast %squeeze3A_3094 : vector<4096xf32> to vector<1x4096xf32>
    tpu.vector_store %arg3[%swap3A_3095, %swap3A_3096], %swap3A_3099 {strides = array<i32>} : memref<16x4096xf32, #tpu.memory_space<vmem>>, vector<1x4096xf32>,
    %squeeze3A_3100 = vector.shape_cast %select_n3A_2930 : vector<1x4096xi32> to vector<4096xi32>
    %swap3A_3101 = arith.constant 13 : index
    %swap3A_3102 = arith.constant 0 : index
    %swap3A_3103 = vector.load %arg4[%swap3A_3101, %swap3A_3102] : memref<16x4096xi32, #tpu.memory_space<vmem>>, vector<1x4096xi32>
    %swap3A_3104 = vector.shape_cast %swap3A_3103 : vector<1x4096xi32> to vector<4096xi32>
    %swap3A_3105 = vector.shape_cast %squeeze3A_3100 : vector<4096xi32> to vector<1x4096xi32>
    tpu.vector_store %arg4[%swap3A_3101, %swap3A_3102], %swap3A_3105 {strides = array<i32>} : memref<16x4096xi32, #tpu.memory_space<vmem>>, vector<1x4096xi32>,
    %squeeze3A_3106 = vector.shape_cast %max3A_2936 : vector<1x4096xf32> to vector<4096xf32>
    %swap3A_3107 = arith.constant 14 : index
    %swap3A_3108 = arith.constant 0 : index
    %swap3A_3109 = vector.load %arg3[%swap3A_3107, %swap3A_3108] : memref<16x4096xf32, #tpu.memory_space<vmem>>, vector<1x4096xf32>
    %swap3A_3110 = vector.shape_cast %swap3A_3109 : vector<1x4096xf32> to vector<4096xf32>
    %swap3A_3111 = vector.shape_cast %squeeze3A_3106 : vector<4096xf32> to vector<1x4096xf32>
    tpu.vector_store %arg3[%swap3A_3107, %swap3A_3108], %swap3A_3111 {strides = array<i32>} : memref<16x4096xf32, #tpu.memory_space<vmem>>, vector<1x4096xf32>,
    %squeeze3A_3112 = vector.shape_cast %select_n3A_2938 : vector<1x4096xi32> to vector<4096xi32>
    %swap3A_3113 = arith.constant 14 : index
    %swap3A_3114 = arith.constant 0 : index
    %swap3A_3115 = vector.load %arg4[%swap3A_3113, %swap3A_3114] : memref<16x4096xi32, #tpu.memory_space<vmem>>, vector<1x4096xi32>
    %swap3A_3116 = vector.shape_cast %swap3A_3115 : vector<1x4096xi32> to vector<4096xi32>
    %swap3A_3117 = vector.shape_cast %squeeze3A_3112 : vector<4096xi32> to vector<1x4096xi32>
    tpu.vector_store %arg4[%swap3A_3113, %swap3A_3114], %swap3A_3117 {strides = array<i32>} : memref<16x4096xi32, #tpu.memory_space<vmem>>, vector<1x4096xi32>,
    %squeeze3A_3118 = vector.shape_cast %min3A_2937 : vector<1x4096xf32> to vector<4096xf32>
    %swap3A_3119 = arith.constant 15 : index
    %swap3A_3120 = arith.constant 0 : index
    %swap3A_3121 = vector.load %arg3[%swap3A_3119, %swap3A_3120] : memref<16x4096xf32, #tpu.memory_space<vmem>>, vector<1x4096xf32>
    %swap3A_3122 = vector.shape_cast %swap3A_3121 : vector<1x4096xf32> to vector<4096xf32>
    %swap3A_3123 = vector.shape_cast %squeeze3A_3118 : vector<4096xf32> to vector<1x4096xf32>
    tpu.vector_store %arg3[%swap3A_3119, %swap3A_3120], %swap3A_3123 {strides = array<i32>} : memref<16x4096xf32, #tpu.memory_space<vmem>>, vector<1x4096xf32>,
    %squeeze3A_3124 = vector.shape_cast %select_n3A_2939 : vector<1x4096xi32> to vector<4096xi32>
    %swap3A_3125 = arith.constant 15 : index
    %swap3A_3126 = arith.constant 0 : index
    %swap3A_3127 = vector.load %arg4[%swap3A_3125, %swap3A_3126] : memref<16x4096xi32, #tpu.memory_space<vmem>>, vector<1x4096xi32>
    %swap3A_3128 = vector.shape_cast %swap3A_3127 : vector<1x4096xi32> to vector<4096xi32>
    %swap3A_3129 = vector.shape_cast %squeeze3A_3124 : vector<4096xi32> to vector<1x4096xi32>
    tpu.vector_store %arg4[%swap3A_3125, %swap3A_3126], %swap3A_3129 {strides = array<i32>} : memref<16x4096xi32, #tpu.memory_space<vmem>>, vector<1x4096xi32>,
    return
  }
  func.func @transform_0(%arg0: i32) -> (i32, i32) {
    %c0_i32 = arith.constant 0 : i32
    %c0_i32_0 = arith.constant 0 : i32
    %c0_i32_1 = arith.constant 0 : i32
    return %c0_i32, %c0_i32_0 : i32, i32
  }
  func.func @transform_1(%arg0: i32) -> (i32, i32) {
    %c0_i32 = arith.constant 0 : i32
    %c0_i32_0 = arith.constant 0 : i32
    return %arg0, %c0_i32 : i32, i32
  }
  func.func @transform_2(%arg0: i32) -> (i32, i32) {
    %c0_i32 = arith.constant 0 : i32
    %c0_i32_0 = arith.constant 0 : i32
    return %c0_i32, %arg0 : i32, i32
  }
  func.func @transform_3(%arg0: i32) -> (i32, i32) {
    %c0_i32 = arith.constant 0 : i32
    %c0_i32_0 = arith.constant 0 : i32
    return %c0_i32, %arg0 : i32, i32
  }
}

</mosaic_0001>

<sc_bundles>
// kernel: kernel.4.cloned.1.call-start
scs
__scs_entry_jumppad:
0x0: {  	(pc) =	sbr.rel $0x88, $3  }
0x1: {  	(tag) =	ssettag $0x0;
	lr =	simm.s32 $0x1  }
0x2: {  	[smem:$0x3F9F] =	sst lr;
	_ =	strace $0xD0000000  }
0x3: {  	_ = 	snop  }
0x4: {  	_ = 	snop  }
0x5: {  	_ = 	snop  }
0x6: {  	_ = 	snop  }
0x7: {  	_ = 	snop  }
__scs_overlays_trampoline_lowered:
0x8: {  	[smem:$0x3FAE] =	sst s0  }
0x9: {  	[smem:$0x3FAF] =	sst s1  }
0xa: {  	[smem:$0x3FB0] =	sst s2  }
0xb: {  	[smem:$0x3FB1] =	sst s3  }
0xc: {  	[smem:$0x3FB2] =	sst s4  }
0xd: {  	[smem:$0x3FB3] =	sst s5  }
0xe: {  	[smem:$0x3FB4] =	sst s6  }
0xf: {  	[smem:$0x3FB5] =	sst s7  }
0x10: {  	[smem:$0x3FB6] =	sst s8  }
0x11: {  	[smem:$0x3FB7] =	sst s9;
	s0 =	simm.s32 @!p0 $0x0  }
0x12: {  	s1 =	sld [smem:$0x3F9D];
	s0 =	simm.s32 @p0 $0x1  }
0x13: {  	[smem:$0x3FB8] =	sst s0;
	s0 =	simm.s32 @!p1 $0x0  }
0x14: {  	s2 =	sld [smem:$0x3F9C];
	s0 =	simm.s32 @p1 $0x1  }
0x15: {  	[smem:$0x3FB9] =	sst s0;
	s0 =	simm.s32 @!p2 $0x0  }
0x16: {  	s3 =	sld [smem:$0x3FDB];
	s0 =	simm.s32 @p2 $0x1  }
0x17: {  	s4 =	simm.s32 $0x1BF5;
	[smem:$0x3FBB] =	sst s0  }
0x18: {  	s0 =	sld [smem:$0x3F9E];
	_ =	swait.ge [sflag:s4], $0x0  }
0x19: {  	s7 =	sld [smem:$0x3F9F]  }
0x1a: {  	s8 =	sadd.s32 $0xFFFFE003, lr  }
0x1b: {  	s9 =	sadd.s32 $0xFFFFFEF7, lr;
	s5 =	simm.s32 $0xFFFFFFFF;
	p2 =	slt.u32 s8, $0xFFFFF086  }
0x1c: {  	p1 =	slt.u32 s9, $0xF7A;
	s5 =	simm.s32 @!p2 $0x0  }
0x1d: {  	s5 =	simm.s32 @p1 $0x1;
	p0 =	seq.s32 s7, s2  }
0x1e: {  	s7 =	smul.u32 @!p0 $0xF7A, s2;
	p2 =	seq.s32 @!p0 s5, $0x0  }
0x1f: {  	s9 =	smul.u32 $0xF7A, s1;
	s8 =	simm.s32 @!p0 $0x1BF5;
	p2 =	por !p2, p0  }
0x20: {  	[sflag:s8] =	ssyncset.s32 @!p0 $0xFFFFF086;
	s6 =	sadd.s32 @!p0 s3, s7;
	s7 =	simm.s32 @!p0 $0x108  }
0x21: {  	s3 =	sadd.s32 s3, s9;
	s6 =	sadd.s32 @!p0 $0x88, s6;
	s7 =	simm.s32 @p2 $0x1082  }
0x22: {  	[simem:s7], [sflag:s8] =	dma.local @!p0 [hbm:s6], $0xF7A  }
0x23: {  	s9 =	sor.u32 $0xD0000000, s2;
	s6 =	simm.s32 $0x108;
	_ =	swait.ge @!p0 [sflag:s8], $0x0  }
0x24: {  	s3 =	sadd.s32 $0x88, s3;
	s6 =	simm.s32 @!p1 $0x1082;
	[sflag:s4] =	ssyncset.s32 $0xFFFFF086  }
0x25: {  	[simem:s6], [sflag:s4] =	dma.local [hbm:s3], $0xF7A  }
0x26: {  	[smem:$0x3F9F] =	sst s1;
	(tag) =	ssettag s2;
	_ =	strace s9  }
0x27: {  	s1 =	sld [smem:$0x3FAF]  }
0x28: {  	s2 =	sld [smem:$0x3FB0]  }
0x29: {  	s4 =	sld [smem:$0x3FB2]  }
0x2a: {  	p0 =	seq.s32 s5, $0x0;
	s5 =	sld [smem:$0x3FB3]  }
0x2b: {  	s6 =	sld [smem:$0x3FB4]  }
0x2c: {  	s7 =	sld [smem:$0x3FB5]  }
0x2d: {  	s3 =	simm.s32 $0x108;
	s8 =	sld [smem:$0x3FB6]  }
0x2e: {  	s3 =	simm.s32 @!p0 $0x1082;
	s9 =	sld [smem:$0x3FB7]  }
0x2f: {  	lr =	sadd.s32 s0, s3;
	s0 =	sld [smem:$0x3FAE]  }
0x30: {  	s3 =	sld [smem:$0x3FB1]  }
0x31: {  	[smem:$0x3FBA] =	sst s10  }
0x32: {  	s10 =	sld [smem:$0x3FB8];
	_ =	sdelay $0x3  }
0x33: {  	p0 =	seq.s32 s10, $0x1;
	s10 =	sld [smem:$0x3FBA];
	_ =	sdelay $0x3  }
0x34: {  	[smem:$0x3FBA] =	sst s10  }
0x35: {  	s10 =	sld [smem:$0x3FB9];
	_ =	sdelay $0x3  }
0x36: {  	p1 =	seq.s32 s10, $0x1;
	s10 =	sld [smem:$0x3FBA];
	_ =	sdelay $0x3  }
0x37: {  	[smem:$0x3FBA] =	sst s10  }
0x38: {  	s10 =	sld [smem:$0x3FBB]  }
0x39: {  	_ = 	snop;
	(pc) =	sbr.ind lr, $3  }
0x3a: {  	_ = 	snop  }
0x3b: {  	_ = 	snop  }
0x3c: {  	p2 =	seq.s32 s10, $0x1;
	s10 =	sld [smem:$0x3FBA]  }
0x3d: {  	_ =	shalt  }
0x3e: {  	_ =	shalt  }
0x3f: {  	_ =	shalt  }
0x40: {  	_ =	shalt  }
0x41: {  	_ =	shalt  }
0x42: {  	_ =	shalt  }
0x43: {  	_ =	shalt  }
0x44: {  	_ =	shalt  }
0x45: {  	_ =	shalt  }
0x46: {  	_ =	shalt  }
0x47: {  	_ =	shalt  }
0x48: {  	_ =	shalt  }
0x49: {  	_ =	shalt  }
0x4a: {  	_ =	shalt  }
0x4b: {  	_ =	shalt  }
0x4c: {  	_ =	shalt  }
0x4d: {  	_ =	shalt  }
0x4e: {  	_ =	shalt  }
0x4f: {  	_ =	shalt  }
0x50: {  	_ =	shalt  }
0x51: {  	_ =	shalt  }
0x52: {  	_ =	shalt  }
0x53: {  	_ =	shalt  }
0x54: {  	_ =	shalt  }
0x55: {  	_ =	shalt  }
0x56: {  	_ =	shalt  }
0x57: {  	_ =	shalt  }
0x58: {  	_ =	shalt  }
0x59: {  	_ =	shalt  }
0x5a: {  	_ =	shalt  }
0x5b: {  	_ =	shalt  }
0x5c: {  	_ =	shalt  }
0x5d: {  	_ =	shalt  }
0x5e: {  	_ =	shalt  }
0x5f: {  	_ =	shalt  }
0x60: {  	_ =	shalt  }
0x61: {  	_ =	shalt  }
0x62: {  	_ =	shalt  }
0x63: {  	_ =	shalt  }
0x64: {  	_ =	shalt  }
0x65: {  	_ =	shalt  }
0x66: {  	_ =	shalt  }
0x67: {  	_ =	shalt  }
0x68: {  	_ =	shalt  }
0x69: {  	_ =	shalt  }
0x6a: {  	_ =	shalt  }
0x6b: {  	_ =	shalt  }
0x6c: {  	_ =	shalt  }
0x6d: {  	_ =	shalt  }
0x6e: {  	_ =	shalt  }
0x6f: {  	_ =	shalt  }
0x70: {  	_ =	shalt  }
0x71: {  	_ =	shalt  }
0x72: {  	_ =	shalt  }
0x73: {  	_ =	shalt  }
0x74: {  	_ =	shalt  }
0x75: {  	_ =	shalt  }
0x76: {  	_ =	shalt  }
0x77: {  	_ =	shalt  }
0x78: {  	_ =	shalt  }
0x79: {  	_ =	shalt  }
0x7a: {  	_ =	shalt  }
0x7b: {  	_ =	shalt  }
0x7c: {  	_ =	shalt  }
0x7d: {  	_ =	shalt  }
0x7e: {  	_ =	shalt  }
0x7f: {  	_ =	shalt  }
0x80: {  	_ =	shalt  }
0x81: {  	_ =	shalt  }
0x82: {  	_ =	shalt  }
0x83: {  	_ =	shalt  }
0x84: {  	_ =	shalt  }
0x85: {  	_ =	shalt  }
0x86: {  	_ =	shalt  }
0x87: {  	_ =	shalt  }
.Lfunc_end0:
.L_simem_size_0:
called_computation_lowered:
.L_overlay_start_0:
0x88: {  	s2 =	sld [smem:$0x3FD9]  }
0x89: {  	s3 =	sld [smem:$0x3FFE];
	_ =	sdelay $0x1  }
0x8a: {  	s1 =	srdreg.scid  }
0x8b: {  	s0 =	sand.u32 $0x1, s1  }
0x8c: {  	s15 =	sshll.u32 s0, $0xA;
	s2 =	sadd.s32 s3, s2  }
0x8d: {  	s2 =	sadd.s32 s2, s15  }
0x8e: {  	[smem:$0x3FC6] =	sst s2  }
0x8f: {  	_ = 	snop  }
0x90: {  	s2 =	sld [smem:$0x3FD0];
	_ =	sdelay $0x2  }
0x91: {  	s4 =	simm.s32 $0xA;
	s5 =	simm.s32 $0x10;
	s16 =	sld [smem:$0x3FC8]  }
0x92: {  	[smem:s5], [sflag:s4] =	dma.local [hbm:s2], $0x1  }
0x93: {  	_ =	swait.eq [sflag:s4], $0x1  }
0x94: {  	[sflag:s4] =	ssyncset.done $0x0  }
0x95: {  	s17 =	sld [smem:$0x10];
	[sflag:s4] =	ssyncadd.s32 $0xFFFFFFFF  }
0x96: {  	s18 =	sld [smem:$0x11];
	(tm) =	ssettm $0x1  }
0x97: {  	s19 =	sld [smem:$0x3FFB];
	_ =	sdelay $0x3  }
0x98: {  	_ =	strace s19  }
0x99: {  	s5 =	sld [smem:$0x3FFC];
	_ =	sdelay $0x3  }
0x9a: {  	_ =	strace s5  }
0x9b: {  	s5 =	sld [smem:$0x3FFD];
	_ =	sdelay $0x3  }
0x9c: {  	_ =	strace s5  }
0x9d: {  	_ =	strace $0x8FFFFFFF  }
0x9e: {  	s20 =	sld [smem:$0x3FDB];
	_ =	sdelay $0x1  }
0x9f: {  	s6 =	simm.s32 $_scs_section_size  }
0xa0: {  	s7 =	simm.s32 $_size__tile_overlayer_lowered;
	s8 =	simm.s32 $_tile_overlayer_lowered  }
0xa1: {  	s23 =	simm.s32 $0x1BFF;
	s22 =	sshll.u32 s8, $0x1;
	s5 =	sadd.s32 s6, s20  }
0xa2: {  	s9 =	simm.s32 $0x0;
	s21 =	sshll.u32 s7, $0x1;
	s7 =	sadd.s32 s22, s5  }
0xa3: {  	[timem:s9], [sflag:s23] =	dma.local [hbm:s7], s21  }
0xa4: {  	_ =	swait.ge [sflag:s23], s21  }
0xa5: {  	s6 =	ssub.s32 $0x0, s21;
	[sflag:s23] =	ssyncset.done $0x0  }
0xa6: {  	[sflag:s23] =	ssyncadd.s32 s6;
	_ =	sdelay $0x1  }
0xa7: {  	s24 =	simm.s32 $0x1B8B  }
0xa8: {  	_ =	swait.ge [sflag:s24], $0x1  }
0xa9: {  	[sflag:s24] =	ssyncset.done $0x0  }
0xaa: {  	s25 =	simm.s32 $0x1B8E;
	[sflag:s24] =	ssyncadd.s32 $0xFFFFFFFF  }
0xab: {  	s26 =	simm.s32 $execute0_lowered;
	[smem:$0x3FD2] =	sst s25  }
0xac: {  	s6 =	sshll.u32 s26, $0x1;
	_ =	strace $0x80000046;
	[dreg:$0x1] =	wrdreg $0xFFFFFFFF  }
0xad: {  	s28 =	simm.s32 $_size_execute0_lowered;
	s5 =	sadd.s32 s5, s6;
	[dreg:$0x0] =	wrdreg $0x0  }
0xae: {  	s6 =	sshll.u32 s28, $0x1;
	[dreg:$0x2] =	wrdreg s5  }
0xaf: {  	[dreg:$0x3] =	wrdreg s6  }
0xb0: {  	[dreg:$0x4] =	wrdreg $0xC0  }
0xb1: {  	_ =	task [dreg:s9], $0x5FFFF  }
0xb2: {  	[dreg:$0x1] =	wrdreg $0xFFFFFFFF  }
0xb3: {  	[dreg:$0x0] =	wrdreg $0x60  }
0xb4: {  	[dreg:$0x2] =	wrdreg s18  }
0xb5: {  	[dreg:$0x3] =	wrdreg s16  }
0xb6: {  	[dreg:$0x4] =	wrdreg s17  }
0xb7: {  	[dreg:$0x5] =	wrdreg $0x9  }
0xb8: {  	_ =	task.clear_ibuf [dreg:s9], $0x6FFFF;
	_ =	strace $0x90000046  }
0xb9: {  	s29 =	simm.s32 $0x9;
	_ =	strace $0x80000048  }
0xba: {  	_ =	swait.ge [sflag:s29], $0x1  }
0xbb: {  	[sflag:s29] =	ssyncadd.s32 $0xFFFFFFFF  }
0xbc: {  	_ =	strace $0x90000048  }
0xbd: {  	_ =	sfence  }
0xbe: {  	s30 =	sld [smem:$0x0];
	_ =	sdelay $0x2  }
0xbf: {  	s31 =	sshll.u32 s1, $0xD;
	s1 =	sshrl.u32 s1, $0x2  }
0xc0: {  	s3 =	sand.u32 $0x4000, s31;
	s1 =	sadd.s32 s1, s30  }
0xc1: {  	s0 =	sor.u32 s3, s0;
	s1 =	sshll.u32 s1, $0x11  }
0xc2: {  	s0 =	sor.u32 s1, s0  }
0xc3: {  	s0 =	sadd.s32 $0x8F2B, s0  }
0xc4: {  	[sflag:s0] =	ssyncadd.remote.s32 $0x1  }
0xc5: {  	_ =	sfence.sel $0xFFFF  }
0xc6: {  	[dreg:$0x0] =	wrdreg $0xFFFFFFFF;
	(pc) =	sbr.abs _section_cstart, $3  }
0xc7: {  	[dreg:$0x1] =	wrdreg $0xFFFFFFFF  }
0xc8: {  	_ =	task.clear_ibuf [dreg:s9], $0x2FFFF;
	_ =	strace $0x9FFFFFFF  }
0xc9: {  	(tm) =	ssettm $0x7FFFFFFF  }
tec
execute0_lowered:
.L_overlay_start_1:
0x0: {  	(tag) =	ssettag $0x1  }
0x1: {  	s4 =	rddreg [dreg:$0x0]  }
0x2: {  	s1 =	srdreg.scid;
	s2 =	rddreg [dreg:$0x1]  }
0x3: {  	s0 =	stileid.u32;
	s9 =	rddreg [dreg:$0x2];
	s6 =	sand.u32 $0x1, s1  }
0x4: {  	s3 =	simm.s32 $0x0;
	s5 =	sshll.u32 s0, $0x6;
	s7 =	sshll.u32 s6, $0x5  }
0x5: {  	[smem:$0x7FF] =	sst s3;
	s10 =	sor.u32 s7, s5  }
0x6: {  	s1 =	rddreg [dreg:$0x3];
	_ =	strace $0x80000047;
	s5 =	sshrl.u32 s10, $0x3  }
0x7: {  	s11 =	ssub.s32 $0x2, s6;
	s5 =	sadd.s32 s4, s5;
	s4 =	simm.s32 $0x2  }
0x8: {  	[tilespmem:s3], [sflag:$0x2] =	stream.linear.gather [hbm4b:s5+s3], $0x20, $0x38;
	[tilespmem:$0x1080] =	vst v63  }
0x9: {  	s8 =	simm.s32 $0x1;
	s12 =	sshrl.u32 s11, $0x1;
	_ =	swait.ge [sflag:s4], $0x20  }
0xa: {  	s6 =	simm.s32 $0x20;
	s11 =	ssub.s32 s11, s12;
	[sflag:s4] =	ssyncset.done $0x0  }
0xb: {  	s7 =	simm.s32 $0x80;
	s31 =	smax.u32 s11, $0x1;
	[sflag:s4] =	ssyncadd.s32 $0xFFFFFFE0  }
0xc: {  	[tilespmem:s7], [sflag:$0x1] =	stream.indirect.gather [hbm4b:s2+s6], $0x80, s3, s6, $0xb8;
	[tilespmem:$0x1080] =	vst v63  }
0xd: {  	p0 =	sne.s32 s31, $0x1;
	_ =	swait.ge [sflag:s8], $0x1000  }
.Ltmp0:
0xe: {  	s10 =	sshll.u32 s10, $0x4;
	[sflag:s8] =	ssyncset.done $0x0;
	(pc) =	sbr.rel @!p0 .LBB2_2-.Ltmp0, $4  }
0xf: {  	s9 =	sadd.s32 s9, s10;
	[sflag:s8] =	ssyncadd.s32 $0xFFFFF000  }
0x10: {  	[hbm4b:s9+s3] =	stream.linear.scatter [tilespmem:s7], [sflag:$0x2], $0x1000, $0x38;
	[tilespmem:$0x1080] =	vst v63  }
0x11: {  	_ =	swait.ge [sflag:s4], $0x1000  }
0x12: {  	s10 =	sadd.s32 $0xFFFFFFFF, s31;
	[sflag:s4] =	ssyncset.done $0x0  }
.LBB2_1:
0x13: {  	p0 =	sne.s32 s10, $0x1;
	s10 =	sadd.s32 $0xFFFFFFFF, s10;
	[sflag:s4] =	ssyncadd.s32 $0xFFFFF000  }
0x14: {  	[tilespmem:s3], [sflag:$0x2] =	stream.linear.gather [hbm4b:s5+s3], $0x20, $0x38;
	[tilespmem:$0x1080] =	vst v63  }
0x15: {  	_ =	swait.ge [sflag:s4], $0x20  }
0x16: {  	[sflag:s4] =	ssyncset.done $0x0  }
0x17: {  	[sflag:s4] =	ssyncadd.s32 $0xFFFFFFE0  }
0x18: {  	[tilespmem:s7], [sflag:$0x1] =	stream.indirect.gather [hbm4b:s2+s6], $0x80, s3, s6, $0xb8;
	[tilespmem:$0x1080] =	vst v63  }
0x19: {  	_ =	swait.ge [sflag:s8], $0x1000  }
.Ltmp1:
0x1a: {  	[sflag:s8] =	ssyncset.done $0x0;
	(pc) =	sbr.rel @p0 .LBB2_1-.Ltmp1, $4  }
0x1b: {  	[sflag:s8] =	ssyncadd.s32 $0xFFFFF000  }
0x1c: {  	[hbm4b:s9+s3] =	stream.linear.scatter [tilespmem:s7], [sflag:$0x2], $0x1000, $0x38;
	[tilespmem:$0x1080] =	vst v63  }
0x1d: {  	_ =	swait.ge [sflag:s4], $0x1000  }
0x1e: {  	[sflag:s4] =	ssyncset.done $0x0  }
.LBB2_2:
0x1f: {  	[sflag:s4] =	ssyncadd.s32 $0xFFFFF000  }
0x20: {  	_ =	sfence.sel $0x180000  }
0x21: {  	[bflag:$0x0] =	sbarrier.arrive $0xFFFF  }
0x22: {  	p0 =	sne.s32 s0, $0x0;
	_ =	strace $0x90000047  }
0x23: {  	s0 =	sadd.s32 @!p0 $0x100000, s1;
	[bflag:$0x2] =	sbarrier.arrive $0xFFFF  }
0x24: {  	[sflag:s0] =	ssyncadd.tile.s32 @!p0 $0x1;
	_ =	shalt  }
.Lfunc_end2:
_tile_overlayer_lowered:
.L_overlay_start_2:
0x25: {  	(tag) =	ssettag $0x2  }
0x26: {  	s0 =	rddreg [dreg:$0x0];
	s2 =	stileid.u32  }
0x27: {  	s1 =	rddreg [dreg:$0x1];
	p0 =	sne.s32 s2, $0x0  }
0x28: {  	s3 =	rddreg [dreg:$0x2];
	[bflag:$0x3] =	sbarrier.arrive $0xFFFF;
	s2 =	simm.s32 @!p0 $0x1C02  }
0x29: {  	[timem:s3], [sflag:s2] =	dma.local @!p0 [hbm:s0], s1  }
0x2a: {  	s0 =	simm.s32 @!p0 $0x2  }
0x2b: {  	_ =	swait.ge @!p0 [sflag:s0], s1  }
0x2c: {  	s1 =	ssub.s32 @!p0 $0x0, s1;
	[sflag:s0] =	ssyncset.done @!p0 $0x0  }
0x2d: {  	[sflag:s0] =	ssyncadd.s32 @!p0 s1  }
0x2e: {  	[bflag:$0x3] =	sbarrier.arrive $0xFFFF  }
0x2f: {  	_ =	shalt  }

</sc_bundles>
